<compile_context>
chip_gen: v7x
topology: tpu7x:2x2x1
jax: 0.10.2.dev20260603
libtpu: 0.0.44.dev20260713+nightly
codegen_flags: <defaults>
</compile_context>

<pallas_src>
import functools

import numpy as np

import jax
import jax.numpy as jnp
from jax import lax
from jax.experimental import pallas as pl
from jax.experimental.pallas import tpu as pltpu
from jax.experimental.pallas import tpu_sc as plsc

N = 10000
E = 320000
D = 128
DH = D // 2
NT = 8
NG = 16
DQ = 32

NCORE = 2
NSUB = 16
NWORK = NCORE * NSUB

K = 128
CH = 160
E_PAD = NSUB * CH * K

KX = 80
CHX = 4
NPW = CHX * KX
N_PADX = NWORK * NPW

N_ACC = 10240
STRIPE = 640

_AGG_PERM = np.array([
    64 * (q // 64) + 32 * ((q % 64) // 32)
    + (2 * (q % 32) if (q % 32) < 16 else 2 * ((q % 32) - 16) + 1)
    for q in range(D)])


def _zero_vmem(buf, nrows, ncols):
    per_row = ncols // 16

    def body(i, carry):
        buf[i // per_row, pl.ds((i % per_row) * 16, 16)] = jnp.zeros(
            (16,), jnp.float32)
        return carry

    lax.fori_loop(0, nrows * per_row, body, 0)


def _fill_stripe(zbuf, acc, base):
    for t in range(STRIPE // 128):
        pltpu.sync_copy(zbuf, acc.at[pl.ds(base + t * 128, 128)])


def _sc_prep_body(ne_hbm, xp_hbm, dstp_hbm, h0_hbm, degp_hbm,
                  x_v, rows_v, dst_v, ones_v, zb_v, dacc, sem):
    c = lax.axis_index("c")
    s = lax.axis_index("s")
    wid = c * NSUB + s

    pltpu.sync_copy(xp_hbm.at[wid], x_v)
    for t in range(CHX):
        pltpu.async_copy(ne_hbm.at[x_v.at[t]], rows_v, sem).wait()
        pltpu.sync_copy(rows_v, h0_hbm.at[pl.ds(wid * NPW + t * KX, KX)])

    _zero_vmem(zb_v, 128, 16)
    _fill_stripe(zb_v, dacc, s * STRIPE)

    def fill_ones(i, carry):
        ones_v[i, pl.ds(0, 16)] = jnp.ones((16,), jnp.float32)
        return carry

    lax.fori_loop(0, K, fill_ones, 0)
    pltpu.sync_copy(dstp_hbm.at[s], dst_v)
    plsc.subcore_barrier()

    def dbody(j, carry):
        pltpu.sync_copy(ones_v, dacc.at[dst_v.at[j]], add=True)
        return carry

    lax.fori_loop(c * (CH // 2), (c + 1) * (CH // 2), dbody, 0)
    plsc.subcore_barrier()
    pltpu.sync_copy(dacc.at[pl.ds(s * STRIPE, STRIPE)],
                    degp_hbm.at[c, pl.ds(s * STRIPE, STRIPE)])


def _convert_bf16_rows(bf, rf):

    def crow(i, carry):
        for b in range(DH // 32):
            ev, od = plsc.unpack(bf[i, pl.ds(b * 32, 32)],
                                 format=plsc.PackFormat.INTERLEAVED,
                                 preferred_element_type=jnp.float32)
            rf[i, pl.ds(b * 32, 16)] = ev
            rf[i, pl.ds(b * 32 + 16, 16)] = od
        return carry

    lax.fori_loop(0, K, crow, 0)


def _sc_agg_body(hs_hbm, srcp_hbm, dstp_hbm, agg_hbm,
                 src_v, dst_v, bf0, bf1, rf0, rf1, acc, g0, g1, s0, s1):
    c = lax.axis_index("c")
    s = lax.axis_index("s")

    pltpu.sync_copy(srcp_hbm.at[c, s], src_v)
    pltpu.sync_copy(dstp_hbm.at[s], dst_v)

    _zero_vmem(rf0, K, DH)
    _fill_stripe(rf0, acc, s * STRIPE)
    plsc.subcore_barrier()

    pltpu.async_copy(hs_hbm.at[src_v.at[0]], bf0, g0)
    pltpu.async_copy(hs_hbm.at[src_v.at[1]], bf1, g1)

    pltpu.make_async_copy(hs_hbm.at[src_v.at[0]], bf0, g0).wait()
    _convert_bf16_rows(bf0, rf0)
    pltpu.async_copy(hs_hbm.at[src_v.at[2]], bf0, g0)
    pltpu.async_copy(rf0, acc.at[dst_v.at[0]], s0, add=True)
    pltpu.make_async_copy(hs_hbm.at[src_v.at[1]], bf1, g1).wait()
    _convert_bf16_rows(bf1, rf1)
    pltpu.async_copy(hs_hbm.at[src_v.at[3]], bf1, g1)
    pltpu.async_copy(rf1, acc.at[dst_v.at[1]], s1, add=True)

    def body(jj, carry):
        j0 = jj * 2
        pltpu.make_async_copy(hs_hbm.at[src_v.at[0]], bf0, g0).wait()
        pltpu.make_async_copy(rf0, acc.at[dst_v.at[0]], s0).wait()
        _convert_bf16_rows(bf0, rf0)
        pltpu.async_copy(hs_hbm.at[src_v.at[j0 + 2]], bf0, g0)
        pltpu.async_copy(rf0, acc.at[dst_v.at[j0]], s0, add=True)
        pltpu.make_async_copy(hs_hbm.at[src_v.at[1]], bf1, g1).wait()
        pltpu.make_async_copy(rf1, acc.at[dst_v.at[1]], s1).wait()
        _convert_bf16_rows(bf1, rf1)
        pltpu.async_copy(hs_hbm.at[src_v.at[j0 + 3]], bf1, g1)
        pltpu.async_copy(rf1, acc.at[dst_v.at[j0 + 1]], s1, add=True)
        return carry

    lax.fori_loop(1, CH // 2 - 1, body, 0)

    j0 = CH - 2
    pltpu.make_async_copy(hs_hbm.at[src_v.at[0]], bf0, g0).wait()
    pltpu.make_async_copy(rf0, acc.at[dst_v.at[0]], s0).wait()
    _convert_bf16_rows(bf0, rf0)
    pltpu.async_copy(rf0, acc.at[dst_v.at[j0]], s0, add=True)
    pltpu.make_async_copy(hs_hbm.at[src_v.at[1]], bf1, g1).wait()
    pltpu.make_async_copy(rf1, acc.at[dst_v.at[1]], s1).wait()
    _convert_bf16_rows(bf1, rf1)
    pltpu.async_copy(rf1, acc.at[dst_v.at[j0 + 1]], s1, add=True)
    pltpu.make_async_copy(rf0, acc.at[dst_v.at[0]], s0).wait()
    pltpu.make_async_copy(rf1, acc.at[dst_v.at[1]], s1).wait()

    plsc.subcore_barrier()
    pltpu.sync_copy(acc.at[pl.ds(s * STRIPE, STRIPE)],
                    agg_hbm.at[c, pl.ds(s * STRIPE, STRIPE)])


@functools.lru_cache(maxsize=None)
def _build_sc_kernels():
    mesh = plsc.VectorSubcoreMesh(
        core_axis_name="c", subcore_axis_name="s", num_cores=NCORE,
        num_subcores=NSUB)
    cparams = pltpu.CompilerParams(use_tc_tiling_on_sc=False,
                                   needs_layout_passes=False)
    sc_prep = pl.kernel(
        _sc_prep_body,
        out_type=[
            jax.ShapeDtypeStruct((N_PADX, D), jnp.float32),
            jax.ShapeDtypeStruct((NCORE, N_ACC, 16), jnp.float32),
        ],
        mesh=mesh,
        scratch_types=[
            pltpu.VMEM((CHX, KX), jnp.int32),
            pltpu.VMEM((KX, D), jnp.float32),
            pltpu.VMEM((CH, K), jnp.int32),
            pltpu.VMEM((K, 16), jnp.float32),
            pltpu.VMEM((128, 16), jnp.float32),
            pltpu.VMEM_SHARED((N_ACC, 16), jnp.float32),
            pltpu.SemaphoreType.DMA,
        ],
        compiler_params=cparams,
    )
    sc_agg = pl.kernel(
        _sc_agg_body,
        out_type=jax.ShapeDtypeStruct((NCORE, N_ACC, DH), jnp.float32),
        mesh=mesh,
        scratch_types=[
            pltpu.VMEM((CH, K), jnp.int32),
            pltpu.VMEM((CH, K), jnp.int32),
            pltpu.VMEM((K, DH), jnp.bfloat16),
            pltpu.VMEM((K, DH), jnp.bfloat16),
            pltpu.VMEM((K, DH), jnp.float32),
            pltpu.VMEM((K, DH), jnp.float32),
            pltpu.VMEM_SHARED((N_ACC, DH), jnp.float32),
            pltpu.SemaphoreType.DMA,
            pltpu.SemaphoreType.DMA,
            pltpu.SemaphoreType.DMA,
            pltpu.SemaphoreType.DMA,
        ],
        compiler_params=cparams,
    )
    return sc_prep, sc_agg


def _dotT(a, b):
    return lax.dot_general(a, b, (((1,), (1,)), ((), ())),
                           preferred_element_type=jnp.float32)


def _split_store(h, hs_ref):
    hb = h.astype(jnp.bfloat16)
    hs_ref[0:N, :] = hb[:, 0:DH]
    hs_ref[N:2 * N, :] = hb[:, DH:D]


def _proj_body(h0_ref, nt_ref, nte_ref, pw_ref, pb_ref, out_ref, hs_ref):
    h0 = h0_ref[0:N, :]
    w1 = pw_ref[:, 0:D]
    w2 = pw_ref[:, D:D + DQ]
    teff = _dotT(nte_ref[...], w2)
    oh = (nt_ref[...] == lax.broadcasted_iota(jnp.int32, (N, NT), 1))
    oh = oh.astype(jnp.float32)
    out = _dotT(h0, w1) + jnp.dot(
        oh, teff, preferred_element_type=jnp.float32) + pb_ref[...]
    h = jnp.maximum(out, 0.0)
    out_ref[...] = h
    _split_store(h, hs_ref)


def _layer_update(h_ref, agg_ref, degp_ref, wl_ref, bl_ref, wr_ref,
                  g_ref, b_ref):
    h = h_ref[...]
    deg = degp_ref[0, 0:N, 0:1] + degp_ref[1, 0:N, 0:1]
    deg = jnp.maximum(deg, 1.0)
    agg = jnp.concatenate([agg_ref[0, 0:N, :], agg_ref[1, 0:N, :]],
                          axis=-1) / deg
    hn = _dotT(agg, wl_ref[...]) + bl_ref[...] + _dotT(h, wr_ref[...])
    mu = jnp.mean(hn, axis=-1, keepdims=True)
    var = jnp.mean((hn - mu) ** 2, axis=-1, keepdims=True)
    hn = (hn - mu) / jnp.sqrt(var + 1e-5) * g_ref[...] + b_ref[...]
    return h + jnp.maximum(hn, 0.0)


def _layer_body(h_ref, agg_ref, degp_ref, wl_ref, bl_ref, wr_ref,
                g_ref, b_ref, out_ref, hs_ref):
    h = _layer_update(h_ref, agg_ref, degp_ref, wl_ref, bl_ref, wr_ref,
                      g_ref, b_ref)
    out_ref[...] = h
    _split_store(h, hs_ref)


def _layer_body_last(h_ref, agg_ref, degp_ref, wl_ref, bl_ref, wr_ref,
                     g_ref, b_ref, out_ref):
    out_ref[...] = _layer_update(h_ref, agg_ref, degp_ref, wl_ref, bl_ref,
                                 wr_ref, g_ref, b_ref)


def _heads_body(h_ref, batch_ref, gw1_ref, gb1_ref, gw2_ref, gb2_ref,
                gw3_ref, gb3_ref, sw1_ref, sb1_ref, sw2_ref, sb2_ref,
                ge_ref, lg_ref, ss_ref):
    h = h_ref[...]
    oh = (batch_ref[...] == lax.broadcasted_iota(jnp.int32, (N, NG), 1))
    oh = oh.astype(jnp.float32)
    contract0 = (((0,), (0,)), ((), ()))
    gsum = lax.dot_general(oh, h, contract0,
                           preferred_element_type=jnp.float32)
    cnt = lax.dot_general(oh, jnp.ones_like(h), contract0,
                          preferred_element_type=jnp.float32)
    gmean = gsum / jnp.maximum(cnt[:, 0:1], 1.0)
    ge = jnp.concatenate([gmean, gmean], axis=-1)
    z = jnp.maximum(_dotT(ge, gw1_ref[...]) + gb1_ref[...], 0.0)
    z = jnp.maximum(_dotT(z, gw2_ref[...]) + gb2_ref[...], 0.0)
    lg_ref[...] = _dotT(z, gw3_ref[...]) + gb3_ref[...]
    ge_ref[...] = ge
    sc = jnp.maximum(_dotT(h, sw1_ref[...]) + sb1_ref[...], 0.0)
    ss_ref[...] = _dotT(sc, sw2_ref[...]) + sb2_ref[...]


def kernel(params, x, node_type, edge_index, batch):
    p = params
    f32 = jnp.float32

    src = edge_index[0]
    dst = edge_index[1]
    epad = E_PAD - E
    src_flat = jnp.concatenate([src, jnp.zeros((epad,), jnp.int32)])
    srcp = jnp.stack([src_flat, src_flat + N]).reshape(NCORE, NSUB, CH, K)
    dstp = jnp.concatenate([dst, jnp.full((epad,), N, jnp.int32)])
    dstp = dstp.reshape(NSUB, CH, K)
    xp = jnp.concatenate([x.astype(jnp.int32),
                          jnp.zeros((N_PADX - N,), jnp.int32)])
    xp = xp.reshape(NWORK, CHX, KX)

    sc_prep, sc_agg = _build_sc_kernels()

    h0_pad, degp = sc_prep(p['node_embed'], xp, dstp)

    h, hs = pl.pallas_call(
        _proj_body,
        out_shape=[jax.ShapeDtypeStruct((N, D), f32),
                   jax.ShapeDtypeStruct((2 * N, DH), jnp.bfloat16)],
    )(h0_pad, node_type.reshape(N, 1), p['node_type_embed'],
      p['proj_w'], p['proj_b'].reshape(1, D))

    nl = len(p['layers'])
    for li, lp in enumerate(p['layers']):
        aggs = sc_agg(hs, srcp, dstp)
        largs = (h, aggs, degp, lp['lin_l_w'][:, _AGG_PERM],
                 lp['lin_l_b'].reshape(1, D), lp['lin_r_w'],
                 lp['ln_g'].reshape(1, D), lp['ln_b'].reshape(1, D))
        if li < nl - 1:
            h, hs = pl.pallas_call(
                _layer_body,
                out_shape=[jax.ShapeDtypeStruct((N, D), f32),
                           jax.ShapeDtypeStruct((2 * N, DH), jnp.bfloat16)],
            )(*largs)
        else:
            h = pl.pallas_call(
                _layer_body_last,
                out_shape=jax.ShapeDtypeStruct((N, D), f32),
            )(*largs)

    gc, sp = p['gc'], p['sp']
    ge, lg, ss = pl.pallas_call(
        _heads_body,
        out_shape=[
            jax.ShapeDtypeStruct((NG, 2 * D), f32),
            jax.ShapeDtypeStruct((NG, 10), f32),
            jax.ShapeDtypeStruct((N, 8), f32),
        ],
    )(h, batch.reshape(N, 1), gc['w1'], gc['b1'].reshape(1, D),
      gc['w2'], gc['b2'].reshape(1, D // 2), gc['w3'],
      gc['b3'].reshape(1, 10), sp['w1'], sp['b1'].reshape(1, D // 2),
      jnp.pad(sp['w2'], ((0, 7), (0, 0))),
      jnp.pad(sp['b2'].reshape(1, 1), ((0, 0), (0, 7))))

    return lg, ss[:, 0], h, ge

# --- scband reference (transcript-rebuilt; emitter-appended) ---
"""Pipeline reference for scband-improved-crime-gnn-4518305595544 (READ-ONLY COPY).

The authoritative reference and input builder live on the scoring server;
editing this copy changes nothing except your own understanding.
"""

import jax, jax.numpy as jnp
import numpy as np

N = 10000
E = 320000
D = 128
DQ = D // 4
NT = 8
NG = 16
NC = 10

def _lin(key, out_d, in_d):
    s = float(np.sqrt(6.0 / (in_d + out_d)))
    return jax.random.uniform(key, (out_d, in_d), minval=-s, maxval=s, dtype=jnp.float32)

def setup_inputs(seed: int = 0):
    key = jax.random.key(seed)
    k = lambda i: jax.random.fold_in(key, i)
    x = jnp.arange(N, dtype=jnp.int32)
    node_type = jax.random.randint(k(1), (N,), 0, NT, dtype=jnp.int32)
    edge_index = jax.random.randint(k(2), (2, E), 0, N, dtype=jnp.int32)
    batch = jnp.sort(jax.random.randint(k(3), (N,), 0, NG, dtype=jnp.int32))
    layers = []
    for i in range(3):
        layers.append({
            'lin_l_w': _lin(k(10 + 10 * i), D, D),
            'lin_l_b': jnp.zeros((D,), jnp.float32),
            'lin_r_w': _lin(k(11 + 10 * i), D, D),
            'ln_g': jnp.ones((D,), jnp.float32),
            'ln_b': jnp.zeros((D,), jnp.float32),
        })
    params = {
        'node_embed': 0.1 * jax.random.normal(k(100), (N, D), dtype=jnp.float32),
        'node_type_embed': 0.1 * jax.random.normal(k(101), (NT, DQ), dtype=jnp.float32),
        'proj_w': _lin(k(102), D, D + DQ),
        'proj_b': jnp.zeros((D,), jnp.float32),
        'layers': layers,
        'gc': {'w1': _lin(k(103), D, 2 * D), 'b1': jnp.zeros((D,), jnp.float32),
               'w2': _lin(k(104), D // 2, D), 'b2': jnp.zeros((D // 2,), jnp.float32),
               'w3': _lin(k(105), NC, D // 2), 'b3': jnp.zeros((NC,), jnp.float32)},
        'sp': {'w1': _lin(k(106), D // 2, D), 'b1': jnp.zeros((D // 2,), jnp.float32),
               'w2': _lin(k(107), 1, D // 2), 'b2': jnp.zeros((1,), jnp.float32)},
    }
    return {'params': params, 'x': x, 'node_type': node_type, 'edge_index': edge_index, 'batch': batch}

def _layer_norm(h, g, b):
    mu = h.mean(-1, keepdims=True)
    var = ((h - mu) ** 2).mean(-1, keepdims=True)
    return (h - mu) / jnp.sqrt(var + 1e-5) * g + b

def _forward(params, x, node_type, edge_index, batch):
    h = jnp.take(params['node_embed'], x, axis=0)
    t = jnp.take(params['node_type_embed'], node_type, axis=0)
    h = jnp.concatenate([h, t], axis=-1)
    h = h @ params['proj_w'].T + params['proj_b']
    h = jax.nn.relu(h)
    src = edge_index[0]
    dst = edge_index[1]
    deg = jax.ops.segment_sum(jnp.ones((E,), h.dtype), dst, num_segments=N)
    deg = jnp.clip(deg, 1.0, None)
    for lp in params['layers']:
        msgs = jnp.take(h, src, axis=0)
        agg = jax.ops.segment_sum(msgs, dst, num_segments=N) / deg[:, None]
        hn = agg @ lp['lin_l_w'].T + lp['lin_l_b'] + h @ lp['lin_r_w'].T
        hn = _layer_norm(hn, lp['ln_g'], lp['ln_b'])
        hn = jax.nn.relu(hn)
        h = h + hn  # dropout is identity in eval mode
    gsum = jax.ops.segment_sum(h, batch, num_segments=NG)
    gcnt = jnp.clip(jax.ops.segment_sum(jnp.ones((N,), h.dtype), batch, num_segments=NG), 1.0, None)
    gmean = gsum / gcnt[:, None]
    # NOTE: source uses global_mean_pool for BOTH mean and 'max' (faithful to original bug)
    graph_embed = jnp.concatenate([gmean, gmean], axis=-1)
    gc = params['gc']
    z = jax.nn.relu(graph_embed @ gc['w1'].T + gc['b1'])
    z = jax.nn.relu(z @ gc['w2'].T + gc['b2'])
    crime_logits = z @ gc['w3'].T + gc['b3']
    sp = params['sp']
    s = jax.nn.relu(h @ sp['w1'].T + sp['b1'])
    suspect_scores = (s @ sp['w2'].T + sp['b2']).squeeze(-1)
    return crime_logits, suspect_scores, h, graph_embed

def reference(params, x, node_type, edge_index, batch):
    return _forward(params, x, node_type, edge_index, batch)

if __name__ == "__main__":
    import jax
    _d = setup_inputs()
    print(jax.jit(kernel)(*tuple(_d.values())))

</pallas_src>

<mosaic_0001>
#map = affine_map<(d0, d1) -> (0, 0)>
#map1 = affine_map<(d0, d1) -> (0, 0, 0)>
module attributes {stable_mosaic.version = 14 : i64} {
  func.func @_sc_prep_body(%arg0: i32, %arg1: i32, %arg2: memref<10000x128xf32, #tpu.memory_space<hbm>>, %arg3: memref<32x4x80xi32, #tpu.memory_space<hbm>>, %arg4: memref<16x160x128xi32, #tpu.memory_space<hbm>>, %arg5: memref<10240x128xf32, #tpu.memory_space<hbm>>, %arg6: memref<2x10240x16xf32, #tpu.memory_space<hbm>>, %arg7: memref<4x80xi32, #tpu.memory_space<vmem>>, %arg8: memref<80x128xf32, #tpu.memory_space<vmem>>, %arg9: memref<160x128xi32, #tpu.memory_space<vmem>>, %arg10: memref<128x16xf32, #tpu.memory_space<vmem>>, %arg11: memref<128x16xf32, #tpu.memory_space<vmem>>, %arg12: memref<10240x16xf32, #tpu.memory_space<vmem_shared>>, %arg13: memref<!tpu.dma_semaphore, #tpu.memory_space<semaphore_mem>>) attributes {dimension_semantics = [#tpu.dimension_semantics<core_parallel>, #tpu.dimension_semantics<subcore_parallel>], iteration_bounds = array<i64: 2, 16>, scalar_prefetch = 0 : i64, scratch_operands = 7 : i64, tpu.core_type = #tpu.core_type<sc_vector_subcore>, window_params = [{transform_indices = #map}, {transform_indices = #map1}, {transform_indices = #map1}, {transform_indices = #map}, {transform_indices = #map1}]} {
    %mul3A = arith.constant 16 : i32
    %mul3A_0 = arith.muli %arg0, %mul3A : i32
    %add3A = arith.addi %mul3A_0, %arg1 : i32
    "tpu.region"() ({
      %run_scoped3A = tpu.sem_alloc : memref<!tpu.dma_semaphore, #tpu.memory_space<semaphore_mem>>
      %dma_start3A_113 = arith.constant 0 : i32
      %dma_start3A_114 = arith.constant 0 : i32
      %dma_start3A_115 = tpu.memref_slice %arg3[%add3A, %dma_start3A_113, %dma_start3A_114] : memref<32x4x80xi32, #tpu.memory_space<hbm>> -> memref<1x4x80xi32, #tpu.memory_space<hbm>>
      %dma_start3A_116 = tpu.memref_squeeze %dma_start3A_115 : memref<1x4x80xi32, #tpu.memory_space<hbm>> -> memref<4x80xi32, #tpu.memory_space<hbm>>
      %dma_start3A_117 = arith.constant 0 : i32
      %dma_start3A_118 = arith.constant 0 : i32
      %dma_start3A_119 = tpu.memref_slice %arg3[%add3A, %dma_start3A_117, %dma_start3A_118] : memref<32x4x80xi32, #tpu.memory_space<hbm>> -> memref<1x4x80xi32, #tpu.memory_space<hbm>>
      %dma_start3A_120 = tpu.memref_squeeze %dma_start3A_119 : memref<1x4x80xi32, #tpu.memory_space<hbm>> -> memref<4x80xi32, #tpu.memory_space<hbm>>
      tpu.enqueue_dma source(%dma_start3A_120 : memref<4x80xi32, #tpu.memory_space<hbm>>) target(%arg7 : memref<4x80xi32, #tpu.memory_space<vmem>>) target_semaphore(%run_scoped3A : memref<!tpu.dma_semaphore, #tpu.memory_space<semaphore_mem>>)
      %dma_wait3A_121 = arith.constant 0 : i32
      %dma_wait3A_122 = arith.constant 0 : i32
      %dma_wait3A_123 = tpu.memref_slice %arg3[%add3A, %dma_wait3A_121, %dma_wait3A_122] : memref<32x4x80xi32, #tpu.memory_space<hbm>> -> memref<1x4x80xi32, #tpu.memory_space<hbm>>
      %dma_wait3A_124 = tpu.memref_squeeze %dma_wait3A_123 : memref<1x4x80xi32, #tpu.memory_space<hbm>> -> memref<4x80xi32, #tpu.memory_space<hbm>>
      %dma_wait3A_125 = arith.constant 0 : i32
      %dma_wait3A_126 = arith.constant 0 : i32
      %dma_wait3A_127 = tpu.memref_slice %arg3[%add3A, %dma_wait3A_125, %dma_wait3A_126] : memref<32x4x80xi32, #tpu.memory_space<hbm>> -> memref<1x4x80xi32, #tpu.memory_space<hbm>>
      %dma_wait3A_128 = tpu.memref_squeeze %dma_wait3A_127 : memref<1x4x80xi32, #tpu.memory_space<hbm>> -> memref<4x80xi32, #tpu.memory_space<hbm>>
      tpu.wait_dma2 semaphore(%run_scoped3A : memref<!tpu.dma_semaphore, #tpu.memory_space<semaphore_mem>>) src(%dma_wait3A_128 : memref<4x80xi32, #tpu.memory_space<hbm>>) dst(%arg7 : memref<4x80xi32, #tpu.memory_space<vmem>>)
      tpu.yield
    }) : () -> ()
    %dma_start3A = arith.constant 0 : i32
    %dma_start3A_1 = arith.constant 0 : i32
    %dma_start3A_2 = tpu.memref_slice %arg7[%dma_start3A, %dma_start3A_1] : memref<4x80xi32, #tpu.memory_space<vmem>> -> memref<1x80xi32, #tpu.memory_space<vmem>>
    %dma_start3A_3 = tpu.memref_squeeze %dma_start3A_2 : memref<1x80xi32, #tpu.memory_space<vmem>> -> memref<80xi32, #tpu.memory_space<vmem>>
    %dma_start3A_4 = arith.constant 0 : i32
    %dma_start3A_5 = arith.constant 0 : i32
    %dma_start3A_6 = tpu.memref_slice %arg2[%dma_start3A_4, %dma_start3A_5] : memref<10000x128xf32, #tpu.memory_space<hbm>> -> memref<10000x128xf32, #tpu.memory_space<hbm>>
    tpu.enqueue_indirect_dma source(%dma_start3A_6 : memref<10000x128xf32, #tpu.memory_space<hbm>>) target(%arg8 : memref<80x128xf32, #tpu.memory_space<vmem>>) offsets(%dma_start3A_3 : memref<80xi32, #tpu.memory_space<vmem>>) semaphore(%arg13 : memref<!tpu.dma_semaphore, #tpu.memory_space<semaphore_mem>>)
    %dma_wait3A = arith.constant 0 : i32
    %dma_wait3A_7 = arith.constant 0 : i32
    %dma_wait3A_8 = tpu.memref_slice %arg7[%dma_wait3A, %dma_wait3A_7] : memref<4x80xi32, #tpu.memory_space<vmem>> -> memref<1x80xi32, #tpu.memory_space<vmem>>
    %dma_wait3A_9 = tpu.memref_squeeze %dma_wait3A_8 : memref<1x80xi32, #tpu.memory_space<vmem>> -> memref<80xi32, #tpu.memory_space<vmem>>
    %dma_wait3A_10 = arith.constant 0 : i32
    %dma_wait3A_11 = arith.constant 0 : i32
    %dma_wait3A_12 = tpu.memref_slice %arg2[%dma_wait3A_10, %dma_wait3A_11] : memref<10000x128xf32, #tpu.memory_space<hbm>> -> memref<10000x128xf32, #tpu.memory_space<hbm>>
    tpu.wait_indirect_dma semaphore(%arg13 : memref<!tpu.dma_semaphore, #tpu.memory_space<semaphore_mem>>) src(%dma_wait3A_12 : memref<10000x128xf32, #tpu.memory_space<hbm>>) dst(%arg8 : memref<80x128xf32, #tpu.memory_space<vmem>>)
    %mul3A_13 = arith.constant 320 : i32
    %mul3A_14 = arith.muli %add3A, %mul3A_13 : i32
    %add3A_15 = arith.constant 0 : i32
    %add3A_16 = arith.addi %mul3A_14, %add3A_15 : i32
    "tpu.region"() ({
      %run_scoped3A = tpu.sem_alloc : memref<!tpu.dma_semaphore, #tpu.memory_space<semaphore_mem>>
      %dma_start3A_113 = arith.constant 0 : i32
      %dma_start3A_114 = tpu.memref_slice %arg5[%add3A_16, %dma_start3A_113] : memref<10240x128xf32, #tpu.memory_space<hbm>> -> memref<80x128xf32, #tpu.memory_space<hbm>>
      %dma_start3A_115 = arith.constant 0 : i32
      %dma_start3A_116 = tpu.memref_slice %arg5[%add3A_16, %dma_start3A_115] : memref<10240x128xf32, #tpu.memory_space<hbm>> -> memref<80x128xf32, #tpu.memory_space<hbm>>
      tpu.enqueue_dma source(%arg8 : memref<80x128xf32, #tpu.memory_space<vmem>>) target(%dma_start3A_116 : memref<80x128xf32, #tpu.memory_space<hbm>>) target_semaphore(%run_scoped3A : memref<!tpu.dma_semaphore, #tpu.memory_space<semaphore_mem>>)
      %dma_wait3A_117 = arith.constant 0 : i32
      %dma_wait3A_118 = tpu.memref_slice %arg5[%add3A_16, %dma_wait3A_117] : memref<10240x128xf32, #tpu.memory_space<hbm>> -> memref<80x128xf32, #tpu.memory_space<hbm>>
      %dma_wait3A_119 = arith.constant 0 : i32
      %dma_wait3A_120 = tpu.memref_slice %arg5[%add3A_16, %dma_wait3A_119] : memref<10240x128xf32, #tpu.memory_space<hbm>> -> memref<80x128xf32, #tpu.memory_space<hbm>>
      tpu.wait_dma2 semaphore(%run_scoped3A : memref<!tpu.dma_semaphore, #tpu.memory_space<semaphore_mem>>) src(%arg8 : memref<80x128xf32, #tpu.memory_space<vmem>>) dst(%dma_wait3A_120 : memref<80x128xf32, #tpu.memory_space<hbm>>)
      tpu.yield
    }) : () -> ()
    %dma_start3A_17 = arith.constant 1 : i32
    %dma_start3A_18 = arith.constant 0 : i32
    %dma_start3A_19 = tpu.memref_slice %arg7[%dma_start3A_17, %dma_start3A_18] : memref<4x80xi32, #tpu.memory_space<vmem>> -> memref<1x80xi32, #tpu.memory_space<vmem>>
    %dma_start3A_20 = tpu.memref_squeeze %dma_start3A_19 : memref<1x80xi32, #tpu.memory_space<vmem>> -> memref<80xi32, #tpu.memory_space<vmem>>
    %dma_start3A_21 = arith.constant 0 : i32
    %dma_start3A_22 = arith.constant 0 : i32
    %dma_start3A_23 = tpu.memref_slice %arg2[%dma_start3A_21, %dma_start3A_22] : memref<10000x128xf32, #tpu.memory_space<hbm>> -> memref<10000x128xf32, #tpu.memory_space<hbm>>
    tpu.enqueue_indirect_dma source(%dma_start3A_23 : memref<10000x128xf32, #tpu.memory_space<hbm>>) target(%arg8 : memref<80x128xf32, #tpu.memory_space<vmem>>) offsets(%dma_start3A_20 : memref<80xi32, #tpu.memory_space<vmem>>) semaphore(%arg13 : memref<!tpu.dma_semaphore, #tpu.memory_space<semaphore_mem>>)
    %dma_wait3A_24 = arith.constant 1 : i32
    %dma_wait3A_25 = arith.constant 0 : i32
    %dma_wait3A_26 = tpu.memref_slice %arg7[%dma_wait3A_24, %dma_wait3A_25] : memref<4x80xi32, #tpu.memory_space<vmem>> -> memref<1x80xi32, #tpu.memory_space<vmem>>
    %dma_wait3A_27 = tpu.memref_squeeze %dma_wait3A_26 : memref<1x80xi32, #tpu.memory_space<vmem>> -> memref<80xi32, #tpu.memory_space<vmem>>
    %dma_wait3A_28 = arith.constant 0 : i32
    %dma_wait3A_29 = arith.constant 0 : i32
    %dma_wait3A_30 = tpu.memref_slice %arg2[%dma_wait3A_28, %dma_wait3A_29] : memref<10000x128xf32, #tpu.memory_space<hbm>> -> memref<10000x128xf32, #tpu.memory_space<hbm>>
    tpu.wait_indirect_dma semaphore(%arg13 : memref<!tpu.dma_semaphore, #tpu.memory_space<semaphore_mem>>) src(%dma_wait3A_30 : memref<10000x128xf32, #tpu.memory_space<hbm>>) dst(%arg8 : memref<80x128xf32, #tpu.memory_space<vmem>>)
    %mul3A_31 = arith.constant 320 : i32
    %mul3A_32 = arith.muli %add3A, %mul3A_31 : i32
    %add3A_33 = arith.constant 80 : i32
    %add3A_34 = arith.addi %mul3A_32, %add3A_33 : i32
    "tpu.region"() ({
      %run_scoped3A = tpu.sem_alloc : memref<!tpu.dma_semaphore, #tpu.memory_space<semaphore_mem>>
      %dma_start3A_113 = arith.constant 0 : i32
      %dma_start3A_114 = tpu.memref_slice %arg5[%add3A_34, %dma_start3A_113] : memref<10240x128xf32, #tpu.memory_space<hbm>> -> memref<80x128xf32, #tpu.memory_space<hbm>>
      %dma_start3A_115 = arith.constant 0 : i32
      %dma_start3A_116 = tpu.memref_slice %arg5[%add3A_34, %dma_start3A_115] : memref<10240x128xf32, #tpu.memory_space<hbm>> -> memref<80x128xf32, #tpu.memory_space<hbm>>
      tpu.enqueue_dma source(%arg8 : memref<80x128xf32, #tpu.memory_space<vmem>>) target(%dma_start3A_116 : memref<80x128xf32, #tpu.memory_space<hbm>>) target_semaphore(%run_scoped3A : memref<!tpu.dma_semaphore, #tpu.memory_space<semaphore_mem>>)
      %dma_wait3A_117 = arith.constant 0 : i32
      %dma_wait3A_118 = tpu.memref_slice %arg5[%add3A_34, %dma_wait3A_117] : memref<10240x128xf32, #tpu.memory_space<hbm>> -> memref<80x128xf32, #tpu.memory_space<hbm>>
      %dma_wait3A_119 = arith.constant 0 : i32
      %dma_wait3A_120 = tpu.memref_slice %arg5[%add3A_34, %dma_wait3A_119] : memref<10240x128xf32, #tpu.memory_space<hbm>> -> memref<80x128xf32, #tpu.memory_space<hbm>>
      tpu.wait_dma2 semaphore(%run_scoped3A : memref<!tpu.dma_semaphore, #tpu.memory_space<semaphore_mem>>) src(%arg8 : memref<80x128xf32, #tpu.memory_space<vmem>>) dst(%dma_wait3A_120 : memref<80x128xf32, #tpu.memory_space<hbm>>)
      tpu.yield
    }) : () -> ()
    %dma_start3A_35 = arith.constant 2 : i32
    %dma_start3A_36 = arith.constant 0 : i32
    %dma_start3A_37 = tpu.memref_slice %arg7[%dma_start3A_35, %dma_start3A_36] : memref<4x80xi32, #tpu.memory_space<vmem>> -> memref<1x80xi32, #tpu.memory_space<vmem>>
    %dma_start3A_38 = tpu.memref_squeeze %dma_start3A_37 : memref<1x80xi32, #tpu.memory_space<vmem>> -> memref<80xi32, #tpu.memory_space<vmem>>
    %dma_start3A_39 = arith.constant 0 : i32
    %dma_start3A_40 = arith.constant 0 : i32
    %dma_start3A_41 = tpu.memref_slice %arg2[%dma_start3A_39, %dma_start3A_40] : memref<10000x128xf32, #tpu.memory_space<hbm>> -> memref<10000x128xf32, #tpu.memory_space<hbm>>
    tpu.enqueue_indirect_dma source(%dma_start3A_41 : memref<10000x128xf32, #tpu.memory_space<hbm>>) target(%arg8 : memref<80x128xf32, #tpu.memory_space<vmem>>) offsets(%dma_start3A_38 : memref<80xi32, #tpu.memory_space<vmem>>) semaphore(%arg13 : memref<!tpu.dma_semaphore, #tpu.memory_space<semaphore_mem>>)
    %dma_wait3A_42 = arith.constant 2 : i32
    %dma_wait3A_43 = arith.constant 0 : i32
    %dma_wait3A_44 = tpu.memref_slice %arg7[%dma_wait3A_42, %dma_wait3A_43] : memref<4x80xi32, #tpu.memory_space<vmem>> -> memref<1x80xi32, #tpu.memory_space<vmem>>
    %dma_wait3A_45 = tpu.memref_squeeze %dma_wait3A_44 : memref<1x80xi32, #tpu.memory_space<vmem>> -> memref<80xi32, #tpu.memory_space<vmem>>
    %dma_wait3A_46 = arith.constant 0 : i32
    %dma_wait3A_47 = arith.constant 0 : i32
    %dma_wait3A_48 = tpu.memref_slice %arg2[%dma_wait3A_46, %dma_wait3A_47] : memref<10000x128xf32, #tpu.memory_space<hbm>> -> memref<10000x128xf32, #tpu.memory_space<hbm>>
    tpu.wait_indirect_dma semaphore(%arg13 : memref<!tpu.dma_semaphore, #tpu.memory_space<semaphore_mem>>) src(%dma_wait3A_48 : memref<10000x128xf32, #tpu.memory_space<hbm>>) dst(%arg8 : memref<80x128xf32, #tpu.memory_space<vmem>>)
    %mul3A_49 = arith.constant 320 : i32
    %mul3A_50 = arith.muli %add3A, %mul3A_49 : i32
    %add3A_51 = arith.constant 160 : i32
    %add3A_52 = arith.addi %mul3A_50, %add3A_51 : i32
    "tpu.region"() ({
      %run_scoped3A = tpu.sem_alloc : memref<!tpu.dma_semaphore, #tpu.memory_space<semaphore_mem>>
      %dma_start3A_113 = arith.constant 0 : i32
      %dma_start3A_114 = tpu.memref_slice %arg5[%add3A_52, %dma_start3A_113] : memref<10240x128xf32, #tpu.memory_space<hbm>> -> memref<80x128xf32, #tpu.memory_space<hbm>>
      %dma_start3A_115 = arith.constant 0 : i32
      %dma_start3A_116 = tpu.memref_slice %arg5[%add3A_52, %dma_start3A_115] : memref<10240x128xf32, #tpu.memory_space<hbm>> -> memref<80x128xf32, #tpu.memory_space<hbm>>
      tpu.enqueue_dma source(%arg8 : memref<80x128xf32, #tpu.memory_space<vmem>>) target(%dma_start3A_116 : memref<80x128xf32, #tpu.memory_space<hbm>>) target_semaphore(%run_scoped3A : memref<!tpu.dma_semaphore, #tpu.memory_space<semaphore_mem>>)
      %dma_wait3A_117 = arith.constant 0 : i32
      %dma_wait3A_118 = tpu.memref_slice %arg5[%add3A_52, %dma_wait3A_117] : memref<10240x128xf32, #tpu.memory_space<hbm>> -> memref<80x128xf32, #tpu.memory_space<hbm>>
      %dma_wait3A_119 = arith.constant 0 : i32
      %dma_wait3A_120 = tpu.memref_slice %arg5[%add3A_52, %dma_wait3A_119] : memref<10240x128xf32, #tpu.memory_space<hbm>> -> memref<80x128xf32, #tpu.memory_space<hbm>>
      tpu.wait_dma2 semaphore(%run_scoped3A : memref<!tpu.dma_semaphore, #tpu.memory_space<semaphore_mem>>) src(%arg8 : memref<80x128xf32, #tpu.memory_space<vmem>>) dst(%dma_wait3A_120 : memref<80x128xf32, #tpu.memory_space<hbm>>)
      tpu.yield
    }) : () -> ()
    %dma_start3A_53 = arith.constant 3 : i32
    %dma_start3A_54 = arith.constant 0 : i32
    %dma_start3A_55 = tpu.memref_slice %arg7[%dma_start3A_53, %dma_start3A_54] : memref<4x80xi32, #tpu.memory_space<vmem>> -> memref<1x80xi32, #tpu.memory_space<vmem>>
    %dma_start3A_56 = tpu.memref_squeeze %dma_start3A_55 : memref<1x80xi32, #tpu.memory_space<vmem>> -> memref<80xi32, #tpu.memory_space<vmem>>
    %dma_start3A_57 = arith.constant 0 : i32
    %dma_start3A_58 = arith.constant 0 : i32
    %dma_start3A_59 = tpu.memref_slice %arg2[%dma_start3A_57, %dma_start3A_58] : memref<10000x128xf32, #tpu.memory_space<hbm>> -> memref<10000x128xf32, #tpu.memory_space<hbm>>
    tpu.enqueue_indirect_dma source(%dma_start3A_59 : memref<10000x128xf32, #tpu.memory_space<hbm>>) target(%arg8 : memref<80x128xf32, #tpu.memory_space<vmem>>) offsets(%dma_start3A_56 : memref<80xi32, #tpu.memory_space<vmem>>) semaphore(%arg13 : memref<!tpu.dma_semaphore, #tpu.memory_space<semaphore_mem>>)
    %dma_wait3A_60 = arith.constant 3 : i32
    %dma_wait3A_61 = arith.constant 0 : i32
    %dma_wait3A_62 = tpu.memref_slice %arg7[%dma_wait3A_60, %dma_wait3A_61] : memref<4x80xi32, #tpu.memory_space<vmem>> -> memref<1x80xi32, #tpu.memory_space<vmem>>
    %dma_wait3A_63 = tpu.memref_squeeze %dma_wait3A_62 : memref<1x80xi32, #tpu.memory_space<vmem>> -> memref<80xi32, #tpu.memory_space<vmem>>
    %dma_wait3A_64 = arith.constant 0 : i32
    %dma_wait3A_65 = arith.constant 0 : i32
    %dma_wait3A_66 = tpu.memref_slice %arg2[%dma_wait3A_64, %dma_wait3A_65] : memref<10000x128xf32, #tpu.memory_space<hbm>> -> memref<10000x128xf32, #tpu.memory_space<hbm>>
    tpu.wait_indirect_dma semaphore(%arg13 : memref<!tpu.dma_semaphore, #tpu.memory_space<semaphore_mem>>) src(%dma_wait3A_66 : memref<10000x128xf32, #tpu.memory_space<hbm>>) dst(%arg8 : memref<80x128xf32, #tpu.memory_space<vmem>>)
    %mul3A_67 = arith.constant 320 : i32
    %mul3A_68 = arith.muli %add3A, %mul3A_67 : i32
    %add3A_69 = arith.constant 240 : i32
    %add3A_70 = arith.addi %mul3A_68, %add3A_69 : i32
    "tpu.region"() ({
      %run_scoped3A = tpu.sem_alloc : memref<!tpu.dma_semaphore, #tpu.memory_space<semaphore_mem>>
      %dma_start3A_113 = arith.constant 0 : i32
      %dma_start3A_114 = tpu.memref_slice %arg5[%add3A_70, %dma_start3A_113] : memref<10240x128xf32, #tpu.memory_space<hbm>> -> memref<80x128xf32, #tpu.memory_space<hbm>>
      %dma_start3A_115 = arith.constant 0 : i32
      %dma_start3A_116 = tpu.memref_slice %arg5[%add3A_70, %dma_start3A_115] : memref<10240x128xf32, #tpu.memory_space<hbm>> -> memref<80x128xf32, #tpu.memory_space<hbm>>
      tpu.enqueue_dma source(%arg8 : memref<80x128xf32, #tpu.memory_space<vmem>>) target(%dma_start3A_116 : memref<80x128xf32, #tpu.memory_space<hbm>>) target_semaphore(%run_scoped3A : memref<!tpu.dma_semaphore, #tpu.memory_space<semaphore_mem>>)
      %dma_wait3A_117 = arith.constant 0 : i32
      %dma_wait3A_118 = tpu.memref_slice %arg5[%add3A_70, %dma_wait3A_117] : memref<10240x128xf32, #tpu.memory_space<hbm>> -> memref<80x128xf32, #tpu.memory_space<hbm>>
      %dma_wait3A_119 = arith.constant 0 : i32
      %dma_wait3A_120 = tpu.memref_slice %arg5[%add3A_70, %dma_wait3A_119] : memref<10240x128xf32, #tpu.memory_space<hbm>> -> memref<80x128xf32, #tpu.memory_space<hbm>>
      tpu.wait_dma2 semaphore(%run_scoped3A : memref<!tpu.dma_semaphore, #tpu.memory_space<semaphore_mem>>) src(%arg8 : memref<80x128xf32, #tpu.memory_space<vmem>>) dst(%dma_wait3A_120 : memref<80x128xf32, #tpu.memory_space<hbm>>)
      tpu.yield
    }) : () -> ()
    %scan3A = arith.constant 0 : i32
    %scan3A_71 = arith.constant 0 : i32
    %scan3A_72 = arith.constant 128 : i32
    %scan3A_73 = arith.addi %scan3A_71, %scan3A_72 : i32
    %scan3A_74 = arith.constant 1 : i32
    scf.for %scan3A_113 = %scan3A_71 to %scan3A_73 step %scan3A_74  : i32 {
      %broadcast_in_dim3A = arith.constant 0.000000e+00 : f32
      %broadcast_in_dim3A_114 = vector.broadcast %broadcast_in_dim3A : f32 to vector<16xf32>
      %jit3A = arith.constant 1 : i32
      %div3A = arith.divsi %scan3A_113, %jit3A : i32
      %sign3A = arith.constant 0 : i32
      %sign3A_115 = arith.cmpi sgt, %scan3A_113, %sign3A : i32
      %sign3A_116 = arith.extui %sign3A_115 : i1 to i32
      %sign3A_117 = arith.constant 0 : i32
      %sign3A_118 = arith.cmpi slt, %scan3A_113, %sign3A_117 : i32
      %sign3A_119 = arith.extui %sign3A_118 : i1 to i32
      %sign3A_120 = arith.subi %sign3A_116, %sign3A_119 : i32
      %sign3A_121 = arith.constant 0 : i32
      %sign3A_122 = arith.cmpi sgt, %jit3A, %sign3A_121 : i32
      %sign3A_123 = arith.extui %sign3A_122 : i1 to i32
      %sign3A_124 = arith.constant 0 : i32
      %sign3A_125 = arith.cmpi slt, %jit3A, %sign3A_124 : i32
      %sign3A_126 = arith.extui %sign3A_125 : i1 to i32
      %sign3A_127 = arith.subi %sign3A_123, %sign3A_126 : i32
      %ne3A = arith.cmpi ne, %sign3A_120, %sign3A_127 : i32
      %rem3A = arith.remsi %scan3A_113, %jit3A : i32
      %ne3A_128 = arith.constant 0 : i32
      %ne3A_129 = arith.cmpi ne, %rem3A, %ne3A_128 : i32
      %and3A = arith.andi %ne3A, %ne3A_129 : i1
      %sub3A = arith.constant 1 : i32
      %sub3A_130 = arith.subi %div3A, %sub3A : i32
      %select_n3A = arith.select %and3A, %sub3A_130, %div3A : i32
      %jit3A_131 = arith.constant 1 : i32
      %eq3A = arith.constant 0 : i32
      %eq3A_132 = arith.cmpi eq, %jit3A_131, %eq3A : i32
      %jit3A_133 = arith.constant 1 : i32
      %select_n3A_134 = arith.select %eq3A_132, %jit3A_133, %jit3A_131 : i32
      %rem3A_135 = arith.remsi %scan3A_113, %select_n3A_134 : i32
      %ne3A_136 = arith.constant 0 : i32
      %ne3A_137 = arith.cmpi ne, %rem3A_135, %ne3A_136 : i32
      %lt3A = arith.constant 0 : i32
      %lt3A_138 = arith.cmpi slt, %rem3A_135, %lt3A : i32
      %lt3A_139 = arith.constant 0 : i32
      %lt3A_140 = arith.cmpi slt, %select_n3A_134, %lt3A_139 : i32
      %ne3A_141 = arith.xori %lt3A_138, %lt3A_140 : i1
      %and3A_142 = arith.andi %ne3A_141, %ne3A_137 : i1
      %add3A_143 = arith.addi %rem3A_135, %select_n3A_134 : i32
      %select_n3A_144 = arith.select %and3A_142, %add3A_143, %rem3A_135 : i32
      %mul3A_145 = arith.constant 16 : i32
      %mul3A_146 = arith.muli %select_n3A_144, %mul3A_145 : i32
      %swap3A = arith.index_cast %select_n3A : i32 to index
      %swap3A_147 = arith.index_cast %mul3A_146 : i32 to index
      %swap3A_148 = tpu.vector_load %arg11[%swap3A, %swap3A_147] {strides = array<i32>} : memref<128x16xf32, #tpu.memory_space<vmem>>, vector<16xf32>,
      tpu.vector_store %arg11[%swap3A, %swap3A_147], %broadcast_in_dim3A_114 {strides = array<i32>} : memref<128x16xf32, #tpu.memory_space<vmem>>, vector<16xf32>,
    }
    %scan3A_75 = arith.constant 128 : i32
    %mul3A_76 = arith.constant 640 : i32
    %mul3A_77 = arith.muli %arg1, %mul3A_76 : i32
    %add3A_78 = arith.constant 0 : i32
    %add3A_79 = arith.addi %mul3A_77, %add3A_78 : i32
    "tpu.region"() ({
      %run_scoped3A = tpu.sem_alloc : memref<!tpu.dma_semaphore, #tpu.memory_space<semaphore_mem>>
      %dma_start3A_113 = arith.constant 0 : i32
      %dma_start3A_114 = tpu.memref_slice %arg12[%add3A_79, %dma_start3A_113] : memref<10240x16xf32, #tpu.memory_space<vmem_shared>> -> memref<128x16xf32, #tpu.memory_space<vmem_shared>>
      %dma_start3A_115 = arith.constant 0 : i32
      %dma_start3A_116 = tpu.memref_slice %arg12[%add3A_79, %dma_start3A_115] : memref<10240x16xf32, #tpu.memory_space<vmem_shared>> -> memref<128x16xf32, #tpu.memory_space<vmem_shared>>
      tpu.enqueue_dma source(%arg11 : memref<128x16xf32, #tpu.memory_space<vmem>>) target(%dma_start3A_116 : memref<128x16xf32, #tpu.memory_space<vmem_shared>>) target_semaphore(%run_scoped3A : memref<!tpu.dma_semaphore, #tpu.memory_space<semaphore_mem>>)
      %dma_wait3A_117 = arith.constant 0 : i32
      %dma_wait3A_118 = tpu.memref_slice %arg12[%add3A_79, %dma_wait3A_117] : memref<10240x16xf32, #tpu.memory_space<vmem_shared>> -> memref<128x16xf32, #tpu.memory_space<vmem_shared>>
      %dma_wait3A_119 = arith.constant 0 : i32
      %dma_wait3A_120 = tpu.memref_slice %arg12[%add3A_79, %dma_wait3A_119] : memref<10240x16xf32, #tpu.memory_space<vmem_shared>> -> memref<128x16xf32, #tpu.memory_space<vmem_shared>>
      tpu.wait_dma2 semaphore(%run_scoped3A : memref<!tpu.dma_semaphore, #tpu.memory_space<semaphore_mem>>) src(%arg11 : memref<128x16xf32, #tpu.memory_space<vmem>>) dst(%dma_wait3A_120 : memref<128x16xf32, #tpu.memory_space<vmem_shared>>)
      tpu.yield
    }) : () -> ()
    %add3A_80 = arith.constant 128 : i32
    %add3A_81 = arith.addi %mul3A_77, %add3A_80 : i32
    "tpu.region"() ({
      %run_scoped3A = tpu.sem_alloc : memref<!tpu.dma_semaphore, #tpu.memory_space<semaphore_mem>>
      %dma_start3A_113 = arith.constant 0 : i32
      %dma_start3A_114 = tpu.memref_slice %arg12[%add3A_81, %dma_start3A_113] : memref<10240x16xf32, #tpu.memory_space<vmem_shared>> -> memref<128x16xf32, #tpu.memory_space<vmem_shared>>
      %dma_start3A_115 = arith.constant 0 : i32
      %dma_start3A_116 = tpu.memref_slice %arg12[%add3A_81, %dma_start3A_115] : memref<10240x16xf32, #tpu.memory_space<vmem_shared>> -> memref<128x16xf32, #tpu.memory_space<vmem_shared>>
      tpu.enqueue_dma source(%arg11 : memref<128x16xf32, #tpu.memory_space<vmem>>) target(%dma_start3A_116 : memref<128x16xf32, #tpu.memory_space<vmem_shared>>) target_semaphore(%run_scoped3A : memref<!tpu.dma_semaphore, #tpu.memory_space<semaphore_mem>>)
      %dma_wait3A_117 = arith.constant 0 : i32
      %dma_wait3A_118 = tpu.memref_slice %arg12[%add3A_81, %dma_wait3A_117] : memref<10240x16xf32, #tpu.memory_space<vmem_shared>> -> memref<128x16xf32, #tpu.memory_space<vmem_shared>>
      %dma_wait3A_119 = arith.constant 0 : i32
      %dma_wait3A_120 = tpu.memref_slice %arg12[%add3A_81, %dma_wait3A_119] : memref<10240x16xf32, #tpu.memory_space<vmem_shared>> -> memref<128x16xf32, #tpu.memory_space<vmem_shared>>
      tpu.wait_dma2 semaphore(%run_scoped3A : memref<!tpu.dma_semaphore, #tpu.memory_space<semaphore_mem>>) src(%arg11 : memref<128x16xf32, #tpu.memory_space<vmem>>) dst(%dma_wait3A_120 : memref<128x16xf32, #tpu.memory_space<vmem_shared>>)
      tpu.yield
    }) : () -> ()
    %add3A_82 = arith.constant 256 : i32
    %add3A_83 = arith.addi %mul3A_77, %add3A_82 : i32
    "tpu.region"() ({
      %run_scoped3A = tpu.sem_alloc : memref<!tpu.dma_semaphore, #tpu.memory_space<semaphore_mem>>
      %dma_start3A_113 = arith.constant 0 : i32
      %dma_start3A_114 = tpu.memref_slice %arg12[%add3A_83, %dma_start3A_113] : memref<10240x16xf32, #tpu.memory_space<vmem_shared>> -> memref<128x16xf32, #tpu.memory_space<vmem_shared>>
      %dma_start3A_115 = arith.constant 0 : i32
      %dma_start3A_116 = tpu.memref_slice %arg12[%add3A_83, %dma_start3A_115] : memref<10240x16xf32, #tpu.memory_space<vmem_shared>> -> memref<128x16xf32, #tpu.memory_space<vmem_shared>>
      tpu.enqueue_dma source(%arg11 : memref<128x16xf32, #tpu.memory_space<vmem>>) target(%dma_start3A_116 : memref<128x16xf32, #tpu.memory_space<vmem_shared>>) target_semaphore(%run_scoped3A : memref<!tpu.dma_semaphore, #tpu.memory_space<semaphore_mem>>)
      %dma_wait3A_117 = arith.constant 0 : i32
      %dma_wait3A_118 = tpu.memref_slice %arg12[%add3A_83, %dma_wait3A_117] : memref<10240x16xf32, #tpu.memory_space<vmem_shared>> -> memref<128x16xf32, #tpu.memory_space<vmem_shared>>
      %dma_wait3A_119 = arith.constant 0 : i32
      %dma_wait3A_120 = tpu.memref_slice %arg12[%add3A_83, %dma_wait3A_119] : memref<10240x16xf32, #tpu.memory_space<vmem_shared>> -> memref<128x16xf32, #tpu.memory_space<vmem_shared>>
      tpu.wait_dma2 semaphore(%run_scoped3A : memref<!tpu.dma_semaphore, #tpu.memory_space<semaphore_mem>>) src(%arg11 : memref<128x16xf32, #tpu.memory_space<vmem>>) dst(%dma_wait3A_120 : memref<128x16xf32, #tpu.memory_space<vmem_shared>>)
      tpu.yield
    }) : () -> ()
    %add3A_84 = arith.constant 384 : i32
    %add3A_85 = arith.addi %mul3A_77, %add3A_84 : i32
    "tpu.region"() ({
      %run_scoped3A = tpu.sem_alloc : memref<!tpu.dma_semaphore, #tpu.memory_space<semaphore_mem>>
      %dma_start3A_113 = arith.constant 0 : i32
      %dma_start3A_114 = tpu.memref_slice %arg12[%add3A_85, %dma_start3A_113] : memref<10240x16xf32, #tpu.memory_space<vmem_shared>> -> memref<128x16xf32, #tpu.memory_space<vmem_shared>>
      %dma_start3A_115 = arith.constant 0 : i32
      %dma_start3A_116 = tpu.memref_slice %arg12[%add3A_85, %dma_start3A_115] : memref<10240x16xf32, #tpu.memory_space<vmem_shared>> -> memref<128x16xf32, #tpu.memory_space<vmem_shared>>
      tpu.enqueue_dma source(%arg11 : memref<128x16xf32, #tpu.memory_space<vmem>>) target(%dma_start3A_116 : memref<128x16xf32, #tpu.memory_space<vmem_shared>>) target_semaphore(%run_scoped3A : memref<!tpu.dma_semaphore, #tpu.memory_space<semaphore_mem>>)
      %dma_wait3A_117 = arith.constant 0 : i32
      %dma_wait3A_118 = tpu.memref_slice %arg12[%add3A_85, %dma_wait3A_117] : memref<10240x16xf32, #tpu.memory_space<vmem_shared>> -> memref<128x16xf32, #tpu.memory_space<vmem_shared>>
      %dma_wait3A_119 = arith.constant 0 : i32
      %dma_wait3A_120 = tpu.memref_slice %arg12[%add3A_85, %dma_wait3A_119] : memref<10240x16xf32, #tpu.memory_space<vmem_shared>> -> memref<128x16xf32, #tpu.memory_space<vmem_shared>>
      tpu.wait_dma2 semaphore(%run_scoped3A : memref<!tpu.dma_semaphore, #tpu.memory_space<semaphore_mem>>) src(%arg11 : memref<128x16xf32, #tpu.memory_space<vmem>>) dst(%dma_wait3A_120 : memref<128x16xf32, #tpu.memory_space<vmem_shared>>)
      tpu.yield
    }) : () -> ()
    %add3A_86 = arith.constant 512 : i32
    %add3A_87 = arith.addi %mul3A_77, %add3A_86 : i32
    "tpu.region"() ({
      %run_scoped3A = tpu.sem_alloc : memref<!tpu.dma_semaphore, #tpu.memory_space<semaphore_mem>>
      %dma_start3A_113 = arith.constant 0 : i32
      %dma_start3A_114 = tpu.memref_slice %arg12[%add3A_87, %dma_start3A_113] : memref<10240x16xf32, #tpu.memory_space<vmem_shared>> -> memref<128x16xf32, #tpu.memory_space<vmem_shared>>
      %dma_start3A_115 = arith.constant 0 : i32
      %dma_start3A_116 = tpu.memref_slice %arg12[%add3A_87, %dma_start3A_115] : memref<10240x16xf32, #tpu.memory_space<vmem_shared>> -> memref<128x16xf32, #tpu.memory_space<vmem_shared>>
      tpu.enqueue_dma source(%arg11 : memref<128x16xf32, #tpu.memory_space<vmem>>) target(%dma_start3A_116 : memref<128x16xf32, #tpu.memory_space<vmem_shared>>) target_semaphore(%run_scoped3A : memref<!tpu.dma_semaphore, #tpu.memory_space<semaphore_mem>>)
      %dma_wait3A_117 = arith.constant 0 : i32
      %dma_wait3A_118 = tpu.memref_slice %arg12[%add3A_87, %dma_wait3A_117] : memref<10240x16xf32, #tpu.memory_space<vmem_shared>> -> memref<128x16xf32, #tpu.memory_space<vmem_shared>>
      %dma_wait3A_119 = arith.constant 0 : i32
      %dma_wait3A_120 = tpu.memref_slice %arg12[%add3A_87, %dma_wait3A_119] : memref<10240x16xf32, #tpu.memory_space<vmem_shared>> -> memref<128x16xf32, #tpu.memory_space<vmem_shared>>
      tpu.wait_dma2 semaphore(%run_scoped3A : memref<!tpu.dma_semaphore, #tpu.memory_space<semaphore_mem>>) src(%arg11 : memref<128x16xf32, #tpu.memory_space<vmem>>) dst(%dma_wait3A_120 : memref<128x16xf32, #tpu.memory_space<vmem_shared>>)
      tpu.yield
    }) : () -> ()
    %scan3A_88 = arith.constant 0 : i32
    %scan3A_89 = arith.constant 0 : i32
    %scan3A_90 = arith.constant 128 : i32
    %scan3A_91 = arith.addi %scan3A_89, %scan3A_90 : i32
    %scan3A_92 = arith.constant 1 : i32
    scf.for %scan3A_113 = %scan3A_89 to %scan3A_91 step %scan3A_92  : i32 {
      %broadcast_in_dim3A = arith.constant 1.000000e+00 : f32
      %broadcast_in_dim3A_114 = vector.broadcast %broadcast_in_dim3A : f32 to vector<16xf32>
      %swap3A = arith.index_cast %scan3A_113 : i32 to index
      %swap3A_115 = arith.constant 0 : index
      %swap3A_116 = tpu.vector_load %arg10[%swap3A, %swap3A_115] {strides = array<i32>} : memref<128x16xf32, #tpu.memory_space<vmem>>, vector<16xf32>,
      tpu.vector_store %arg10[%swap3A, %swap3A_115], %broadcast_in_dim3A_114 {strides = array<i32>} : memref<128x16xf32, #tpu.memory_space<vmem>>, vector<16xf32>,
    }
    %scan3A_93 = arith.constant 128 : i32
    "tpu.region"() ({
      %run_scoped3A = tpu.sem_alloc : memref<!tpu.dma_semaphore, #tpu.memory_space<semaphore_mem>>
      %dma_start3A_113 = arith.constant 0 : i32
      %dma_start3A_114 = arith.constant 0 : i32
      %dma_start3A_115 = tpu.memref_slice %arg4[%arg1, %dma_start3A_113, %dma_start3A_114] : memref<16x160x128xi32, #tpu.memory_space<hbm>> -> memref<1x160x128xi32, #tpu.memory_space<hbm>>
      %dma_start3A_116 = tpu.memref_squeeze %dma_start3A_115 : memref<1x160x128xi32, #tpu.memory_space<hbm>> -> memref<160x128xi32, #tpu.memory_space<hbm>>
      %dma_start3A_117 = arith.constant 0 : i32
      %dma_start3A_118 = arith.constant 0 : i32
      %dma_start3A_119 = tpu.memref_slice %arg4[%arg1, %dma_start3A_117, %dma_start3A_118] : memref<16x160x128xi32, #tpu.memory_space<hbm>> -> memref<1x160x128xi32, #tpu.memory_space<hbm>>
      %dma_start3A_120 = tpu.memref_squeeze %dma_start3A_119 : memref<1x160x128xi32, #tpu.memory_space<hbm>> -> memref<160x128xi32, #tpu.memory_space<hbm>>
      tpu.enqueue_dma source(%dma_start3A_120 : memref<160x128xi32, #tpu.memory_space<hbm>>) target(%arg9 : memref<160x128xi32, #tpu.memory_space<vmem>>) target_semaphore(%run_scoped3A : memref<!tpu.dma_semaphore, #tpu.memory_space<semaphore_mem>>)
      %dma_wait3A_121 = arith.constant 0 : i32
      %dma_wait3A_122 = arith.constant 0 : i32
      %dma_wait3A_123 = tpu.memref_slice %arg4[%arg1, %dma_wait3A_121, %dma_wait3A_122] : memref<16x160x128xi32, #tpu.memory_space<hbm>> -> memref<1x160x128xi32, #tpu.memory_space<hbm>>
      %dma_wait3A_124 = tpu.memref_squeeze %dma_wait3A_123 : memref<1x160x128xi32, #tpu.memory_space<hbm>> -> memref<160x128xi32, #tpu.memory_space<hbm>>
      %dma_wait3A_125 = arith.constant 0 : i32
      %dma_wait3A_126 = arith.constant 0 : i32
      %dma_wait3A_127 = tpu.memref_slice %arg4[%arg1, %dma_wait3A_125, %dma_wait3A_126] : memref<16x160x128xi32, #tpu.memory_space<hbm>> -> memref<1x160x128xi32, #tpu.memory_space<hbm>>
      %dma_wait3A_128 = tpu.memref_squeeze %dma_wait3A_127 : memref<1x160x128xi32, #tpu.memory_space<hbm>> -> memref<160x128xi32, #tpu.memory_space<hbm>>
      tpu.wait_dma2 semaphore(%run_scoped3A : memref<!tpu.dma_semaphore, #tpu.memory_space<semaphore_mem>>) src(%dma_wait3A_128 : memref<160x128xi32, #tpu.memory_space<hbm>>) dst(%arg9 : memref<160x128xi32, #tpu.memory_space<vmem>>)
      tpu.yield
    }) : () -> ()
    %barrier3A = arith.constant 0 : index
    tpu.barrier barrier_id(%barrier3A)
    %mul3A_94 = arith.constant 80 : i32
    %mul3A_95 = arith.muli %arg0, %mul3A_94 : i32
    %add3A_96 = arith.constant 1 : i32
    %add3A_97 = arith.addi %arg0, %add3A_96 : i32
    %mul3A_98 = arith.constant 80 : i32
    %mul3A_99 = arith.muli %add3A_97, %mul3A_98 : i32
    %while3A = arith.constant 0 : i32
    %while3A_100 = arith.subi %mul3A_99, %mul3A_95 : i32
    %while3A_101 = arith.addi %mul3A_95, %while3A_100 : i32
    %while3A_102 = arith.constant 1 : i32
    %while3A_103 = arith.divsi %while3A_100, %while3A_102 : i32
    %while3A_104 = arith.muli %while3A_103, %while3A_102 : i32
    %while3A_105 = arith.addi %mul3A_95, %while3A_104 : i32
    %while3A_106 = arith.constant 1 : i32
    scf.for %while3A_113 = %mul3A_95 to %while3A_105 step %while3A_106  : i32 {
      "tpu.region"() ({
        %run_scoped3A = tpu.sem_alloc : memref<!tpu.dma_semaphore, #tpu.memory_space<semaphore_mem>>
        %dma_start3A_114 = arith.constant 0 : i32
        %dma_start3A_115 = tpu.memref_slice %arg9[%while3A_113, %dma_start3A_114] : memref<160x128xi32, #tpu.memory_space<vmem>> -> memref<1x128xi32, #tpu.memory_space<vmem>>
        %dma_start3A_116 = tpu.memref_squeeze %dma_start3A_115 : memref<1x128xi32, #tpu.memory_space<vmem>> -> memref<128xi32, #tpu.memory_space<vmem>>
        %dma_start3A_117 = arith.constant 0 : i32
        %dma_start3A_118 = arith.constant 0 : i32
        %dma_start3A_119 = tpu.memref_slice %arg12[%dma_start3A_117, %dma_start3A_118] : memref<10240x16xf32, #tpu.memory_space<vmem_shared>> -> memref<10240x16xf32, #tpu.memory_space<vmem_shared>>
        tpu.enqueue_indirect_dma source(%arg10 : memref<128x16xf32, #tpu.memory_space<vmem>>) target(%dma_start3A_119 : memref<10240x16xf32, #tpu.memory_space<vmem_shared>>) offsets(%dma_start3A_116 : memref<128xi32, #tpu.memory_space<vmem>>) semaphore(%run_scoped3A : memref<!tpu.dma_semaphore, #tpu.memory_space<semaphore_mem>>) {add = true}
        %dma_wait3A_120 = arith.constant 0 : i32
        %dma_wait3A_121 = tpu.memref_slice %arg9[%while3A_113, %dma_wait3A_120] : memref<160x128xi32, #tpu.memory_space<vmem>> -> memref<1x128xi32, #tpu.memory_space<vmem>>
        %dma_wait3A_122 = tpu.memref_squeeze %dma_wait3A_121 : memref<1x128xi32, #tpu.memory_space<vmem>> -> memref<128xi32, #tpu.memory_space<vmem>>
        %dma_wait3A_123 = arith.constant 0 : i32
        %dma_wait3A_124 = arith.constant 0 : i32
        %dma_wait3A_125 = tpu.memref_slice %arg12[%dma_wait3A_123, %dma_wait3A_124] : memref<10240x16xf32, #tpu.memory_space<vmem_shared>> -> memref<10240x16xf32, #tpu.memory_space<vmem_shared>>
        tpu.wait_indirect_dma semaphore(%run_scoped3A : memref<!tpu.dma_semaphore, #tpu.memory_space<semaphore_mem>>) src(%arg10 : memref<128x16xf32, #tpu.memory_space<vmem>>) dst(%dma_wait3A_125 : memref<10240x16xf32, #tpu.memory_space<vmem_shared>>)
        tpu.yield
      }) : () -> ()
    }
    %while3A_107 = arith.constant 1 : i32
    scf.for %while3A_113 = %while3A_105 to %while3A_101 step %while3A_107  : i32 {
      "tpu.region"() ({
        %run_scoped3A = tpu.sem_alloc : memref<!tpu.dma_semaphore, #tpu.memory_space<semaphore_mem>>
        %dma_start3A_114 = arith.constant 0 : i32
        %dma_start3A_115 = tpu.memref_slice %arg9[%while3A_113, %dma_start3A_114] : memref<160x128xi32, #tpu.memory_space<vmem>> -> memref<1x128xi32, #tpu.memory_space<vmem>>
        %dma_start3A_116 = tpu.memref_squeeze %dma_start3A_115 : memref<1x128xi32, #tpu.memory_space<vmem>> -> memref<128xi32, #tpu.memory_space<vmem>>
        %dma_start3A_117 = arith.constant 0 : i32
        %dma_start3A_118 = arith.constant 0 : i32
        %dma_start3A_119 = tpu.memref_slice %arg12[%dma_start3A_117, %dma_start3A_118] : memref<10240x16xf32, #tpu.memory_space<vmem_shared>> -> memref<10240x16xf32, #tpu.memory_space<vmem_shared>>
        tpu.enqueue_indirect_dma source(%arg10 : memref<128x16xf32, #tpu.memory_space<vmem>>) target(%dma_start3A_119 : memref<10240x16xf32, #tpu.memory_space<vmem_shared>>) offsets(%dma_start3A_116 : memref<128xi32, #tpu.memory_space<vmem>>) semaphore(%run_scoped3A : memref<!tpu.dma_semaphore, #tpu.memory_space<semaphore_mem>>) {add = true}
        %dma_wait3A_120 = arith.constant 0 : i32
        %dma_wait3A_121 = tpu.memref_slice %arg9[%while3A_113, %dma_wait3A_120] : memref<160x128xi32, #tpu.memory_space<vmem>> -> memref<1x128xi32, #tpu.memory_space<vmem>>
        %dma_wait3A_122 = tpu.memref_squeeze %dma_wait3A_121 : memref<1x128xi32, #tpu.memory_space<vmem>> -> memref<128xi32, #tpu.memory_space<vmem>>
        %dma_wait3A_123 = arith.constant 0 : i32
        %dma_wait3A_124 = arith.constant 0 : i32
        %dma_wait3A_125 = tpu.memref_slice %arg12[%dma_wait3A_123, %dma_wait3A_124] : memref<10240x16xf32, #tpu.memory_space<vmem_shared>> -> memref<10240x16xf32, #tpu.memory_space<vmem_shared>>
        tpu.wait_indirect_dma semaphore(%run_scoped3A : memref<!tpu.dma_semaphore, #tpu.memory_space<semaphore_mem>>) src(%arg10 : memref<128x16xf32, #tpu.memory_space<vmem>>) dst(%dma_wait3A_125 : memref<10240x16xf32, #tpu.memory_space<vmem_shared>>)
        tpu.yield
      }) : () -> ()
    }
    %barrier3A_108 = arith.constant 0 : index
    tpu.barrier barrier_id(%barrier3A_108)
    %mul3A_109 = arith.constant 640 : i32
    %mul3A_110 = arith.muli %arg1, %mul3A_109 : i32
    %mul3A_111 = arith.constant 640 : i32
    %mul3A_112 = arith.muli %arg1, %mul3A_111 : i32
    "tpu.region"() ({
      %run_scoped3A = tpu.sem_alloc : memref<!tpu.dma_semaphore, #tpu.memory_space<semaphore_mem>>
      %dma_start3A_113 = arith.constant 0 : i32
      %dma_start3A_114 = tpu.memref_slice %arg6[%arg0, %mul3A_112, %dma_start3A_113] : memref<2x10240x16xf32, #tpu.memory_space<hbm>> -> memref<1x640x16xf32, #tpu.memory_space<hbm>>
      %dma_start3A_115 = tpu.memref_squeeze %dma_start3A_114 : memref<1x640x16xf32, #tpu.memory_space<hbm>> -> memref<640x16xf32, #tpu.memory_space<hbm>>
      %dma_start3A_116 = arith.constant 0 : i32
      %dma_start3A_117 = tpu.memref_slice %arg12[%mul3A_110, %dma_start3A_116] : memref<10240x16xf32, #tpu.memory_space<vmem_shared>> -> memref<640x16xf32, #tpu.memory_space<vmem_shared>>
      tpu.enqueue_dma source(%dma_start3A_117 : memref<640x16xf32, #tpu.memory_space<vmem_shared>>) target(%dma_start3A_115 : memref<640x16xf32, #tpu.memory_space<hbm>>) target_semaphore(%run_scoped3A : memref<!tpu.dma_semaphore, #tpu.memory_space<semaphore_mem>>)
      %dma_wait3A_118 = arith.constant 0 : i32
      %dma_wait3A_119 = tpu.memref_slice %arg6[%arg0, %mul3A_112, %dma_wait3A_118] : memref<2x10240x16xf32, #tpu.memory_space<hbm>> -> memref<1x640x16xf32, #tpu.memory_space<hbm>>
      %dma_wait3A_120 = tpu.memref_squeeze %dma_wait3A_119 : memref<1x640x16xf32, #tpu.memory_space<hbm>> -> memref<640x16xf32, #tpu.memory_space<hbm>>
      %dma_wait3A_121 = arith.constant 0 : i32
      %dma_wait3A_122 = tpu.memref_slice %arg12[%mul3A_110, %dma_wait3A_121] : memref<10240x16xf32, #tpu.memory_space<vmem_shared>> -> memref<640x16xf32, #tpu.memory_space<vmem_shared>>
      tpu.wait_dma2 semaphore(%run_scoped3A : memref<!tpu.dma_semaphore, #tpu.memory_space<semaphore_mem>>) src(%dma_wait3A_122 : memref<640x16xf32, #tpu.memory_space<vmem_shared>>) dst(%dma_wait3A_120 : memref<640x16xf32, #tpu.memory_space<hbm>>)
      tpu.yield
    }) : () -> ()
    return
  }
}

#map = affine_map<(d0, d1) -> (0, 0)>
#map1 = affine_map<(d0, d1) -> (0, 0, 0, 0)>
#map2 = affine_map<(d0, d1) -> (0, 0, 0)>
module attributes {stable_mosaic.version = 14 : i64} {
  func.func @_sc_agg_body(%arg0: i32, %arg1: i32, %arg2: memref<20000x64xbf16, #tpu.memory_space<hbm>>, %arg3: memref<2x16x160x128xi32, #tpu.memory_space<hbm>>, %arg4: memref<16x160x128xi32, #tpu.memory_space<hbm>>, %arg5: memref<2x10240x64xf32, #tpu.memory_space<hbm>>, %arg6: memref<160x128xi32, #tpu.memory_space<vmem>>, %arg7: memref<160x128xi32, #tpu.memory_space<vmem>>, %arg8: memref<128x64xbf16, #tpu.memory_space<vmem>>, %arg9: memref<128x64xbf16, #tpu.memory_space<vmem>>, %arg10: memref<128x64xf32, #tpu.memory_space<vmem>>, %arg11: memref<128x64xf32, #tpu.memory_space<vmem>>, %arg12: memref<10240x64xf32, #tpu.memory_space<vmem_shared>>, %arg13: memref<!tpu.dma_semaphore, #tpu.memory_space<semaphore_mem>>, %arg14: memref<!tpu.dma_semaphore, #tpu.memory_space<semaphore_mem>>, %arg15: memref<!tpu.dma_semaphore, #tpu.memory_space<semaphore_mem>>, %arg16: memref<!tpu.dma_semaphore, #tpu.memory_space<semaphore_mem>>) attributes {dimension_semantics = [#tpu.dimension_semantics<core_parallel>, #tpu.dimension_semantics<subcore_parallel>], iteration_bounds = array<i64: 2, 16>, scalar_prefetch = 0 : i64, scratch_operands = 11 : i64, tpu.core_type = #tpu.core_type<sc_vector_subcore>, window_params = [{transform_indices = #map}, {transform_indices = #map1}, {transform_indices = #map2}, {transform_indices = #map2}]} {
    "tpu.region"() ({
      %run_scoped3A = tpu.sem_alloc : memref<!tpu.dma_semaphore, #tpu.memory_space<semaphore_mem>>
      %dma_start3A_160 = arith.constant 0 : i32
      %dma_start3A_161 = arith.constant 0 : i32
      %dma_start3A_162 = tpu.memref_slice %arg3[%arg0, %arg1, %dma_start3A_160, %dma_start3A_161] : memref<2x16x160x128xi32, #tpu.memory_space<hbm>> -> memref<1x1x160x128xi32, #tpu.memory_space<hbm>>
      %dma_start3A_163 = tpu.memref_squeeze %dma_start3A_162 : memref<1x1x160x128xi32, #tpu.memory_space<hbm>> -> memref<160x128xi32, #tpu.memory_space<hbm>>
      %dma_start3A_164 = arith.constant 0 : i32
      %dma_start3A_165 = arith.constant 0 : i32
      %dma_start3A_166 = tpu.memref_slice %arg3[%arg0, %arg1, %dma_start3A_164, %dma_start3A_165] : memref<2x16x160x128xi32, #tpu.memory_space<hbm>> -> memref<1x1x160x128xi32, #tpu.memory_space<hbm>>
      %dma_start3A_167 = tpu.memref_squeeze %dma_start3A_166 : memref<1x1x160x128xi32, #tpu.memory_space<hbm>> -> memref<160x128xi32, #tpu.memory_space<hbm>>
      tpu.enqueue_dma source(%dma_start3A_167 : memref<160x128xi32, #tpu.memory_space<hbm>>) target(%arg6 : memref<160x128xi32, #tpu.memory_space<vmem>>) target_semaphore(%run_scoped3A : memref<!tpu.dma_semaphore, #tpu.memory_space<semaphore_mem>>)
      %dma_wait3A_168 = arith.constant 0 : i32
      %dma_wait3A_169 = arith.constant 0 : i32
      %dma_wait3A_170 = tpu.memref_slice %arg3[%arg0, %arg1, %dma_wait3A_168, %dma_wait3A_169] : memref<2x16x160x128xi32, #tpu.memory_space<hbm>> -> memref<1x1x160x128xi32, #tpu.memory_space<hbm>>
      %dma_wait3A_171 = tpu.memref_squeeze %dma_wait3A_170 : memref<1x1x160x128xi32, #tpu.memory_space<hbm>> -> memref<160x128xi32, #tpu.memory_space<hbm>>
      %dma_wait3A_172 = arith.constant 0 : i32
      %dma_wait3A_173 = arith.constant 0 : i32
      %dma_wait3A_174 = tpu.memref_slice %arg3[%arg0, %arg1, %dma_wait3A_172, %dma_wait3A_173] : memref<2x16x160x128xi32, #tpu.memory_space<hbm>> -> memref<1x1x160x128xi32, #tpu.memory_space<hbm>>
      %dma_wait3A_175 = tpu.memref_squeeze %dma_wait3A_174 : memref<1x1x160x128xi32, #tpu.memory_space<hbm>> -> memref<160x128xi32, #tpu.memory_space<hbm>>
      tpu.wait_dma2 semaphore(%run_scoped3A : memref<!tpu.dma_semaphore, #tpu.memory_space<semaphore_mem>>) src(%dma_wait3A_175 : memref<160x128xi32, #tpu.memory_space<hbm>>) dst(%arg6 : memref<160x128xi32, #tpu.memory_space<vmem>>)
      tpu.yield
    }) : () -> ()
    "tpu.region"() ({
      %run_scoped3A = tpu.sem_alloc : memref<!tpu.dma_semaphore, #tpu.memory_space<semaphore_mem>>
      %dma_start3A_160 = arith.constant 0 : i32
      %dma_start3A_161 = arith.constant 0 : i32
      %dma_start3A_162 = tpu.memref_slice %arg4[%arg1, %dma_start3A_160, %dma_start3A_161] : memref<16x160x128xi32, #tpu.memory_space<hbm>> -> memref<1x160x128xi32, #tpu.memory_space<hbm>>
      %dma_start3A_163 = tpu.memref_squeeze %dma_start3A_162 : memref<1x160x128xi32, #tpu.memory_space<hbm>> -> memref<160x128xi32, #tpu.memory_space<hbm>>
      %dma_start3A_164 = arith.constant 0 : i32
      %dma_start3A_165 = arith.constant 0 : i32
      %dma_start3A_166 = tpu.memref_slice %arg4[%arg1, %dma_start3A_164, %dma_start3A_165] : memref<16x160x128xi32, #tpu.memory_space<hbm>> -> memref<1x160x128xi32, #tpu.memory_space<hbm>>
      %dma_start3A_167 = tpu.memref_squeeze %dma_start3A_166 : memref<1x160x128xi32, #tpu.memory_space<hbm>> -> memref<160x128xi32, #tpu.memory_space<hbm>>
      tpu.enqueue_dma source(%dma_start3A_167 : memref<160x128xi32, #tpu.memory_space<hbm>>) target(%arg7 : memref<160x128xi32, #tpu.memory_space<vmem>>) target_semaphore(%run_scoped3A : memref<!tpu.dma_semaphore, #tpu.memory_space<semaphore_mem>>)
      %dma_wait3A_168 = arith.constant 0 : i32
      %dma_wait3A_169 = arith.constant 0 : i32
      %dma_wait3A_170 = tpu.memref_slice %arg4[%arg1, %dma_wait3A_168, %dma_wait3A_169] : memref<16x160x128xi32, #tpu.memory_space<hbm>> -> memref<1x160x128xi32, #tpu.memory_space<hbm>>
      %dma_wait3A_171 = tpu.memref_squeeze %dma_wait3A_170 : memref<1x160x128xi32, #tpu.memory_space<hbm>> -> memref<160x128xi32, #tpu.memory_space<hbm>>
      %dma_wait3A_172 = arith.constant 0 : i32
      %dma_wait3A_173 = arith.constant 0 : i32
      %dma_wait3A_174 = tpu.memref_slice %arg4[%arg1, %dma_wait3A_172, %dma_wait3A_173] : memref<16x160x128xi32, #tpu.memory_space<hbm>> -> memref<1x160x128xi32, #tpu.memory_space<hbm>>
      %dma_wait3A_175 = tpu.memref_squeeze %dma_wait3A_174 : memref<1x160x128xi32, #tpu.memory_space<hbm>> -> memref<160x128xi32, #tpu.memory_space<hbm>>
      tpu.wait_dma2 semaphore(%run_scoped3A : memref<!tpu.dma_semaphore, #tpu.memory_space<semaphore_mem>>) src(%dma_wait3A_175 : memref<160x128xi32, #tpu.memory_space<hbm>>) dst(%arg7 : memref<160x128xi32, #tpu.memory_space<vmem>>)
      tpu.yield
    }) : () -> ()
    %scan3A = arith.constant 0 : i32
    %scan3A_0 = arith.constant 0 : i32
    %scan3A_1 = arith.constant 512 : i32
    %scan3A_2 = arith.addi %scan3A_0, %scan3A_1 : i32
    %scan3A_3 = arith.constant 1 : i32
    scf.for %scan3A_160 = %scan3A_0 to %scan3A_2 step %scan3A_3  : i32 {
      %broadcast_in_dim3A = arith.constant 0.000000e+00 : f32
      %broadcast_in_dim3A_161 = vector.broadcast %broadcast_in_dim3A : f32 to vector<16xf32>
      %jit3A = arith.constant 4 : i32
      %div3A = arith.divsi %scan3A_160, %jit3A : i32
      %sign3A = arith.constant 0 : i32
      %sign3A_162 = arith.cmpi sgt, %scan3A_160, %sign3A : i32
      %sign3A_163 = arith.extui %sign3A_162 : i1 to i32
      %sign3A_164 = arith.constant 0 : i32
      %sign3A_165 = arith.cmpi slt, %scan3A_160, %sign3A_164 : i32
      %sign3A_166 = arith.extui %sign3A_165 : i1 to i32
      %sign3A_167 = arith.subi %sign3A_163, %sign3A_166 : i32
      %sign3A_168 = arith.constant 0 : i32
      %sign3A_169 = arith.cmpi sgt, %jit3A, %sign3A_168 : i32
      %sign3A_170 = arith.extui %sign3A_169 : i1 to i32
      %sign3A_171 = arith.constant 0 : i32
      %sign3A_172 = arith.cmpi slt, %jit3A, %sign3A_171 : i32
      %sign3A_173 = arith.extui %sign3A_172 : i1 to i32
      %sign3A_174 = arith.subi %sign3A_170, %sign3A_173 : i32
      %ne3A = arith.cmpi ne, %sign3A_167, %sign3A_174 : i32
      %rem3A = arith.remsi %scan3A_160, %jit3A : i32
      %ne3A_175 = arith.constant 0 : i32
      %ne3A_176 = arith.cmpi ne, %rem3A, %ne3A_175 : i32
      %and3A = arith.andi %ne3A, %ne3A_176 : i1
      %sub3A = arith.constant 1 : i32
      %sub3A_177 = arith.subi %div3A, %sub3A : i32
      %select_n3A = arith.select %and3A, %sub3A_177, %div3A : i32
      %jit3A_178 = arith.constant 4 : i32
      %eq3A = arith.constant 0 : i32
      %eq3A_179 = arith.cmpi eq, %jit3A_178, %eq3A : i32
      %jit3A_180 = arith.constant 1 : i32
      %select_n3A_181 = arith.select %eq3A_179, %jit3A_180, %jit3A_178 : i32
      %rem3A_182 = arith.remsi %scan3A_160, %select_n3A_181 : i32
      %ne3A_183 = arith.constant 0 : i32
      %ne3A_184 = arith.cmpi ne, %rem3A_182, %ne3A_183 : i32
      %lt3A = arith.constant 0 : i32
      %lt3A_185 = arith.cmpi slt, %rem3A_182, %lt3A : i32
      %lt3A_186 = arith.constant 0 : i32
      %lt3A_187 = arith.cmpi slt, %select_n3A_181, %lt3A_186 : i32
      %ne3A_188 = arith.xori %lt3A_185, %lt3A_187 : i1
      %and3A_189 = arith.andi %ne3A_188, %ne3A_184 : i1
      %add3A_190 = arith.addi %rem3A_182, %select_n3A_181 : i32
      %select_n3A_191 = arith.select %and3A_189, %add3A_190, %rem3A_182 : i32
      %mul3A_192 = arith.constant 16 : i32
      %mul3A_193 = arith.muli %select_n3A_191, %mul3A_192 : i32
      %swap3A = arith.index_cast %select_n3A : i32 to index
      %swap3A_194 = arith.index_cast %mul3A_193 : i32 to index
      %swap3A_195 = tpu.vector_load %arg10[%swap3A, %swap3A_194] {strides = array<i32>} : memref<128x64xf32, #tpu.memory_space<vmem>>, vector<16xf32>,
      tpu.vector_store %arg10[%swap3A, %swap3A_194], %broadcast_in_dim3A_161 {strides = array<i32>} : memref<128x64xf32, #tpu.memory_space<vmem>>, vector<16xf32>,
    }
    %scan3A_4 = arith.constant 512 : i32
    %mul3A = arith.constant 640 : i32
    %mul3A_5 = arith.muli %arg1, %mul3A : i32
    %add3A = arith.constant 0 : i32
    %add3A_6 = arith.addi %mul3A_5, %add3A : i32
    "tpu.region"() ({
      %run_scoped3A = tpu.sem_alloc : memref<!tpu.dma_semaphore, #tpu.memory_space<semaphore_mem>>
      %dma_start3A_160 = arith.constant 0 : i32
      %dma_start3A_161 = tpu.memref_slice %arg12[%add3A_6, %dma_start3A_160] : memref<10240x64xf32, #tpu.memory_space<vmem_shared>> -> memref<128x64xf32, #tpu.memory_space<vmem_shared>>
      %dma_start3A_162 = arith.constant 0 : i32
      %dma_start3A_163 = tpu.memref_slice %arg12[%add3A_6, %dma_start3A_162] : memref<10240x64xf32, #tpu.memory_space<vmem_shared>> -> memref<128x64xf32, #tpu.memory_space<vmem_shared>>
      tpu.enqueue_dma source(%arg10 : memref<128x64xf32, #tpu.memory_space<vmem>>) target(%dma_start3A_163 : memref<128x64xf32, #tpu.memory_space<vmem_shared>>) target_semaphore(%run_scoped3A : memref<!tpu.dma_semaphore, #tpu.memory_space<semaphore_mem>>)
      %dma_wait3A_164 = arith.constant 0 : i32
      %dma_wait3A_165 = tpu.memref_slice %arg12[%add3A_6, %dma_wait3A_164] : memref<10240x64xf32, #tpu.memory_space<vmem_shared>> -> memref<128x64xf32, #tpu.memory_space<vmem_shared>>
      %dma_wait3A_166 = arith.constant 0 : i32
      %dma_wait3A_167 = tpu.memref_slice %arg12[%add3A_6, %dma_wait3A_166] : memref<10240x64xf32, #tpu.memory_space<vmem_shared>> -> memref<128x64xf32, #tpu.memory_space<vmem_shared>>
      tpu.wait_dma2 semaphore(%run_scoped3A : memref<!tpu.dma_semaphore, #tpu.memory_space<semaphore_mem>>) src(%arg10 : memref<128x64xf32, #tpu.memory_space<vmem>>) dst(%dma_wait3A_167 : memref<128x64xf32, #tpu.memory_space<vmem_shared>>)
      tpu.yield
    }) : () -> ()
    %add3A_7 = arith.constant 128 : i32
    %add3A_8 = arith.addi %mul3A_5, %add3A_7 : i32
    "tpu.region"() ({
      %run_scoped3A = tpu.sem_alloc : memref<!tpu.dma_semaphore, #tpu.memory_space<semaphore_mem>>
      %dma_start3A_160 = arith.constant 0 : i32
      %dma_start3A_161 = tpu.memref_slice %arg12[%add3A_8, %dma_start3A_160] : memref<10240x64xf32, #tpu.memory_space<vmem_shared>> -> memref<128x64xf32, #tpu.memory_space<vmem_shared>>
      %dma_start3A_162 = arith.constant 0 : i32
      %dma_start3A_163 = tpu.memref_slice %arg12[%add3A_8, %dma_start3A_162] : memref<10240x64xf32, #tpu.memory_space<vmem_shared>> -> memref<128x64xf32, #tpu.memory_space<vmem_shared>>
      tpu.enqueue_dma source(%arg10 : memref<128x64xf32, #tpu.memory_space<vmem>>) target(%dma_start3A_163 : memref<128x64xf32, #tpu.memory_space<vmem_shared>>) target_semaphore(%run_scoped3A : memref<!tpu.dma_semaphore, #tpu.memory_space<semaphore_mem>>)
      %dma_wait3A_164 = arith.constant 0 : i32
      %dma_wait3A_165 = tpu.memref_slice %arg12[%add3A_8, %dma_wait3A_164] : memref<10240x64xf32, #tpu.memory_space<vmem_shared>> -> memref<128x64xf32, #tpu.memory_space<vmem_shared>>
      %dma_wait3A_166 = arith.constant 0 : i32
      %dma_wait3A_167 = tpu.memref_slice %arg12[%add3A_8, %dma_wait3A_166] : memref<10240x64xf32, #tpu.memory_space<vmem_shared>> -> memref<128x64xf32, #tpu.memory_space<vmem_shared>>
      tpu.wait_dma2 semaphore(%run_scoped3A : memref<!tpu.dma_semaphore, #tpu.memory_space<semaphore_mem>>) src(%arg10 : memref<128x64xf32, #tpu.memory_space<vmem>>) dst(%dma_wait3A_167 : memref<128x64xf32, #tpu.memory_space<vmem_shared>>)
      tpu.yield
    }) : () -> ()
    %add3A_9 = arith.constant 256 : i32
    %add3A_10 = arith.addi %mul3A_5, %add3A_9 : i32
    "tpu.region"() ({
      %run_scoped3A = tpu.sem_alloc : memref<!tpu.dma_semaphore, #tpu.memory_space<semaphore_mem>>
      %dma_start3A_160 = arith.constant 0 : i32
      %dma_start3A_161 = tpu.memref_slice %arg12[%add3A_10, %dma_start3A_160] : memref<10240x64xf32, #tpu.memory_space<vmem_shared>> -> memref<128x64xf32, #tpu.memory_space<vmem_shared>>
      %dma_start3A_162 = arith.constant 0 : i32
      %dma_start3A_163 = tpu.memref_slice %arg12[%add3A_10, %dma_start3A_162] : memref<10240x64xf32, #tpu.memory_space<vmem_shared>> -> memref<128x64xf32, #tpu.memory_space<vmem_shared>>
      tpu.enqueue_dma source(%arg10 : memref<128x64xf32, #tpu.memory_space<vmem>>) target(%dma_start3A_163 : memref<128x64xf32, #tpu.memory_space<vmem_shared>>) target_semaphore(%run_scoped3A : memref<!tpu.dma_semaphore, #tpu.memory_space<semaphore_mem>>)
      %dma_wait3A_164 = arith.constant 0 : i32
      %dma_wait3A_165 = tpu.memref_slice %arg12[%add3A_10, %dma_wait3A_164] : memref<10240x64xf32, #tpu.memory_space<vmem_shared>> -> memref<128x64xf32, #tpu.memory_space<vmem_shared>>
      %dma_wait3A_166 = arith.constant 0 : i32
      %dma_wait3A_167 = tpu.memref_slice %arg12[%add3A_10, %dma_wait3A_166] : memref<10240x64xf32, #tpu.memory_space<vmem_shared>> -> memref<128x64xf32, #tpu.memory_space<vmem_shared>>
      tpu.wait_dma2 semaphore(%run_scoped3A : memref<!tpu.dma_semaphore, #tpu.memory_space<semaphore_mem>>) src(%arg10 : memref<128x64xf32, #tpu.memory_space<vmem>>) dst(%dma_wait3A_167 : memref<128x64xf32, #tpu.memory_space<vmem_shared>>)
      tpu.yield
    }) : () -> ()
    %add3A_11 = arith.constant 384 : i32
    %add3A_12 = arith.addi %mul3A_5, %add3A_11 : i32
    "tpu.region"() ({
      %run_scoped3A = tpu.sem_alloc : memref<!tpu.dma_semaphore, #tpu.memory_space<semaphore_mem>>
      %dma_start3A_160 = arith.constant 0 : i32
      %dma_start3A_161 = tpu.memref_slice %arg12[%add3A_12, %dma_start3A_160] : memref<10240x64xf32, #tpu.memory_space<vmem_shared>> -> memref<128x64xf32, #tpu.memory_space<vmem_shared>>
      %dma_start3A_162 = arith.constant 0 : i32
      %dma_start3A_163 = tpu.memref_slice %arg12[%add3A_12, %dma_start3A_162] : memref<10240x64xf32, #tpu.memory_space<vmem_shared>> -> memref<128x64xf32, #tpu.memory_space<vmem_shared>>
      tpu.enqueue_dma source(%arg10 : memref<128x64xf32, #tpu.memory_space<vmem>>) target(%dma_start3A_163 : memref<128x64xf32, #tpu.memory_space<vmem_shared>>) target_semaphore(%run_scoped3A : memref<!tpu.dma_semaphore, #tpu.memory_space<semaphore_mem>>)
      %dma_wait3A_164 = arith.constant 0 : i32
      %dma_wait3A_165 = tpu.memref_slice %arg12[%add3A_12, %dma_wait3A_164] : memref<10240x64xf32, #tpu.memory_space<vmem_shared>> -> memref<128x64xf32, #tpu.memory_space<vmem_shared>>
      %dma_wait3A_166 = arith.constant 0 : i32
      %dma_wait3A_167 = tpu.memref_slice %arg12[%add3A_12, %dma_wait3A_166] : memref<10240x64xf32, #tpu.memory_space<vmem_shared>> -> memref<128x64xf32, #tpu.memory_space<vmem_shared>>
      tpu.wait_dma2 semaphore(%run_scoped3A : memref<!tpu.dma_semaphore, #tpu.memory_space<semaphore_mem>>) src(%arg10 : memref<128x64xf32, #tpu.memory_space<vmem>>) dst(%dma_wait3A_167 : memref<128x64xf32, #tpu.memory_space<vmem_shared>>)
      tpu.yield
    }) : () -> ()
    %add3A_13 = arith.constant 512 : i32
    %add3A_14 = arith.addi %mul3A_5, %add3A_13 : i32
    "tpu.region"() ({
      %run_scoped3A = tpu.sem_alloc : memref<!tpu.dma_semaphore, #tpu.memory_space<semaphore_mem>>
      %dma_start3A_160 = arith.constant 0 : i32
      %dma_start3A_161 = tpu.memref_slice %arg12[%add3A_14, %dma_start3A_160] : memref<10240x64xf32, #tpu.memory_space<vmem_shared>> -> memref<128x64xf32, #tpu.memory_space<vmem_shared>>
      %dma_start3A_162 = arith.constant 0 : i32
      %dma_start3A_163 = tpu.memref_slice %arg12[%add3A_14, %dma_start3A_162] : memref<10240x64xf32, #tpu.memory_space<vmem_shared>> -> memref<128x64xf32, #tpu.memory_space<vmem_shared>>
      tpu.enqueue_dma source(%arg10 : memref<128x64xf32, #tpu.memory_space<vmem>>) target(%dma_start3A_163 : memref<128x64xf32, #tpu.memory_space<vmem_shared>>) target_semaphore(%run_scoped3A : memref<!tpu.dma_semaphore, #tpu.memory_space<semaphore_mem>>)
      %dma_wait3A_164 = arith.constant 0 : i32
      %dma_wait3A_165 = tpu.memref_slice %arg12[%add3A_14, %dma_wait3A_164] : memref<10240x64xf32, #tpu.memory_space<vmem_shared>> -> memref<128x64xf32, #tpu.memory_space<vmem_shared>>
      %dma_wait3A_166 = arith.constant 0 : i32
      %dma_wait3A_167 = tpu.memref_slice %arg12[%add3A_14, %dma_wait3A_166] : memref<10240x64xf32, #tpu.memory_space<vmem_shared>> -> memref<128x64xf32, #tpu.memory_space<vmem_shared>>
      tpu.wait_dma2 semaphore(%run_scoped3A : memref<!tpu.dma_semaphore, #tpu.memory_space<semaphore_mem>>) src(%arg10 : memref<128x64xf32, #tpu.memory_space<vmem>>) dst(%dma_wait3A_167 : memref<128x64xf32, #tpu.memory_space<vmem_shared>>)
      tpu.yield
    }) : () -> ()
    %barrier3A = arith.constant 0 : index
    tpu.barrier barrier_id(%barrier3A)
    %dma_start3A = arith.constant 0 : i32
    %dma_start3A_15 = arith.constant 0 : i32
    %dma_start3A_16 = tpu.memref_slice %arg6[%dma_start3A, %dma_start3A_15] : memref<160x128xi32, #tpu.memory_space<vmem>> -> memref<1x128xi32, #tpu.memory_space<vmem>>
    %dma_start3A_17 = tpu.memref_squeeze %dma_start3A_16 : memref<1x128xi32, #tpu.memory_space<vmem>> -> memref<128xi32, #tpu.memory_space<vmem>>
    %dma_start3A_18 = arith.constant 0 : i32
    %dma_start3A_19 = arith.constant 0 : i32
    %dma_start3A_20 = tpu.memref_slice %arg2[%dma_start3A_18, %dma_start3A_19] : memref<20000x64xbf16, #tpu.memory_space<hbm>> -> memref<20000x64xbf16, #tpu.memory_space<hbm>>
    tpu.enqueue_indirect_dma source(%dma_start3A_20 : memref<20000x64xbf16, #tpu.memory_space<hbm>>) target(%arg8 : memref<128x64xbf16, #tpu.memory_space<vmem>>) offsets(%dma_start3A_17 : memref<128xi32, #tpu.memory_space<vmem>>) semaphore(%arg13 : memref<!tpu.dma_semaphore, #tpu.memory_space<semaphore_mem>>)
    %dma_start3A_21 = arith.constant 1 : i32
    %dma_start3A_22 = arith.constant 0 : i32
    %dma_start3A_23 = tpu.memref_slice %arg6[%dma_start3A_21, %dma_start3A_22] : memref<160x128xi32, #tpu.memory_space<vmem>> -> memref<1x128xi32, #tpu.memory_space<vmem>>
    %dma_start3A_24 = tpu.memref_squeeze %dma_start3A_23 : memref<1x128xi32, #tpu.memory_space<vmem>> -> memref<128xi32, #tpu.memory_space<vmem>>
    %dma_start3A_25 = arith.constant 0 : i32
    %dma_start3A_26 = arith.constant 0 : i32
    %dma_start3A_27 = tpu.memref_slice %arg2[%dma_start3A_25, %dma_start3A_26] : memref<20000x64xbf16, #tpu.memory_space<hbm>> -> memref<20000x64xbf16, #tpu.memory_space<hbm>>
    tpu.enqueue_indirect_dma source(%dma_start3A_27 : memref<20000x64xbf16, #tpu.memory_space<hbm>>) target(%arg9 : memref<128x64xbf16, #tpu.memory_space<vmem>>) offsets(%dma_start3A_24 : memref<128xi32, #tpu.memory_space<vmem>>) semaphore(%arg14 : memref<!tpu.dma_semaphore, #tpu.memory_space<semaphore_mem>>)
    %dma_wait3A = arith.constant 0 : i32
    %dma_wait3A_28 = arith.constant 0 : i32
    %dma_wait3A_29 = tpu.memref_slice %arg6[%dma_wait3A, %dma_wait3A_28] : memref<160x128xi32, #tpu.memory_space<vmem>> -> memref<1x128xi32, #tpu.memory_space<vmem>>
    %dma_wait3A_30 = tpu.memref_squeeze %dma_wait3A_29 : memref<1x128xi32, #tpu.memory_space<vmem>> -> memref<128xi32, #tpu.memory_space<vmem>>
    %dma_wait3A_31 = arith.constant 0 : i32
    %dma_wait3A_32 = arith.constant 0 : i32
    %dma_wait3A_33 = tpu.memref_slice %arg2[%dma_wait3A_31, %dma_wait3A_32] : memref<20000x64xbf16, #tpu.memory_space<hbm>> -> memref<20000x64xbf16, #tpu.memory_space<hbm>>
    tpu.wait_indirect_dma semaphore(%arg13 : memref<!tpu.dma_semaphore, #tpu.memory_space<semaphore_mem>>) src(%dma_wait3A_33 : memref<20000x64xbf16, #tpu.memory_space<hbm>>) dst(%arg8 : memref<128x64xbf16, #tpu.memory_space<vmem>>)
    %scan3A_34 = arith.constant 0 : i32
    %scan3A_35 = arith.constant 0 : i32
    %scan3A_36 = arith.constant 128 : i32
    %scan3A_37 = arith.addi %scan3A_35, %scan3A_36 : i32
    %scan3A_38 = arith.constant 1 : i32
    scf.for %scan3A_160 = %scan3A_35 to %scan3A_37 step %scan3A_38  : i32 {
      %get3A = arith.index_cast %scan3A_160 : i32 to index
      %get3A_161 = arith.constant 0 : index
      %get3A_162 = tpu.vector_load %arg8[%get3A, %get3A_161] {strides = array<i32>} : memref<128x64xbf16, #tpu.memory_space<vmem>>, vector<32xbf16>,
      %unpack3A = tpu.unpack_subelements %get3A_162, 0 {pack_format = #tpu.pack_format<interleaved>} : vector<32xbf16> -> vector<16xf32>
      %unpack3A_163 = tpu.unpack_subelements %get3A_162, 1 {pack_format = #tpu.pack_format<interleaved>} : vector<32xbf16> -> vector<16xf32>
      %swap3A = arith.index_cast %scan3A_160 : i32 to index
      %swap3A_164 = arith.constant 0 : index
      %swap3A_165 = tpu.vector_load %arg10[%swap3A, %swap3A_164] {strides = array<i32>} : memref<128x64xf32, #tpu.memory_space<vmem>>, vector<16xf32>,
      tpu.vector_store %arg10[%swap3A, %swap3A_164], %unpack3A {strides = array<i32>} : memref<128x64xf32, #tpu.memory_space<vmem>>, vector<16xf32>,
      %swap3A_166 = arith.index_cast %scan3A_160 : i32 to index
      %swap3A_167 = arith.constant 16 : index
      %swap3A_168 = tpu.vector_load %arg10[%swap3A_166, %swap3A_167] {strides = array<i32>} : memref<128x64xf32, #tpu.memory_space<vmem>>, vector<16xf32>,
      tpu.vector_store %arg10[%swap3A_166, %swap3A_167], %unpack3A_163 {strides = array<i32>} : memref<128x64xf32, #tpu.memory_space<vmem>>, vector<16xf32>,
      %get3A_169 = arith.index_cast %scan3A_160 : i32 to index
      %get3A_170 = arith.constant 32 : index
      %get3A_171 = tpu.vector_load %arg8[%get3A_169, %get3A_170] {strides = array<i32>} : memref<128x64xbf16, #tpu.memory_space<vmem>>, vector<32xbf16>,
      %unpack3A_172 = tpu.unpack_subelements %get3A_171, 0 {pack_format = #tpu.pack_format<interleaved>} : vector<32xbf16> -> vector<16xf32>
      %unpack3A_173 = tpu.unpack_subelements %get3A_171, 1 {pack_format = #tpu.pack_format<interleaved>} : vector<32xbf16> -> vector<16xf32>
      %swap3A_174 = arith.index_cast %scan3A_160 : i32 to index
      %swap3A_175 = arith.constant 32 : index
      %swap3A_176 = tpu.vector_load %arg10[%swap3A_174, %swap3A_175] {strides = array<i32>} : memref<128x64xf32, #tpu.memory_space<vmem>>, vector<16xf32>,
      tpu.vector_store %arg10[%swap3A_174, %swap3A_175], %unpack3A_172 {strides = array<i32>} : memref<128x64xf32, #tpu.memory_space<vmem>>, vector<16xf32>,
      %swap3A_177 = arith.index_cast %scan3A_160 : i32 to index
      %swap3A_178 = arith.constant 48 : index
      %swap3A_179 = tpu.vector_load %arg10[%swap3A_177, %swap3A_178] {strides = array<i32>} : memref<128x64xf32, #tpu.memory_space<vmem>>, vector<16xf32>,
      tpu.vector_store %arg10[%swap3A_177, %swap3A_178], %unpack3A_173 {strides = array<i32>} : memref<128x64xf32, #tpu.memory_space<vmem>>, vector<16xf32>,
    }
    %scan3A_39 = arith.constant 128 : i32
    %dma_start3A_40 = arith.constant 2 : i32
    %dma_start3A_41 = arith.constant 0 : i32
    %dma_start3A_42 = tpu.memref_slice %arg6[%dma_start3A_40, %dma_start3A_41] : memref<160x128xi32, #tpu.memory_space<vmem>> -> memref<1x128xi32, #tpu.memory_space<vmem>>
    %dma_start3A_43 = tpu.memref_squeeze %dma_start3A_42 : memref<1x128xi32, #tpu.memory_space<vmem>> -> memref<128xi32, #tpu.memory_space<vmem>>
    %dma_start3A_44 = arith.constant 0 : i32
    %dma_start3A_45 = arith.constant 0 : i32
    %dma_start3A_46 = tpu.memref_slice %arg2[%dma_start3A_44, %dma_start3A_45] : memref<20000x64xbf16, #tpu.memory_space<hbm>> -> memref<20000x64xbf16, #tpu.memory_space<hbm>>
    tpu.enqueue_indirect_dma source(%dma_start3A_46 : memref<20000x64xbf16, #tpu.memory_space<hbm>>) target(%arg8 : memref<128x64xbf16, #tpu.memory_space<vmem>>) offsets(%dma_start3A_43 : memref<128xi32, #tpu.memory_space<vmem>>) semaphore(%arg13 : memref<!tpu.dma_semaphore, #tpu.memory_space<semaphore_mem>>)
    %dma_start3A_47 = arith.constant 0 : i32
    %dma_start3A_48 = arith.constant 0 : i32
    %dma_start3A_49 = tpu.memref_slice %arg7[%dma_start3A_47, %dma_start3A_48] : memref<160x128xi32, #tpu.memory_space<vmem>> -> memref<1x128xi32, #tpu.memory_space<vmem>>
    %dma_start3A_50 = tpu.memref_squeeze %dma_start3A_49 : memref<1x128xi32, #tpu.memory_space<vmem>> -> memref<128xi32, #tpu.memory_space<vmem>>
    %dma_start3A_51 = arith.constant 0 : i32
    %dma_start3A_52 = arith.constant 0 : i32
    %dma_start3A_53 = tpu.memref_slice %arg12[%dma_start3A_51, %dma_start3A_52] : memref<10240x64xf32, #tpu.memory_space<vmem_shared>> -> memref<10240x64xf32, #tpu.memory_space<vmem_shared>>
    tpu.enqueue_indirect_dma source(%arg10 : memref<128x64xf32, #tpu.memory_space<vmem>>) target(%dma_start3A_53 : memref<10240x64xf32, #tpu.memory_space<vmem_shared>>) offsets(%dma_start3A_50 : memref<128xi32, #tpu.memory_space<vmem>>) semaphore(%arg15 : memref<!tpu.dma_semaphore, #tpu.memory_space<semaphore_mem>>) {add = true}
    %dma_wait3A_54 = arith.constant 1 : i32
    %dma_wait3A_55 = arith.constant 0 : i32
    %dma_wait3A_56 = tpu.memref_slice %arg6[%dma_wait3A_54, %dma_wait3A_55] : memref<160x128xi32, #tpu.memory_space<vmem>> -> memref<1x128xi32, #tpu.memory_space<vmem>>
    %dma_wait3A_57 = tpu.memref_squeeze %dma_wait3A_56 : memref<1x128xi32, #tpu.memory_space<vmem>> -> memref<128xi32, #tpu.memory_space<vmem>>
    %dma_wait3A_58 = arith.constant 0 : i32
    %dma_wait3A_59 = arith.constant 0 : i32
    %dma_wait3A_60 = tpu.memref_slice %arg2[%dma_wait3A_58, %dma_wait3A_59] : memref<20000x64xbf16, #tpu.memory_space<hbm>> -> memref<20000x64xbf16, #tpu.memory_space<hbm>>
    tpu.wait_indirect_dma semaphore(%arg14 : memref<!tpu.dma_semaphore, #tpu.memory_space<semaphore_mem>>) src(%dma_wait3A_60 : memref<20000x64xbf16, #tpu.memory_space<hbm>>) dst(%arg9 : memref<128x64xbf16, #tpu.memory_space<vmem>>)
    %scan3A_61 = arith.constant 0 : i32
    %scan3A_62 = arith.constant 0 : i32
    %scan3A_63 = arith.constant 128 : i32
    %scan3A_64 = arith.addi %scan3A_62, %scan3A_63 : i32
    %scan3A_65 = arith.constant 1 : i32
    scf.for %scan3A_160 = %scan3A_62 to %scan3A_64 step %scan3A_65  : i32 {
      %get3A = arith.index_cast %scan3A_160 : i32 to index
      %get3A_161 = arith.constant 0 : index
      %get3A_162 = tpu.vector_load %arg9[%get3A, %get3A_161] {strides = array<i32>} : memref<128x64xbf16, #tpu.memory_space<vmem>>, vector<32xbf16>,
      %unpack3A = tpu.unpack_subelements %get3A_162, 0 {pack_format = #tpu.pack_format<interleaved>} : vector<32xbf16> -> vector<16xf32>
      %unpack3A_163 = tpu.unpack_subelements %get3A_162, 1 {pack_format = #tpu.pack_format<interleaved>} : vector<32xbf16> -> vector<16xf32>
      %swap3A = arith.index_cast %scan3A_160 : i32 to index
      %swap3A_164 = arith.constant 0 : index
      %swap3A_165 = tpu.vector_load %arg11[%swap3A, %swap3A_164] {strides = array<i32>} : memref<128x64xf32, #tpu.memory_space<vmem>>, vector<16xf32>,
      tpu.vector_store %arg11[%swap3A, %swap3A_164], %unpack3A {strides = array<i32>} : memref<128x64xf32, #tpu.memory_space<vmem>>, vector<16xf32>,
      %swap3A_166 = arith.index_cast %scan3A_160 : i32 to index
      %swap3A_167 = arith.constant 16 : index
      %swap3A_168 = tpu.vector_load %arg11[%swap3A_166, %swap3A_167] {strides = array<i32>} : memref<128x64xf32, #tpu.memory_space<vmem>>, vector<16xf32>,
      tpu.vector_store %arg11[%swap3A_166, %swap3A_167], %unpack3A_163 {strides = array<i32>} : memref<128x64xf32, #tpu.memory_space<vmem>>, vector<16xf32>,
      %get3A_169 = arith.index_cast %scan3A_160 : i32 to index
      %get3A_170 = arith.constant 32 : index
      %get3A_171 = tpu.vector_load %arg9[%get3A_169, %get3A_170] {strides = array<i32>} : memref<128x64xbf16, #tpu.memory_space<vmem>>, vector<32xbf16>,
      %unpack3A_172 = tpu.unpack_subelements %get3A_171, 0 {pack_format = #tpu.pack_format<interleaved>} : vector<32xbf16> -> vector<16xf32>
      %unpack3A_173 = tpu.unpack_subelements %get3A_171, 1 {pack_format = #tpu.pack_format<interleaved>} : vector<32xbf16> -> vector<16xf32>
      %swap3A_174 = arith.index_cast %scan3A_160 : i32 to index
      %swap3A_175 = arith.constant 32 : index
      %swap3A_176 = tpu.vector_load %arg11[%swap3A_174, %swap3A_175] {strides = array<i32>} : memref<128x64xf32, #tpu.memory_space<vmem>>, vector<16xf32>,
      tpu.vector_store %arg11[%swap3A_174, %swap3A_175], %unpack3A_172 {strides = array<i32>} : memref<128x64xf32, #tpu.memory_space<vmem>>, vector<16xf32>,
      %swap3A_177 = arith.index_cast %scan3A_160 : i32 to index
      %swap3A_178 = arith.constant 48 : index
      %swap3A_179 = tpu.vector_load %arg11[%swap3A_177, %swap3A_178] {strides = array<i32>} : memref<128x64xf32, #tpu.memory_space<vmem>>, vector<16xf32>,
      tpu.vector_store %arg11[%swap3A_177, %swap3A_178], %unpack3A_173 {strides = array<i32>} : memref<128x64xf32, #tpu.memory_space<vmem>>, vector<16xf32>,
    }
    %scan3A_66 = arith.constant 128 : i32
    %dma_start3A_67 = arith.constant 3 : i32
    %dma_start3A_68 = arith.constant 0 : i32
    %dma_start3A_69 = tpu.memref_slice %arg6[%dma_start3A_67, %dma_start3A_68] : memref<160x128xi32, #tpu.memory_space<vmem>> -> memref<1x128xi32, #tpu.memory_space<vmem>>
    %dma_start3A_70 = tpu.memref_squeeze %dma_start3A_69 : memref<1x128xi32, #tpu.memory_space<vmem>> -> memref<128xi32, #tpu.memory_space<vmem>>
    %dma_start3A_71 = arith.constant 0 : i32
    %dma_start3A_72 = arith.constant 0 : i32
    %dma_start3A_73 = tpu.memref_slice %arg2[%dma_start3A_71, %dma_start3A_72] : memref<20000x64xbf16, #tpu.memory_space<hbm>> -> memref<20000x64xbf16, #tpu.memory_space<hbm>>
    tpu.enqueue_indirect_dma source(%dma_start3A_73 : memref<20000x64xbf16, #tpu.memory_space<hbm>>) target(%arg9 : memref<128x64xbf16, #tpu.memory_space<vmem>>) offsets(%dma_start3A_70 : memref<128xi32, #tpu.memory_space<vmem>>) semaphore(%arg14 : memref<!tpu.dma_semaphore, #tpu.memory_space<semaphore_mem>>)
    %dma_start3A_74 = arith.constant 1 : i32
    %dma_start3A_75 = arith.constant 0 : i32
    %dma_start3A_76 = tpu.memref_slice %arg7[%dma_start3A_74, %dma_start3A_75] : memref<160x128xi32, #tpu.memory_space<vmem>> -> memref<1x128xi32, #tpu.memory_space<vmem>>
    %dma_start3A_77 = tpu.memref_squeeze %dma_start3A_76 : memref<1x128xi32, #tpu.memory_space<vmem>> -> memref<128xi32, #tpu.memory_space<vmem>>
    %dma_start3A_78 = arith.constant 0 : i32
    %dma_start3A_79 = arith.constant 0 : i32
    %dma_start3A_80 = tpu.memref_slice %arg12[%dma_start3A_78, %dma_start3A_79] : memref<10240x64xf32, #tpu.memory_space<vmem_shared>> -> memref<10240x64xf32, #tpu.memory_space<vmem_shared>>
    tpu.enqueue_indirect_dma source(%arg11 : memref<128x64xf32, #tpu.memory_space<vmem>>) target(%dma_start3A_80 : memref<10240x64xf32, #tpu.memory_space<vmem_shared>>) offsets(%dma_start3A_77 : memref<128xi32, #tpu.memory_space<vmem>>) semaphore(%arg16 : memref<!tpu.dma_semaphore, #tpu.memory_space<semaphore_mem>>) {add = true}
    %scan3A_81 = arith.constant 0 : i32
    %scan3A_82 = arith.constant 1 : i32
    %scan3A_83 = arith.constant 78 : i32
    %scan3A_84 = arith.addi %scan3A_82, %scan3A_83 : i32
    %scan3A_85 = arith.constant 1 : i32
    scf.for %scan3A_160 = %scan3A_82 to %scan3A_84 step %scan3A_85  : i32 {
      %mul3A_161 = arith.constant 2 : i32
      %mul3A_162 = arith.muli %scan3A_160, %mul3A_161 : i32
      %dma_wait3A_163 = arith.constant 0 : i32
      %dma_wait3A_164 = arith.constant 0 : i32
      %dma_wait3A_165 = tpu.memref_slice %arg6[%dma_wait3A_163, %dma_wait3A_164] : memref<160x128xi32, #tpu.memory_space<vmem>> -> memref<1x128xi32, #tpu.memory_space<vmem>>
      %dma_wait3A_166 = tpu.memref_squeeze %dma_wait3A_165 : memref<1x128xi32, #tpu.memory_space<vmem>> -> memref<128xi32, #tpu.memory_space<vmem>>
      %dma_wait3A_167 = arith.constant 0 : i32
      %dma_wait3A_168 = arith.constant 0 : i32
      %dma_wait3A_169 = tpu.memref_slice %arg2[%dma_wait3A_167, %dma_wait3A_168] : memref<20000x64xbf16, #tpu.memory_space<hbm>> -> memref<20000x64xbf16, #tpu.memory_space<hbm>>
      tpu.wait_indirect_dma semaphore(%arg13 : memref<!tpu.dma_semaphore, #tpu.memory_space<semaphore_mem>>) src(%dma_wait3A_169 : memref<20000x64xbf16, #tpu.memory_space<hbm>>) dst(%arg8 : memref<128x64xbf16, #tpu.memory_space<vmem>>)
      %dma_wait3A_170 = arith.constant 0 : i32
      %dma_wait3A_171 = arith.constant 0 : i32
      %dma_wait3A_172 = tpu.memref_slice %arg7[%dma_wait3A_170, %dma_wait3A_171] : memref<160x128xi32, #tpu.memory_space<vmem>> -> memref<1x128xi32, #tpu.memory_space<vmem>>
      %dma_wait3A_173 = tpu.memref_squeeze %dma_wait3A_172 : memref<1x128xi32, #tpu.memory_space<vmem>> -> memref<128xi32, #tpu.memory_space<vmem>>
      %dma_wait3A_174 = arith.constant 0 : i32
      %dma_wait3A_175 = arith.constant 0 : i32
      %dma_wait3A_176 = tpu.memref_slice %arg12[%dma_wait3A_174, %dma_wait3A_175] : memref<10240x64xf32, #tpu.memory_space<vmem_shared>> -> memref<10240x64xf32, #tpu.memory_space<vmem_shared>>
      tpu.wait_indirect_dma semaphore(%arg15 : memref<!tpu.dma_semaphore, #tpu.memory_space<semaphore_mem>>) src(%arg10 : memref<128x64xf32, #tpu.memory_space<vmem>>) dst(%dma_wait3A_176 : memref<10240x64xf32, #tpu.memory_space<vmem_shared>>)
      %scan3A_177 = arith.constant 0 : i32
      %scan3A_178 = arith.constant 0 : i32
      %scan3A_179 = arith.constant 128 : i32
      %scan3A_180 = arith.addi %scan3A_178, %scan3A_179 : i32
      %scan3A_181 = arith.constant 1 : i32
      scf.for %scan3A_233 = %scan3A_178 to %scan3A_180 step %scan3A_181  : i32 {
        %get3A = arith.index_cast %scan3A_233 : i32 to index
        %get3A_234 = arith.constant 0 : index
        %get3A_235 = tpu.vector_load %arg8[%get3A, %get3A_234] {strides = array<i32>} : memref<128x64xbf16, #tpu.memory_space<vmem>>, vector<32xbf16>,
        %unpack3A = tpu.unpack_subelements %get3A_235, 0 {pack_format = #tpu.pack_format<interleaved>} : vector<32xbf16> -> vector<16xf32>
        %unpack3A_236 = tpu.unpack_subelements %get3A_235, 1 {pack_format = #tpu.pack_format<interleaved>} : vector<32xbf16> -> vector<16xf32>
        %swap3A = arith.index_cast %scan3A_233 : i32 to index
        %swap3A_237 = arith.constant 0 : index
        %swap3A_238 = tpu.vector_load %arg10[%swap3A, %swap3A_237] {strides = array<i32>} : memref<128x64xf32, #tpu.memory_space<vmem>>, vector<16xf32>,
        tpu.vector_store %arg10[%swap3A, %swap3A_237], %unpack3A {strides = array<i32>} : memref<128x64xf32, #tpu.memory_space<vmem>>, vector<16xf32>,
        %swap3A_239 = arith.index_cast %scan3A_233 : i32 to index
        %swap3A_240 = arith.constant 16 : index
        %swap3A_241 = tpu.vector_load %arg10[%swap3A_239, %swap3A_240] {strides = array<i32>} : memref<128x64xf32, #tpu.memory_space<vmem>>, vector<16xf32>,
        tpu.vector_store %arg10[%swap3A_239, %swap3A_240], %unpack3A_236 {strides = array<i32>} : memref<128x64xf32, #tpu.memory_space<vmem>>, vector<16xf32>,
        %get3A_242 = arith.index_cast %scan3A_233 : i32 to index
        %get3A_243 = arith.constant 32 : index
        %get3A_244 = tpu.vector_load %arg8[%get3A_242, %get3A_243] {strides = array<i32>} : memref<128x64xbf16, #tpu.memory_space<vmem>>, vector<32xbf16>,
        %unpack3A_245 = tpu.unpack_subelements %get3A_244, 0 {pack_format = #tpu.pack_format<interleaved>} : vector<32xbf16> -> vector<16xf32>
        %unpack3A_246 = tpu.unpack_subelements %get3A_244, 1 {pack_format = #tpu.pack_format<interleaved>} : vector<32xbf16> -> vector<16xf32>
        %swap3A_247 = arith.index_cast %scan3A_233 : i32 to index
        %swap3A_248 = arith.constant 32 : index
        %swap3A_249 = tpu.vector_load %arg10[%swap3A_247, %swap3A_248] {strides = array<i32>} : memref<128x64xf32, #tpu.memory_space<vmem>>, vector<16xf32>,
        tpu.vector_store %arg10[%swap3A_247, %swap3A_248], %unpack3A_245 {strides = array<i32>} : memref<128x64xf32, #tpu.memory_space<vmem>>, vector<16xf32>,
        %swap3A_250 = arith.index_cast %scan3A_233 : i32 to index
        %swap3A_251 = arith.constant 48 : index
        %swap3A_252 = tpu.vector_load %arg10[%swap3A_250, %swap3A_251] {strides = array<i32>} : memref<128x64xf32, #tpu.memory_space<vmem>>, vector<16xf32>,
        tpu.vector_store %arg10[%swap3A_250, %swap3A_251], %unpack3A_246 {strides = array<i32>} : memref<128x64xf32, #tpu.memory_space<vmem>>, vector<16xf32>,
      }
      %scan3A_182 = arith.constant 128 : i32
      %add3A_183 = arith.constant 2 : i32
      %add3A_184 = arith.addi %mul3A_162, %add3A_183 : i32
      %dma_start3A_185 = arith.constant 0 : i32
      %dma_start3A_186 = tpu.memref_slice %arg6[%add3A_184, %dma_start3A_185] : memref<160x128xi32, #tpu.memory_space<vmem>> -> memref<1x128xi32, #tpu.memory_space<vmem>>
      %dma_start3A_187 = tpu.memref_squeeze %dma_start3A_186 : memref<1x128xi32, #tpu.memory_space<vmem>> -> memref<128xi32, #tpu.memory_space<vmem>>
      %dma_start3A_188 = arith.constant 0 : i32
      %dma_start3A_189 = arith.constant 0 : i32
      %dma_start3A_190 = tpu.memref_slice %arg2[%dma_start3A_188, %dma_start3A_189] : memref<20000x64xbf16, #tpu.memory_space<hbm>> -> memref<20000x64xbf16, #tpu.memory_space<hbm>>
      tpu.enqueue_indirect_dma source(%dma_start3A_190 : memref<20000x64xbf16, #tpu.memory_space<hbm>>) target(%arg8 : memref<128x64xbf16, #tpu.memory_space<vmem>>) offsets(%dma_start3A_187 : memref<128xi32, #tpu.memory_space<vmem>>) semaphore(%arg13 : memref<!tpu.dma_semaphore, #tpu.memory_space<semaphore_mem>>)
      %dma_start3A_191 = arith.constant 0 : i32
      %dma_start3A_192 = tpu.memref_slice %arg7[%mul3A_162, %dma_start3A_191] : memref<160x128xi32, #tpu.memory_space<vmem>> -> memref<1x128xi32, #tpu.memory_space<vmem>>
      %dma_start3A_193 = tpu.memref_squeeze %dma_start3A_192 : memref<1x128xi32, #tpu.memory_space<vmem>> -> memref<128xi32, #tpu.memory_space<vmem>>
      %dma_start3A_194 = arith.constant 0 : i32
      %dma_start3A_195 = arith.constant 0 : i32
      %dma_start3A_196 = tpu.memref_slice %arg12[%dma_start3A_194, %dma_start3A_195] : memref<10240x64xf32, #tpu.memory_space<vmem_shared>> -> memref<10240x64xf32, #tpu.memory_space<vmem_shared>>
      tpu.enqueue_indirect_dma source(%arg10 : memref<128x64xf32, #tpu.memory_space<vmem>>) target(%dma_start3A_196 : memref<10240x64xf32, #tpu.memory_space<vmem_shared>>) offsets(%dma_start3A_193 : memref<128xi32, #tpu.memory_space<vmem>>) semaphore(%arg15 : memref<!tpu.dma_semaphore, #tpu.memory_space<semaphore_mem>>) {add = true}
      %dma_wait3A_197 = arith.constant 1 : i32
      %dma_wait3A_198 = arith.constant 0 : i32
      %dma_wait3A_199 = tpu.memref_slice %arg6[%dma_wait3A_197, %dma_wait3A_198] : memref<160x128xi32, #tpu.memory_space<vmem>> -> memref<1x128xi32, #tpu.memory_space<vmem>>
      %dma_wait3A_200 = tpu.memref_squeeze %dma_wait3A_199 : memref<1x128xi32, #tpu.memory_space<vmem>> -> memref<128xi32, #tpu.memory_space<vmem>>
      %dma_wait3A_201 = arith.constant 0 : i32
      %dma_wait3A_202 = arith.constant 0 : i32
      %dma_wait3A_203 = tpu.memref_slice %arg2[%dma_wait3A_201, %dma_wait3A_202] : memref<20000x64xbf16, #tpu.memory_space<hbm>> -> memref<20000x64xbf16, #tpu.memory_space<hbm>>
      tpu.wait_indirect_dma semaphore(%arg14 : memref<!tpu.dma_semaphore, #tpu.memory_space<semaphore_mem>>) src(%dma_wait3A_203 : memref<20000x64xbf16, #tpu.memory_space<hbm>>) dst(%arg9 : memref<128x64xbf16, #tpu.memory_space<vmem>>)
      %dma_wait3A_204 = arith.constant 1 : i32
      %dma_wait3A_205 = arith.constant 0 : i32
      %dma_wait3A_206 = tpu.memref_slice %arg7[%dma_wait3A_204, %dma_wait3A_205] : memref<160x128xi32, #tpu.memory_space<vmem>> -> memref<1x128xi32, #tpu.memory_space<vmem>>
      %dma_wait3A_207 = tpu.memref_squeeze %dma_wait3A_206 : memref<1x128xi32, #tpu.memory_space<vmem>> -> memref<128xi32, #tpu.memory_space<vmem>>
      %dma_wait3A_208 = arith.constant 0 : i32
      %dma_wait3A_209 = arith.constant 0 : i32
      %dma_wait3A_210 = tpu.memref_slice %arg12[%dma_wait3A_208, %dma_wait3A_209] : memref<10240x64xf32, #tpu.memory_space<vmem_shared>> -> memref<10240x64xf32, #tpu.memory_space<vmem_shared>>
      tpu.wait_indirect_dma semaphore(%arg16 : memref<!tpu.dma_semaphore, #tpu.memory_space<semaphore_mem>>) src(%arg11 : memref<128x64xf32, #tpu.memory_space<vmem>>) dst(%dma_wait3A_210 : memref<10240x64xf32, #tpu.memory_space<vmem_shared>>)
      %scan3A_211 = arith.constant 0 : i32
      %scan3A_212 = arith.constant 0 : i32
      %scan3A_213 = arith.constant 128 : i32
      %scan3A_214 = arith.addi %scan3A_212, %scan3A_213 : i32
      %scan3A_215 = arith.constant 1 : i32
      scf.for %scan3A_233 = %scan3A_212 to %scan3A_214 step %scan3A_215  : i32 {
        %get3A = arith.index_cast %scan3A_233 : i32 to index
        %get3A_234 = arith.constant 0 : index
        %get3A_235 = tpu.vector_load %arg9[%get3A, %get3A_234] {strides = array<i32>} : memref<128x64xbf16, #tpu.memory_space<vmem>>, vector<32xbf16>,
        %unpack3A = tpu.unpack_subelements %get3A_235, 0 {pack_format = #tpu.pack_format<interleaved>} : vector<32xbf16> -> vector<16xf32>
        %unpack3A_236 = tpu.unpack_subelements %get3A_235, 1 {pack_format = #tpu.pack_format<interleaved>} : vector<32xbf16> -> vector<16xf32>
        %swap3A = arith.index_cast %scan3A_233 : i32 to index
        %swap3A_237 = arith.constant 0 : index
        %swap3A_238 = tpu.vector_load %arg11[%swap3A, %swap3A_237] {strides = array<i32>} : memref<128x64xf32, #tpu.memory_space<vmem>>, vector<16xf32>,
        tpu.vector_store %arg11[%swap3A, %swap3A_237], %unpack3A {strides = array<i32>} : memref<128x64xf32, #tpu.memory_space<vmem>>, vector<16xf32>,
        %swap3A_239 = arith.index_cast %scan3A_233 : i32 to index
        %swap3A_240 = arith.constant 16 : index
        %swap3A_241 = tpu.vector_load %arg11[%swap3A_239, %swap3A_240] {strides = array<i32>} : memref<128x64xf32, #tpu.memory_space<vmem>>, vector<16xf32>,
        tpu.vector_store %arg11[%swap3A_239, %swap3A_240], %unpack3A_236 {strides = array<i32>} : memref<128x64xf32, #tpu.memory_space<vmem>>, vector<16xf32>,
        %get3A_242 = arith.index_cast %scan3A_233 : i32 to index
        %get3A_243 = arith.constant 32 : index
        %get3A_244 = tpu.vector_load %arg9[%get3A_242, %get3A_243] {strides = array<i32>} : memref<128x64xbf16, #tpu.memory_space<vmem>>, vector<32xbf16>,
        %unpack3A_245 = tpu.unpack_subelements %get3A_244, 0 {pack_format = #tpu.pack_format<interleaved>} : vector<32xbf16> -> vector<16xf32>
        %unpack3A_246 = tpu.unpack_subelements %get3A_244, 1 {pack_format = #tpu.pack_format<interleaved>} : vector<32xbf16> -> vector<16xf32>
        %swap3A_247 = arith.index_cast %scan3A_233 : i32 to index
        %swap3A_248 = arith.constant 32 : index
        %swap3A_249 = tpu.vector_load %arg11[%swap3A_247, %swap3A_248] {strides = array<i32>} : memref<128x64xf32, #tpu.memory_space<vmem>>, vector<16xf32>,
        tpu.vector_store %arg11[%swap3A_247, %swap3A_248], %unpack3A_245 {strides = array<i32>} : memref<128x64xf32, #tpu.memory_space<vmem>>, vector<16xf32>,
        %swap3A_250 = arith.index_cast %scan3A_233 : i32 to index
        %swap3A_251 = arith.constant 48 : index
        %swap3A_252 = tpu.vector_load %arg11[%swap3A_250, %swap3A_251] {strides = array<i32>} : memref<128x64xf32, #tpu.memory_space<vmem>>, vector<16xf32>,
        tpu.vector_store %arg11[%swap3A_250, %swap3A_251], %unpack3A_246 {strides = array<i32>} : memref<128x64xf32, #tpu.memory_space<vmem>>, vector<16xf32>,
      }
      %scan3A_216 = arith.constant 128 : i32
      %add3A_217 = arith.constant 3 : i32
      %add3A_218 = arith.addi %mul3A_162, %add3A_217 : i32
      %dma_start3A_219 = arith.constant 0 : i32
      %dma_start3A_220 = tpu.memref_slice %arg6[%add3A_218, %dma_start3A_219] : memref<160x128xi32, #tpu.memory_space<vmem>> -> memref<1x128xi32, #tpu.memory_space<vmem>>
      %dma_start3A_221 = tpu.memref_squeeze %dma_start3A_220 : memref<1x128xi32, #tpu.memory_space<vmem>> -> memref<128xi32, #tpu.memory_space<vmem>>
      %dma_start3A_222 = arith.constant 0 : i32
      %dma_start3A_223 = arith.constant 0 : i32
      %dma_start3A_224 = tpu.memref_slice %arg2[%dma_start3A_222, %dma_start3A_223] : memref<20000x64xbf16, #tpu.memory_space<hbm>> -> memref<20000x64xbf16, #tpu.memory_space<hbm>>
      tpu.enqueue_indirect_dma source(%dma_start3A_224 : memref<20000x64xbf16, #tpu.memory_space<hbm>>) target(%arg9 : memref<128x64xbf16, #tpu.memory_space<vmem>>) offsets(%dma_start3A_221 : memref<128xi32, #tpu.memory_space<vmem>>) semaphore(%arg14 : memref<!tpu.dma_semaphore, #tpu.memory_space<semaphore_mem>>)
      %add3A_225 = arith.constant 1 : i32
      %add3A_226 = arith.addi %mul3A_162, %add3A_225 : i32
      %dma_start3A_227 = arith.constant 0 : i32
      %dma_start3A_228 = tpu.memref_slice %arg7[%add3A_226, %dma_start3A_227] : memref<160x128xi32, #tpu.memory_space<vmem>> -> memref<1x128xi32, #tpu.memory_space<vmem>>
      %dma_start3A_229 = tpu.memref_squeeze %dma_start3A_228 : memref<1x128xi32, #tpu.memory_space<vmem>> -> memref<128xi32, #tpu.memory_space<vmem>>
      %dma_start3A_230 = arith.constant 0 : i32
      %dma_start3A_231 = arith.constant 0 : i32
      %dma_start3A_232 = tpu.memref_slice %arg12[%dma_start3A_230, %dma_start3A_231] : memref<10240x64xf32, #tpu.memory_space<vmem_shared>> -> memref<10240x64xf32, #tpu.memory_space<vmem_shared>>
      tpu.enqueue_indirect_dma source(%arg11 : memref<128x64xf32, #tpu.memory_space<vmem>>) target(%dma_start3A_232 : memref<10240x64xf32, #tpu.memory_space<vmem_shared>>) offsets(%dma_start3A_229 : memref<128xi32, #tpu.memory_space<vmem>>) semaphore(%arg16 : memref<!tpu.dma_semaphore, #tpu.memory_space<semaphore_mem>>) {add = true}
    }
    %scan3A_86 = arith.constant 78 : i32
    %dma_wait3A_87 = arith.constant 0 : i32
    %dma_wait3A_88 = arith.constant 0 : i32
    %dma_wait3A_89 = tpu.memref_slice %arg6[%dma_wait3A_87, %dma_wait3A_88] : memref<160x128xi32, #tpu.memory_space<vmem>> -> memref<1x128xi32, #tpu.memory_space<vmem>>
    %dma_wait3A_90 = tpu.memref_squeeze %dma_wait3A_89 : memref<1x128xi32, #tpu.memory_space<vmem>> -> memref<128xi32, #tpu.memory_space<vmem>>
    %dma_wait3A_91 = arith.constant 0 : i32
    %dma_wait3A_92 = arith.constant 0 : i32
    %dma_wait3A_93 = tpu.memref_slice %arg2[%dma_wait3A_91, %dma_wait3A_92] : memref<20000x64xbf16, #tpu.memory_space<hbm>> -> memref<20000x64xbf16, #tpu.memory_space<hbm>>
    tpu.wait_indirect_dma semaphore(%arg13 : memref<!tpu.dma_semaphore, #tpu.memory_space<semaphore_mem>>) src(%dma_wait3A_93 : memref<20000x64xbf16, #tpu.memory_space<hbm>>) dst(%arg8 : memref<128x64xbf16, #tpu.memory_space<vmem>>)
    %dma_wait3A_94 = arith.constant 0 : i32
    %dma_wait3A_95 = arith.constant 0 : i32
    %dma_wait3A_96 = tpu.memref_slice %arg7[%dma_wait3A_94, %dma_wait3A_95] : memref<160x128xi32, #tpu.memory_space<vmem>> -> memref<1x128xi32, #tpu.memory_space<vmem>>
    %dma_wait3A_97 = tpu.memref_squeeze %dma_wait3A_96 : memref<1x128xi32, #tpu.memory_space<vmem>> -> memref<128xi32, #tpu.memory_space<vmem>>
    %dma_wait3A_98 = arith.constant 0 : i32
    %dma_wait3A_99 = arith.constant 0 : i32
    %dma_wait3A_100 = tpu.memref_slice %arg12[%dma_wait3A_98, %dma_wait3A_99] : memref<10240x64xf32, #tpu.memory_space<vmem_shared>> -> memref<10240x64xf32, #tpu.memory_space<vmem_shared>>
    tpu.wait_indirect_dma semaphore(%arg15 : memref<!tpu.dma_semaphore, #tpu.memory_space<semaphore_mem>>) src(%arg10 : memref<128x64xf32, #tpu.memory_space<vmem>>) dst(%dma_wait3A_100 : memref<10240x64xf32, #tpu.memory_space<vmem_shared>>)
    %scan3A_101 = arith.constant 0 : i32
    %scan3A_102 = arith.constant 0 : i32
    %scan3A_103 = arith.constant 128 : i32
    %scan3A_104 = arith.addi %scan3A_102, %scan3A_103 : i32
    %scan3A_105 = arith.constant 1 : i32
    scf.for %scan3A_160 = %scan3A_102 to %scan3A_104 step %scan3A_105  : i32 {
      %get3A = arith.index_cast %scan3A_160 : i32 to index
      %get3A_161 = arith.constant 0 : index
      %get3A_162 = tpu.vector_load %arg8[%get3A, %get3A_161] {strides = array<i32>} : memref<128x64xbf16, #tpu.memory_space<vmem>>, vector<32xbf16>,
      %unpack3A = tpu.unpack_subelements %get3A_162, 0 {pack_format = #tpu.pack_format<interleaved>} : vector<32xbf16> -> vector<16xf32>
      %unpack3A_163 = tpu.unpack_subelements %get3A_162, 1 {pack_format = #tpu.pack_format<interleaved>} : vector<32xbf16> -> vector<16xf32>
      %swap3A = arith.index_cast %scan3A_160 : i32 to index
      %swap3A_164 = arith.constant 0 : index
      %swap3A_165 = tpu.vector_load %arg10[%swap3A, %swap3A_164] {strides = array<i32>} : memref<128x64xf32, #tpu.memory_space<vmem>>, vector<16xf32>,
      tpu.vector_store %arg10[%swap3A, %swap3A_164], %unpack3A {strides = array<i32>} : memref<128x64xf32, #tpu.memory_space<vmem>>, vector<16xf32>,
      %swap3A_166 = arith.index_cast %scan3A_160 : i32 to index
      %swap3A_167 = arith.constant 16 : index
      %swap3A_168 = tpu.vector_load %arg10[%swap3A_166, %swap3A_167] {strides = array<i32>} : memref<128x64xf32, #tpu.memory_space<vmem>>, vector<16xf32>,
      tpu.vector_store %arg10[%swap3A_166, %swap3A_167], %unpack3A_163 {strides = array<i32>} : memref<128x64xf32, #tpu.memory_space<vmem>>, vector<16xf32>,
      %get3A_169 = arith.index_cast %scan3A_160 : i32 to index
      %get3A_170 = arith.constant 32 : index
      %get3A_171 = tpu.vector_load %arg8[%get3A_169, %get3A_170] {strides = array<i32>} : memref<128x64xbf16, #tpu.memory_space<vmem>>, vector<32xbf16>,
      %unpack3A_172 = tpu.unpack_subelements %get3A_171, 0 {pack_format = #tpu.pack_format<interleaved>} : vector<32xbf16> -> vector<16xf32>
      %unpack3A_173 = tpu.unpack_subelements %get3A_171, 1 {pack_format = #tpu.pack_format<interleaved>} : vector<32xbf16> -> vector<16xf32>
      %swap3A_174 = arith.index_cast %scan3A_160 : i32 to index
      %swap3A_175 = arith.constant 32 : index
      %swap3A_176 = tpu.vector_load %arg10[%swap3A_174, %swap3A_175] {strides = array<i32>} : memref<128x64xf32, #tpu.memory_space<vmem>>, vector<16xf32>,
      tpu.vector_store %arg10[%swap3A_174, %swap3A_175], %unpack3A_172 {strides = array<i32>} : memref<128x64xf32, #tpu.memory_space<vmem>>, vector<16xf32>,
      %swap3A_177 = arith.index_cast %scan3A_160 : i32 to index
      %swap3A_178 = arith.constant 48 : index
      %swap3A_179 = tpu.vector_load %arg10[%swap3A_177, %swap3A_178] {strides = array<i32>} : memref<128x64xf32, #tpu.memory_space<vmem>>, vector<16xf32>,
      tpu.vector_store %arg10[%swap3A_177, %swap3A_178], %unpack3A_173 {strides = array<i32>} : memref<128x64xf32, #tpu.memory_space<vmem>>, vector<16xf32>,
    }
    %scan3A_106 = arith.constant 128 : i32
    %dma_start3A_107 = arith.constant 158 : i32
    %dma_start3A_108 = arith.constant 0 : i32
    %dma_start3A_109 = tpu.memref_slice %arg7[%dma_start3A_107, %dma_start3A_108] : memref<160x128xi32, #tpu.memory_space<vmem>> -> memref<1x128xi32, #tpu.memory_space<vmem>>
    %dma_start3A_110 = tpu.memref_squeeze %dma_start3A_109 : memref<1x128xi32, #tpu.memory_space<vmem>> -> memref<128xi32, #tpu.memory_space<vmem>>
    %dma_start3A_111 = arith.constant 0 : i32
    %dma_start3A_112 = arith.constant 0 : i32
    %dma_start3A_113 = tpu.memref_slice %arg12[%dma_start3A_111, %dma_start3A_112] : memref<10240x64xf32, #tpu.memory_space<vmem_shared>> -> memref<10240x64xf32, #tpu.memory_space<vmem_shared>>
    tpu.enqueue_indirect_dma source(%arg10 : memref<128x64xf32, #tpu.memory_space<vmem>>) target(%dma_start3A_113 : memref<10240x64xf32, #tpu.memory_space<vmem_shared>>) offsets(%dma_start3A_110 : memref<128xi32, #tpu.memory_space<vmem>>) semaphore(%arg15 : memref<!tpu.dma_semaphore, #tpu.memory_space<semaphore_mem>>) {add = true}
    %dma_wait3A_114 = arith.constant 1 : i32
    %dma_wait3A_115 = arith.constant 0 : i32
    %dma_wait3A_116 = tpu.memref_slice %arg6[%dma_wait3A_114, %dma_wait3A_115] : memref<160x128xi32, #tpu.memory_space<vmem>> -> memref<1x128xi32, #tpu.memory_space<vmem>>
    %dma_wait3A_117 = tpu.memref_squeeze %dma_wait3A_116 : memref<1x128xi32, #tpu.memory_space<vmem>> -> memref<128xi32, #tpu.memory_space<vmem>>
    %dma_wait3A_118 = arith.constant 0 : i32
    %dma_wait3A_119 = arith.constant 0 : i32
    %dma_wait3A_120 = tpu.memref_slice %arg2[%dma_wait3A_118, %dma_wait3A_119] : memref<20000x64xbf16, #tpu.memory_space<hbm>> -> memref<20000x64xbf16, #tpu.memory_space<hbm>>
    tpu.wait_indirect_dma semaphore(%arg14 : memref<!tpu.dma_semaphore, #tpu.memory_space<semaphore_mem>>) src(%dma_wait3A_120 : memref<20000x64xbf16, #tpu.memory_space<hbm>>) dst(%arg9 : memref<128x64xbf16, #tpu.memory_space<vmem>>)
    %dma_wait3A_121 = arith.constant 1 : i32
    %dma_wait3A_122 = arith.constant 0 : i32
    %dma_wait3A_123 = tpu.memref_slice %arg7[%dma_wait3A_121, %dma_wait3A_122] : memref<160x128xi32, #tpu.memory_space<vmem>> -> memref<1x128xi32, #tpu.memory_space<vmem>>
    %dma_wait3A_124 = tpu.memref_squeeze %dma_wait3A_123 : memref<1x128xi32, #tpu.memory_space<vmem>> -> memref<128xi32, #tpu.memory_space<vmem>>
    %dma_wait3A_125 = arith.constant 0 : i32
    %dma_wait3A_126 = arith.constant 0 : i32
    %dma_wait3A_127 = tpu.memref_slice %arg12[%dma_wait3A_125, %dma_wait3A_126] : memref<10240x64xf32, #tpu.memory_space<vmem_shared>> -> memref<10240x64xf32, #tpu.memory_space<vmem_shared>>
    tpu.wait_indirect_dma semaphore(%arg16 : memref<!tpu.dma_semaphore, #tpu.memory_space<semaphore_mem>>) src(%arg11 : memref<128x64xf32, #tpu.memory_space<vmem>>) dst(%dma_wait3A_127 : memref<10240x64xf32, #tpu.memory_space<vmem_shared>>)
    %scan3A_128 = arith.constant 0 : i32
    %scan3A_129 = arith.constant 0 : i32
    %scan3A_130 = arith.constant 128 : i32
    %scan3A_131 = arith.addi %scan3A_129, %scan3A_130 : i32
    %scan3A_132 = arith.constant 1 : i32
    scf.for %scan3A_160 = %scan3A_129 to %scan3A_131 step %scan3A_132  : i32 {
      %get3A = arith.index_cast %scan3A_160 : i32 to index
      %get3A_161 = arith.constant 0 : index
      %get3A_162 = tpu.vector_load %arg9[%get3A, %get3A_161] {strides = array<i32>} : memref<128x64xbf16, #tpu.memory_space<vmem>>, vector<32xbf16>,
      %unpack3A = tpu.unpack_subelements %get3A_162, 0 {pack_format = #tpu.pack_format<interleaved>} : vector<32xbf16> -> vector<16xf32>
      %unpack3A_163 = tpu.unpack_subelements %get3A_162, 1 {pack_format = #tpu.pack_format<interleaved>} : vector<32xbf16> -> vector<16xf32>
      %swap3A = arith.index_cast %scan3A_160 : i32 to index
      %swap3A_164 = arith.constant 0 : index
      %swap3A_165 = tpu.vector_load %arg11[%swap3A, %swap3A_164] {strides = array<i32>} : memref<128x64xf32, #tpu.memory_space<vmem>>, vector<16xf32>,
      tpu.vector_store %arg11[%swap3A, %swap3A_164], %unpack3A {strides = array<i32>} : memref<128x64xf32, #tpu.memory_space<vmem>>, vector<16xf32>,
      %swap3A_166 = arith.index_cast %scan3A_160 : i32 to index
      %swap3A_167 = arith.constant 16 : index
      %swap3A_168 = tpu.vector_load %arg11[%swap3A_166, %swap3A_167] {strides = array<i32>} : memref<128x64xf32, #tpu.memory_space<vmem>>, vector<16xf32>,
      tpu.vector_store %arg11[%swap3A_166, %swap3A_167], %unpack3A_163 {strides = array<i32>} : memref<128x64xf32, #tpu.memory_space<vmem>>, vector<16xf32>,
      %get3A_169 = arith.index_cast %scan3A_160 : i32 to index
      %get3A_170 = arith.constant 32 : index
      %get3A_171 = tpu.vector_load %arg9[%get3A_169, %get3A_170] {strides = array<i32>} : memref<128x64xbf16, #tpu.memory_space<vmem>>, vector<32xbf16>,
      %unpack3A_172 = tpu.unpack_subelements %get3A_171, 0 {pack_format = #tpu.pack_format<interleaved>} : vector<32xbf16> -> vector<16xf32>
      %unpack3A_173 = tpu.unpack_subelements %get3A_171, 1 {pack_format = #tpu.pack_format<interleaved>} : vector<32xbf16> -> vector<16xf32>
      %swap3A_174 = arith.index_cast %scan3A_160 : i32 to index
      %swap3A_175 = arith.constant 32 : index
      %swap3A_176 = tpu.vector_load %arg11[%swap3A_174, %swap3A_175] {strides = array<i32>} : memref<128x64xf32, #tpu.memory_space<vmem>>, vector<16xf32>,
      tpu.vector_store %arg11[%swap3A_174, %swap3A_175], %unpack3A_172 {strides = array<i32>} : memref<128x64xf32, #tpu.memory_space<vmem>>, vector<16xf32>,
      %swap3A_177 = arith.index_cast %scan3A_160 : i32 to index
      %swap3A_178 = arith.constant 48 : index
      %swap3A_179 = tpu.vector_load %arg11[%swap3A_177, %swap3A_178] {strides = array<i32>} : memref<128x64xf32, #tpu.memory_space<vmem>>, vector<16xf32>,
      tpu.vector_store %arg11[%swap3A_177, %swap3A_178], %unpack3A_173 {strides = array<i32>} : memref<128x64xf32, #tpu.memory_space<vmem>>, vector<16xf32>,
    }
    %scan3A_133 = arith.constant 128 : i32
    %dma_start3A_134 = arith.constant 159 : i32
    %dma_start3A_135 = arith.constant 0 : i32
    %dma_start3A_136 = tpu.memref_slice %arg7[%dma_start3A_134, %dma_start3A_135] : memref<160x128xi32, #tpu.memory_space<vmem>> -> memref<1x128xi32, #tpu.memory_space<vmem>>
    %dma_start3A_137 = tpu.memref_squeeze %dma_start3A_136 : memref<1x128xi32, #tpu.memory_space<vmem>> -> memref<128xi32, #tpu.memory_space<vmem>>
    %dma_start3A_138 = arith.constant 0 : i32
    %dma_start3A_139 = arith.constant 0 : i32
    %dma_start3A_140 = tpu.memref_slice %arg12[%dma_start3A_138, %dma_start3A_139] : memref<10240x64xf32, #tpu.memory_space<vmem_shared>> -> memref<10240x64xf32, #tpu.memory_space<vmem_shared>>
    tpu.enqueue_indirect_dma source(%arg11 : memref<128x64xf32, #tpu.memory_space<vmem>>) target(%dma_start3A_140 : memref<10240x64xf32, #tpu.memory_space<vmem_shared>>) offsets(%dma_start3A_137 : memref<128xi32, #tpu.memory_space<vmem>>) semaphore(%arg16 : memref<!tpu.dma_semaphore, #tpu.memory_space<semaphore_mem>>) {add = true}
    %dma_wait3A_141 = arith.constant 0 : i32
    %dma_wait3A_142 = arith.constant 0 : i32
    %dma_wait3A_143 = tpu.memref_slice %arg7[%dma_wait3A_141, %dma_wait3A_142] : memref<160x128xi32, #tpu.memory_space<vmem>> -> memref<1x128xi32, #tpu.memory_space<vmem>>
    %dma_wait3A_144 = tpu.memref_squeeze %dma_wait3A_143 : memref<1x128xi32, #tpu.memory_space<vmem>> -> memref<128xi32, #tpu.memory_space<vmem>>
    %dma_wait3A_145 = arith.constant 0 : i32
    %dma_wait3A_146 = arith.constant 0 : i32
    %dma_wait3A_147 = tpu.memref_slice %arg12[%dma_wait3A_145, %dma_wait3A_146] : memref<10240x64xf32, #tpu.memory_space<vmem_shared>> -> memref<10240x64xf32, #tpu.memory_space<vmem_shared>>
    tpu.wait_indirect_dma semaphore(%arg15 : memref<!tpu.dma_semaphore, #tpu.memory_space<semaphore_mem>>) src(%arg10 : memref<128x64xf32, #tpu.memory_space<vmem>>) dst(%dma_wait3A_147 : memref<10240x64xf32, #tpu.memory_space<vmem_shared>>)
    %dma_wait3A_148 = arith.constant 1 : i32
    %dma_wait3A_149 = arith.constant 0 : i32
    %dma_wait3A_150 = tpu.memref_slice %arg7[%dma_wait3A_148, %dma_wait3A_149] : memref<160x128xi32, #tpu.memory_space<vmem>> -> memref<1x128xi32, #tpu.memory_space<vmem>>
    %dma_wait3A_151 = tpu.memref_squeeze %dma_wait3A_150 : memref<1x128xi32, #tpu.memory_space<vmem>> -> memref<128xi32, #tpu.memory_space<vmem>>
    %dma_wait3A_152 = arith.constant 0 : i32
    %dma_wait3A_153 = arith.constant 0 : i32
    %dma_wait3A_154 = tpu.memref_slice %arg12[%dma_wait3A_152, %dma_wait3A_153] : memref<10240x64xf32, #tpu.memory_space<vmem_shared>> -> memref<10240x64xf32, #tpu.memory_space<vmem_shared>>
    tpu.wait_indirect_dma semaphore(%arg16 : memref<!tpu.dma_semaphore, #tpu.memory_space<semaphore_mem>>) src(%arg11 : memref<128x64xf32, #tpu.memory_space<vmem>>) dst(%dma_wait3A_154 : memref<10240x64xf32, #tpu.memory_space<vmem_shared>>)
    %barrier3A_155 = arith.constant 0 : index
    tpu.barrier barrier_id(%barrier3A_155)
    %mul3A_156 = arith.constant 640 : i32
    %mul3A_157 = arith.muli %arg1, %mul3A_156 : i32
    %mul3A_158 = arith.constant 640 : i32
    %mul3A_159 = arith.muli %arg1, %mul3A_158 : i32
    "tpu.region"() ({
      %run_scoped3A = tpu.sem_alloc : memref<!tpu.dma_semaphore, #tpu.memory_space<semaphore_mem>>
      %dma_start3A_160 = arith.constant 0 : i32
      %dma_start3A_161 = tpu.memref_slice %arg5[%arg0, %mul3A_159, %dma_start3A_160] : memref<2x10240x64xf32, #tpu.memory_space<hbm>> -> memref<1x640x64xf32, #tpu.memory_space<hbm>>
      %dma_start3A_162 = tpu.memref_squeeze %dma_start3A_161 : memref<1x640x64xf32, #tpu.memory_space<hbm>> -> memref<640x64xf32, #tpu.memory_space<hbm>>
      %dma_start3A_163 = arith.constant 0 : i32
      %dma_start3A_164 = tpu.memref_slice %arg12[%mul3A_157, %dma_start3A_163] : memref<10240x64xf32, #tpu.memory_space<vmem_shared>> -> memref<640x64xf32, #tpu.memory_space<vmem_shared>>
      tpu.enqueue_dma source(%dma_start3A_164 : memref<640x64xf32, #tpu.memory_space<vmem_shared>>) target(%dma_start3A_162 : memref<640x64xf32, #tpu.memory_space<hbm>>) target_semaphore(%run_scoped3A : memref<!tpu.dma_semaphore, #tpu.memory_space<semaphore_mem>>)
      %dma_wait3A_165 = arith.constant 0 : i32
      %dma_wait3A_166 = tpu.memref_slice %arg5[%arg0, %mul3A_159, %dma_wait3A_165] : memref<2x10240x64xf32, #tpu.memory_space<hbm>> -> memref<1x640x64xf32, #tpu.memory_space<hbm>>
      %dma_wait3A_167 = tpu.memref_squeeze %dma_wait3A_166 : memref<1x640x64xf32, #tpu.memory_space<hbm>> -> memref<640x64xf32, #tpu.memory_space<hbm>>
      %dma_wait3A_168 = arith.constant 0 : i32
      %dma_wait3A_169 = tpu.memref_slice %arg12[%mul3A_157, %dma_wait3A_168] : memref<10240x64xf32, #tpu.memory_space<vmem_shared>> -> memref<640x64xf32, #tpu.memory_space<vmem_shared>>
      tpu.wait_dma2 semaphore(%run_scoped3A : memref<!tpu.dma_semaphore, #tpu.memory_space<semaphore_mem>>) src(%dma_wait3A_169 : memref<640x64xf32, #tpu.memory_space<vmem_shared>>) dst(%dma_wait3A_167 : memref<640x64xf32, #tpu.memory_space<hbm>>)
      tpu.yield
    }) : () -> ()
    return
  }
}

#map = affine_map<(d0, d1) -> (0, 0)>
#map1 = affine_map<(d0, d1) -> (0, 0, 0, 0)>
#map2 = affine_map<(d0, d1) -> (0, 0, 0)>
module attributes {stable_mosaic.version = 14 : i64} {
  func.func @_sc_agg_body(%arg0: i32, %arg1: i32, %arg2: memref<20000x64xbf16, #tpu.memory_space<hbm>>, %arg3: memref<2x16x160x128xi32, #tpu.memory_space<hbm>>, %arg4: memref<16x160x128xi32, #tpu.memory_space<hbm>>, %arg5: memref<2x10240x64xf32, #tpu.memory_space<hbm>>, %arg6: memref<160x128xi32, #tpu.memory_space<vmem>>, %arg7: memref<160x128xi32, #tpu.memory_space<vmem>>, %arg8: memref<128x64xbf16, #tpu.memory_space<vmem>>, %arg9: memref<128x64xbf16, #tpu.memory_space<vmem>>, %arg10: memref<128x64xf32, #tpu.memory_space<vmem>>, %arg11: memref<128x64xf32, #tpu.memory_space<vmem>>, %arg12: memref<10240x64xf32, #tpu.memory_space<vmem_shared>>, %arg13: memref<!tpu.dma_semaphore, #tpu.memory_space<semaphore_mem>>, %arg14: memref<!tpu.dma_semaphore, #tpu.memory_space<semaphore_mem>>, %arg15: memref<!tpu.dma_semaphore, #tpu.memory_space<semaphore_mem>>, %arg16: memref<!tpu.dma_semaphore, #tpu.memory_space<semaphore_mem>>) attributes {dimension_semantics = [#tpu.dimension_semantics<core_parallel>, #tpu.dimension_semantics<subcore_parallel>], iteration_bounds = array<i64: 2, 16>, scalar_prefetch = 0 : i64, scratch_operands = 11 : i64, tpu.core_type = #tpu.core_type<sc_vector_subcore>, window_params = [{transform_indices = #map}, {transform_indices = #map1}, {transform_indices = #map2}, {transform_indices = #map2}]} {
    "tpu.region"() ({
      %run_scoped3A = tpu.sem_alloc : memref<!tpu.dma_semaphore, #tpu.memory_space<semaphore_mem>>
      %dma_start3A_160 = arith.constant 0 : i32
      %dma_start3A_161 = arith.constant 0 : i32
      %dma_start3A_162 = tpu.memref_slice %arg3[%arg0, %arg1, %dma_start3A_160, %dma_start3A_161] : memref<2x16x160x128xi32, #tpu.memory_space<hbm>> -> memref<1x1x160x128xi32, #tpu.memory_space<hbm>>
      %dma_start3A_163 = tpu.memref_squeeze %dma_start3A_162 : memref<1x1x160x128xi32, #tpu.memory_space<hbm>> -> memref<160x128xi32, #tpu.memory_space<hbm>>
      %dma_start3A_164 = arith.constant 0 : i32
      %dma_start3A_165 = arith.constant 0 : i32
      %dma_start3A_166 = tpu.memref_slice %arg3[%arg0, %arg1, %dma_start3A_164, %dma_start3A_165] : memref<2x16x160x128xi32, #tpu.memory_space<hbm>> -> memref<1x1x160x128xi32, #tpu.memory_space<hbm>>
      %dma_start3A_167 = tpu.memref_squeeze %dma_start3A_166 : memref<1x1x160x128xi32, #tpu.memory_space<hbm>> -> memref<160x128xi32, #tpu.memory_space<hbm>>
      tpu.enqueue_dma source(%dma_start3A_167 : memref<160x128xi32, #tpu.memory_space<hbm>>) target(%arg6 : memref<160x128xi32, #tpu.memory_space<vmem>>) target_semaphore(%run_scoped3A : memref<!tpu.dma_semaphore, #tpu.memory_space<semaphore_mem>>)
      %dma_wait3A_168 = arith.constant 0 : i32
      %dma_wait3A_169 = arith.constant 0 : i32
      %dma_wait3A_170 = tpu.memref_slice %arg3[%arg0, %arg1, %dma_wait3A_168, %dma_wait3A_169] : memref<2x16x160x128xi32, #tpu.memory_space<hbm>> -> memref<1x1x160x128xi32, #tpu.memory_space<hbm>>
      %dma_wait3A_171 = tpu.memref_squeeze %dma_wait3A_170 : memref<1x1x160x128xi32, #tpu.memory_space<hbm>> -> memref<160x128xi32, #tpu.memory_space<hbm>>
      %dma_wait3A_172 = arith.constant 0 : i32
      %dma_wait3A_173 = arith.constant 0 : i32
      %dma_wait3A_174 = tpu.memref_slice %arg3[%arg0, %arg1, %dma_wait3A_172, %dma_wait3A_173] : memref<2x16x160x128xi32, #tpu.memory_space<hbm>> -> memref<1x1x160x128xi32, #tpu.memory_space<hbm>>
      %dma_wait3A_175 = tpu.memref_squeeze %dma_wait3A_174 : memref<1x1x160x128xi32, #tpu.memory_space<hbm>> -> memref<160x128xi32, #tpu.memory_space<hbm>>
      tpu.wait_dma2 semaphore(%run_scoped3A : memref<!tpu.dma_semaphore, #tpu.memory_space<semaphore_mem>>) src(%dma_wait3A_175 : memref<160x128xi32, #tpu.memory_space<hbm>>) dst(%arg6 : memref<160x128xi32, #tpu.memory_space<vmem>>)
      tpu.yield
    }) : () -> ()
    "tpu.region"() ({
      %run_scoped3A = tpu.sem_alloc : memref<!tpu.dma_semaphore, #tpu.memory_space<semaphore_mem>>
      %dma_start3A_160 = arith.constant 0 : i32
      %dma_start3A_161 = arith.constant 0 : i32
      %dma_start3A_162 = tpu.memref_slice %arg4[%arg1, %dma_start3A_160, %dma_start3A_161] : memref<16x160x128xi32, #tpu.memory_space<hbm>> -> memref<1x160x128xi32, #tpu.memory_space<hbm>>
      %dma_start3A_163 = tpu.memref_squeeze %dma_start3A_162 : memref<1x160x128xi32, #tpu.memory_space<hbm>> -> memref<160x128xi32, #tpu.memory_space<hbm>>
      %dma_start3A_164 = arith.constant 0 : i32
      %dma_start3A_165 = arith.constant 0 : i32
      %dma_start3A_166 = tpu.memref_slice %arg4[%arg1, %dma_start3A_164, %dma_start3A_165] : memref<16x160x128xi32, #tpu.memory_space<hbm>> -> memref<1x160x128xi32, #tpu.memory_space<hbm>>
      %dma_start3A_167 = tpu.memref_squeeze %dma_start3A_166 : memref<1x160x128xi32, #tpu.memory_space<hbm>> -> memref<160x128xi32, #tpu.memory_space<hbm>>
      tpu.enqueue_dma source(%dma_start3A_167 : memref<160x128xi32, #tpu.memory_space<hbm>>) target(%arg7 : memref<160x128xi32, #tpu.memory_space<vmem>>) target_semaphore(%run_scoped3A : memref<!tpu.dma_semaphore, #tpu.memory_space<semaphore_mem>>)
      %dma_wait3A_168 = arith.constant 0 : i32
      %dma_wait3A_169 = arith.constant 0 : i32
      %dma_wait3A_170 = tpu.memref_slice %arg4[%arg1, %dma_wait3A_168, %dma_wait3A_169] : memref<16x160x128xi32, #tpu.memory_space<hbm>> -> memref<1x160x128xi32, #tpu.memory_space<hbm>>
      %dma_wait3A_171 = tpu.memref_squeeze %dma_wait3A_170 : memref<1x160x128xi32, #tpu.memory_space<hbm>> -> memref<160x128xi32, #tpu.memory_space<hbm>>
      %dma_wait3A_172 = arith.constant 0 : i32
      %dma_wait3A_173 = arith.constant 0 : i32
      %dma_wait3A_174 = tpu.memref_slice %arg4[%arg1, %dma_wait3A_172, %dma_wait3A_173] : memref<16x160x128xi32, #tpu.memory_space<hbm>> -> memref<1x160x128xi32, #tpu.memory_space<hbm>>
      %dma_wait3A_175 = tpu.memref_squeeze %dma_wait3A_174 : memref<1x160x128xi32, #tpu.memory_space<hbm>> -> memref<160x128xi32, #tpu.memory_space<hbm>>
      tpu.wait_dma2 semaphore(%run_scoped3A : memref<!tpu.dma_semaphore, #tpu.memory_space<semaphore_mem>>) src(%dma_wait3A_175 : memref<160x128xi32, #tpu.memory_space<hbm>>) dst(%arg7 : memref<160x128xi32, #tpu.memory_space<vmem>>)
      tpu.yield
    }) : () -> ()
    %scan3A = arith.constant 0 : i32
    %scan3A_0 = arith.constant 0 : i32
    %scan3A_1 = arith.constant 512 : i32
    %scan3A_2 = arith.addi %scan3A_0, %scan3A_1 : i32
    %scan3A_3 = arith.constant 1 : i32
    scf.for %scan3A_160 = %scan3A_0 to %scan3A_2 step %scan3A_3  : i32 {
      %broadcast_in_dim3A = arith.constant 0.000000e+00 : f32
      %broadcast_in_dim3A_161 = vector.broadcast %broadcast_in_dim3A : f32 to vector<16xf32>
      %jit3A = arith.constant 4 : i32
      %div3A = arith.divsi %scan3A_160, %jit3A : i32
      %sign3A = arith.constant 0 : i32
      %sign3A_162 = arith.cmpi sgt, %scan3A_160, %sign3A : i32
      %sign3A_163 = arith.extui %sign3A_162 : i1 to i32
      %sign3A_164 = arith.constant 0 : i32
      %sign3A_165 = arith.cmpi slt, %scan3A_160, %sign3A_164 : i32
      %sign3A_166 = arith.extui %sign3A_165 : i1 to i32
      %sign3A_167 = arith.subi %sign3A_163, %sign3A_166 : i32
      %sign3A_168 = arith.constant 0 : i32
      %sign3A_169 = arith.cmpi sgt, %jit3A, %sign3A_168 : i32
      %sign3A_170 = arith.extui %sign3A_169 : i1 to i32
      %sign3A_171 = arith.constant 0 : i32
      %sign3A_172 = arith.cmpi slt, %jit3A, %sign3A_171 : i32
      %sign3A_173 = arith.extui %sign3A_172 : i1 to i32
      %sign3A_174 = arith.subi %sign3A_170, %sign3A_173 : i32
      %ne3A = arith.cmpi ne, %sign3A_167, %sign3A_174 : i32
      %rem3A = arith.remsi %scan3A_160, %jit3A : i32
      %ne3A_175 = arith.constant 0 : i32
      %ne3A_176 = arith.cmpi ne, %rem3A, %ne3A_175 : i32
      %and3A = arith.andi %ne3A, %ne3A_176 : i1
      %sub3A = arith.constant 1 : i32
      %sub3A_177 = arith.subi %div3A, %sub3A : i32
      %select_n3A = arith.select %and3A, %sub3A_177, %div3A : i32
      %jit3A_178 = arith.constant 4 : i32
      %eq3A = arith.constant 0 : i32
      %eq3A_179 = arith.cmpi eq, %jit3A_178, %eq3A : i32
      %jit3A_180 = arith.constant 1 : i32
      %select_n3A_181 = arith.select %eq3A_179, %jit3A_180, %jit3A_178 : i32
      %rem3A_182 = arith.remsi %scan3A_160, %select_n3A_181 : i32
      %ne3A_183 = arith.constant 0 : i32
      %ne3A_184 = arith.cmpi ne, %rem3A_182, %ne3A_183 : i32
      %lt3A = arith.constant 0 : i32
      %lt3A_185 = arith.cmpi slt, %rem3A_182, %lt3A : i32
      %lt3A_186 = arith.constant 0 : i32
      %lt3A_187 = arith.cmpi slt, %select_n3A_181, %lt3A_186 : i32
      %ne3A_188 = arith.xori %lt3A_185, %lt3A_187 : i1
      %and3A_189 = arith.andi %ne3A_188, %ne3A_184 : i1
      %add3A_190 = arith.addi %rem3A_182, %select_n3A_181 : i32
      %select_n3A_191 = arith.select %and3A_189, %add3A_190, %rem3A_182 : i32
      %mul3A_192 = arith.constant 16 : i32
      %mul3A_193 = arith.muli %select_n3A_191, %mul3A_192 : i32
      %swap3A = arith.index_cast %select_n3A : i32 to index
      %swap3A_194 = arith.index_cast %mul3A_193 : i32 to index
      %swap3A_195 = tpu.vector_load %arg10[%swap3A, %swap3A_194] {strides = array<i32>} : memref<128x64xf32, #tpu.memory_space<vmem>>, vector<16xf32>,
      tpu.vector_store %arg10[%swap3A, %swap3A_194], %broadcast_in_dim3A_161 {strides = array<i32>} : memref<128x64xf32, #tpu.memory_space<vmem>>, vector<16xf32>,
    }
    %scan3A_4 = arith.constant 512 : i32
    %mul3A = arith.constant 640 : i32
    %mul3A_5 = arith.muli %arg1, %mul3A : i32
    %add3A = arith.constant 0 : i32
    %add3A_6 = arith.addi %mul3A_5, %add3A : i32
    "tpu.region"() ({
      %run_scoped3A = tpu.sem_alloc : memref<!tpu.dma_semaphore, #tpu.memory_space<semaphore_mem>>
      %dma_start3A_160 = arith.constant 0 : i32
      %dma_start3A_161 = tpu.memref_slice %arg12[%add3A_6, %dma_start3A_160] : memref<10240x64xf32, #tpu.memory_space<vmem_shared>> -> memref<128x64xf32, #tpu.memory_space<vmem_shared>>
      %dma_start3A_162 = arith.constant 0 : i32
      %dma_start3A_163 = tpu.memref_slice %arg12[%add3A_6, %dma_start3A_162] : memref<10240x64xf32, #tpu.memory_space<vmem_shared>> -> memref<128x64xf32, #tpu.memory_space<vmem_shared>>
      tpu.enqueue_dma source(%arg10 : memref<128x64xf32, #tpu.memory_space<vmem>>) target(%dma_start3A_163 : memref<128x64xf32, #tpu.memory_space<vmem_shared>>) target_semaphore(%run_scoped3A : memref<!tpu.dma_semaphore, #tpu.memory_space<semaphore_mem>>)
      %dma_wait3A_164 = arith.constant 0 : i32
      %dma_wait3A_165 = tpu.memref_slice %arg12[%add3A_6, %dma_wait3A_164] : memref<10240x64xf32, #tpu.memory_space<vmem_shared>> -> memref<128x64xf32, #tpu.memory_space<vmem_shared>>
      %dma_wait3A_166 = arith.constant 0 : i32
      %dma_wait3A_167 = tpu.memref_slice %arg12[%add3A_6, %dma_wait3A_166] : memref<10240x64xf32, #tpu.memory_space<vmem_shared>> -> memref<128x64xf32, #tpu.memory_space<vmem_shared>>
      tpu.wait_dma2 semaphore(%run_scoped3A : memref<!tpu.dma_semaphore, #tpu.memory_space<semaphore_mem>>) src(%arg10 : memref<128x64xf32, #tpu.memory_space<vmem>>) dst(%dma_wait3A_167 : memref<128x64xf32, #tpu.memory_space<vmem_shared>>)
      tpu.yield
    }) : () -> ()
    %add3A_7 = arith.constant 128 : i32
    %add3A_8 = arith.addi %mul3A_5, %add3A_7 : i32
    "tpu.region"() ({
      %run_scoped3A = tpu.sem_alloc : memref<!tpu.dma_semaphore, #tpu.memory_space<semaphore_mem>>
      %dma_start3A_160 = arith.constant 0 : i32
      %dma_start3A_161 = tpu.memref_slice %arg12[%add3A_8, %dma_start3A_160] : memref<10240x64xf32, #tpu.memory_space<vmem_shared>> -> memref<128x64xf32, #tpu.memory_space<vmem_shared>>
      %dma_start3A_162 = arith.constant 0 : i32
      %dma_start3A_163 = tpu.memref_slice %arg12[%add3A_8, %dma_start3A_162] : memref<10240x64xf32, #tpu.memory_space<vmem_shared>> -> memref<128x64xf32, #tpu.memory_space<vmem_shared>>
      tpu.enqueue_dma source(%arg10 : memref<128x64xf32, #tpu.memory_space<vmem>>) target(%dma_start3A_163 : memref<128x64xf32, #tpu.memory_space<vmem_shared>>) target_semaphore(%run_scoped3A : memref<!tpu.dma_semaphore, #tpu.memory_space<semaphore_mem>>)
      %dma_wait3A_164 = arith.constant 0 : i32
      %dma_wait3A_165 = tpu.memref_slice %arg12[%add3A_8, %dma_wait3A_164] : memref<10240x64xf32, #tpu.memory_space<vmem_shared>> -> memref<128x64xf32, #tpu.memory_space<vmem_shared>>
      %dma_wait3A_166 = arith.constant 0 : i32
      %dma_wait3A_167 = tpu.memref_slice %arg12[%add3A_8, %dma_wait3A_166] : memref<10240x64xf32, #tpu.memory_space<vmem_shared>> -> memref<128x64xf32, #tpu.memory_space<vmem_shared>>
      tpu.wait_dma2 semaphore(%run_scoped3A : memref<!tpu.dma_semaphore, #tpu.memory_space<semaphore_mem>>) src(%arg10 : memref<128x64xf32, #tpu.memory_space<vmem>>) dst(%dma_wait3A_167 : memref<128x64xf32, #tpu.memory_space<vmem_shared>>)
      tpu.yield
    }) : () -> ()
    %add3A_9 = arith.constant 256 : i32
    %add3A_10 = arith.addi %mul3A_5, %add3A_9 : i32
    "tpu.region"() ({
      %run_scoped3A = tpu.sem_alloc : memref<!tpu.dma_semaphore, #tpu.memory_space<semaphore_mem>>
      %dma_start3A_160 = arith.constant 0 : i32
      %dma_start3A_161 = tpu.memref_slice %arg12[%add3A_10, %dma_start3A_160] : memref<10240x64xf32, #tpu.memory_space<vmem_shared>> -> memref<128x64xf32, #tpu.memory_space<vmem_shared>>
      %dma_start3A_162 = arith.constant 0 : i32
      %dma_start3A_163 = tpu.memref_slice %arg12[%add3A_10, %dma_start3A_162] : memref<10240x64xf32, #tpu.memory_space<vmem_shared>> -> memref<128x64xf32, #tpu.memory_space<vmem_shared>>
      tpu.enqueue_dma source(%arg10 : memref<128x64xf32, #tpu.memory_space<vmem>>) target(%dma_start3A_163 : memref<128x64xf32, #tpu.memory_space<vmem_shared>>) target_semaphore(%run_scoped3A : memref<!tpu.dma_semaphore, #tpu.memory_space<semaphore_mem>>)
      %dma_wait3A_164 = arith.constant 0 : i32
      %dma_wait3A_165 = tpu.memref_slice %arg12[%add3A_10, %dma_wait3A_164] : memref<10240x64xf32, #tpu.memory_space<vmem_shared>> -> memref<128x64xf32, #tpu.memory_space<vmem_shared>>
      %dma_wait3A_166 = arith.constant 0 : i32
      %dma_wait3A_167 = tpu.memref_slice %arg12[%add3A_10, %dma_wait3A_166] : memref<10240x64xf32, #tpu.memory_space<vmem_shared>> -> memref<128x64xf32, #tpu.memory_space<vmem_shared>>
      tpu.wait_dma2 semaphore(%run_scoped3A : memref<!tpu.dma_semaphore, #tpu.memory_space<semaphore_mem>>) src(%arg10 : memref<128x64xf32, #tpu.memory_space<vmem>>) dst(%dma_wait3A_167 : memref<128x64xf32, #tpu.memory_space<vmem_shared>>)
      tpu.yield
    }) : () -> ()
    %add3A_11 = arith.constant 384 : i32
    %add3A_12 = arith.addi %mul3A_5, %add3A_11 : i32
    "tpu.region"() ({
      %run_scoped3A = tpu.sem_alloc : memref<!tpu.dma_semaphore, #tpu.memory_space<semaphore_mem>>
      %dma_start3A_160 = arith.constant 0 : i32
      %dma_start3A_161 = tpu.memref_slice %arg12[%add3A_12, %dma_start3A_160] : memref<10240x64xf32, #tpu.memory_space<vmem_shared>> -> memref<128x64xf32, #tpu.memory_space<vmem_shared>>
      %dma_start3A_162 = arith.constant 0 : i32
      %dma_start3A_163 = tpu.memref_slice %arg12[%add3A_12, %dma_start3A_162] : memref<10240x64xf32, #tpu.memory_space<vmem_shared>> -> memref<128x64xf32, #tpu.memory_space<vmem_shared>>
      tpu.enqueue_dma source(%arg10 : memref<128x64xf32, #tpu.memory_space<vmem>>) target(%dma_start3A_163 : memref<128x64xf32, #tpu.memory_space<vmem_shared>>) target_semaphore(%run_scoped3A : memref<!tpu.dma_semaphore, #tpu.memory_space<semaphore_mem>>)
      %dma_wait3A_164 = arith.constant 0 : i32
      %dma_wait3A_165 = tpu.memref_slice %arg12[%add3A_12, %dma_wait3A_164] : memref<10240x64xf32, #tpu.memory_space<vmem_shared>> -> memref<128x64xf32, #tpu.memory_space<vmem_shared>>
      %dma_wait3A_166 = arith.constant 0 : i32
      %dma_wait3A_167 = tpu.memref_slice %arg12[%add3A_12, %dma_wait3A_166] : memref<10240x64xf32, #tpu.memory_space<vmem_shared>> -> memref<128x64xf32, #tpu.memory_space<vmem_shared>>
      tpu.wait_dma2 semaphore(%run_scoped3A : memref<!tpu.dma_semaphore, #tpu.memory_space<semaphore_mem>>) src(%arg10 : memref<128x64xf32, #tpu.memory_space<vmem>>) dst(%dma_wait3A_167 : memref<128x64xf32, #tpu.memory_space<vmem_shared>>)
      tpu.yield
    }) : () -> ()
    %add3A_13 = arith.constant 512 : i32
    %add3A_14 = arith.addi %mul3A_5, %add3A_13 : i32
    "tpu.region"() ({
      %run_scoped3A = tpu.sem_alloc : memref<!tpu.dma_semaphore, #tpu.memory_space<semaphore_mem>>
      %dma_start3A_160 = arith.constant 0 : i32
      %dma_start3A_161 = tpu.memref_slice %arg12[%add3A_14, %dma_start3A_160] : memref<10240x64xf32, #tpu.memory_space<vmem_shared>> -> memref<128x64xf32, #tpu.memory_space<vmem_shared>>
      %dma_start3A_162 = arith.constant 0 : i32
      %dma_start3A_163 = tpu.memref_slice %arg12[%add3A_14, %dma_start3A_162] : memref<10240x64xf32, #tpu.memory_space<vmem_shared>> -> memref<128x64xf32, #tpu.memory_space<vmem_shared>>
      tpu.enqueue_dma source(%arg10 : memref<128x64xf32, #tpu.memory_space<vmem>>) target(%dma_start3A_163 : memref<128x64xf32, #tpu.memory_space<vmem_shared>>) target_semaphore(%run_scoped3A : memref<!tpu.dma_semaphore, #tpu.memory_space<semaphore_mem>>)
      %dma_wait3A_164 = arith.constant 0 : i32
      %dma_wait3A_165 = tpu.memref_slice %arg12[%add3A_14, %dma_wait3A_164] : memref<10240x64xf32, #tpu.memory_space<vmem_shared>> -> memref<128x64xf32, #tpu.memory_space<vmem_shared>>
      %dma_wait3A_166 = arith.constant 0 : i32
      %dma_wait3A_167 = tpu.memref_slice %arg12[%add3A_14, %dma_wait3A_166] : memref<10240x64xf32, #tpu.memory_space<vmem_shared>> -> memref<128x64xf32, #tpu.memory_space<vmem_shared>>
      tpu.wait_dma2 semaphore(%run_scoped3A : memref<!tpu.dma_semaphore, #tpu.memory_space<semaphore_mem>>) src(%arg10 : memref<128x64xf32, #tpu.memory_space<vmem>>) dst(%dma_wait3A_167 : memref<128x64xf32, #tpu.memory_space<vmem_shared>>)
      tpu.yield
    }) : () -> ()
    %barrier3A = arith.constant 0 : index
    tpu.barrier barrier_id(%barrier3A)
    %dma_start3A = arith.constant 0 : i32
    %dma_start3A_15 = arith.constant 0 : i32
    %dma_start3A_16 = tpu.memref_slice %arg6[%dma_start3A, %dma_start3A_15] : memref<160x128xi32, #tpu.memory_space<vmem>> -> memref<1x128xi32, #tpu.memory_space<vmem>>
    %dma_start3A_17 = tpu.memref_squeeze %dma_start3A_16 : memref<1x128xi32, #tpu.memory_space<vmem>> -> memref<128xi32, #tpu.memory_space<vmem>>
    %dma_start3A_18 = arith.constant 0 : i32
    %dma_start3A_19 = arith.constant 0 : i32
    %dma_start3A_20 = tpu.memref_slice %arg2[%dma_start3A_18, %dma_start3A_19] : memref<20000x64xbf16, #tpu.memory_space<hbm>> -> memref<20000x64xbf16, #tpu.memory_space<hbm>>
    tpu.enqueue_indirect_dma source(%dma_start3A_20 : memref<20000x64xbf16, #tpu.memory_space<hbm>>) target(%arg8 : memref<128x64xbf16, #tpu.memory_space<vmem>>) offsets(%dma_start3A_17 : memref<128xi32, #tpu.memory_space<vmem>>) semaphore(%arg13 : memref<!tpu.dma_semaphore, #tpu.memory_space<semaphore_mem>>)
    %dma_start3A_21 = arith.constant 1 : i32
    %dma_start3A_22 = arith.constant 0 : i32
    %dma_start3A_23 = tpu.memref_slice %arg6[%dma_start3A_21, %dma_start3A_22] : memref<160x128xi32, #tpu.memory_space<vmem>> -> memref<1x128xi32, #tpu.memory_space<vmem>>
    %dma_start3A_24 = tpu.memref_squeeze %dma_start3A_23 : memref<1x128xi32, #tpu.memory_space<vmem>> -> memref<128xi32, #tpu.memory_space<vmem>>
    %dma_start3A_25 = arith.constant 0 : i32
    %dma_start3A_26 = arith.constant 0 : i32
    %dma_start3A_27 = tpu.memref_slice %arg2[%dma_start3A_25, %dma_start3A_26] : memref<20000x64xbf16, #tpu.memory_space<hbm>> -> memref<20000x64xbf16, #tpu.memory_space<hbm>>
    tpu.enqueue_indirect_dma source(%dma_start3A_27 : memref<20000x64xbf16, #tpu.memory_space<hbm>>) target(%arg9 : memref<128x64xbf16, #tpu.memory_space<vmem>>) offsets(%dma_start3A_24 : memref<128xi32, #tpu.memory_space<vmem>>) semaphore(%arg14 : memref<!tpu.dma_semaphore, #tpu.memory_space<semaphore_mem>>)
    %dma_wait3A = arith.constant 0 : i32
    %dma_wait3A_28 = arith.constant 0 : i32
    %dma_wait3A_29 = tpu.memref_slice %arg6[%dma_wait3A, %dma_wait3A_28] : memref<160x128xi32, #tpu.memory_space<vmem>> -> memref<1x128xi32, #tpu.memory_space<vmem>>
    %dma_wait3A_30 = tpu.memref_squeeze %dma_wait3A_29 : memref<1x128xi32, #tpu.memory_space<vmem>> -> memref<128xi32, #tpu.memory_space<vmem>>
    %dma_wait3A_31 = arith.constant 0 : i32
    %dma_wait3A_32 = arith.constant 0 : i32
    %dma_wait3A_33 = tpu.memref_slice %arg2[%dma_wait3A_31, %dma_wait3A_32] : memref<20000x64xbf16, #tpu.memory_space<hbm>> -> memref<20000x64xbf16, #tpu.memory_space<hbm>>
    tpu.wait_indirect_dma semaphore(%arg13 : memref<!tpu.dma_semaphore, #tpu.memory_space<semaphore_mem>>) src(%dma_wait3A_33 : memref<20000x64xbf16, #tpu.memory_space<hbm>>) dst(%arg8 : memref<128x64xbf16, #tpu.memory_space<vmem>>)
    %scan3A_34 = arith.constant 0 : i32
    %scan3A_35 = arith.constant 0 : i32
    %scan3A_36 = arith.constant 128 : i32
    %scan3A_37 = arith.addi %scan3A_35, %scan3A_36 : i32
    %scan3A_38 = arith.constant 1 : i32
    scf.for %scan3A_160 = %scan3A_35 to %scan3A_37 step %scan3A_38  : i32 {
      %get3A = arith.index_cast %scan3A_160 : i32 to index
      %get3A_161 = arith.constant 0 : index
      %get3A_162 = tpu.vector_load %arg8[%get3A, %get3A_161] {strides = array<i32>} : memref<128x64xbf16, #tpu.memory_space<vmem>>, vector<32xbf16>,
      %unpack3A = tpu.unpack_subelements %get3A_162, 0 {pack_format = #tpu.pack_format<interleaved>} : vector<32xbf16> -> vector<16xf32>
      %unpack3A_163 = tpu.unpack_subelements %get3A_162, 1 {pack_format = #tpu.pack_format<interleaved>} : vector<32xbf16> -> vector<16xf32>
      %swap3A = arith.index_cast %scan3A_160 : i32 to index
      %swap3A_164 = arith.constant 0 : index
      %swap3A_165 = tpu.vector_load %arg10[%swap3A, %swap3A_164] {strides = array<i32>} : memref<128x64xf32, #tpu.memory_space<vmem>>, vector<16xf32>,
      tpu.vector_store %arg10[%swap3A, %swap3A_164], %unpack3A {strides = array<i32>} : memref<128x64xf32, #tpu.memory_space<vmem>>, vector<16xf32>,
      %swap3A_166 = arith.index_cast %scan3A_160 : i32 to index
      %swap3A_167 = arith.constant 16 : index
      %swap3A_168 = tpu.vector_load %arg10[%swap3A_166, %swap3A_167] {strides = array<i32>} : memref<128x64xf32, #tpu.memory_space<vmem>>, vector<16xf32>,
      tpu.vector_store %arg10[%swap3A_166, %swap3A_167], %unpack3A_163 {strides = array<i32>} : memref<128x64xf32, #tpu.memory_space<vmem>>, vector<16xf32>,
      %get3A_169 = arith.index_cast %scan3A_160 : i32 to index
      %get3A_170 = arith.constant 32 : index
      %get3A_171 = tpu.vector_load %arg8[%get3A_169, %get3A_170] {strides = array<i32>} : memref<128x64xbf16, #tpu.memory_space<vmem>>, vector<32xbf16>,
      %unpack3A_172 = tpu.unpack_subelements %get3A_171, 0 {pack_format = #tpu.pack_format<interleaved>} : vector<32xbf16> -> vector<16xf32>
      %unpack3A_173 = tpu.unpack_subelements %get3A_171, 1 {pack_format = #tpu.pack_format<interleaved>} : vector<32xbf16> -> vector<16xf32>
      %swap3A_174 = arith.index_cast %scan3A_160 : i32 to index
      %swap3A_175 = arith.constant 32 : index
      %swap3A_176 = tpu.vector_load %arg10[%swap3A_174, %swap3A_175] {strides = array<i32>} : memref<128x64xf32, #tpu.memory_space<vmem>>, vector<16xf32>,
      tpu.vector_store %arg10[%swap3A_174, %swap3A_175], %unpack3A_172 {strides = array<i32>} : memref<128x64xf32, #tpu.memory_space<vmem>>, vector<16xf32>,
      %swap3A_177 = arith.index_cast %scan3A_160 : i32 to index
      %swap3A_178 = arith.constant 48 : index
      %swap3A_179 = tpu.vector_load %arg10[%swap3A_177, %swap3A_178] {strides = array<i32>} : memref<128x64xf32, #tpu.memory_space<vmem>>, vector<16xf32>,
      tpu.vector_store %arg10[%swap3A_177, %swap3A_178], %unpack3A_173 {strides = array<i32>} : memref<128x64xf32, #tpu.memory_space<vmem>>, vector<16xf32>,
    }
    %scan3A_39 = arith.constant 128 : i32
    %dma_start3A_40 = arith.constant 2 : i32
    %dma_start3A_41 = arith.constant 0 : i32
    %dma_start3A_42 = tpu.memref_slice %arg6[%dma_start3A_40, %dma_start3A_41] : memref<160x128xi32, #tpu.memory_space<vmem>> -> memref<1x128xi32, #tpu.memory_space<vmem>>
    %dma_start3A_43 = tpu.memref_squeeze %dma_start3A_42 : memref<1x128xi32, #tpu.memory_space<vmem>> -> memref<128xi32, #tpu.memory_space<vmem>>
    %dma_start3A_44 = arith.constant 0 : i32
    %dma_start3A_45 = arith.constant 0 : i32
    %dma_start3A_46 = tpu.memref_slice %arg2[%dma_start3A_44, %dma_start3A_45] : memref<20000x64xbf16, #tpu.memory_space<hbm>> -> memref<20000x64xbf16, #tpu.memory_space<hbm>>
    tpu.enqueue_indirect_dma source(%dma_start3A_46 : memref<20000x64xbf16, #tpu.memory_space<hbm>>) target(%arg8 : memref<128x64xbf16, #tpu.memory_space<vmem>>) offsets(%dma_start3A_43 : memref<128xi32, #tpu.memory_space<vmem>>) semaphore(%arg13 : memref<!tpu.dma_semaphore, #tpu.memory_space<semaphore_mem>>)
    %dma_start3A_47 = arith.constant 0 : i32
    %dma_start3A_48 = arith.constant 0 : i32
    %dma_start3A_49 = tpu.memref_slice %arg7[%dma_start3A_47, %dma_start3A_48] : memref<160x128xi32, #tpu.memory_space<vmem>> -> memref<1x128xi32, #tpu.memory_space<vmem>>
    %dma_start3A_50 = tpu.memref_squeeze %dma_start3A_49 : memref<1x128xi32, #tpu.memory_space<vmem>> -> memref<128xi32, #tpu.memory_space<vmem>>
    %dma_start3A_51 = arith.constant 0 : i32
    %dma_start3A_52 = arith.constant 0 : i32
    %dma_start3A_53 = tpu.memref_slice %arg12[%dma_start3A_51, %dma_start3A_52] : memref<10240x64xf32, #tpu.memory_space<vmem_shared>> -> memref<10240x64xf32, #tpu.memory_space<vmem_shared>>
    tpu.enqueue_indirect_dma source(%arg10 : memref<128x64xf32, #tpu.memory_space<vmem>>) target(%dma_start3A_53 : memref<10240x64xf32, #tpu.memory_space<vmem_shared>>) offsets(%dma_start3A_50 : memref<128xi32, #tpu.memory_space<vmem>>) semaphore(%arg15 : memref<!tpu.dma_semaphore, #tpu.memory_space<semaphore_mem>>) {add = true}
    %dma_wait3A_54 = arith.constant 1 : i32
    %dma_wait3A_55 = arith.constant 0 : i32
    %dma_wait3A_56 = tpu.memref_slice %arg6[%dma_wait3A_54, %dma_wait3A_55] : memref<160x128xi32, #tpu.memory_space<vmem>> -> memref<1x128xi32, #tpu.memory_space<vmem>>
    %dma_wait3A_57 = tpu.memref_squeeze %dma_wait3A_56 : memref<1x128xi32, #tpu.memory_space<vmem>> -> memref<128xi32, #tpu.memory_space<vmem>>
    %dma_wait3A_58 = arith.constant 0 : i32
    %dma_wait3A_59 = arith.constant 0 : i32
    %dma_wait3A_60 = tpu.memref_slice %arg2[%dma_wait3A_58, %dma_wait3A_59] : memref<20000x64xbf16, #tpu.memory_space<hbm>> -> memref<20000x64xbf16, #tpu.memory_space<hbm>>
    tpu.wait_indirect_dma semaphore(%arg14 : memref<!tpu.dma_semaphore, #tpu.memory_space<semaphore_mem>>) src(%dma_wait3A_60 : memref<20000x64xbf16, #tpu.memory_space<hbm>>) dst(%arg9 : memref<128x64xbf16, #tpu.memory_space<vmem>>)
    %scan3A_61 = arith.constant 0 : i32
    %scan3A_62 = arith.constant 0 : i32
    %scan3A_63 = arith.constant 128 : i32
    %scan3A_64 = arith.addi %scan3A_62, %scan3A_63 : i32
    %scan3A_65 = arith.constant 1 : i32
    scf.for %scan3A_160 = %scan3A_62 to %scan3A_64 step %scan3A_65  : i32 {
      %get3A = arith.index_cast %scan3A_160 : i32 to index
      %get3A_161 = arith.constant 0 : index
      %get3A_162 = tpu.vector_load %arg9[%get3A, %get3A_161] {strides = array<i32>} : memref<128x64xbf16, #tpu.memory_space<vmem>>, vector<32xbf16>,
      %unpack3A = tpu.unpack_subelements %get3A_162, 0 {pack_format = #tpu.pack_format<interleaved>} : vector<32xbf16> -> vector<16xf32>
      %unpack3A_163 = tpu.unpack_subelements %get3A_162, 1 {pack_format = #tpu.pack_format<interleaved>} : vector<32xbf16> -> vector<16xf32>
      %swap3A = arith.index_cast %scan3A_160 : i32 to index
      %swap3A_164 = arith.constant 0 : index
      %swap3A_165 = tpu.vector_load %arg11[%swap3A, %swap3A_164] {strides = array<i32>} : memref<128x64xf32, #tpu.memory_space<vmem>>, vector<16xf32>,
      tpu.vector_store %arg11[%swap3A, %swap3A_164], %unpack3A {strides = array<i32>} : memref<128x64xf32, #tpu.memory_space<vmem>>, vector<16xf32>,
      %swap3A_166 = arith.index_cast %scan3A_160 : i32 to index
      %swap3A_167 = arith.constant 16 : index
      %swap3A_168 = tpu.vector_load %arg11[%swap3A_166, %swap3A_167] {strides = array<i32>} : memref<128x64xf32, #tpu.memory_space<vmem>>, vector<16xf32>,
      tpu.vector_store %arg11[%swap3A_166, %swap3A_167], %unpack3A_163 {strides = array<i32>} : memref<128x64xf32, #tpu.memory_space<vmem>>, vector<16xf32>,
      %get3A_169 = arith.index_cast %scan3A_160 : i32 to index
      %get3A_170 = arith.constant 32 : index
      %get3A_171 = tpu.vector_load %arg9[%get3A_169, %get3A_170] {strides = array<i32>} : memref<128x64xbf16, #tpu.memory_space<vmem>>, vector<32xbf16>,
      %unpack3A_172 = tpu.unpack_subelements %get3A_171, 0 {pack_format = #tpu.pack_format<interleaved>} : vector<32xbf16> -> vector<16xf32>
      %unpack3A_173 = tpu.unpack_subelements %get3A_171, 1 {pack_format = #tpu.pack_format<interleaved>} : vector<32xbf16> -> vector<16xf32>
      %swap3A_174 = arith.index_cast %scan3A_160 : i32 to index
      %swap3A_175 = arith.constant 32 : index
      %swap3A_176 = tpu.vector_load %arg11[%swap3A_174, %swap3A_175] {strides = array<i32>} : memref<128x64xf32, #tpu.memory_space<vmem>>, vector<16xf32>,
      tpu.vector_store %arg11[%swap3A_174, %swap3A_175], %unpack3A_172 {strides = array<i32>} : memref<128x64xf32, #tpu.memory_space<vmem>>, vector<16xf32>,
      %swap3A_177 = arith.index_cast %scan3A_160 : i32 to index
      %swap3A_178 = arith.constant 48 : index
      %swap3A_179 = tpu.vector_load %arg11[%swap3A_177, %swap3A_178] {strides = array<i32>} : memref<128x64xf32, #tpu.memory_space<vmem>>, vector<16xf32>,
      tpu.vector_store %arg11[%swap3A_177, %swap3A_178], %unpack3A_173 {strides = array<i32>} : memref<128x64xf32, #tpu.memory_space<vmem>>, vector<16xf32>,
    }
    %scan3A_66 = arith.constant 128 : i32
    %dma_start3A_67 = arith.constant 3 : i32
    %dma_start3A_68 = arith.constant 0 : i32
    %dma_start3A_69 = tpu.memref_slice %arg6[%dma_start3A_67, %dma_start3A_68] : memref<160x128xi32, #tpu.memory_space<vmem>> -> memref<1x128xi32, #tpu.memory_space<vmem>>
    %dma_start3A_70 = tpu.memref_squeeze %dma_start3A_69 : memref<1x128xi32, #tpu.memory_space<vmem>> -> memref<128xi32, #tpu.memory_space<vmem>>
    %dma_start3A_71 = arith.constant 0 : i32
    %dma_start3A_72 = arith.constant 0 : i32
    %dma_start3A_73 = tpu.memref_slice %arg2[%dma_start3A_71, %dma_start3A_72] : memref<20000x64xbf16, #tpu.memory_space<hbm>> -> memref<20000x64xbf16, #tpu.memory_space<hbm>>
    tpu.enqueue_indirect_dma source(%dma_start3A_73 : memref<20000x64xbf16, #tpu.memory_space<hbm>>) target(%arg9 : memref<128x64xbf16, #tpu.memory_space<vmem>>) offsets(%dma_start3A_70 : memref<128xi32, #tpu.memory_space<vmem>>) semaphore(%arg14 : memref<!tpu.dma_semaphore, #tpu.memory_space<semaphore_mem>>)
    %dma_start3A_74 = arith.constant 1 : i32
    %dma_start3A_75 = arith.constant 0 : i32
    %dma_start3A_76 = tpu.memref_slice %arg7[%dma_start3A_74, %dma_start3A_75] : memref<160x128xi32, #tpu.memory_space<vmem>> -> memref<1x128xi32, #tpu.memory_space<vmem>>
    %dma_start3A_77 = tpu.memref_squeeze %dma_start3A_76 : memref<1x128xi32, #tpu.memory_space<vmem>> -> memref<128xi32, #tpu.memory_space<vmem>>
    %dma_start3A_78 = arith.constant 0 : i32
    %dma_start3A_79 = arith.constant 0 : i32
    %dma_start3A_80 = tpu.memref_slice %arg12[%dma_start3A_78, %dma_start3A_79] : memref<10240x64xf32, #tpu.memory_space<vmem_shared>> -> memref<10240x64xf32, #tpu.memory_space<vmem_shared>>
    tpu.enqueue_indirect_dma source(%arg11 : memref<128x64xf32, #tpu.memory_space<vmem>>) target(%dma_start3A_80 : memref<10240x64xf32, #tpu.memory_space<vmem_shared>>) offsets(%dma_start3A_77 : memref<128xi32, #tpu.memory_space<vmem>>) semaphore(%arg16 : memref<!tpu.dma_semaphore, #tpu.memory_space<semaphore_mem>>) {add = true}
    %scan3A_81 = arith.constant 0 : i32
    %scan3A_82 = arith.constant 1 : i32
    %scan3A_83 = arith.constant 78 : i32
    %scan3A_84 = arith.addi %scan3A_82, %scan3A_83 : i32
    %scan3A_85 = arith.constant 1 : i32
    scf.for %scan3A_160 = %scan3A_82 to %scan3A_84 step %scan3A_85  : i32 {
      %mul3A_161 = arith.constant 2 : i32
      %mul3A_162 = arith.muli %scan3A_160, %mul3A_161 : i32
      %dma_wait3A_163 = arith.constant 0 : i32
      %dma_wait3A_164 = arith.constant 0 : i32
      %dma_wait3A_165 = tpu.memref_slice %arg6[%dma_wait3A_163, %dma_wait3A_164] : memref<160x128xi32, #tpu.memory_space<vmem>> -> memref<1x128xi32, #tpu.memory_space<vmem>>
      %dma_wait3A_166 = tpu.memref_squeeze %dma_wait3A_165 : memref<1x128xi32, #tpu.memory_space<vmem>> -> memref<128xi32, #tpu.memory_space<vmem>>
      %dma_wait3A_167 = arith.constant 0 : i32
      %dma_wait3A_168 = arith.constant 0 : i32
      %dma_wait3A_169 = tpu.memref_slice %arg2[%dma_wait3A_167, %dma_wait3A_168] : memref<20000x64xbf16, #tpu.memory_space<hbm>> -> memref<20000x64xbf16, #tpu.memory_space<hbm>>
      tpu.wait_indirect_dma semaphore(%arg13 : memref<!tpu.dma_semaphore, #tpu.memory_space<semaphore_mem>>) src(%dma_wait3A_169 : memref<20000x64xbf16, #tpu.memory_space<hbm>>) dst(%arg8 : memref<128x64xbf16, #tpu.memory_space<vmem>>)
      %dma_wait3A_170 = arith.constant 0 : i32
      %dma_wait3A_171 = arith.constant 0 : i32
      %dma_wait3A_172 = tpu.memref_slice %arg7[%dma_wait3A_170, %dma_wait3A_171] : memref<160x128xi32, #tpu.memory_space<vmem>> -> memref<1x128xi32, #tpu.memory_space<vmem>>
      %dma_wait3A_173 = tpu.memref_squeeze %dma_wait3A_172 : memref<1x128xi32, #tpu.memory_space<vmem>> -> memref<128xi32, #tpu.memory_space<vmem>>
      %dma_wait3A_174 = arith.constant 0 : i32
      %dma_wait3A_175 = arith.constant 0 : i32
      %dma_wait3A_176 = tpu.memref_slice %arg12[%dma_wait3A_174, %dma_wait3A_175] : memref<10240x64xf32, #tpu.memory_space<vmem_shared>> -> memref<10240x64xf32, #tpu.memory_space<vmem_shared>>
      tpu.wait_indirect_dma semaphore(%arg15 : memref<!tpu.dma_semaphore, #tpu.memory_space<semaphore_mem>>) src(%arg10 : memref<128x64xf32, #tpu.memory_space<vmem>>) dst(%dma_wait3A_176 : memref<10240x64xf32, #tpu.memory_space<vmem_shared>>)
      %scan3A_177 = arith.constant 0 : i32
      %scan3A_178 = arith.constant 0 : i32
      %scan3A_179 = arith.constant 128 : i32
      %scan3A_180 = arith.addi %scan3A_178, %scan3A_179 : i32
      %scan3A_181 = arith.constant 1 : i32
      scf.for %scan3A_233 = %scan3A_178 to %scan3A_180 step %scan3A_181  : i32 {
        %get3A = arith.index_cast %scan3A_233 : i32 to index
        %get3A_234 = arith.constant 0 : index
        %get3A_235 = tpu.vector_load %arg8[%get3A, %get3A_234] {strides = array<i32>} : memref<128x64xbf16, #tpu.memory_space<vmem>>, vector<32xbf16>,
        %unpack3A = tpu.unpack_subelements %get3A_235, 0 {pack_format = #tpu.pack_format<interleaved>} : vector<32xbf16> -> vector<16xf32>
        %unpack3A_236 = tpu.unpack_subelements %get3A_235, 1 {pack_format = #tpu.pack_format<interleaved>} : vector<32xbf16> -> vector<16xf32>
        %swap3A = arith.index_cast %scan3A_233 : i32 to index
        %swap3A_237 = arith.constant 0 : index
        %swap3A_238 = tpu.vector_load %arg10[%swap3A, %swap3A_237] {strides = array<i32>} : memref<128x64xf32, #tpu.memory_space<vmem>>, vector<16xf32>,
        tpu.vector_store %arg10[%swap3A, %swap3A_237], %unpack3A {strides = array<i32>} : memref<128x64xf32, #tpu.memory_space<vmem>>, vector<16xf32>,
        %swap3A_239 = arith.index_cast %scan3A_233 : i32 to index
        %swap3A_240 = arith.constant 16 : index
        %swap3A_241 = tpu.vector_load %arg10[%swap3A_239, %swap3A_240] {strides = array<i32>} : memref<128x64xf32, #tpu.memory_space<vmem>>, vector<16xf32>,
        tpu.vector_store %arg10[%swap3A_239, %swap3A_240], %unpack3A_236 {strides = array<i32>} : memref<128x64xf32, #tpu.memory_space<vmem>>, vector<16xf32>,
        %get3A_242 = arith.index_cast %scan3A_233 : i32 to index
        %get3A_243 = arith.constant 32 : index
        %get3A_244 = tpu.vector_load %arg8[%get3A_242, %get3A_243] {strides = array<i32>} : memref<128x64xbf16, #tpu.memory_space<vmem>>, vector<32xbf16>,
        %unpack3A_245 = tpu.unpack_subelements %get3A_244, 0 {pack_format = #tpu.pack_format<interleaved>} : vector<32xbf16> -> vector<16xf32>
        %unpack3A_246 = tpu.unpack_subelements %get3A_244, 1 {pack_format = #tpu.pack_format<interleaved>} : vector<32xbf16> -> vector<16xf32>
        %swap3A_247 = arith.index_cast %scan3A_233 : i32 to index
        %swap3A_248 = arith.constant 32 : index
        %swap3A_249 = tpu.vector_load %arg10[%swap3A_247, %swap3A_248] {strides = array<i32>} : memref<128x64xf32, #tpu.memory_space<vmem>>, vector<16xf32>,
        tpu.vector_store %arg10[%swap3A_247, %swap3A_248], %unpack3A_245 {strides = array<i32>} : memref<128x64xf32, #tpu.memory_space<vmem>>, vector<16xf32>,
        %swap3A_250 = arith.index_cast %scan3A_233 : i32 to index
        %swap3A_251 = arith.constant 48 : index
        %swap3A_252 = tpu.vector_load %arg10[%swap3A_250, %swap3A_251] {strides = array<i32>} : memref<128x64xf32, #tpu.memory_space<vmem>>, vector<16xf32>,
        tpu.vector_store %arg10[%swap3A_250, %swap3A_251], %unpack3A_246 {strides = array<i32>} : memref<128x64xf32, #tpu.memory_space<vmem>>, vector<16xf32>,
      }
      %scan3A_182 = arith.constant 128 : i32
      %add3A_183 = arith.constant 2 : i32
      %add3A_184 = arith.addi %mul3A_162, %add3A_183 : i32
      %dma_start3A_185 = arith.constant 0 : i32
      %dma_start3A_186 = tpu.memref_slice %arg6[%add3A_184, %dma_start3A_185] : memref<160x128xi32, #tpu.memory_space<vmem>> -> memref<1x128xi32, #tpu.memory_space<vmem>>
      %dma_start3A_187 = tpu.memref_squeeze %dma_start3A_186 : memref<1x128xi32, #tpu.memory_space<vmem>> -> memref<128xi32, #tpu.memory_space<vmem>>
      %dma_start3A_188 = arith.constant 0 : i32
      %dma_start3A_189 = arith.constant 0 : i32
      %dma_start3A_190 = tpu.memref_slice %arg2[%dma_start3A_188, %dma_start3A_189] : memref<20000x64xbf16, #tpu.memory_space<hbm>> -> memref<20000x64xbf16, #tpu.memory_space<hbm>>
      tpu.enqueue_indirect_dma source(%dma_start3A_190 : memref<20000x64xbf16, #tpu.memory_space<hbm>>) target(%arg8 : memref<128x64xbf16, #tpu.memory_space<vmem>>) offsets(%dma_start3A_187 : memref<128xi32, #tpu.memory_space<vmem>>) semaphore(%arg13 : memref<!tpu.dma_semaphore, #tpu.memory_space<semaphore_mem>>)
      %dma_start3A_191 = arith.constant 0 : i32
      %dma_start3A_192 = tpu.memref_slice %arg7[%mul3A_162, %dma_start3A_191] : memref<160x128xi32, #tpu.memory_space<vmem>> -> memref<1x128xi32, #tpu.memory_space<vmem>>
      %dma_start3A_193 = tpu.memref_squeeze %dma_start3A_192 : memref<1x128xi32, #tpu.memory_space<vmem>> -> memref<128xi32, #tpu.memory_space<vmem>>
      %dma_start3A_194 = arith.constant 0 : i32
      %dma_start3A_195 = arith.constant 0 : i32
      %dma_start3A_196 = tpu.memref_slice %arg12[%dma_start3A_194, %dma_start3A_195] : memref<10240x64xf32, #tpu.memory_space<vmem_shared>> -> memref<10240x64xf32, #tpu.memory_space<vmem_shared>>
      tpu.enqueue_indirect_dma source(%arg10 : memref<128x64xf32, #tpu.memory_space<vmem>>) target(%dma_start3A_196 : memref<10240x64xf32, #tpu.memory_space<vmem_shared>>) offsets(%dma_start3A_193 : memref<128xi32, #tpu.memory_space<vmem>>) semaphore(%arg15 : memref<!tpu.dma_semaphore, #tpu.memory_space<semaphore_mem>>) {add = true}
      %dma_wait3A_197 = arith.constant 1 : i32
      %dma_wait3A_198 = arith.constant 0 : i32
      %dma_wait3A_199 = tpu.memref_slice %arg6[%dma_wait3A_197, %dma_wait3A_198] : memref<160x128xi32, #tpu.memory_space<vmem>> -> memref<1x128xi32, #tpu.memory_space<vmem>>
      %dma_wait3A_200 = tpu.memref_squeeze %dma_wait3A_199 : memref<1x128xi32, #tpu.memory_space<vmem>> -> memref<128xi32, #tpu.memory_space<vmem>>
      %dma_wait3A_201 = arith.constant 0 : i32
      %dma_wait3A_202 = arith.constant 0 : i32
      %dma_wait3A_203 = tpu.memref_slice %arg2[%dma_wait3A_201, %dma_wait3A_202] : memref<20000x64xbf16, #tpu.memory_space<hbm>> -> memref<20000x64xbf16, #tpu.memory_space<hbm>>
      tpu.wait_indirect_dma semaphore(%arg14 : memref<!tpu.dma_semaphore, #tpu.memory_space<semaphore_mem>>) src(%dma_wait3A_203 : memref<20000x64xbf16, #tpu.memory_space<hbm>>) dst(%arg9 : memref<128x64xbf16, #tpu.memory_space<vmem>>)
      %dma_wait3A_204 = arith.constant 1 : i32
      %dma_wait3A_205 = arith.constant 0 : i32
      %dma_wait3A_206 = tpu.memref_slice %arg7[%dma_wait3A_204, %dma_wait3A_205] : memref<160x128xi32, #tpu.memory_space<vmem>> -> memref<1x128xi32, #tpu.memory_space<vmem>>
      %dma_wait3A_207 = tpu.memref_squeeze %dma_wait3A_206 : memref<1x128xi32, #tpu.memory_space<vmem>> -> memref<128xi32, #tpu.memory_space<vmem>>
      %dma_wait3A_208 = arith.constant 0 : i32
      %dma_wait3A_209 = arith.constant 0 : i32
      %dma_wait3A_210 = tpu.memref_slice %arg12[%dma_wait3A_208, %dma_wait3A_209] : memref<10240x64xf32, #tpu.memory_space<vmem_shared>> -> memref<10240x64xf32, #tpu.memory_space<vmem_shared>>
      tpu.wait_indirect_dma semaphore(%arg16 : memref<!tpu.dma_semaphore, #tpu.memory_space<semaphore_mem>>) src(%arg11 : memref<128x64xf32, #tpu.memory_space<vmem>>) dst(%dma_wait3A_210 : memref<10240x64xf32, #tpu.memory_space<vmem_shared>>)
      %scan3A_211 = arith.constant 0 : i32
      %scan3A_212 = arith.constant 0 : i32
      %scan3A_213 = arith.constant 128 : i32
      %scan3A_214 = arith.addi %scan3A_212, %scan3A_213 : i32
      %scan3A_215 = arith.constant 1 : i32
      scf.for %scan3A_233 = %scan3A_212 to %scan3A_214 step %scan3A_215  : i32 {
        %get3A = arith.index_cast %scan3A_233 : i32 to index
        %get3A_234 = arith.constant 0 : index
        %get3A_235 = tpu.vector_load %arg9[%get3A, %get3A_234] {strides = array<i32>} : memref<128x64xbf16, #tpu.memory_space<vmem>>, vector<32xbf16>,
        %unpack3A = tpu.unpack_subelements %get3A_235, 0 {pack_format = #tpu.pack_format<interleaved>} : vector<32xbf16> -> vector<16xf32>
        %unpack3A_236 = tpu.unpack_subelements %get3A_235, 1 {pack_format = #tpu.pack_format<interleaved>} : vector<32xbf16> -> vector<16xf32>
        %swap3A = arith.index_cast %scan3A_233 : i32 to index
        %swap3A_237 = arith.constant 0 : index
        %swap3A_238 = tpu.vector_load %arg11[%swap3A, %swap3A_237] {strides = array<i32>} : memref<128x64xf32, #tpu.memory_space<vmem>>, vector<16xf32>,
        tpu.vector_store %arg11[%swap3A, %swap3A_237], %unpack3A {strides = array<i32>} : memref<128x64xf32, #tpu.memory_space<vmem>>, vector<16xf32>,
        %swap3A_239 = arith.index_cast %scan3A_233 : i32 to index
        %swap3A_240 = arith.constant 16 : index
        %swap3A_241 = tpu.vector_load %arg11[%swap3A_239, %swap3A_240] {strides = array<i32>} : memref<128x64xf32, #tpu.memory_space<vmem>>, vector<16xf32>,
        tpu.vector_store %arg11[%swap3A_239, %swap3A_240], %unpack3A_236 {strides = array<i32>} : memref<128x64xf32, #tpu.memory_space<vmem>>, vector<16xf32>,
        %get3A_242 = arith.index_cast %scan3A_233 : i32 to index
        %get3A_243 = arith.constant 32 : index
        %get3A_244 = tpu.vector_load %arg9[%get3A_242, %get3A_243] {strides = array<i32>} : memref<128x64xbf16, #tpu.memory_space<vmem>>, vector<32xbf16>,
        %unpack3A_245 = tpu.unpack_subelements %get3A_244, 0 {pack_format = #tpu.pack_format<interleaved>} : vector<32xbf16> -> vector<16xf32>
        %unpack3A_246 = tpu.unpack_subelements %get3A_244, 1 {pack_format = #tpu.pack_format<interleaved>} : vector<32xbf16> -> vector<16xf32>
        %swap3A_247 = arith.index_cast %scan3A_233 : i32 to index
        %swap3A_248 = arith.constant 32 : index
        %swap3A_249 = tpu.vector_load %arg11[%swap3A_247, %swap3A_248] {strides = array<i32>} : memref<128x64xf32, #tpu.memory_space<vmem>>, vector<16xf32>,
        tpu.vector_store %arg11[%swap3A_247, %swap3A_248], %unpack3A_245 {strides = array<i32>} : memref<128x64xf32, #tpu.memory_space<vmem>>, vector<16xf32>,
        %swap3A_250 = arith.index_cast %scan3A_233 : i32 to index
        %swap3A_251 = arith.constant 48 : index
        %swap3A_252 = tpu.vector_load %arg11[%swap3A_250, %swap3A_251] {strides = array<i32>} : memref<128x64xf32, #tpu.memory_space<vmem>>, vector<16xf32>,
        tpu.vector_store %arg11[%swap3A_250, %swap3A_251], %unpack3A_246 {strides = array<i32>} : memref<128x64xf32, #tpu.memory_space<vmem>>, vector<16xf32>,
      }
      %scan3A_216 = arith.constant 128 : i32
      %add3A_217 = arith.constant 3 : i32
      %add3A_218 = arith.addi %mul3A_162, %add3A_217 : i32
      %dma_start3A_219 = arith.constant 0 : i32
      %dma_start3A_220 = tpu.memref_slice %arg6[%add3A_218, %dma_start3A_219] : memref<160x128xi32, #tpu.memory_space<vmem>> -> memref<1x128xi32, #tpu.memory_space<vmem>>
      %dma_start3A_221 = tpu.memref_squeeze %dma_start3A_220 : memref<1x128xi32, #tpu.memory_space<vmem>> -> memref<128xi32, #tpu.memory_space<vmem>>
      %dma_start3A_222 = arith.constant 0 : i32
      %dma_start3A_223 = arith.constant 0 : i32
      %dma_start3A_224 = tpu.memref_slice %arg2[%dma_start3A_222, %dma_start3A_223] : memref<20000x64xbf16, #tpu.memory_space<hbm>> -> memref<20000x64xbf16, #tpu.memory_space<hbm>>
      tpu.enqueue_indirect_dma source(%dma_start3A_224 : memref<20000x64xbf16, #tpu.memory_space<hbm>>) target(%arg9 : memref<128x64xbf16, #tpu.memory_space<vmem>>) offsets(%dma_start3A_221 : memref<128xi32, #tpu.memory_space<vmem>>) semaphore(%arg14 : memref<!tpu.dma_semaphore, #tpu.memory_space<semaphore_mem>>)
      %add3A_225 = arith.constant 1 : i32
      %add3A_226 = arith.addi %mul3A_162, %add3A_225 : i32
      %dma_start3A_227 = arith.constant 0 : i32
      %dma_start3A_228 = tpu.memref_slice %arg7[%add3A_226, %dma_start3A_227] : memref<160x128xi32, #tpu.memory_space<vmem>> -> memref<1x128xi32, #tpu.memory_space<vmem>>
      %dma_start3A_229 = tpu.memref_squeeze %dma_start3A_228 : memref<1x128xi32, #tpu.memory_space<vmem>> -> memref<128xi32, #tpu.memory_space<vmem>>
      %dma_start3A_230 = arith.constant 0 : i32
      %dma_start3A_231 = arith.constant 0 : i32
      %dma_start3A_232 = tpu.memref_slice %arg12[%dma_start3A_230, %dma_start3A_231] : memref<10240x64xf32, #tpu.memory_space<vmem_shared>> -> memref<10240x64xf32, #tpu.memory_space<vmem_shared>>
      tpu.enqueue_indirect_dma source(%arg11 : memref<128x64xf32, #tpu.memory_space<vmem>>) target(%dma_start3A_232 : memref<10240x64xf32, #tpu.memory_space<vmem_shared>>) offsets(%dma_start3A_229 : memref<128xi32, #tpu.memory_space<vmem>>) semaphore(%arg16 : memref<!tpu.dma_semaphore, #tpu.memory_space<semaphore_mem>>) {add = true}
    }
    %scan3A_86 = arith.constant 78 : i32
    %dma_wait3A_87 = arith.constant 0 : i32
    %dma_wait3A_88 = arith.constant 0 : i32
    %dma_wait3A_89 = tpu.memref_slice %arg6[%dma_wait3A_87, %dma_wait3A_88] : memref<160x128xi32, #tpu.memory_space<vmem>> -> memref<1x128xi32, #tpu.memory_space<vmem>>
    %dma_wait3A_90 = tpu.memref_squeeze %dma_wait3A_89 : memref<1x128xi32, #tpu.memory_space<vmem>> -> memref<128xi32, #tpu.memory_space<vmem>>
    %dma_wait3A_91 = arith.constant 0 : i32
    %dma_wait3A_92 = arith.constant 0 : i32
    %dma_wait3A_93 = tpu.memref_slice %arg2[%dma_wait3A_91, %dma_wait3A_92] : memref<20000x64xbf16, #tpu.memory_space<hbm>> -> memref<20000x64xbf16, #tpu.memory_space<hbm>>
    tpu.wait_indirect_dma semaphore(%arg13 : memref<!tpu.dma_semaphore, #tpu.memory_space<semaphore_mem>>) src(%dma_wait3A_93 : memref<20000x64xbf16, #tpu.memory_space<hbm>>) dst(%arg8 : memref<128x64xbf16, #tpu.memory_space<vmem>>)
    %dma_wait3A_94 = arith.constant 0 : i32
    %dma_wait3A_95 = arith.constant 0 : i32
    %dma_wait3A_96 = tpu.memref_slice %arg7[%dma_wait3A_94, %dma_wait3A_95] : memref<160x128xi32, #tpu.memory_space<vmem>> -> memref<1x128xi32, #tpu.memory_space<vmem>>
    %dma_wait3A_97 = tpu.memref_squeeze %dma_wait3A_96 : memref<1x128xi32, #tpu.memory_space<vmem>> -> memref<128xi32, #tpu.memory_space<vmem>>
    %dma_wait3A_98 = arith.constant 0 : i32
    %dma_wait3A_99 = arith.constant 0 : i32
    %dma_wait3A_100 = tpu.memref_slice %arg12[%dma_wait3A_98, %dma_wait3A_99] : memref<10240x64xf32, #tpu.memory_space<vmem_shared>> -> memref<10240x64xf32, #tpu.memory_space<vmem_shared>>
    tpu.wait_indirect_dma semaphore(%arg15 : memref<!tpu.dma_semaphore, #tpu.memory_space<semaphore_mem>>) src(%arg10 : memref<128x64xf32, #tpu.memory_space<vmem>>) dst(%dma_wait3A_100 : memref<10240x64xf32, #tpu.memory_space<vmem_shared>>)
    %scan3A_101 = arith.constant 0 : i32
    %scan3A_102 = arith.constant 0 : i32
    %scan3A_103 = arith.constant 128 : i32
    %scan3A_104 = arith.addi %scan3A_102, %scan3A_103 : i32
    %scan3A_105 = arith.constant 1 : i32
    scf.for %scan3A_160 = %scan3A_102 to %scan3A_104 step %scan3A_105  : i32 {
      %get3A = arith.index_cast %scan3A_160 : i32 to index
      %get3A_161 = arith.constant 0 : index
      %get3A_162 = tpu.vector_load %arg8[%get3A, %get3A_161] {strides = array<i32>} : memref<128x64xbf16, #tpu.memory_space<vmem>>, vector<32xbf16>,
      %unpack3A = tpu.unpack_subelements %get3A_162, 0 {pack_format = #tpu.pack_format<interleaved>} : vector<32xbf16> -> vector<16xf32>
      %unpack3A_163 = tpu.unpack_subelements %get3A_162, 1 {pack_format = #tpu.pack_format<interleaved>} : vector<32xbf16> -> vector<16xf32>
      %swap3A = arith.index_cast %scan3A_160 : i32 to index
      %swap3A_164 = arith.constant 0 : index
      %swap3A_165 = tpu.vector_load %arg10[%swap3A, %swap3A_164] {strides = array<i32>} : memref<128x64xf32, #tpu.memory_space<vmem>>, vector<16xf32>,
      tpu.vector_store %arg10[%swap3A, %swap3A_164], %unpack3A {strides = array<i32>} : memref<128x64xf32, #tpu.memory_space<vmem>>, vector<16xf32>,
      %swap3A_166 = arith.index_cast %scan3A_160 : i32 to index
      %swap3A_167 = arith.constant 16 : index
      %swap3A_168 = tpu.vector_load %arg10[%swap3A_166, %swap3A_167] {strides = array<i32>} : memref<128x64xf32, #tpu.memory_space<vmem>>, vector<16xf32>,
      tpu.vector_store %arg10[%swap3A_166, %swap3A_167], %unpack3A_163 {strides = array<i32>} : memref<128x64xf32, #tpu.memory_space<vmem>>, vector<16xf32>,
      %get3A_169 = arith.index_cast %scan3A_160 : i32 to index
      %get3A_170 = arith.constant 32 : index
      %get3A_171 = tpu.vector_load %arg8[%get3A_169, %get3A_170] {strides = array<i32>} : memref<128x64xbf16, #tpu.memory_space<vmem>>, vector<32xbf16>,
      %unpack3A_172 = tpu.unpack_subelements %get3A_171, 0 {pack_format = #tpu.pack_format<interleaved>} : vector<32xbf16> -> vector<16xf32>
      %unpack3A_173 = tpu.unpack_subelements %get3A_171, 1 {pack_format = #tpu.pack_format<interleaved>} : vector<32xbf16> -> vector<16xf32>
      %swap3A_174 = arith.index_cast %scan3A_160 : i32 to index
      %swap3A_175 = arith.constant 32 : index
      %swap3A_176 = tpu.vector_load %arg10[%swap3A_174, %swap3A_175] {strides = array<i32>} : memref<128x64xf32, #tpu.memory_space<vmem>>, vector<16xf32>,
      tpu.vector_store %arg10[%swap3A_174, %swap3A_175], %unpack3A_172 {strides = array<i32>} : memref<128x64xf32, #tpu.memory_space<vmem>>, vector<16xf32>,
      %swap3A_177 = arith.index_cast %scan3A_160 : i32 to index
      %swap3A_178 = arith.constant 48 : index
      %swap3A_179 = tpu.vector_load %arg10[%swap3A_177, %swap3A_178] {strides = array<i32>} : memref<128x64xf32, #tpu.memory_space<vmem>>, vector<16xf32>,
      tpu.vector_store %arg10[%swap3A_177, %swap3A_178], %unpack3A_173 {strides = array<i32>} : memref<128x64xf32, #tpu.memory_space<vmem>>, vector<16xf32>,
    }
    %scan3A_106 = arith.constant 128 : i32
    %dma_start3A_107 = arith.constant 158 : i32
    %dma_start3A_108 = arith.constant 0 : i32
    %dma_start3A_109 = tpu.memref_slice %arg7[%dma_start3A_107, %dma_start3A_108] : memref<160x128xi32, #tpu.memory_space<vmem>> -> memref<1x128xi32, #tpu.memory_space<vmem>>
    %dma_start3A_110 = tpu.memref_squeeze %dma_start3A_109 : memref<1x128xi32, #tpu.memory_space<vmem>> -> memref<128xi32, #tpu.memory_space<vmem>>
    %dma_start3A_111 = arith.constant 0 : i32
    %dma_start3A_112 = arith.constant 0 : i32
    %dma_start3A_113 = tpu.memref_slice %arg12[%dma_start3A_111, %dma_start3A_112] : memref<10240x64xf32, #tpu.memory_space<vmem_shared>> -> memref<10240x64xf32, #tpu.memory_space<vmem_shared>>
    tpu.enqueue_indirect_dma source(%arg10 : memref<128x64xf32, #tpu.memory_space<vmem>>) target(%dma_start3A_113 : memref<10240x64xf32, #tpu.memory_space<vmem_shared>>) offsets(%dma_start3A_110 : memref<128xi32, #tpu.memory_space<vmem>>) semaphore(%arg15 : memref<!tpu.dma_semaphore, #tpu.memory_space<semaphore_mem>>) {add = true}
    %dma_wait3A_114 = arith.constant 1 : i32
    %dma_wait3A_115 = arith.constant 0 : i32
    %dma_wait3A_116 = tpu.memref_slice %arg6[%dma_wait3A_114, %dma_wait3A_115] : memref<160x128xi32, #tpu.memory_space<vmem>> -> memref<1x128xi32, #tpu.memory_space<vmem>>
    %dma_wait3A_117 = tpu.memref_squeeze %dma_wait3A_116 : memref<1x128xi32, #tpu.memory_space<vmem>> -> memref<128xi32, #tpu.memory_space<vmem>>
    %dma_wait3A_118 = arith.constant 0 : i32
    %dma_wait3A_119 = arith.constant 0 : i32
    %dma_wait3A_120 = tpu.memref_slice %arg2[%dma_wait3A_118, %dma_wait3A_119] : memref<20000x64xbf16, #tpu.memory_space<hbm>> -> memref<20000x64xbf16, #tpu.memory_space<hbm>>
    tpu.wait_indirect_dma semaphore(%arg14 : memref<!tpu.dma_semaphore, #tpu.memory_space<semaphore_mem>>) src(%dma_wait3A_120 : memref<20000x64xbf16, #tpu.memory_space<hbm>>) dst(%arg9 : memref<128x64xbf16, #tpu.memory_space<vmem>>)
    %dma_wait3A_121 = arith.constant 1 : i32
    %dma_wait3A_122 = arith.constant 0 : i32
    %dma_wait3A_123 = tpu.memref_slice %arg7[%dma_wait3A_121, %dma_wait3A_122] : memref<160x128xi32, #tpu.memory_space<vmem>> -> memref<1x128xi32, #tpu.memory_space<vmem>>
    %dma_wait3A_124 = tpu.memref_squeeze %dma_wait3A_123 : memref<1x128xi32, #tpu.memory_space<vmem>> -> memref<128xi32, #tpu.memory_space<vmem>>
    %dma_wait3A_125 = arith.constant 0 : i32
    %dma_wait3A_126 = arith.constant 0 : i32
    %dma_wait3A_127 = tpu.memref_slice %arg12[%dma_wait3A_125, %dma_wait3A_126] : memref<10240x64xf32, #tpu.memory_space<vmem_shared>> -> memref<10240x64xf32, #tpu.memory_space<vmem_shared>>
    tpu.wait_indirect_dma semaphore(%arg16 : memref<!tpu.dma_semaphore, #tpu.memory_space<semaphore_mem>>) src(%arg11 : memref<128x64xf32, #tpu.memory_space<vmem>>) dst(%dma_wait3A_127 : memref<10240x64xf32, #tpu.memory_space<vmem_shared>>)
    %scan3A_128 = arith.constant 0 : i32
    %scan3A_129 = arith.constant 0 : i32
    %scan3A_130 = arith.constant 128 : i32
    %scan3A_131 = arith.addi %scan3A_129, %scan3A_130 : i32
    %scan3A_132 = arith.constant 1 : i32
    scf.for %scan3A_160 = %scan3A_129 to %scan3A_131 step %scan3A_132  : i32 {
      %get3A = arith.index_cast %scan3A_160 : i32 to index
      %get3A_161 = arith.constant 0 : index
      %get3A_162 = tpu.vector_load %arg9[%get3A, %get3A_161] {strides = array<i32>} : memref<128x64xbf16, #tpu.memory_space<vmem>>, vector<32xbf16>,
      %unpack3A = tpu.unpack_subelements %get3A_162, 0 {pack_format = #tpu.pack_format<interleaved>} : vector<32xbf16> -> vector<16xf32>
      %unpack3A_163 = tpu.unpack_subelements %get3A_162, 1 {pack_format = #tpu.pack_format<interleaved>} : vector<32xbf16> -> vector<16xf32>
      %swap3A = arith.index_cast %scan3A_160 : i32 to index
      %swap3A_164 = arith.constant 0 : index
      %swap3A_165 = tpu.vector_load %arg11[%swap3A, %swap3A_164] {strides = array<i32>} : memref<128x64xf32, #tpu.memory_space<vmem>>, vector<16xf32>,
      tpu.vector_store %arg11[%swap3A, %swap3A_164], %unpack3A {strides = array<i32>} : memref<128x64xf32, #tpu.memory_space<vmem>>, vector<16xf32>,
      %swap3A_166 = arith.index_cast %scan3A_160 : i32 to index
      %swap3A_167 = arith.constant 16 : index
      %swap3A_168 = tpu.vector_load %arg11[%swap3A_166, %swap3A_167] {strides = array<i32>} : memref<128x64xf32, #tpu.memory_space<vmem>>, vector<16xf32>,
      tpu.vector_store %arg11[%swap3A_166, %swap3A_167], %unpack3A_163 {strides = array<i32>} : memref<128x64xf32, #tpu.memory_space<vmem>>, vector<16xf32>,
      %get3A_169 = arith.index_cast %scan3A_160 : i32 to index
      %get3A_170 = arith.constant 32 : index
      %get3A_171 = tpu.vector_load %arg9[%get3A_169, %get3A_170] {strides = array<i32>} : memref<128x64xbf16, #tpu.memory_space<vmem>>, vector<32xbf16>,
      %unpack3A_172 = tpu.unpack_subelements %get3A_171, 0 {pack_format = #tpu.pack_format<interleaved>} : vector<32xbf16> -> vector<16xf32>
      %unpack3A_173 = tpu.unpack_subelements %get3A_171, 1 {pack_format = #tpu.pack_format<interleaved>} : vector<32xbf16> -> vector<16xf32>
      %swap3A_174 = arith.index_cast %scan3A_160 : i32 to index
      %swap3A_175 = arith.constant 32 : index
      %swap3A_176 = tpu.vector_load %arg11[%swap3A_174, %swap3A_175] {strides = array<i32>} : memref<128x64xf32, #tpu.memory_space<vmem>>, vector<16xf32>,
      tpu.vector_store %arg11[%swap3A_174, %swap3A_175], %unpack3A_172 {strides = array<i32>} : memref<128x64xf32, #tpu.memory_space<vmem>>, vector<16xf32>,
      %swap3A_177 = arith.index_cast %scan3A_160 : i32 to index
      %swap3A_178 = arith.constant 48 : index
      %swap3A_179 = tpu.vector_load %arg11[%swap3A_177, %swap3A_178] {strides = array<i32>} : memref<128x64xf32, #tpu.memory_space<vmem>>, vector<16xf32>,
      tpu.vector_store %arg11[%swap3A_177, %swap3A_178], %unpack3A_173 {strides = array<i32>} : memref<128x64xf32, #tpu.memory_space<vmem>>, vector<16xf32>,
    }
    %scan3A_133 = arith.constant 128 : i32
    %dma_start3A_134 = arith.constant 159 : i32
    %dma_start3A_135 = arith.constant 0 : i32
    %dma_start3A_136 = tpu.memref_slice %arg7[%dma_start3A_134, %dma_start3A_135] : memref<160x128xi32, #tpu.memory_space<vmem>> -> memref<1x128xi32, #tpu.memory_space<vmem>>
    %dma_start3A_137 = tpu.memref_squeeze %dma_start3A_136 : memref<1x128xi32, #tpu.memory_space<vmem>> -> memref<128xi32, #tpu.memory_space<vmem>>
    %dma_start3A_138 = arith.constant 0 : i32
    %dma_start3A_139 = arith.constant 0 : i32
    %dma_start3A_140 = tpu.memref_slice %arg12[%dma_start3A_138, %dma_start3A_139] : memref<10240x64xf32, #tpu.memory_space<vmem_shared>> -> memref<10240x64xf32, #tpu.memory_space<vmem_shared>>
    tpu.enqueue_indirect_dma source(%arg11 : memref<128x64xf32, #tpu.memory_space<vmem>>) target(%dma_start3A_140 : memref<10240x64xf32, #tpu.memory_space<vmem_shared>>) offsets(%dma_start3A_137 : memref<128xi32, #tpu.memory_space<vmem>>) semaphore(%arg16 : memref<!tpu.dma_semaphore, #tpu.memory_space<semaphore_mem>>) {add = true}
    %dma_wait3A_141 = arith.constant 0 : i32
    %dma_wait3A_142 = arith.constant 0 : i32
    %dma_wait3A_143 = tpu.memref_slice %arg7[%dma_wait3A_141, %dma_wait3A_142] : memref<160x128xi32, #tpu.memory_space<vmem>> -> memref<1x128xi32, #tpu.memory_space<vmem>>
    %dma_wait3A_144 = tpu.memref_squeeze %dma_wait3A_143 : memref<1x128xi32, #tpu.memory_space<vmem>> -> memref<128xi32, #tpu.memory_space<vmem>>
    %dma_wait3A_145 = arith.constant 0 : i32
    %dma_wait3A_146 = arith.constant 0 : i32
    %dma_wait3A_147 = tpu.memref_slice %arg12[%dma_wait3A_145, %dma_wait3A_146] : memref<10240x64xf32, #tpu.memory_space<vmem_shared>> -> memref<10240x64xf32, #tpu.memory_space<vmem_shared>>
    tpu.wait_indirect_dma semaphore(%arg15 : memref<!tpu.dma_semaphore, #tpu.memory_space<semaphore_mem>>) src(%arg10 : memref<128x64xf32, #tpu.memory_space<vmem>>) dst(%dma_wait3A_147 : memref<10240x64xf32, #tpu.memory_space<vmem_shared>>)
    %dma_wait3A_148 = arith.constant 1 : i32
    %dma_wait3A_149 = arith.constant 0 : i32
    %dma_wait3A_150 = tpu.memref_slice %arg7[%dma_wait3A_148, %dma_wait3A_149] : memref<160x128xi32, #tpu.memory_space<vmem>> -> memref<1x128xi32, #tpu.memory_space<vmem>>
    %dma_wait3A_151 = tpu.memref_squeeze %dma_wait3A_150 : memref<1x128xi32, #tpu.memory_space<vmem>> -> memref<128xi32, #tpu.memory_space<vmem>>
    %dma_wait3A_152 = arith.constant 0 : i32
    %dma_wait3A_153 = arith.constant 0 : i32
    %dma_wait3A_154 = tpu.memref_slice %arg12[%dma_wait3A_152, %dma_wait3A_153] : memref<10240x64xf32, #tpu.memory_space<vmem_shared>> -> memref<10240x64xf32, #tpu.memory_space<vmem_shared>>
    tpu.wait_indirect_dma semaphore(%arg16 : memref<!tpu.dma_semaphore, #tpu.memory_space<semaphore_mem>>) src(%arg11 : memref<128x64xf32, #tpu.memory_space<vmem>>) dst(%dma_wait3A_154 : memref<10240x64xf32, #tpu.memory_space<vmem_shared>>)
    %barrier3A_155 = arith.constant 0 : index
    tpu.barrier barrier_id(%barrier3A_155)
    %mul3A_156 = arith.constant 640 : i32
    %mul3A_157 = arith.muli %arg1, %mul3A_156 : i32
    %mul3A_158 = arith.constant 640 : i32
    %mul3A_159 = arith.muli %arg1, %mul3A_158 : i32
    "tpu.region"() ({
      %run_scoped3A = tpu.sem_alloc : memref<!tpu.dma_semaphore, #tpu.memory_space<semaphore_mem>>
      %dma_start3A_160 = arith.constant 0 : i32
      %dma_start3A_161 = tpu.memref_slice %arg5[%arg0, %mul3A_159, %dma_start3A_160] : memref<2x10240x64xf32, #tpu.memory_space<hbm>> -> memref<1x640x64xf32, #tpu.memory_space<hbm>>
      %dma_start3A_162 = tpu.memref_squeeze %dma_start3A_161 : memref<1x640x64xf32, #tpu.memory_space<hbm>> -> memref<640x64xf32, #tpu.memory_space<hbm>>
      %dma_start3A_163 = arith.constant 0 : i32
      %dma_start3A_164 = tpu.memref_slice %arg12[%mul3A_157, %dma_start3A_163] : memref<10240x64xf32, #tpu.memory_space<vmem_shared>> -> memref<640x64xf32, #tpu.memory_space<vmem_shared>>
      tpu.enqueue_dma source(%dma_start3A_164 : memref<640x64xf32, #tpu.memory_space<vmem_shared>>) target(%dma_start3A_162 : memref<640x64xf32, #tpu.memory_space<hbm>>) target_semaphore(%run_scoped3A : memref<!tpu.dma_semaphore, #tpu.memory_space<semaphore_mem>>)
      %dma_wait3A_165 = arith.constant 0 : i32
      %dma_wait3A_166 = tpu.memref_slice %arg5[%arg0, %mul3A_159, %dma_wait3A_165] : memref<2x10240x64xf32, #tpu.memory_space<hbm>> -> memref<1x640x64xf32, #tpu.memory_space<hbm>>
      %dma_wait3A_167 = tpu.memref_squeeze %dma_wait3A_166 : memref<1x640x64xf32, #tpu.memory_space<hbm>> -> memref<640x64xf32, #tpu.memory_space<hbm>>
      %dma_wait3A_168 = arith.constant 0 : i32
      %dma_wait3A_169 = tpu.memref_slice %arg12[%mul3A_157, %dma_wait3A_168] : memref<10240x64xf32, #tpu.memory_space<vmem_shared>> -> memref<640x64xf32, #tpu.memory_space<vmem_shared>>
      tpu.wait_dma2 semaphore(%run_scoped3A : memref<!tpu.dma_semaphore, #tpu.memory_space<semaphore_mem>>) src(%dma_wait3A_169 : memref<640x64xf32, #tpu.memory_space<vmem_shared>>) dst(%dma_wait3A_167 : memref<640x64xf32, #tpu.memory_space<hbm>>)
      tpu.yield
    }) : () -> ()
    return
  }
}

#map = affine_map<(d0, d1) -> (0, 0)>
#map1 = affine_map<(d0, d1) -> (0, 0, 0, 0)>
#map2 = affine_map<(d0, d1) -> (0, 0, 0)>
module attributes {stable_mosaic.version = 14 : i64} {
  func.func @_sc_agg_body(%arg0: i32, %arg1: i32, %arg2: memref<20000x64xbf16, #tpu.memory_space<hbm>>, %arg3: memref<2x16x160x128xi32, #tpu.memory_space<hbm>>, %arg4: memref<16x160x128xi32, #tpu.memory_space<hbm>>, %arg5: memref<2x10240x64xf32, #tpu.memory_space<hbm>>, %arg6: memref<160x128xi32, #tpu.memory_space<vmem>>, %arg7: memref<160x128xi32, #tpu.memory_space<vmem>>, %arg8: memref<128x64xbf16, #tpu.memory_space<vmem>>, %arg9: memref<128x64xbf16, #tpu.memory_space<vmem>>, %arg10: memref<128x64xf32, #tpu.memory_space<vmem>>, %arg11: memref<128x64xf32, #tpu.memory_space<vmem>>, %arg12: memref<10240x64xf32, #tpu.memory_space<vmem_shared>>, %arg13: memref<!tpu.dma_semaphore, #tpu.memory_space<semaphore_mem>>, %arg14: memref<!tpu.dma_semaphore, #tpu.memory_space<semaphore_mem>>, %arg15: memref<!tpu.dma_semaphore, #tpu.memory_space<semaphore_mem>>, %arg16: memref<!tpu.dma_semaphore, #tpu.memory_space<semaphore_mem>>) attributes {dimension_semantics = [#tpu.dimension_semantics<core_parallel>, #tpu.dimension_semantics<subcore_parallel>], iteration_bounds = array<i64: 2, 16>, scalar_prefetch = 0 : i64, scratch_operands = 11 : i64, tpu.core_type = #tpu.core_type<sc_vector_subcore>, window_params = [{transform_indices = #map}, {transform_indices = #map1}, {transform_indices = #map2}, {transform_indices = #map2}]} {
    "tpu.region"() ({
      %run_scoped3A = tpu.sem_alloc : memref<!tpu.dma_semaphore, #tpu.memory_space<semaphore_mem>>
      %dma_start3A_160 = arith.constant 0 : i32
      %dma_start3A_161 = arith.constant 0 : i32
      %dma_start3A_162 = tpu.memref_slice %arg3[%arg0, %arg1, %dma_start3A_160, %dma_start3A_161] : memref<2x16x160x128xi32, #tpu.memory_space<hbm>> -> memref<1x1x160x128xi32, #tpu.memory_space<hbm>>
      %dma_start3A_163 = tpu.memref_squeeze %dma_start3A_162 : memref<1x1x160x128xi32, #tpu.memory_space<hbm>> -> memref<160x128xi32, #tpu.memory_space<hbm>>
      %dma_start3A_164 = arith.constant 0 : i32
      %dma_start3A_165 = arith.constant 0 : i32
      %dma_start3A_166 = tpu.memref_slice %arg3[%arg0, %arg1, %dma_start3A_164, %dma_start3A_165] : memref<2x16x160x128xi32, #tpu.memory_space<hbm>> -> memref<1x1x160x128xi32, #tpu.memory_space<hbm>>
      %dma_start3A_167 = tpu.memref_squeeze %dma_start3A_166 : memref<1x1x160x128xi32, #tpu.memory_space<hbm>> -> memref<160x128xi32, #tpu.memory_space<hbm>>
      tpu.enqueue_dma source(%dma_start3A_167 : memref<160x128xi32, #tpu.memory_space<hbm>>) target(%arg6 : memref<160x128xi32, #tpu.memory_space<vmem>>) target_semaphore(%run_scoped3A : memref<!tpu.dma_semaphore, #tpu.memory_space<semaphore_mem>>)
      %dma_wait3A_168 = arith.constant 0 : i32
      %dma_wait3A_169 = arith.constant 0 : i32
      %dma_wait3A_170 = tpu.memref_slice %arg3[%arg0, %arg1, %dma_wait3A_168, %dma_wait3A_169] : memref<2x16x160x128xi32, #tpu.memory_space<hbm>> -> memref<1x1x160x128xi32, #tpu.memory_space<hbm>>
      %dma_wait3A_171 = tpu.memref_squeeze %dma_wait3A_170 : memref<1x1x160x128xi32, #tpu.memory_space<hbm>> -> memref<160x128xi32, #tpu.memory_space<hbm>>
      %dma_wait3A_172 = arith.constant 0 : i32
      %dma_wait3A_173 = arith.constant 0 : i32
      %dma_wait3A_174 = tpu.memref_slice %arg3[%arg0, %arg1, %dma_wait3A_172, %dma_wait3A_173] : memref<2x16x160x128xi32, #tpu.memory_space<hbm>> -> memref<1x1x160x128xi32, #tpu.memory_space<hbm>>
      %dma_wait3A_175 = tpu.memref_squeeze %dma_wait3A_174 : memref<1x1x160x128xi32, #tpu.memory_space<hbm>> -> memref<160x128xi32, #tpu.memory_space<hbm>>
      tpu.wait_dma2 semaphore(%run_scoped3A : memref<!tpu.dma_semaphore, #tpu.memory_space<semaphore_mem>>) src(%dma_wait3A_175 : memref<160x128xi32, #tpu.memory_space<hbm>>) dst(%arg6 : memref<160x128xi32, #tpu.memory_space<vmem>>)
      tpu.yield
    }) : () -> ()
    "tpu.region"() ({
      %run_scoped3A = tpu.sem_alloc : memref<!tpu.dma_semaphore, #tpu.memory_space<semaphore_mem>>
      %dma_start3A_160 = arith.constant 0 : i32
      %dma_start3A_161 = arith.constant 0 : i32
      %dma_start3A_162 = tpu.memref_slice %arg4[%arg1, %dma_start3A_160, %dma_start3A_161] : memref<16x160x128xi32, #tpu.memory_space<hbm>> -> memref<1x160x128xi32, #tpu.memory_space<hbm>>
      %dma_start3A_163 = tpu.memref_squeeze %dma_start3A_162 : memref<1x160x128xi32, #tpu.memory_space<hbm>> -> memref<160x128xi32, #tpu.memory_space<hbm>>
      %dma_start3A_164 = arith.constant 0 : i32
      %dma_start3A_165 = arith.constant 0 : i32
      %dma_start3A_166 = tpu.memref_slice %arg4[%arg1, %dma_start3A_164, %dma_start3A_165] : memref<16x160x128xi32, #tpu.memory_space<hbm>> -> memref<1x160x128xi32, #tpu.memory_space<hbm>>
      %dma_start3A_167 = tpu.memref_squeeze %dma_start3A_166 : memref<1x160x128xi32, #tpu.memory_space<hbm>> -> memref<160x128xi32, #tpu.memory_space<hbm>>
      tpu.enqueue_dma source(%dma_start3A_167 : memref<160x128xi32, #tpu.memory_space<hbm>>) target(%arg7 : memref<160x128xi32, #tpu.memory_space<vmem>>) target_semaphore(%run_scoped3A : memref<!tpu.dma_semaphore, #tpu.memory_space<semaphore_mem>>)
      %dma_wait3A_168 = arith.constant 0 : i32
      %dma_wait3A_169 = arith.constant 0 : i32
      %dma_wait3A_170 = tpu.memref_slice %arg4[%arg1, %dma_wait3A_168, %dma_wait3A_169] : memref<16x160x128xi32, #tpu.memory_space<hbm>> -> memref<1x160x128xi32, #tpu.memory_space<hbm>>
      %dma_wait3A_171 = tpu.memref_squeeze %dma_wait3A_170 : memref<1x160x128xi32, #tpu.memory_space<hbm>> -> memref<160x128xi32, #tpu.memory_space<hbm>>
      %dma_wait3A_172 = arith.constant 0 : i32
      %dma_wait3A_173 = arith.constant 0 : i32
      %dma_wait3A_174 = tpu.memref_slice %arg4[%arg1, %dma_wait3A_172, %dma_wait3A_173] : memref<16x160x128xi32, #tpu.memory_space<hbm>> -> memref<1x160x128xi32, #tpu.memory_space<hbm>>
      %dma_wait3A_175 = tpu.memref_squeeze %dma_wait3A_174 : memref<1x160x128xi32, #tpu.memory_space<hbm>> -> memref<160x128xi32, #tpu.memory_space<hbm>>
      tpu.wait_dma2 semaphore(%run_scoped3A : memref<!tpu.dma_semaphore, #tpu.memory_space<semaphore_mem>>) src(%dma_wait3A_175 : memref<160x128xi32, #tpu.memory_space<hbm>>) dst(%arg7 : memref<160x128xi32, #tpu.memory_space<vmem>>)
      tpu.yield
    }) : () -> ()
    %scan3A = arith.constant 0 : i32
    %scan3A_0 = arith.constant 0 : i32
    %scan3A_1 = arith.constant 512 : i32
    %scan3A_2 = arith.addi %scan3A_0, %scan3A_1 : i32
    %scan3A_3 = arith.constant 1 : i32
    scf.for %scan3A_160 = %scan3A_0 to %scan3A_2 step %scan3A_3  : i32 {
      %broadcast_in_dim3A = arith.constant 0.000000e+00 : f32
      %broadcast_in_dim3A_161 = vector.broadcast %broadcast_in_dim3A : f32 to vector<16xf32>
      %jit3A = arith.constant 4 : i32
      %div3A = arith.divsi %scan3A_160, %jit3A : i32
      %sign3A = arith.constant 0 : i32
      %sign3A_162 = arith.cmpi sgt, %scan3A_160, %sign3A : i32
      %sign3A_163 = arith.extui %sign3A_162 : i1 to i32
      %sign3A_164 = arith.constant 0 : i32
      %sign3A_165 = arith.cmpi slt, %scan3A_160, %sign3A_164 : i32
      %sign3A_166 = arith.extui %sign3A_165 : i1 to i32
      %sign3A_167 = arith.subi %sign3A_163, %sign3A_166 : i32
      %sign3A_168 = arith.constant 0 : i32
      %sign3A_169 = arith.cmpi sgt, %jit3A, %sign3A_168 : i32
      %sign3A_170 = arith.extui %sign3A_169 : i1 to i32
      %sign3A_171 = arith.constant 0 : i32
      %sign3A_172 = arith.cmpi slt, %jit3A, %sign3A_171 : i32
      %sign3A_173 = arith.extui %sign3A_172 : i1 to i32
      %sign3A_174 = arith.subi %sign3A_170, %sign3A_173 : i32
      %ne3A = arith.cmpi ne, %sign3A_167, %sign3A_174 : i32
      %rem3A = arith.remsi %scan3A_160, %jit3A : i32
      %ne3A_175 = arith.constant 0 : i32
      %ne3A_176 = arith.cmpi ne, %rem3A, %ne3A_175 : i32
      %and3A = arith.andi %ne3A, %ne3A_176 : i1
      %sub3A = arith.constant 1 : i32
      %sub3A_177 = arith.subi %div3A, %sub3A : i32
      %select_n3A = arith.select %and3A, %sub3A_177, %div3A : i32
      %jit3A_178 = arith.constant 4 : i32
      %eq3A = arith.constant 0 : i32
      %eq3A_179 = arith.cmpi eq, %jit3A_178, %eq3A : i32
      %jit3A_180 = arith.constant 1 : i32
      %select_n3A_181 = arith.select %eq3A_179, %jit3A_180, %jit3A_178 : i32
      %rem3A_182 = arith.remsi %scan3A_160, %select_n3A_181 : i32
      %ne3A_183 = arith.constant 0 : i32
      %ne3A_184 = arith.cmpi ne, %rem3A_182, %ne3A_183 : i32
      %lt3A = arith.constant 0 : i32
      %lt3A_185 = arith.cmpi slt, %rem3A_182, %lt3A : i32
      %lt3A_186 = arith.constant 0 : i32
      %lt3A_187 = arith.cmpi slt, %select_n3A_181, %lt3A_186 : i32
      %ne3A_188 = arith.xori %lt3A_185, %lt3A_187 : i1
      %and3A_189 = arith.andi %ne3A_188, %ne3A_184 : i1
      %add3A_190 = arith.addi %rem3A_182, %select_n3A_181 : i32
      %select_n3A_191 = arith.select %and3A_189, %add3A_190, %rem3A_182 : i32
      %mul3A_192 = arith.constant 16 : i32
      %mul3A_193 = arith.muli %select_n3A_191, %mul3A_192 : i32
      %swap3A = arith.index_cast %select_n3A : i32 to index
      %swap3A_194 = arith.index_cast %mul3A_193 : i32 to index
      %swap3A_195 = tpu.vector_load %arg10[%swap3A, %swap3A_194] {strides = array<i32>} : memref<128x64xf32, #tpu.memory_space<vmem>>, vector<16xf32>,
      tpu.vector_store %arg10[%swap3A, %swap3A_194], %broadcast_in_dim3A_161 {strides = array<i32>} : memref<128x64xf32, #tpu.memory_space<vmem>>, vector<16xf32>,
    }
    %scan3A_4 = arith.constant 512 : i32
    %mul3A = arith.constant 640 : i32
    %mul3A_5 = arith.muli %arg1, %mul3A : i32
    %add3A = arith.constant 0 : i32
    %add3A_6 = arith.addi %mul3A_5, %add3A : i32
    "tpu.region"() ({
      %run_scoped3A = tpu.sem_alloc : memref<!tpu.dma_semaphore, #tpu.memory_space<semaphore_mem>>
      %dma_start3A_160 = arith.constant 0 : i32
      %dma_start3A_161 = tpu.memref_slice %arg12[%add3A_6, %dma_start3A_160] : memref<10240x64xf32, #tpu.memory_space<vmem_shared>> -> memref<128x64xf32, #tpu.memory_space<vmem_shared>>
      %dma_start3A_162 = arith.constant 0 : i32
      %dma_start3A_163 = tpu.memref_slice %arg12[%add3A_6, %dma_start3A_162] : memref<10240x64xf32, #tpu.memory_space<vmem_shared>> -> memref<128x64xf32, #tpu.memory_space<vmem_shared>>
      tpu.enqueue_dma source(%arg10 : memref<128x64xf32, #tpu.memory_space<vmem>>) target(%dma_start3A_163 : memref<128x64xf32, #tpu.memory_space<vmem_shared>>) target_semaphore(%run_scoped3A : memref<!tpu.dma_semaphore, #tpu.memory_space<semaphore_mem>>)
      %dma_wait3A_164 = arith.constant 0 : i32
      %dma_wait3A_165 = tpu.memref_slice %arg12[%add3A_6, %dma_wait3A_164] : memref<10240x64xf32, #tpu.memory_space<vmem_shared>> -> memref<128x64xf32, #tpu.memory_space<vmem_shared>>
      %dma_wait3A_166 = arith.constant 0 : i32
      %dma_wait3A_167 = tpu.memref_slice %arg12[%add3A_6, %dma_wait3A_166] : memref<10240x64xf32, #tpu.memory_space<vmem_shared>> -> memref<128x64xf32, #tpu.memory_space<vmem_shared>>
      tpu.wait_dma2 semaphore(%run_scoped3A : memref<!tpu.dma_semaphore, #tpu.memory_space<semaphore_mem>>) src(%arg10 : memref<128x64xf32, #tpu.memory_space<vmem>>) dst(%dma_wait3A_167 : memref<128x64xf32, #tpu.memory_space<vmem_shared>>)
      tpu.yield
    }) : () -> ()
    %add3A_7 = arith.constant 128 : i32
    %add3A_8 = arith.addi %mul3A_5, %add3A_7 : i32
    "tpu.region"() ({
      %run_scoped3A = tpu.sem_alloc : memref<!tpu.dma_semaphore, #tpu.memory_space<semaphore_mem>>
      %dma_start3A_160 = arith.constant 0 : i32
      %dma_start3A_161 = tpu.memref_slice %arg12[%add3A_8, %dma_start3A_160] : memref<10240x64xf32, #tpu.memory_space<vmem_shared>> -> memref<128x64xf32, #tpu.memory_space<vmem_shared>>
      %dma_start3A_162 = arith.constant 0 : i32
      %dma_start3A_163 = tpu.memref_slice %arg12[%add3A_8, %dma_start3A_162] : memref<10240x64xf32, #tpu.memory_space<vmem_shared>> -> memref<128x64xf32, #tpu.memory_space<vmem_shared>>
      tpu.enqueue_dma source(%arg10 : memref<128x64xf32, #tpu.memory_space<vmem>>) target(%dma_start3A_163 : memref<128x64xf32, #tpu.memory_space<vmem_shared>>) target_semaphore(%run_scoped3A : memref<!tpu.dma_semaphore, #tpu.memory_space<semaphore_mem>>)
      %dma_wait3A_164 = arith.constant 0 : i32
      %dma_wait3A_165 = tpu.memref_slice %arg12[%add3A_8, %dma_wait3A_164] : memref<10240x64xf32, #tpu.memory_space<vmem_shared>> -> memref<128x64xf32, #tpu.memory_space<vmem_shared>>
      %dma_wait3A_166 = arith.constant 0 : i32
      %dma_wait3A_167 = tpu.memref_slice %arg12[%add3A_8, %dma_wait3A_166] : memref<10240x64xf32, #tpu.memory_space<vmem_shared>> -> memref<128x64xf32, #tpu.memory_space<vmem_shared>>
      tpu.wait_dma2 semaphore(%run_scoped3A : memref<!tpu.dma_semaphore, #tpu.memory_space<semaphore_mem>>) src(%arg10 : memref<128x64xf32, #tpu.memory_space<vmem>>) dst(%dma_wait3A_167 : memref<128x64xf32, #tpu.memory_space<vmem_shared>>)
      tpu.yield
    }) : () -> ()
    %add3A_9 = arith.constant 256 : i32
    %add3A_10 = arith.addi %mul3A_5, %add3A_9 : i32
    "tpu.region"() ({
      %run_scoped3A = tpu.sem_alloc : memref<!tpu.dma_semaphore, #tpu.memory_space<semaphore_mem>>
      %dma_start3A_160 = arith.constant 0 : i32
      %dma_start3A_161 = tpu.memref_slice %arg12[%add3A_10, %dma_start3A_160] : memref<10240x64xf32, #tpu.memory_space<vmem_shared>> -> memref<128x64xf32, #tpu.memory_space<vmem_shared>>
      %dma_start3A_162 = arith.constant 0 : i32
      %dma_start3A_163 = tpu.memref_slice %arg12[%add3A_10, %dma_start3A_162] : memref<10240x64xf32, #tpu.memory_space<vmem_shared>> -> memref<128x64xf32, #tpu.memory_space<vmem_shared>>
      tpu.enqueue_dma source(%arg10 : memref<128x64xf32, #tpu.memory_space<vmem>>) target(%dma_start3A_163 : memref<128x64xf32, #tpu.memory_space<vmem_shared>>) target_semaphore(%run_scoped3A : memref<!tpu.dma_semaphore, #tpu.memory_space<semaphore_mem>>)
      %dma_wait3A_164 = arith.constant 0 : i32
      %dma_wait3A_165 = tpu.memref_slice %arg12[%add3A_10, %dma_wait3A_164] : memref<10240x64xf32, #tpu.memory_space<vmem_shared>> -> memref<128x64xf32, #tpu.memory_space<vmem_shared>>
      %dma_wait3A_166 = arith.constant 0 : i32
      %dma_wait3A_167 = tpu.memref_slice %arg12[%add3A_10, %dma_wait3A_166] : memref<10240x64xf32, #tpu.memory_space<vmem_shared>> -> memref<128x64xf32, #tpu.memory_space<vmem_shared>>
      tpu.wait_dma2 semaphore(%run_scoped3A : memref<!tpu.dma_semaphore, #tpu.memory_space<semaphore_mem>>) src(%arg10 : memref<128x64xf32, #tpu.memory_space<vmem>>) dst(%dma_wait3A_167 : memref<128x64xf32, #tpu.memory_space<vmem_shared>>)
      tpu.yield
    }) : () -> ()
    %add3A_11 = arith.constant 384 : i32
    %add3A_12 = arith.addi %mul3A_5, %add3A_11 : i32
    "tpu.region"() ({
      %run_scoped3A = tpu.sem_alloc : memref<!tpu.dma_semaphore, #tpu.memory_space<semaphore_mem>>
      %dma_start3A_160 = arith.constant 0 : i32
      %dma_start3A_161 = tpu.memref_slice %arg12[%add3A_12, %dma_start3A_160] : memref<10240x64xf32, #tpu.memory_space<vmem_shared>> -> memref<128x64xf32, #tpu.memory_space<vmem_shared>>
      %dma_start3A_162 = arith.constant 0 : i32
      %dma_start3A_163 = tpu.memref_slice %arg12[%add3A_12, %dma_start3A_162] : memref<10240x64xf32, #tpu.memory_space<vmem_shared>> -> memref<128x64xf32, #tpu.memory_space<vmem_shared>>
      tpu.enqueue_dma source(%arg10 : memref<128x64xf32, #tpu.memory_space<vmem>>) target(%dma_start3A_163 : memref<128x64xf32, #tpu.memory_space<vmem_shared>>) target_semaphore(%run_scoped3A : memref<!tpu.dma_semaphore, #tpu.memory_space<semaphore_mem>>)
      %dma_wait3A_164 = arith.constant 0 : i32
      %dma_wait3A_165 = tpu.memref_slice %arg12[%add3A_12, %dma_wait3A_164] : memref<10240x64xf32, #tpu.memory_space<vmem_shared>> -> memref<128x64xf32, #tpu.memory_space<vmem_shared>>
      %dma_wait3A_166 = arith.constant 0 : i32
      %dma_wait3A_167 = tpu.memref_slice %arg12[%add3A_12, %dma_wait3A_166] : memref<10240x64xf32, #tpu.memory_space<vmem_shared>> -> memref<128x64xf32, #tpu.memory_space<vmem_shared>>
      tpu.wait_dma2 semaphore(%run_scoped3A : memref<!tpu.dma_semaphore, #tpu.memory_space<semaphore_mem>>) src(%arg10 : memref<128x64xf32, #tpu.memory_space<vmem>>) dst(%dma_wait3A_167 : memref<128x64xf32, #tpu.memory_space<vmem_shared>>)
      tpu.yield
    }) : () -> ()
    %add3A_13 = arith.constant 512 : i32
    %add3A_14 = arith.addi %mul3A_5, %add3A_13 : i32
    "tpu.region"() ({
      %run_scoped3A = tpu.sem_alloc : memref<!tpu.dma_semaphore, #tpu.memory_space<semaphore_mem>>
      %dma_start3A_160 = arith.constant 0 : i32
      %dma_start3A_161 = tpu.memref_slice %arg12[%add3A_14, %dma_start3A_160] : memref<10240x64xf32, #tpu.memory_space<vmem_shared>> -> memref<128x64xf32, #tpu.memory_space<vmem_shared>>
      %dma_start3A_162 = arith.constant 0 : i32
      %dma_start3A_163 = tpu.memref_slice %arg12[%add3A_14, %dma_start3A_162] : memref<10240x64xf32, #tpu.memory_space<vmem_shared>> -> memref<128x64xf32, #tpu.memory_space<vmem_shared>>
      tpu.enqueue_dma source(%arg10 : memref<128x64xf32, #tpu.memory_space<vmem>>) target(%dma_start3A_163 : memref<128x64xf32, #tpu.memory_space<vmem_shared>>) target_semaphore(%run_scoped3A : memref<!tpu.dma_semaphore, #tpu.memory_space<semaphore_mem>>)
      %dma_wait3A_164 = arith.constant 0 : i32
      %dma_wait3A_165 = tpu.memref_slice %arg12[%add3A_14, %dma_wait3A_164] : memref<10240x64xf32, #tpu.memory_space<vmem_shared>> -> memref<128x64xf32, #tpu.memory_space<vmem_shared>>
      %dma_wait3A_166 = arith.constant 0 : i32
      %dma_wait3A_167 = tpu.memref_slice %arg12[%add3A_14, %dma_wait3A_166] : memref<10240x64xf32, #tpu.memory_space<vmem_shared>> -> memref<128x64xf32, #tpu.memory_space<vmem_shared>>
      tpu.wait_dma2 semaphore(%run_scoped3A : memref<!tpu.dma_semaphore, #tpu.memory_space<semaphore_mem>>) src(%arg10 : memref<128x64xf32, #tpu.memory_space<vmem>>) dst(%dma_wait3A_167 : memref<128x64xf32, #tpu.memory_space<vmem_shared>>)
      tpu.yield
    }) : () -> ()
    %barrier3A = arith.constant 0 : index
    tpu.barrier barrier_id(%barrier3A)
    %dma_start3A = arith.constant 0 : i32
    %dma_start3A_15 = arith.constant 0 : i32
    %dma_start3A_16 = tpu.memref_slice %arg6[%dma_start3A, %dma_start3A_15] : memref<160x128xi32, #tpu.memory_space<vmem>> -> memref<1x128xi32, #tpu.memory_space<vmem>>
    %dma_start3A_17 = tpu.memref_squeeze %dma_start3A_16 : memref<1x128xi32, #tpu.memory_space<vmem>> -> memref<128xi32, #tpu.memory_space<vmem>>
    %dma_start3A_18 = arith.constant 0 : i32
    %dma_start3A_19 = arith.constant 0 : i32
    %dma_start3A_20 = tpu.memref_slice %arg2[%dma_start3A_18, %dma_start3A_19] : memref<20000x64xbf16, #tpu.memory_space<hbm>> -> memref<20000x64xbf16, #tpu.memory_space<hbm>>
    tpu.enqueue_indirect_dma source(%dma_start3A_20 : memref<20000x64xbf16, #tpu.memory_space<hbm>>) target(%arg8 : memref<128x64xbf16, #tpu.memory_space<vmem>>) offsets(%dma_start3A_17 : memref<128xi32, #tpu.memory_space<vmem>>) semaphore(%arg13 : memref<!tpu.dma_semaphore, #tpu.memory_space<semaphore_mem>>)
    %dma_start3A_21 = arith.constant 1 : i32
    %dma_start3A_22 = arith.constant 0 : i32
    %dma_start3A_23 = tpu.memref_slice %arg6[%dma_start3A_21, %dma_start3A_22] : memref<160x128xi32, #tpu.memory_space<vmem>> -> memref<1x128xi32, #tpu.memory_space<vmem>>
    %dma_start3A_24 = tpu.memref_squeeze %dma_start3A_23 : memref<1x128xi32, #tpu.memory_space<vmem>> -> memref<128xi32, #tpu.memory_space<vmem>>
    %dma_start3A_25 = arith.constant 0 : i32
    %dma_start3A_26 = arith.constant 0 : i32
    %dma_start3A_27 = tpu.memref_slice %arg2[%dma_start3A_25, %dma_start3A_26] : memref<20000x64xbf16, #tpu.memory_space<hbm>> -> memref<20000x64xbf16, #tpu.memory_space<hbm>>
    tpu.enqueue_indirect_dma source(%dma_start3A_27 : memref<20000x64xbf16, #tpu.memory_space<hbm>>) target(%arg9 : memref<128x64xbf16, #tpu.memory_space<vmem>>) offsets(%dma_start3A_24 : memref<128xi32, #tpu.memory_space<vmem>>) semaphore(%arg14 : memref<!tpu.dma_semaphore, #tpu.memory_space<semaphore_mem>>)
    %dma_wait3A = arith.constant 0 : i32
    %dma_wait3A_28 = arith.constant 0 : i32
    %dma_wait3A_29 = tpu.memref_slice %arg6[%dma_wait3A, %dma_wait3A_28] : memref<160x128xi32, #tpu.memory_space<vmem>> -> memref<1x128xi32, #tpu.memory_space<vmem>>
    %dma_wait3A_30 = tpu.memref_squeeze %dma_wait3A_29 : memref<1x128xi32, #tpu.memory_space<vmem>> -> memref<128xi32, #tpu.memory_space<vmem>>
    %dma_wait3A_31 = arith.constant 0 : i32
    %dma_wait3A_32 = arith.constant 0 : i32
    %dma_wait3A_33 = tpu.memref_slice %arg2[%dma_wait3A_31, %dma_wait3A_32] : memref<20000x64xbf16, #tpu.memory_space<hbm>> -> memref<20000x64xbf16, #tpu.memory_space<hbm>>
    tpu.wait_indirect_dma semaphore(%arg13 : memref<!tpu.dma_semaphore, #tpu.memory_space<semaphore_mem>>) src(%dma_wait3A_33 : memref<20000x64xbf16, #tpu.memory_space<hbm>>) dst(%arg8 : memref<128x64xbf16, #tpu.memory_space<vmem>>)
    %scan3A_34 = arith.constant 0 : i32
    %scan3A_35 = arith.constant 0 : i32
    %scan3A_36 = arith.constant 128 : i32
    %scan3A_37 = arith.addi %scan3A_35, %scan3A_36 : i32
    %scan3A_38 = arith.constant 1 : i32
    scf.for %scan3A_160 = %scan3A_35 to %scan3A_37 step %scan3A_38  : i32 {
      %get3A = arith.index_cast %scan3A_160 : i32 to index
      %get3A_161 = arith.constant 0 : index
      %get3A_162 = tpu.vector_load %arg8[%get3A, %get3A_161] {strides = array<i32>} : memref<128x64xbf16, #tpu.memory_space<vmem>>, vector<32xbf16>,
      %unpack3A = tpu.unpack_subelements %get3A_162, 0 {pack_format = #tpu.pack_format<interleaved>} : vector<32xbf16> -> vector<16xf32>
      %unpack3A_163 = tpu.unpack_subelements %get3A_162, 1 {pack_format = #tpu.pack_format<interleaved>} : vector<32xbf16> -> vector<16xf32>
      %swap3A = arith.index_cast %scan3A_160 : i32 to index
      %swap3A_164 = arith.constant 0 : index
      %swap3A_165 = tpu.vector_load %arg10[%swap3A, %swap3A_164] {strides = array<i32>} : memref<128x64xf32, #tpu.memory_space<vmem>>, vector<16xf32>,
      tpu.vector_store %arg10[%swap3A, %swap3A_164], %unpack3A {strides = array<i32>} : memref<128x64xf32, #tpu.memory_space<vmem>>, vector<16xf32>,
      %swap3A_166 = arith.index_cast %scan3A_160 : i32 to index
      %swap3A_167 = arith.constant 16 : index
      %swap3A_168 = tpu.vector_load %arg10[%swap3A_166, %swap3A_167] {strides = array<i32>} : memref<128x64xf32, #tpu.memory_space<vmem>>, vector<16xf32>,
      tpu.vector_store %arg10[%swap3A_166, %swap3A_167], %unpack3A_163 {strides = array<i32>} : memref<128x64xf32, #tpu.memory_space<vmem>>, vector<16xf32>,
      %get3A_169 = arith.index_cast %scan3A_160 : i32 to index
      %get3A_170 = arith.constant 32 : index
      %get3A_171 = tpu.vector_load %arg8[%get3A_169, %get3A_170] {strides = array<i32>} : memref<128x64xbf16, #tpu.memory_space<vmem>>, vector<32xbf16>,
      %unpack3A_172 = tpu.unpack_subelements %get3A_171, 0 {pack_format = #tpu.pack_format<interleaved>} : vector<32xbf16> -> vector<16xf32>
      %unpack3A_173 = tpu.unpack_subelements %get3A_171, 1 {pack_format = #tpu.pack_format<interleaved>} : vector<32xbf16> -> vector<16xf32>
      %swap3A_174 = arith.index_cast %scan3A_160 : i32 to index
      %swap3A_175 = arith.constant 32 : index
      %swap3A_176 = tpu.vector_load %arg10[%swap3A_174, %swap3A_175] {strides = array<i32>} : memref<128x64xf32, #tpu.memory_space<vmem>>, vector<16xf32>,
      tpu.vector_store %arg10[%swap3A_174, %swap3A_175], %unpack3A_172 {strides = array<i32>} : memref<128x64xf32, #tpu.memory_space<vmem>>, vector<16xf32>,
      %swap3A_177 = arith.index_cast %scan3A_160 : i32 to index
      %swap3A_178 = arith.constant 48 : index
      %swap3A_179 = tpu.vector_load %arg10[%swap3A_177, %swap3A_178] {strides = array<i32>} : memref<128x64xf32, #tpu.memory_space<vmem>>, vector<16xf32>,
      tpu.vector_store %arg10[%swap3A_177, %swap3A_178], %unpack3A_173 {strides = array<i32>} : memref<128x64xf32, #tpu.memory_space<vmem>>, vector<16xf32>,
    }
    %scan3A_39 = arith.constant 128 : i32
    %dma_start3A_40 = arith.constant 2 : i32
    %dma_start3A_41 = arith.constant 0 : i32
    %dma_start3A_42 = tpu.memref_slice %arg6[%dma_start3A_40, %dma_start3A_41] : memref<160x128xi32, #tpu.memory_space<vmem>> -> memref<1x128xi32, #tpu.memory_space<vmem>>
    %dma_start3A_43 = tpu.memref_squeeze %dma_start3A_42 : memref<1x128xi32, #tpu.memory_space<vmem>> -> memref<128xi32, #tpu.memory_space<vmem>>
    %dma_start3A_44 = arith.constant 0 : i32
    %dma_start3A_45 = arith.constant 0 : i32
    %dma_start3A_46 = tpu.memref_slice %arg2[%dma_start3A_44, %dma_start3A_45] : memref<20000x64xbf16, #tpu.memory_space<hbm>> -> memref<20000x64xbf16, #tpu.memory_space<hbm>>
    tpu.enqueue_indirect_dma source(%dma_start3A_46 : memref<20000x64xbf16, #tpu.memory_space<hbm>>) target(%arg8 : memref<128x64xbf16, #tpu.memory_space<vmem>>) offsets(%dma_start3A_43 : memref<128xi32, #tpu.memory_space<vmem>>) semaphore(%arg13 : memref<!tpu.dma_semaphore, #tpu.memory_space<semaphore_mem>>)
    %dma_start3A_47 = arith.constant 0 : i32
    %dma_start3A_48 = arith.constant 0 : i32
    %dma_start3A_49 = tpu.memref_slice %arg7[%dma_start3A_47, %dma_start3A_48] : memref<160x128xi32, #tpu.memory_space<vmem>> -> memref<1x128xi32, #tpu.memory_space<vmem>>
    %dma_start3A_50 = tpu.memref_squeeze %dma_start3A_49 : memref<1x128xi32, #tpu.memory_space<vmem>> -> memref<128xi32, #tpu.memory_space<vmem>>
    %dma_start3A_51 = arith.constant 0 : i32
    %dma_start3A_52 = arith.constant 0 : i32
    %dma_start3A_53 = tpu.memref_slice %arg12[%dma_start3A_51, %dma_start3A_52] : memref<10240x64xf32, #tpu.memory_space<vmem_shared>> -> memref<10240x64xf32, #tpu.memory_space<vmem_shared>>
    tpu.enqueue_indirect_dma source(%arg10 : memref<128x64xf32, #tpu.memory_space<vmem>>) target(%dma_start3A_53 : memref<10240x64xf32, #tpu.memory_space<vmem_shared>>) offsets(%dma_start3A_50 : memref<128xi32, #tpu.memory_space<vmem>>) semaphore(%arg15 : memref<!tpu.dma_semaphore, #tpu.memory_space<semaphore_mem>>) {add = true}
    %dma_wait3A_54 = arith.constant 1 : i32
    %dma_wait3A_55 = arith.constant 0 : i32
    %dma_wait3A_56 = tpu.memref_slice %arg6[%dma_wait3A_54, %dma_wait3A_55] : memref<160x128xi32, #tpu.memory_space<vmem>> -> memref<1x128xi32, #tpu.memory_space<vmem>>
    %dma_wait3A_57 = tpu.memref_squeeze %dma_wait3A_56 : memref<1x128xi32, #tpu.memory_space<vmem>> -> memref<128xi32, #tpu.memory_space<vmem>>
    %dma_wait3A_58 = arith.constant 0 : i32
    %dma_wait3A_59 = arith.constant 0 : i32
    %dma_wait3A_60 = tpu.memref_slice %arg2[%dma_wait3A_58, %dma_wait3A_59] : memref<20000x64xbf16, #tpu.memory_space<hbm>> -> memref<20000x64xbf16, #tpu.memory_space<hbm>>
    tpu.wait_indirect_dma semaphore(%arg14 : memref<!tpu.dma_semaphore, #tpu.memory_space<semaphore_mem>>) src(%dma_wait3A_60 : memref<20000x64xbf16, #tpu.memory_space<hbm>>) dst(%arg9 : memref<128x64xbf16, #tpu.memory_space<vmem>>)
    %scan3A_61 = arith.constant 0 : i32
    %scan3A_62 = arith.constant 0 : i32
    %scan3A_63 = arith.constant 128 : i32
    %scan3A_64 = arith.addi %scan3A_62, %scan3A_63 : i32
    %scan3A_65 = arith.constant 1 : i32
    scf.for %scan3A_160 = %scan3A_62 to %scan3A_64 step %scan3A_65  : i32 {
      %get3A = arith.index_cast %scan3A_160 : i32 to index
      %get3A_161 = arith.constant 0 : index
      %get3A_162 = tpu.vector_load %arg9[%get3A, %get3A_161] {strides = array<i32>} : memref<128x64xbf16, #tpu.memory_space<vmem>>, vector<32xbf16>,
      %unpack3A = tpu.unpack_subelements %get3A_162, 0 {pack_format = #tpu.pack_format<interleaved>} : vector<32xbf16> -> vector<16xf32>
      %unpack3A_163 = tpu.unpack_subelements %get3A_162, 1 {pack_format = #tpu.pack_format<interleaved>} : vector<32xbf16> -> vector<16xf32>
      %swap3A = arith.index_cast %scan3A_160 : i32 to index
      %swap3A_164 = arith.constant 0 : index
      %swap3A_165 = tpu.vector_load %arg11[%swap3A, %swap3A_164] {strides = array<i32>} : memref<128x64xf32, #tpu.memory_space<vmem>>, vector<16xf32>,
      tpu.vector_store %arg11[%swap3A, %swap3A_164], %unpack3A {strides = array<i32>} : memref<128x64xf32, #tpu.memory_space<vmem>>, vector<16xf32>,
      %swap3A_166 = arith.index_cast %scan3A_160 : i32 to index
      %swap3A_167 = arith.constant 16 : index
      %swap3A_168 = tpu.vector_load %arg11[%swap3A_166, %swap3A_167] {strides = array<i32>} : memref<128x64xf32, #tpu.memory_space<vmem>>, vector<16xf32>,
      tpu.vector_store %arg11[%swap3A_166, %swap3A_167], %unpack3A_163 {strides = array<i32>} : memref<128x64xf32, #tpu.memory_space<vmem>>, vector<16xf32>,
      %get3A_169 = arith.index_cast %scan3A_160 : i32 to index
      %get3A_170 = arith.constant 32 : index
      %get3A_171 = tpu.vector_load %arg9[%get3A_169, %get3A_170] {strides = array<i32>} : memref<128x64xbf16, #tpu.memory_space<vmem>>, vector<32xbf16>,
      %unpack3A_172 = tpu.unpack_subelements %get3A_171, 0 {pack_format = #tpu.pack_format<interleaved>} : vector<32xbf16> -> vector<16xf32>
      %unpack3A_173 = tpu.unpack_subelements %get3A_171, 1 {pack_format = #tpu.pack_format<interleaved>} : vector<32xbf16> -> vector<16xf32>
      %swap3A_174 = arith.index_cast %scan3A_160 : i32 to index
      %swap3A_175 = arith.constant 32 : index
      %swap3A_176 = tpu.vector_load %arg11[%swap3A_174, %swap3A_175] {strides = array<i32>} : memref<128x64xf32, #tpu.memory_space<vmem>>, vector<16xf32>,
      tpu.vector_store %arg11[%swap3A_174, %swap3A_175], %unpack3A_172 {strides = array<i32>} : memref<128x64xf32, #tpu.memory_space<vmem>>, vector<16xf32>,
      %swap3A_177 = arith.index_cast %scan3A_160 : i32 to index
      %swap3A_178 = arith.constant 48 : index
      %swap3A_179 = tpu.vector_load %arg11[%swap3A_177, %swap3A_178] {strides = array<i32>} : memref<128x64xf32, #tpu.memory_space<vmem>>, vector<16xf32>,
      tpu.vector_store %arg11[%swap3A_177, %swap3A_178], %unpack3A_173 {strides = array<i32>} : memref<128x64xf32, #tpu.memory_space<vmem>>, vector<16xf32>,
    }
    %scan3A_66 = arith.constant 128 : i32
    %dma_start3A_67 = arith.constant 3 : i32
    %dma_start3A_68 = arith.constant 0 : i32
    %dma_start3A_69 = tpu.memref_slice %arg6[%dma_start3A_67, %dma_start3A_68] : memref<160x128xi32, #tpu.memory_space<vmem>> -> memref<1x128xi32, #tpu.memory_space<vmem>>
    %dma_start3A_70 = tpu.memref_squeeze %dma_start3A_69 : memref<1x128xi32, #tpu.memory_space<vmem>> -> memref<128xi32, #tpu.memory_space<vmem>>
    %dma_start3A_71 = arith.constant 0 : i32
    %dma_start3A_72 = arith.constant 0 : i32
    %dma_start3A_73 = tpu.memref_slice %arg2[%dma_start3A_71, %dma_start3A_72] : memref<20000x64xbf16, #tpu.memory_space<hbm>> -> memref<20000x64xbf16, #tpu.memory_space<hbm>>
    tpu.enqueue_indirect_dma source(%dma_start3A_73 : memref<20000x64xbf16, #tpu.memory_space<hbm>>) target(%arg9 : memref<128x64xbf16, #tpu.memory_space<vmem>>) offsets(%dma_start3A_70 : memref<128xi32, #tpu.memory_space<vmem>>) semaphore(%arg14 : memref<!tpu.dma_semaphore, #tpu.memory_space<semaphore_mem>>)
    %dma_start3A_74 = arith.constant 1 : i32
    %dma_start3A_75 = arith.constant 0 : i32
    %dma_start3A_76 = tpu.memref_slice %arg7[%dma_start3A_74, %dma_start3A_75] : memref<160x128xi32, #tpu.memory_space<vmem>> -> memref<1x128xi32, #tpu.memory_space<vmem>>
    %dma_start3A_77 = tpu.memref_squeeze %dma_start3A_76 : memref<1x128xi32, #tpu.memory_space<vmem>> -> memref<128xi32, #tpu.memory_space<vmem>>
    %dma_start3A_78 = arith.constant 0 : i32
    %dma_start3A_79 = arith.constant 0 : i32
    %dma_start3A_80 = tpu.memref_slice %arg12[%dma_start3A_78, %dma_start3A_79] : memref<10240x64xf32, #tpu.memory_space<vmem_shared>> -> memref<10240x64xf32, #tpu.memory_space<vmem_shared>>
    tpu.enqueue_indirect_dma source(%arg11 : memref<128x64xf32, #tpu.memory_space<vmem>>) target(%dma_start3A_80 : memref<10240x64xf32, #tpu.memory_space<vmem_shared>>) offsets(%dma_start3A_77 : memref<128xi32, #tpu.memory_space<vmem>>) semaphore(%arg16 : memref<!tpu.dma_semaphore, #tpu.memory_space<semaphore_mem>>) {add = true}
    %scan3A_81 = arith.constant 0 : i32
    %scan3A_82 = arith.constant 1 : i32
    %scan3A_83 = arith.constant 78 : i32
    %scan3A_84 = arith.addi %scan3A_82, %scan3A_83 : i32
    %scan3A_85 = arith.constant 1 : i32
    scf.for %scan3A_160 = %scan3A_82 to %scan3A_84 step %scan3A_85  : i32 {
      %mul3A_161 = arith.constant 2 : i32
      %mul3A_162 = arith.muli %scan3A_160, %mul3A_161 : i32
      %dma_wait3A_163 = arith.constant 0 : i32
      %dma_wait3A_164 = arith.constant 0 : i32
      %dma_wait3A_165 = tpu.memref_slice %arg6[%dma_wait3A_163, %dma_wait3A_164] : memref<160x128xi32, #tpu.memory_space<vmem>> -> memref<1x128xi32, #tpu.memory_space<vmem>>
      %dma_wait3A_166 = tpu.memref_squeeze %dma_wait3A_165 : memref<1x128xi32, #tpu.memory_space<vmem>> -> memref<128xi32, #tpu.memory_space<vmem>>
      %dma_wait3A_167 = arith.constant 0 : i32
      %dma_wait3A_168 = arith.constant 0 : i32
      %dma_wait3A_169 = tpu.memref_slice %arg2[%dma_wait3A_167, %dma_wait3A_168] : memref<20000x64xbf16, #tpu.memory_space<hbm>> -> memref<20000x64xbf16, #tpu.memory_space<hbm>>
      tpu.wait_indirect_dma semaphore(%arg13 : memref<!tpu.dma_semaphore, #tpu.memory_space<semaphore_mem>>) src(%dma_wait3A_169 : memref<20000x64xbf16, #tpu.memory_space<hbm>>) dst(%arg8 : memref<128x64xbf16, #tpu.memory_space<vmem>>)
      %dma_wait3A_170 = arith.constant 0 : i32
      %dma_wait3A_171 = arith.constant 0 : i32
      %dma_wait3A_172 = tpu.memref_slice %arg7[%dma_wait3A_170, %dma_wait3A_171] : memref<160x128xi32, #tpu.memory_space<vmem>> -> memref<1x128xi32, #tpu.memory_space<vmem>>
      %dma_wait3A_173 = tpu.memref_squeeze %dma_wait3A_172 : memref<1x128xi32, #tpu.memory_space<vmem>> -> memref<128xi32, #tpu.memory_space<vmem>>
      %dma_wait3A_174 = arith.constant 0 : i32
      %dma_wait3A_175 = arith.constant 0 : i32
      %dma_wait3A_176 = tpu.memref_slice %arg12[%dma_wait3A_174, %dma_wait3A_175] : memref<10240x64xf32, #tpu.memory_space<vmem_shared>> -> memref<10240x64xf32, #tpu.memory_space<vmem_shared>>
      tpu.wait_indirect_dma semaphore(%arg15 : memref<!tpu.dma_semaphore, #tpu.memory_space<semaphore_mem>>) src(%arg10 : memref<128x64xf32, #tpu.memory_space<vmem>>) dst(%dma_wait3A_176 : memref<10240x64xf32, #tpu.memory_space<vmem_shared>>)
      %scan3A_177 = arith.constant 0 : i32
      %scan3A_178 = arith.constant 0 : i32
      %scan3A_179 = arith.constant 128 : i32
      %scan3A_180 = arith.addi %scan3A_178, %scan3A_179 : i32
      %scan3A_181 = arith.constant 1 : i32
      scf.for %scan3A_233 = %scan3A_178 to %scan3A_180 step %scan3A_181  : i32 {
        %get3A = arith.index_cast %scan3A_233 : i32 to index
        %get3A_234 = arith.constant 0 : index
        %get3A_235 = tpu.vector_load %arg8[%get3A, %get3A_234] {strides = array<i32>} : memref<128x64xbf16, #tpu.memory_space<vmem>>, vector<32xbf16>,
        %unpack3A = tpu.unpack_subelements %get3A_235, 0 {pack_format = #tpu.pack_format<interleaved>} : vector<32xbf16> -> vector<16xf32>
        %unpack3A_236 = tpu.unpack_subelements %get3A_235, 1 {pack_format = #tpu.pack_format<interleaved>} : vector<32xbf16> -> vector<16xf32>
        %swap3A = arith.index_cast %scan3A_233 : i32 to index
        %swap3A_237 = arith.constant 0 : index
        %swap3A_238 = tpu.vector_load %arg10[%swap3A, %swap3A_237] {strides = array<i32>} : memref<128x64xf32, #tpu.memory_space<vmem>>, vector<16xf32>,
        tpu.vector_store %arg10[%swap3A, %swap3A_237], %unpack3A {strides = array<i32>} : memref<128x64xf32, #tpu.memory_space<vmem>>, vector<16xf32>,
        %swap3A_239 = arith.index_cast %scan3A_233 : i32 to index
        %swap3A_240 = arith.constant 16 : index
        %swap3A_241 = tpu.vector_load %arg10[%swap3A_239, %swap3A_240] {strides = array<i32>} : memref<128x64xf32, #tpu.memory_space<vmem>>, vector<16xf32>,
        tpu.vector_store %arg10[%swap3A_239, %swap3A_240], %unpack3A_236 {strides = array<i32>} : memref<128x64xf32, #tpu.memory_space<vmem>>, vector<16xf32>,
        %get3A_242 = arith.index_cast %scan3A_233 : i32 to index
        %get3A_243 = arith.constant 32 : index
        %get3A_244 = tpu.vector_load %arg8[%get3A_242, %get3A_243] {strides = array<i32>} : memref<128x64xbf16, #tpu.memory_space<vmem>>, vector<32xbf16>,
        %unpack3A_245 = tpu.unpack_subelements %get3A_244, 0 {pack_format = #tpu.pack_format<interleaved>} : vector<32xbf16> -> vector<16xf32>
        %unpack3A_246 = tpu.unpack_subelements %get3A_244, 1 {pack_format = #tpu.pack_format<interleaved>} : vector<32xbf16> -> vector<16xf32>
        %swap3A_247 = arith.index_cast %scan3A_233 : i32 to index
        %swap3A_248 = arith.constant 32 : index
        %swap3A_249 = tpu.vector_load %arg10[%swap3A_247, %swap3A_248] {strides = array<i32>} : memref<128x64xf32, #tpu.memory_space<vmem>>, vector<16xf32>,
        tpu.vector_store %arg10[%swap3A_247, %swap3A_248], %unpack3A_245 {strides = array<i32>} : memref<128x64xf32, #tpu.memory_space<vmem>>, vector<16xf32>,
        %swap3A_250 = arith.index_cast %scan3A_233 : i32 to index
        %swap3A_251 = arith.constant 48 : index
        %swap3A_252 = tpu.vector_load %arg10[%swap3A_250, %swap3A_251] {strides = array<i32>} : memref<128x64xf32, #tpu.memory_space<vmem>>, vector<16xf32>,
        tpu.vector_store %arg10[%swap3A_250, %swap3A_251], %unpack3A_246 {strides = array<i32>} : memref<128x64xf32, #tpu.memory_space<vmem>>, vector<16xf32>,
      }
      %scan3A_182 = arith.constant 128 : i32
      %add3A_183 = arith.constant 2 : i32
      %add3A_184 = arith.addi %mul3A_162, %add3A_183 : i32
      %dma_start3A_185 = arith.constant 0 : i32
      %dma_start3A_186 = tpu.memref_slice %arg6[%add3A_184, %dma_start3A_185] : memref<160x128xi32, #tpu.memory_space<vmem>> -> memref<1x128xi32, #tpu.memory_space<vmem>>
      %dma_start3A_187 = tpu.memref_squeeze %dma_start3A_186 : memref<1x128xi32, #tpu.memory_space<vmem>> -> memref<128xi32, #tpu.memory_space<vmem>>
      %dma_start3A_188 = arith.constant 0 : i32
      %dma_start3A_189 = arith.constant 0 : i32
      %dma_start3A_190 = tpu.memref_slice %arg2[%dma_start3A_188, %dma_start3A_189] : memref<20000x64xbf16, #tpu.memory_space<hbm>> -> memref<20000x64xbf16, #tpu.memory_space<hbm>>
      tpu.enqueue_indirect_dma source(%dma_start3A_190 : memref<20000x64xbf16, #tpu.memory_space<hbm>>) target(%arg8 : memref<128x64xbf16, #tpu.memory_space<vmem>>) offsets(%dma_start3A_187 : memref<128xi32, #tpu.memory_space<vmem>>) semaphore(%arg13 : memref<!tpu.dma_semaphore, #tpu.memory_space<semaphore_mem>>)
      %dma_start3A_191 = arith.constant 0 : i32
      %dma_start3A_192 = tpu.memref_slice %arg7[%mul3A_162, %dma_start3A_191] : memref<160x128xi32, #tpu.memory_space<vmem>> -> memref<1x128xi32, #tpu.memory_space<vmem>>
      %dma_start3A_193 = tpu.memref_squeeze %dma_start3A_192 : memref<1x128xi32, #tpu.memory_space<vmem>> -> memref<128xi32, #tpu.memory_space<vmem>>
      %dma_start3A_194 = arith.constant 0 : i32
      %dma_start3A_195 = arith.constant 0 : i32
      %dma_start3A_196 = tpu.memref_slice %arg12[%dma_start3A_194, %dma_start3A_195] : memref<10240x64xf32, #tpu.memory_space<vmem_shared>> -> memref<10240x64xf32, #tpu.memory_space<vmem_shared>>
      tpu.enqueue_indirect_dma source(%arg10 : memref<128x64xf32, #tpu.memory_space<vmem>>) target(%dma_start3A_196 : memref<10240x64xf32, #tpu.memory_space<vmem_shared>>) offsets(%dma_start3A_193 : memref<128xi32, #tpu.memory_space<vmem>>) semaphore(%arg15 : memref<!tpu.dma_semaphore, #tpu.memory_space<semaphore_mem>>) {add = true}
      %dma_wait3A_197 = arith.constant 1 : i32
      %dma_wait3A_198 = arith.constant 0 : i32
      %dma_wait3A_199 = tpu.memref_slice %arg6[%dma_wait3A_197, %dma_wait3A_198] : memref<160x128xi32, #tpu.memory_space<vmem>> -> memref<1x128xi32, #tpu.memory_space<vmem>>
      %dma_wait3A_200 = tpu.memref_squeeze %dma_wait3A_199 : memref<1x128xi32, #tpu.memory_space<vmem>> -> memref<128xi32, #tpu.memory_space<vmem>>
      %dma_wait3A_201 = arith.constant 0 : i32
      %dma_wait3A_202 = arith.constant 0 : i32
      %dma_wait3A_203 = tpu.memref_slice %arg2[%dma_wait3A_201, %dma_wait3A_202] : memref<20000x64xbf16, #tpu.memory_space<hbm>> -> memref<20000x64xbf16, #tpu.memory_space<hbm>>
      tpu.wait_indirect_dma semaphore(%arg14 : memref<!tpu.dma_semaphore, #tpu.memory_space<semaphore_mem>>) src(%dma_wait3A_203 : memref<20000x64xbf16, #tpu.memory_space<hbm>>) dst(%arg9 : memref<128x64xbf16, #tpu.memory_space<vmem>>)
      %dma_wait3A_204 = arith.constant 1 : i32
      %dma_wait3A_205 = arith.constant 0 : i32
      %dma_wait3A_206 = tpu.memref_slice %arg7[%dma_wait3A_204, %dma_wait3A_205] : memref<160x128xi32, #tpu.memory_space<vmem>> -> memref<1x128xi32, #tpu.memory_space<vmem>>
      %dma_wait3A_207 = tpu.memref_squeeze %dma_wait3A_206 : memref<1x128xi32, #tpu.memory_space<vmem>> -> memref<128xi32, #tpu.memory_space<vmem>>
      %dma_wait3A_208 = arith.constant 0 : i32
      %dma_wait3A_209 = arith.constant 0 : i32
      %dma_wait3A_210 = tpu.memref_slice %arg12[%dma_wait3A_208, %dma_wait3A_209] : memref<10240x64xf32, #tpu.memory_space<vmem_shared>> -> memref<10240x64xf32, #tpu.memory_space<vmem_shared>>
      tpu.wait_indirect_dma semaphore(%arg16 : memref<!tpu.dma_semaphore, #tpu.memory_space<semaphore_mem>>) src(%arg11 : memref<128x64xf32, #tpu.memory_space<vmem>>) dst(%dma_wait3A_210 : memref<10240x64xf32, #tpu.memory_space<vmem_shared>>)
      %scan3A_211 = arith.constant 0 : i32
      %scan3A_212 = arith.constant 0 : i32
      %scan3A_213 = arith.constant 128 : i32
      %scan3A_214 = arith.addi %scan3A_212, %scan3A_213 : i32
      %scan3A_215 = arith.constant 1 : i32
      scf.for %scan3A_233 = %scan3A_212 to %scan3A_214 step %scan3A_215  : i32 {
        %get3A = arith.index_cast %scan3A_233 : i32 to index
        %get3A_234 = arith.constant 0 : index
        %get3A_235 = tpu.vector_load %arg9[%get3A, %get3A_234] {strides = array<i32>} : memref<128x64xbf16, #tpu.memory_space<vmem>>, vector<32xbf16>,
        %unpack3A = tpu.unpack_subelements %get3A_235, 0 {pack_format = #tpu.pack_format<interleaved>} : vector<32xbf16> -> vector<16xf32>
        %unpack3A_236 = tpu.unpack_subelements %get3A_235, 1 {pack_format = #tpu.pack_format<interleaved>} : vector<32xbf16> -> vector<16xf32>
        %swap3A = arith.index_cast %scan3A_233 : i32 to index
        %swap3A_237 = arith.constant 0 : index
        %swap3A_238 = tpu.vector_load %arg11[%swap3A, %swap3A_237] {strides = array<i32>} : memref<128x64xf32, #tpu.memory_space<vmem>>, vector<16xf32>,
        tpu.vector_store %arg11[%swap3A, %swap3A_237], %unpack3A {strides = array<i32>} : memref<128x64xf32, #tpu.memory_space<vmem>>, vector<16xf32>,
        %swap3A_239 = arith.index_cast %scan3A_233 : i32 to index
        %swap3A_240 = arith.constant 16 : index
        %swap3A_241 = tpu.vector_load %arg11[%swap3A_239, %swap3A_240] {strides = array<i32>} : memref<128x64xf32, #tpu.memory_space<vmem>>, vector<16xf32>,
        tpu.vector_store %arg11[%swap3A_239, %swap3A_240], %unpack3A_236 {strides = array<i32>} : memref<128x64xf32, #tpu.memory_space<vmem>>, vector<16xf32>,
        %get3A_242 = arith.index_cast %scan3A_233 : i32 to index
        %get3A_243 = arith.constant 32 : index
        %get3A_244 = tpu.vector_load %arg9[%get3A_242, %get3A_243] {strides = array<i32>} : memref<128x64xbf16, #tpu.memory_space<vmem>>, vector<32xbf16>,
        %unpack3A_245 = tpu.unpack_subelements %get3A_244, 0 {pack_format = #tpu.pack_format<interleaved>} : vector<32xbf16> -> vector<16xf32>
        %unpack3A_246 = tpu.unpack_subelements %get3A_244, 1 {pack_format = #tpu.pack_format<interleaved>} : vector<32xbf16> -> vector<16xf32>
        %swap3A_247 = arith.index_cast %scan3A_233 : i32 to index
        %swap3A_248 = arith.constant 32 : index
        %swap3A_249 = tpu.vector_load %arg11[%swap3A_247, %swap3A_248] {strides = array<i32>} : memref<128x64xf32, #tpu.memory_space<vmem>>, vector<16xf32>,
        tpu.vector_store %arg11[%swap3A_247, %swap3A_248], %unpack3A_245 {strides = array<i32>} : memref<128x64xf32, #tpu.memory_space<vmem>>, vector<16xf32>,
        %swap3A_250 = arith.index_cast %scan3A_233 : i32 to index
        %swap3A_251 = arith.constant 48 : index
        %swap3A_252 = tpu.vector_load %arg11[%swap3A_250, %swap3A_251] {strides = array<i32>} : memref<128x64xf32, #tpu.memory_space<vmem>>, vector<16xf32>,
        tpu.vector_store %arg11[%swap3A_250, %swap3A_251], %unpack3A_246 {strides = array<i32>} : memref<128x64xf32, #tpu.memory_space<vmem>>, vector<16xf32>,
      }
      %scan3A_216 = arith.constant 128 : i32
      %add3A_217 = arith.constant 3 : i32
      %add3A_218 = arith.addi %mul3A_162, %add3A_217 : i32
      %dma_start3A_219 = arith.constant 0 : i32
      %dma_start3A_220 = tpu.memref_slice %arg6[%add3A_218, %dma_start3A_219] : memref<160x128xi32, #tpu.memory_space<vmem>> -> memref<1x128xi32, #tpu.memory_space<vmem>>
      %dma_start3A_221 = tpu.memref_squeeze %dma_start3A_220 : memref<1x128xi32, #tpu.memory_space<vmem>> -> memref<128xi32, #tpu.memory_space<vmem>>
      %dma_start3A_222 = arith.constant 0 : i32
      %dma_start3A_223 = arith.constant 0 : i32
      %dma_start3A_224 = tpu.memref_slice %arg2[%dma_start3A_222, %dma_start3A_223] : memref<20000x64xbf16, #tpu.memory_space<hbm>> -> memref<20000x64xbf16, #tpu.memory_space<hbm>>
      tpu.enqueue_indirect_dma source(%dma_start3A_224 : memref<20000x64xbf16, #tpu.memory_space<hbm>>) target(%arg9 : memref<128x64xbf16, #tpu.memory_space<vmem>>) offsets(%dma_start3A_221 : memref<128xi32, #tpu.memory_space<vmem>>) semaphore(%arg14 : memref<!tpu.dma_semaphore, #tpu.memory_space<semaphore_mem>>)
      %add3A_225 = arith.constant 1 : i32
      %add3A_226 = arith.addi %mul3A_162, %add3A_225 : i32
      %dma_start3A_227 = arith.constant 0 : i32
      %dma_start3A_228 = tpu.memref_slice %arg7[%add3A_226, %dma_start3A_227] : memref<160x128xi32, #tpu.memory_space<vmem>> -> memref<1x128xi32, #tpu.memory_space<vmem>>
      %dma_start3A_229 = tpu.memref_squeeze %dma_start3A_228 : memref<1x128xi32, #tpu.memory_space<vmem>> -> memref<128xi32, #tpu.memory_space<vmem>>
      %dma_start3A_230 = arith.constant 0 : i32
      %dma_start3A_231 = arith.constant 0 : i32
      %dma_start3A_232 = tpu.memref_slice %arg12[%dma_start3A_230, %dma_start3A_231] : memref<10240x64xf32, #tpu.memory_space<vmem_shared>> -> memref<10240x64xf32, #tpu.memory_space<vmem_shared>>
      tpu.enqueue_indirect_dma source(%arg11 : memref<128x64xf32, #tpu.memory_space<vmem>>) target(%dma_start3A_232 : memref<10240x64xf32, #tpu.memory_space<vmem_shared>>) offsets(%dma_start3A_229 : memref<128xi32, #tpu.memory_space<vmem>>) semaphore(%arg16 : memref<!tpu.dma_semaphore, #tpu.memory_space<semaphore_mem>>) {add = true}
    }
    %scan3A_86 = arith.constant 78 : i32
    %dma_wait3A_87 = arith.constant 0 : i32
    %dma_wait3A_88 = arith.constant 0 : i32
    %dma_wait3A_89 = tpu.memref_slice %arg6[%dma_wait3A_87, %dma_wait3A_88] : memref<160x128xi32, #tpu.memory_space<vmem>> -> memref<1x128xi32, #tpu.memory_space<vmem>>
    %dma_wait3A_90 = tpu.memref_squeeze %dma_wait3A_89 : memref<1x128xi32, #tpu.memory_space<vmem>> -> memref<128xi32, #tpu.memory_space<vmem>>
    %dma_wait3A_91 = arith.constant 0 : i32
    %dma_wait3A_92 = arith.constant 0 : i32
    %dma_wait3A_93 = tpu.memref_slice %arg2[%dma_wait3A_91, %dma_wait3A_92] : memref<20000x64xbf16, #tpu.memory_space<hbm>> -> memref<20000x64xbf16, #tpu.memory_space<hbm>>
    tpu.wait_indirect_dma semaphore(%arg13 : memref<!tpu.dma_semaphore, #tpu.memory_space<semaphore_mem>>) src(%dma_wait3A_93 : memref<20000x64xbf16, #tpu.memory_space<hbm>>) dst(%arg8 : memref<128x64xbf16, #tpu.memory_space<vmem>>)
    %dma_wait3A_94 = arith.constant 0 : i32
    %dma_wait3A_95 = arith.constant 0 : i32
    %dma_wait3A_96 = tpu.memref_slice %arg7[%dma_wait3A_94, %dma_wait3A_95] : memref<160x128xi32, #tpu.memory_space<vmem>> -> memref<1x128xi32, #tpu.memory_space<vmem>>
    %dma_wait3A_97 = tpu.memref_squeeze %dma_wait3A_96 : memref<1x128xi32, #tpu.memory_space<vmem>> -> memref<128xi32, #tpu.memory_space<vmem>>
    %dma_wait3A_98 = arith.constant 0 : i32
    %dma_wait3A_99 = arith.constant 0 : i32
    %dma_wait3A_100 = tpu.memref_slice %arg12[%dma_wait3A_98, %dma_wait3A_99] : memref<10240x64xf32, #tpu.memory_space<vmem_shared>> -> memref<10240x64xf32, #tpu.memory_space<vmem_shared>>
    tpu.wait_indirect_dma semaphore(%arg15 : memref<!tpu.dma_semaphore, #tpu.memory_space<semaphore_mem>>) src(%arg10 : memref<128x64xf32, #tpu.memory_space<vmem>>) dst(%dma_wait3A_100 : memref<10240x64xf32, #tpu.memory_space<vmem_shared>>)
    %scan3A_101 = arith.constant 0 : i32
    %scan3A_102 = arith.constant 0 : i32
    %scan3A_103 = arith.constant 128 : i32
    %scan3A_104 = arith.addi %scan3A_102, %scan3A_103 : i32
    %scan3A_105 = arith.constant 1 : i32
    scf.for %scan3A_160 = %scan3A_102 to %scan3A_104 step %scan3A_105  : i32 {
      %get3A = arith.index_cast %scan3A_160 : i32 to index
      %get3A_161 = arith.constant 0 : index
      %get3A_162 = tpu.vector_load %arg8[%get3A, %get3A_161] {strides = array<i32>} : memref<128x64xbf16, #tpu.memory_space<vmem>>, vector<32xbf16>,
      %unpack3A = tpu.unpack_subelements %get3A_162, 0 {pack_format = #tpu.pack_format<interleaved>} : vector<32xbf16> -> vector<16xf32>
      %unpack3A_163 = tpu.unpack_subelements %get3A_162, 1 {pack_format = #tpu.pack_format<interleaved>} : vector<32xbf16> -> vector<16xf32>
      %swap3A = arith.index_cast %scan3A_160 : i32 to index
      %swap3A_164 = arith.constant 0 : index
      %swap3A_165 = tpu.vector_load %arg10[%swap3A, %swap3A_164] {strides = array<i32>} : memref<128x64xf32, #tpu.memory_space<vmem>>, vector<16xf32>,
      tpu.vector_store %arg10[%swap3A, %swap3A_164], %unpack3A {strides = array<i32>} : memref<128x64xf32, #tpu.memory_space<vmem>>, vector<16xf32>,
      %swap3A_166 = arith.index_cast %scan3A_160 : i32 to index
      %swap3A_167 = arith.constant 16 : index
      %swap3A_168 = tpu.vector_load %arg10[%swap3A_166, %swap3A_167] {strides = array<i32>} : memref<128x64xf32, #tpu.memory_space<vmem>>, vector<16xf32>,
      tpu.vector_store %arg10[%swap3A_166, %swap3A_167], %unpack3A_163 {strides = array<i32>} : memref<128x64xf32, #tpu.memory_space<vmem>>, vector<16xf32>,
      %get3A_169 = arith.index_cast %scan3A_160 : i32 to index
      %get3A_170 = arith.constant 32 : index
      %get3A_171 = tpu.vector_load %arg8[%get3A_169, %get3A_170] {strides = array<i32>} : memref<128x64xbf16, #tpu.memory_space<vmem>>, vector<32xbf16>,
      %unpack3A_172 = tpu.unpack_subelements %get3A_171, 0 {pack_format = #tpu.pack_format<interleaved>} : vector<32xbf16> -> vector<16xf32>
      %unpack3A_173 = tpu.unpack_subelements %get3A_171, 1 {pack_format = #tpu.pack_format<interleaved>} : vector<32xbf16> -> vector<16xf32>
      %swap3A_174 = arith.index_cast %scan3A_160 : i32 to index
      %swap3A_175 = arith.constant 32 : index
      %swap3A_176 = tpu.vector_load %arg10[%swap3A_174, %swap3A_175] {strides = array<i32>} : memref<128x64xf32, #tpu.memory_space<vmem>>, vector<16xf32>,
      tpu.vector_store %arg10[%swap3A_174, %swap3A_175], %unpack3A_172 {strides = array<i32>} : memref<128x64xf32, #tpu.memory_space<vmem>>, vector<16xf32>,
      %swap3A_177 = arith.index_cast %scan3A_160 : i32 to index
      %swap3A_178 = arith.constant 48 : index
      %swap3A_179 = tpu.vector_load %arg10[%swap3A_177, %swap3A_178] {strides = array<i32>} : memref<128x64xf32, #tpu.memory_space<vmem>>, vector<16xf32>,
      tpu.vector_store %arg10[%swap3A_177, %swap3A_178], %unpack3A_173 {strides = array<i32>} : memref<128x64xf32, #tpu.memory_space<vmem>>, vector<16xf32>,
    }
    %scan3A_106 = arith.constant 128 : i32
    %dma_start3A_107 = arith.constant 158 : i32
    %dma_start3A_108 = arith.constant 0 : i32
    %dma_start3A_109 = tpu.memref_slice %arg7[%dma_start3A_107, %dma_start3A_108] : memref<160x128xi32, #tpu.memory_space<vmem>> -> memref<1x128xi32, #tpu.memory_space<vmem>>
    %dma_start3A_110 = tpu.memref_squeeze %dma_start3A_109 : memref<1x128xi32, #tpu.memory_space<vmem>> -> memref<128xi32, #tpu.memory_space<vmem>>
    %dma_start3A_111 = arith.constant 0 : i32
    %dma_start3A_112 = arith.constant 0 : i32
    %dma_start3A_113 = tpu.memref_slice %arg12[%dma_start3A_111, %dma_start3A_112] : memref<10240x64xf32, #tpu.memory_space<vmem_shared>> -> memref<10240x64xf32, #tpu.memory_space<vmem_shared>>
    tpu.enqueue_indirect_dma source(%arg10 : memref<128x64xf32, #tpu.memory_space<vmem>>) target(%dma_start3A_113 : memref<10240x64xf32, #tpu.memory_space<vmem_shared>>) offsets(%dma_start3A_110 : memref<128xi32, #tpu.memory_space<vmem>>) semaphore(%arg15 : memref<!tpu.dma_semaphore, #tpu.memory_space<semaphore_mem>>) {add = true}
    %dma_wait3A_114 = arith.constant 1 : i32
    %dma_wait3A_115 = arith.constant 0 : i32
    %dma_wait3A_116 = tpu.memref_slice %arg6[%dma_wait3A_114, %dma_wait3A_115] : memref<160x128xi32, #tpu.memory_space<vmem>> -> memref<1x128xi32, #tpu.memory_space<vmem>>
    %dma_wait3A_117 = tpu.memref_squeeze %dma_wait3A_116 : memref<1x128xi32, #tpu.memory_space<vmem>> -> memref<128xi32, #tpu.memory_space<vmem>>
    %dma_wait3A_118 = arith.constant 0 : i32
    %dma_wait3A_119 = arith.constant 0 : i32
    %dma_wait3A_120 = tpu.memref_slice %arg2[%dma_wait3A_118, %dma_wait3A_119] : memref<20000x64xbf16, #tpu.memory_space<hbm>> -> memref<20000x64xbf16, #tpu.memory_space<hbm>>
    tpu.wait_indirect_dma semaphore(%arg14 : memref<!tpu.dma_semaphore, #tpu.memory_space<semaphore_mem>>) src(%dma_wait3A_120 : memref<20000x64xbf16, #tpu.memory_space<hbm>>) dst(%arg9 : memref<128x64xbf16, #tpu.memory_space<vmem>>)
    %dma_wait3A_121 = arith.constant 1 : i32
    %dma_wait3A_122 = arith.constant 0 : i32
    %dma_wait3A_123 = tpu.memref_slice %arg7[%dma_wait3A_121, %dma_wait3A_122] : memref<160x128xi32, #tpu.memory_space<vmem>> -> memref<1x128xi32, #tpu.memory_space<vmem>>
    %dma_wait3A_124 = tpu.memref_squeeze %dma_wait3A_123 : memref<1x128xi32, #tpu.memory_space<vmem>> -> memref<128xi32, #tpu.memory_space<vmem>>
    %dma_wait3A_125 = arith.constant 0 : i32
    %dma_wait3A_126 = arith.constant 0 : i32
    %dma_wait3A_127 = tpu.memref_slice %arg12[%dma_wait3A_125, %dma_wait3A_126] : memref<10240x64xf32, #tpu.memory_space<vmem_shared>> -> memref<10240x64xf32, #tpu.memory_space<vmem_shared>>
    tpu.wait_indirect_dma semaphore(%arg16 : memref<!tpu.dma_semaphore, #tpu.memory_space<semaphore_mem>>) src(%arg11 : memref<128x64xf32, #tpu.memory_space<vmem>>) dst(%dma_wait3A_127 : memref<10240x64xf32, #tpu.memory_space<vmem_shared>>)
    %scan3A_128 = arith.constant 0 : i32
    %scan3A_129 = arith.constant 0 : i32
    %scan3A_130 = arith.constant 128 : i32
    %scan3A_131 = arith.addi %scan3A_129, %scan3A_130 : i32
    %scan3A_132 = arith.constant 1 : i32
    scf.for %scan3A_160 = %scan3A_129 to %scan3A_131 step %scan3A_132  : i32 {
      %get3A = arith.index_cast %scan3A_160 : i32 to index
      %get3A_161 = arith.constant 0 : index
      %get3A_162 = tpu.vector_load %arg9[%get3A, %get3A_161] {strides = array<i32>} : memref<128x64xbf16, #tpu.memory_space<vmem>>, vector<32xbf16>,
      %unpack3A = tpu.unpack_subelements %get3A_162, 0 {pack_format = #tpu.pack_format<interleaved>} : vector<32xbf16> -> vector<16xf32>
      %unpack3A_163 = tpu.unpack_subelements %get3A_162, 1 {pack_format = #tpu.pack_format<interleaved>} : vector<32xbf16> -> vector<16xf32>
      %swap3A = arith.index_cast %scan3A_160 : i32 to index
      %swap3A_164 = arith.constant 0 : index
      %swap3A_165 = tpu.vector_load %arg11[%swap3A, %swap3A_164] {strides = array<i32>} : memref<128x64xf32, #tpu.memory_space<vmem>>, vector<16xf32>,
      tpu.vector_store %arg11[%swap3A, %swap3A_164], %unpack3A {strides = array<i32>} : memref<128x64xf32, #tpu.memory_space<vmem>>, vector<16xf32>,
      %swap3A_166 = arith.index_cast %scan3A_160 : i32 to index
      %swap3A_167 = arith.constant 16 : index
      %swap3A_168 = tpu.vector_load %arg11[%swap3A_166, %swap3A_167] {strides = array<i32>} : memref<128x64xf32, #tpu.memory_space<vmem>>, vector<16xf32>,
      tpu.vector_store %arg11[%swap3A_166, %swap3A_167], %unpack3A_163 {strides = array<i32>} : memref<128x64xf32, #tpu.memory_space<vmem>>, vector<16xf32>,
      %get3A_169 = arith.index_cast %scan3A_160 : i32 to index
      %get3A_170 = arith.constant 32 : index
      %get3A_171 = tpu.vector_load %arg9[%get3A_169, %get3A_170] {strides = array<i32>} : memref<128x64xbf16, #tpu.memory_space<vmem>>, vector<32xbf16>,
      %unpack3A_172 = tpu.unpack_subelements %get3A_171, 0 {pack_format = #tpu.pack_format<interleaved>} : vector<32xbf16> -> vector<16xf32>
      %unpack3A_173 = tpu.unpack_subelements %get3A_171, 1 {pack_format = #tpu.pack_format<interleaved>} : vector<32xbf16> -> vector<16xf32>
      %swap3A_174 = arith.index_cast %scan3A_160 : i32 to index
      %swap3A_175 = arith.constant 32 : index
      %swap3A_176 = tpu.vector_load %arg11[%swap3A_174, %swap3A_175] {strides = array<i32>} : memref<128x64xf32, #tpu.memory_space<vmem>>, vector<16xf32>,
      tpu.vector_store %arg11[%swap3A_174, %swap3A_175], %unpack3A_172 {strides = array<i32>} : memref<128x64xf32, #tpu.memory_space<vmem>>, vector<16xf32>,
      %swap3A_177 = arith.index_cast %scan3A_160 : i32 to index
      %swap3A_178 = arith.constant 48 : index
      %swap3A_179 = tpu.vector_load %arg11[%swap3A_177, %swap3A_178] {strides = array<i32>} : memref<128x64xf32, #tpu.memory_space<vmem>>, vector<16xf32>,
      tpu.vector_store %arg11[%swap3A_177, %swap3A_178], %unpack3A_173 {strides = array<i32>} : memref<128x64xf32, #tpu.memory_space<vmem>>, vector<16xf32>,
    }
    %scan3A_133 = arith.constant 128 : i32
    %dma_start3A_134 = arith.constant 159 : i32
    %dma_start3A_135 = arith.constant 0 : i32
    %dma_start3A_136 = tpu.memref_slice %arg7[%dma_start3A_134, %dma_start3A_135] : memref<160x128xi32, #tpu.memory_space<vmem>> -> memref<1x128xi32, #tpu.memory_space<vmem>>
    %dma_start3A_137 = tpu.memref_squeeze %dma_start3A_136 : memref<1x128xi32, #tpu.memory_space<vmem>> -> memref<128xi32, #tpu.memory_space<vmem>>
    %dma_start3A_138 = arith.constant 0 : i32
    %dma_start3A_139 = arith.constant 0 : i32
    %dma_start3A_140 = tpu.memref_slice %arg12[%dma_start3A_138, %dma_start3A_139] : memref<10240x64xf32, #tpu.memory_space<vmem_shared>> -> memref<10240x64xf32, #tpu.memory_space<vmem_shared>>
    tpu.enqueue_indirect_dma source(%arg11 : memref<128x64xf32, #tpu.memory_space<vmem>>) target(%dma_start3A_140 : memref<10240x64xf32, #tpu.memory_space<vmem_shared>>) offsets(%dma_start3A_137 : memref<128xi32, #tpu.memory_space<vmem>>) semaphore(%arg16 : memref<!tpu.dma_semaphore, #tpu.memory_space<semaphore_mem>>) {add = true}
    %dma_wait3A_141 = arith.constant 0 : i32
    %dma_wait3A_142 = arith.constant 0 : i32
    %dma_wait3A_143 = tpu.memref_slice %arg7[%dma_wait3A_141, %dma_wait3A_142] : memref<160x128xi32, #tpu.memory_space<vmem>> -> memref<1x128xi32, #tpu.memory_space<vmem>>
    %dma_wait3A_144 = tpu.memref_squeeze %dma_wait3A_143 : memref<1x128xi32, #tpu.memory_space<vmem>> -> memref<128xi32, #tpu.memory_space<vmem>>
    %dma_wait3A_145 = arith.constant 0 : i32
    %dma_wait3A_146 = arith.constant 0 : i32
    %dma_wait3A_147 = tpu.memref_slice %arg12[%dma_wait3A_145, %dma_wait3A_146] : memref<10240x64xf32, #tpu.memory_space<vmem_shared>> -> memref<10240x64xf32, #tpu.memory_space<vmem_shared>>
    tpu.wait_indirect_dma semaphore(%arg15 : memref<!tpu.dma_semaphore, #tpu.memory_space<semaphore_mem>>) src(%arg10 : memref<128x64xf32, #tpu.memory_space<vmem>>) dst(%dma_wait3A_147 : memref<10240x64xf32, #tpu.memory_space<vmem_shared>>)
    %dma_wait3A_148 = arith.constant 1 : i32
    %dma_wait3A_149 = arith.constant 0 : i32
    %dma_wait3A_150 = tpu.memref_slice %arg7[%dma_wait3A_148, %dma_wait3A_149] : memref<160x128xi32, #tpu.memory_space<vmem>> -> memref<1x128xi32, #tpu.memory_space<vmem>>
    %dma_wait3A_151 = tpu.memref_squeeze %dma_wait3A_150 : memref<1x128xi32, #tpu.memory_space<vmem>> -> memref<128xi32, #tpu.memory_space<vmem>>
    %dma_wait3A_152 = arith.constant 0 : i32
    %dma_wait3A_153 = arith.constant 0 : i32
    %dma_wait3A_154 = tpu.memref_slice %arg12[%dma_wait3A_152, %dma_wait3A_153] : memref<10240x64xf32, #tpu.memory_space<vmem_shared>> -> memref<10240x64xf32, #tpu.memory_space<vmem_shared>>
    tpu.wait_indirect_dma semaphore(%arg16 : memref<!tpu.dma_semaphore, #tpu.memory_space<semaphore_mem>>) src(%arg11 : memref<128x64xf32, #tpu.memory_space<vmem>>) dst(%dma_wait3A_154 : memref<10240x64xf32, #tpu.memory_space<vmem_shared>>)
    %barrier3A_155 = arith.constant 0 : index
    tpu.barrier barrier_id(%barrier3A_155)
    %mul3A_156 = arith.constant 640 : i32
    %mul3A_157 = arith.muli %arg1, %mul3A_156 : i32
    %mul3A_158 = arith.constant 640 : i32
    %mul3A_159 = arith.muli %arg1, %mul3A_158 : i32
    "tpu.region"() ({
      %run_scoped3A = tpu.sem_alloc : memref<!tpu.dma_semaphore, #tpu.memory_space<semaphore_mem>>
      %dma_start3A_160 = arith.constant 0 : i32
      %dma_start3A_161 = tpu.memref_slice %arg5[%arg0, %mul3A_159, %dma_start3A_160] : memref<2x10240x64xf32, #tpu.memory_space<hbm>> -> memref<1x640x64xf32, #tpu.memory_space<hbm>>
      %dma_start3A_162 = tpu.memref_squeeze %dma_start3A_161 : memref<1x640x64xf32, #tpu.memory_space<hbm>> -> memref<640x64xf32, #tpu.memory_space<hbm>>
      %dma_start3A_163 = arith.constant 0 : i32
      %dma_start3A_164 = tpu.memref_slice %arg12[%mul3A_157, %dma_start3A_163] : memref<10240x64xf32, #tpu.memory_space<vmem_shared>> -> memref<640x64xf32, #tpu.memory_space<vmem_shared>>
      tpu.enqueue_dma source(%dma_start3A_164 : memref<640x64xf32, #tpu.memory_space<vmem_shared>>) target(%dma_start3A_162 : memref<640x64xf32, #tpu.memory_space<hbm>>) target_semaphore(%run_scoped3A : memref<!tpu.dma_semaphore, #tpu.memory_space<semaphore_mem>>)
      %dma_wait3A_165 = arith.constant 0 : i32
      %dma_wait3A_166 = tpu.memref_slice %arg5[%arg0, %mul3A_159, %dma_wait3A_165] : memref<2x10240x64xf32, #tpu.memory_space<hbm>> -> memref<1x640x64xf32, #tpu.memory_space<hbm>>
      %dma_wait3A_167 = tpu.memref_squeeze %dma_wait3A_166 : memref<1x640x64xf32, #tpu.memory_space<hbm>> -> memref<640x64xf32, #tpu.memory_space<hbm>>
      %dma_wait3A_168 = arith.constant 0 : i32
      %dma_wait3A_169 = tpu.memref_slice %arg12[%mul3A_157, %dma_wait3A_168] : memref<10240x64xf32, #tpu.memory_space<vmem_shared>> -> memref<640x64xf32, #tpu.memory_space<vmem_shared>>
      tpu.wait_dma2 semaphore(%run_scoped3A : memref<!tpu.dma_semaphore, #tpu.memory_space<semaphore_mem>>) src(%dma_wait3A_169 : memref<640x64xf32, #tpu.memory_space<vmem_shared>>) dst(%dma_wait3A_167 : memref<640x64xf32, #tpu.memory_space<hbm>>)
      tpu.yield
    }) : () -> ()
    return
  }
}

module attributes {stable_mosaic.version = 14 : i64} {
  func.func @_proj_body(%arg0: memref<10240x128xf32, #tpu.memory_space<vmem>>, %arg1: memref<10000x1xi32, #tpu.memory_space<vmem>>, %arg2: memref<8x32xf32, #tpu.memory_space<vmem>>, %arg3: memref<128x160xf32, #tpu.memory_space<vmem>>, %arg4: memref<1x128xf32, #tpu.memory_space<vmem>>, %arg5: memref<10000x128xf32, #tpu.memory_space<vmem>>, %arg6: memref<20000x64xbf16, #tpu.memory_space<vmem>>) attributes {dimension_semantics = [], scalar_prefetch = 0 : i64, scratch_operands = 0 : i64, tpu.core_type = #tpu.core_type<tc>} {
    %get3A = arith.constant 0 : index
    %get3A_0 = arith.constant 0 : index
    %get3A_1 = vector.load %arg0[%get3A, %get3A_0] : memref<10240x128xf32, #tpu.memory_space<vmem>>, vector<10000x128xf32>
    %get3A_2 = arith.constant 0 : index
    %get3A_3 = arith.constant 0 : index
    %get3A_4 = vector.load %arg3[%get3A_2, %get3A_3] : memref<128x160xf32, #tpu.memory_space<vmem>>, vector<128x128xf32>
    %get3A_5 = arith.constant 0 : index
    %get3A_6 = arith.constant 128 : index
    %get3A_7 = vector.load %arg3[%get3A_5, %get3A_6] : memref<128x160xf32, #tpu.memory_space<vmem>>, vector<128x32xf32>
    %get3A_8 = arith.constant 0 : index
    %get3A_9 = arith.constant 0 : index
    %get3A_10 = vector.load %arg2[%get3A_8, %get3A_9] : memref<8x32xf32, #tpu.memory_space<vmem>>, vector<8x32xf32>
    %dot_general3A = arith.constant dense<0.000000e+00> : vector<8x128xf32>
    %dot_general3A_11 = tpu.matmul %get3A_10, %get3A_7, %dot_general3A {dimension_numbers = #tpu.dot_dimension_numbers<[1], [1], [0], [0], [0, 0, 1, 0], [], []>, transpose_lhs_hint = false} : vector<8x32xf32>, vector<128x32xf32>, vector<8x128xf32> -> vector<8x128xf32>
    %get3A_12 = arith.constant 0 : index
    %get3A_13 = arith.constant 0 : index
    %get3A_14 = vector.load %arg1[%get3A_12, %get3A_13] : memref<10000x1xi32, #tpu.memory_space<vmem>>, vector<10000x1xi32>
    %iota3A = tpu.iota {dimensions = array<i32: 1>} : vector<10000x8xi32>
    %eq3A = vector.broadcast %get3A_14 : vector<10000x1xi32> to vector<10000x8xi32>
    %eq3A_15 = arith.cmpi eq, %eq3A, %iota3A : vector<10000x8xi32>
    %convert_element_type3A = arith.extui %eq3A_15 : vector<10000x8xi1> to vector<10000x8xi32>
    %convert_element_type3A_16 = arith.sitofp %convert_element_type3A : vector<10000x8xi32> to vector<10000x8xf32>
    %dot_general3A_17 = arith.constant dense<0.000000e+00> : vector<10000x128xf32>
    %dot_general3A_18 = tpu.matmul %get3A_1, %get3A_4, %dot_general3A_17 {dimension_numbers = #tpu.dot_dimension_numbers<[1], [1], [0], [0], [0, 0, 1, 0], [], []>, transpose_lhs_hint = false} : vector<10000x128xf32>, vector<128x128xf32>, vector<10000x128xf32> -> vector<10000x128xf32>
    %dot_general3A_19 = arith.constant dense<0.000000e+00> : vector<10000x128xf32>
    %dot_general3A_20 = tpu.matmul %convert_element_type3A_16, %dot_general3A_11, %dot_general3A_19 {dimension_numbers = #tpu.dot_dimension_numbers<[1], [0], [0], [1], [0, 0, 1, 1], [], []>, transpose_lhs_hint = false} : vector<10000x8xf32>, vector<8x128xf32>, vector<10000x128xf32> -> vector<10000x128xf32>
    %add3A = arith.addf %dot_general3A_18, %dot_general3A_20 : vector<10000x128xf32>
    %get3A_21 = arith.constant 0 : index
    %get3A_22 = arith.constant 0 : index
    %get3A_23 = vector.load %arg4[%get3A_21, %get3A_22] : memref<1x128xf32, #tpu.memory_space<vmem>>, vector<1x128xf32>
    %add3A_24 = vector.broadcast %get3A_23 : vector<1x128xf32> to vector<10000x128xf32>
    %add3A_25 = arith.addf %add3A, %add3A_24 : vector<10000x128xf32>
    %max3A = arith.constant 0.000000e+00 : f32
    %max3A_26 = vector.broadcast %max3A : f32 to vector<10000x128xf32>
    %max3A_27 = arith.maximumf %add3A_25, %max3A_26 : vector<10000x128xf32>
    %swap3A = arith.constant 0 : index
    %swap3A_28 = arith.constant 0 : index
    %swap3A_29 = vector.load %arg5[%swap3A, %swap3A_28] : memref<10000x128xf32, #tpu.memory_space<vmem>>, vector<10000x128xf32>
    tpu.vector_store %arg5[%swap3A, %swap3A_28], %max3A_27 {strides = array<i32>} : memref<10000x128xf32, #tpu.memory_space<vmem>>, vector<10000x128xf32>,
    %convert_element_type3A_30 = arith.truncf %max3A_27 : vector<10000x128xf32> to vector<10000x128xbf16>
    %slice3A = vector.extract_strided_slice %convert_element_type3A_30 {offsets = [0, 0], sizes = [10000, 64], strides = [1, 1]} : vector<10000x128xbf16> to vector<10000x64xbf16>
    %swap3A_31 = arith.constant 0 : index
    %swap3A_32 = arith.constant 0 : index
    %swap3A_33 = vector.load %arg6[%swap3A_31, %swap3A_32] : memref<20000x64xbf16, #tpu.memory_space<vmem>>, vector<10000x64xbf16>
    tpu.vector_store %arg6[%swap3A_31, %swap3A_32], %slice3A {strides = array<i32>} : memref<20000x64xbf16, #tpu.memory_space<vmem>>, vector<10000x64xbf16>,
    %slice3A_34 = vector.extract_strided_slice %convert_element_type3A_30 {offsets = [0, 64], sizes = [10000, 64], strides = [1, 1]} : vector<10000x128xbf16> to vector<10000x64xbf16>
    %swap3A_35 = arith.constant 10000 : index
    %swap3A_36 = arith.constant 0 : index
    %swap3A_37 = vector.load %arg6[%swap3A_35, %swap3A_36] : memref<20000x64xbf16, #tpu.memory_space<vmem>>, vector<10000x64xbf16>
    tpu.vector_store %arg6[%swap3A_35, %swap3A_36], %slice3A_34 {strides = array<i32>} : memref<20000x64xbf16, #tpu.memory_space<vmem>>, vector<10000x64xbf16>,
    return
  }
}

module attributes {stable_mosaic.version = 14 : i64} {
  func.func @_layer_body(%arg0: memref<10000x128xf32, #tpu.memory_space<vmem>>, %arg1: memref<2x10240x64xf32, #tpu.memory_space<vmem>>, %arg2: memref<2x10240x16xf32, #tpu.memory_space<vmem>>, %arg3: memref<128x128xf32, #tpu.memory_space<vmem>>, %arg4: memref<1x128xf32, #tpu.memory_space<vmem>>, %arg5: memref<128x128xf32, #tpu.memory_space<vmem>>, %arg6: memref<1x128xf32, #tpu.memory_space<vmem>>, %arg7: memref<1x128xf32, #tpu.memory_space<vmem>>, %arg8: memref<10000x128xf32, #tpu.memory_space<vmem>>, %arg9: memref<20000x64xbf16, #tpu.memory_space<vmem>>) attributes {dimension_semantics = [], scalar_prefetch = 0 : i64, scratch_operands = 0 : i64, tpu.core_type = #tpu.core_type<tc>} {
    %get3A = arith.constant 0 : index
    %get3A_0 = arith.constant 0 : index
    %get3A_1 = vector.load %arg0[%get3A, %get3A_0] : memref<10000x128xf32, #tpu.memory_space<vmem>>, vector<10000x128xf32>
    %get3A_2 = arith.constant 0 : index
    %get3A_3 = arith.constant 0 : index
    %get3A_4 = arith.constant 0 : index
    %get3A_5 = vector.load %arg2[%get3A_2, %get3A_3, %get3A_4] : memref<2x10240x16xf32, #tpu.memory_space<vmem>>, vector<1x10000x1xf32>
    %get3A_6 = vector.shape_cast %get3A_5 : vector<1x10000x1xf32> to vector<10000x1xf32>
    %get3A_7 = arith.constant 1 : index
    %get3A_8 = arith.constant 0 : index
    %get3A_9 = arith.constant 0 : index
    %get3A_10 = vector.load %arg2[%get3A_7, %get3A_8, %get3A_9] : memref<2x10240x16xf32, #tpu.memory_space<vmem>>, vector<1x10000x1xf32>
    %get3A_11 = vector.shape_cast %get3A_10 : vector<1x10000x1xf32> to vector<10000x1xf32>
    %add3A = arith.addf %get3A_6, %get3A_11 : vector<10000x1xf32>
    %max3A = arith.constant 1.000000e+00 : f32
    %max3A_12 = vector.broadcast %max3A : f32 to vector<10000x1xf32>
    %max3A_13 = arith.maximumf %add3A, %max3A_12 : vector<10000x1xf32>
    %get3A_14 = arith.constant 0 : index
    %get3A_15 = arith.constant 0 : index
    %get3A_16 = arith.constant 0 : index
    %get3A_17 = vector.load %arg1[%get3A_14, %get3A_15, %get3A_16] : memref<2x10240x64xf32, #tpu.memory_space<vmem>>, vector<1x10000x64xf32>
    %get3A_18 = vector.shape_cast %get3A_17 : vector<1x10000x64xf32> to vector<10000x64xf32>
    %get3A_19 = arith.constant 1 : index
    %get3A_20 = arith.constant 0 : index
    %get3A_21 = arith.constant 0 : index
    %get3A_22 = vector.load %arg1[%get3A_19, %get3A_20, %get3A_21] : memref<2x10240x64xf32, #tpu.memory_space<vmem>>, vector<1x10000x64xf32>
    %get3A_23 = vector.shape_cast %get3A_22 : vector<1x10000x64xf32> to vector<10000x64xf32>
    %concatenate3A = tpu.concatenate %get3A_18, %get3A_23 in 1 : vector<10000x64xf32>, vector<10000x64xf32> -> vector<10000x128xf32>
    %div3A = vector.broadcast %max3A_13 : vector<10000x1xf32> to vector<10000x128xf32>
    %div3A_24 = arith.divf %concatenate3A, %div3A : vector<10000x128xf32>
    %get3A_25 = arith.constant 0 : index
    %get3A_26 = arith.constant 0 : index
    %get3A_27 = vector.load %arg3[%get3A_25, %get3A_26] : memref<128x128xf32, #tpu.memory_space<vmem>>, vector<128x128xf32>
    %dot_general3A = arith.constant dense<0.000000e+00> : vector<10000x128xf32>
    %dot_general3A_28 = tpu.matmul %div3A_24, %get3A_27, %dot_general3A {dimension_numbers = #tpu.dot_dimension_numbers<[1], [1], [0], [0], [0, 0, 1, 0], [], []>, transpose_lhs_hint = false} : vector<10000x128xf32>, vector<128x128xf32>, vector<10000x128xf32> -> vector<10000x128xf32>
    %get3A_29 = arith.constant 0 : index
    %get3A_30 = arith.constant 0 : index
    %get3A_31 = vector.load %arg4[%get3A_29, %get3A_30] : memref<1x128xf32, #tpu.memory_space<vmem>>, vector<1x128xf32>
    %add3A_32 = vector.broadcast %get3A_31 : vector<1x128xf32> to vector<10000x128xf32>
    %add3A_33 = arith.addf %dot_general3A_28, %add3A_32 : vector<10000x128xf32>
    %get3A_34 = arith.constant 0 : index
    %get3A_35 = arith.constant 0 : index
    %get3A_36 = vector.load %arg5[%get3A_34, %get3A_35] : memref<128x128xf32, #tpu.memory_space<vmem>>, vector<128x128xf32>
    %dot_general3A_37 = arith.constant dense<0.000000e+00> : vector<10000x128xf32>
    %dot_general3A_38 = tpu.matmul %get3A_1, %get3A_36, %dot_general3A_37 {dimension_numbers = #tpu.dot_dimension_numbers<[1], [1], [0], [0], [0, 0, 1, 0], [], []>, transpose_lhs_hint = false} : vector<10000x128xf32>, vector<128x128xf32>, vector<10000x128xf32> -> vector<10000x128xf32>
    %add3A_39 = arith.addf %add3A_33, %dot_general3A_38 : vector<10000x128xf32>
    %reduce_sum3A = arith.constant dense<0.000000e+00> : vector<10000xf32>
    %reduce_sum3A_40 = vector.multi_reduction <add>, %add3A_39, %reduce_sum3A [1] : vector<10000x128xf32> to vector<10000xf32>
    %broadcast_in_dim3A = vector.shape_cast %reduce_sum3A_40 : vector<10000xf32> to vector<10000x1xf32>
    %div3A_41 = arith.constant 1.280000e+02 : f32
    %div3A_42 = vector.broadcast %div3A_41 : f32 to vector<10000x1xf32>
    %div3A_43 = arith.divf %broadcast_in_dim3A, %div3A_42 : vector<10000x1xf32>
    %sub3A = vector.broadcast %div3A_43 : vector<10000x1xf32> to vector<10000x128xf32>
    %sub3A_44 = arith.subf %add3A_39, %sub3A : vector<10000x128xf32>
    %integer_pow3A = arith.mulf %sub3A_44, %sub3A_44 : vector<10000x128xf32>
    %reduce_sum3A_45 = arith.constant dense<0.000000e+00> : vector<10000xf32>
    %reduce_sum3A_46 = vector.multi_reduction <add>, %integer_pow3A, %reduce_sum3A_45 [1] : vector<10000x128xf32> to vector<10000xf32>
    %broadcast_in_dim3A_47 = vector.shape_cast %reduce_sum3A_46 : vector<10000xf32> to vector<10000x1xf32>
    %div3A_48 = arith.constant 1.280000e+02 : f32
    %div3A_49 = vector.broadcast %div3A_48 : f32 to vector<10000x1xf32>
    %div3A_50 = arith.divf %broadcast_in_dim3A_47, %div3A_49 : vector<10000x1xf32>
    %sub3A_51 = vector.broadcast %div3A_43 : vector<10000x1xf32> to vector<10000x128xf32>
    %sub3A_52 = arith.subf %add3A_39, %sub3A_51 : vector<10000x128xf32>
    %add3A_53 = arith.constant 9.99999974E-6 : f32
    %add3A_54 = vector.broadcast %add3A_53 : f32 to vector<10000x1xf32>
    %add3A_55 = arith.addf %div3A_50, %add3A_54 : vector<10000x1xf32>
    %sqrt3A = math.sqrt %add3A_55 : vector<10000x1xf32>
    %div3A_56 = vector.broadcast %sqrt3A : vector<10000x1xf32> to vector<10000x128xf32>
    %div3A_57 = arith.divf %sub3A_52, %div3A_56 : vector<10000x128xf32>
    %get3A_58 = arith.constant 0 : index
    %get3A_59 = arith.constant 0 : index
    %get3A_60 = vector.load %arg6[%get3A_58, %get3A_59] : memref<1x128xf32, #tpu.memory_space<vmem>>, vector<1x128xf32>
    %mul3A = vector.broadcast %get3A_60 : vector<1x128xf32> to vector<10000x128xf32>
    %mul3A_61 = arith.mulf %div3A_57, %mul3A : vector<10000x128xf32>
    %get3A_62 = arith.constant 0 : index
    %get3A_63 = arith.constant 0 : index
    %get3A_64 = vector.load %arg7[%get3A_62, %get3A_63] : memref<1x128xf32, #tpu.memory_space<vmem>>, vector<1x128xf32>
    %add3A_65 = vector.broadcast %get3A_64 : vector<1x128xf32> to vector<10000x128xf32>
    %add3A_66 = arith.addf %mul3A_61, %add3A_65 : vector<10000x128xf32>
    %max3A_67 = arith.constant 0.000000e+00 : f32
    %max3A_68 = vector.broadcast %max3A_67 : f32 to vector<10000x128xf32>
    %max3A_69 = arith.maximumf %add3A_66, %max3A_68 : vector<10000x128xf32>
    %add3A_70 = arith.addf %get3A_1, %max3A_69 : vector<10000x128xf32>
    %swap3A = arith.constant 0 : index
    %swap3A_71 = arith.constant 0 : index
    %swap3A_72 = vector.load %arg8[%swap3A, %swap3A_71] : memref<10000x128xf32, #tpu.memory_space<vmem>>, vector<10000x128xf32>
    tpu.vector_store %arg8[%swap3A, %swap3A_71], %add3A_70 {strides = array<i32>} : memref<10000x128xf32, #tpu.memory_space<vmem>>, vector<10000x128xf32>,
    %convert_element_type3A = arith.truncf %add3A_70 : vector<10000x128xf32> to vector<10000x128xbf16>
    %slice3A = vector.extract_strided_slice %convert_element_type3A {offsets = [0, 0], sizes = [10000, 64], strides = [1, 1]} : vector<10000x128xbf16> to vector<10000x64xbf16>
    %swap3A_73 = arith.constant 0 : index
    %swap3A_74 = arith.constant 0 : index
    %swap3A_75 = vector.load %arg9[%swap3A_73, %swap3A_74] : memref<20000x64xbf16, #tpu.memory_space<vmem>>, vector<10000x64xbf16>
    tpu.vector_store %arg9[%swap3A_73, %swap3A_74], %slice3A {strides = array<i32>} : memref<20000x64xbf16, #tpu.memory_space<vmem>>, vector<10000x64xbf16>,
    %slice3A_76 = vector.extract_strided_slice %convert_element_type3A {offsets = [0, 64], sizes = [10000, 64], strides = [1, 1]} : vector<10000x128xbf16> to vector<10000x64xbf16>
    %swap3A_77 = arith.constant 10000 : index
    %swap3A_78 = arith.constant 0 : index
    %swap3A_79 = vector.load %arg9[%swap3A_77, %swap3A_78] : memref<20000x64xbf16, #tpu.memory_space<vmem>>, vector<10000x64xbf16>
    tpu.vector_store %arg9[%swap3A_77, %swap3A_78], %slice3A_76 {strides = array<i32>} : memref<20000x64xbf16, #tpu.memory_space<vmem>>, vector<10000x64xbf16>,
    return
  }
}

module attributes {stable_mosaic.version = 14 : i64} {
  func.func @_layer_body_last(%arg0: memref<10000x128xf32, #tpu.memory_space<vmem>>, %arg1: memref<2x10240x64xf32, #tpu.memory_space<vmem>>, %arg2: memref<2x10240x16xf32, #tpu.memory_space<vmem>>, %arg3: memref<128x128xf32, #tpu.memory_space<vmem>>, %arg4: memref<1x128xf32, #tpu.memory_space<vmem>>, %arg5: memref<128x128xf32, #tpu.memory_space<vmem>>, %arg6: memref<1x128xf32, #tpu.memory_space<vmem>>, %arg7: memref<1x128xf32, #tpu.memory_space<vmem>>, %arg8: memref<10000x128xf32, #tpu.memory_space<vmem>>) attributes {dimension_semantics = [], scalar_prefetch = 0 : i64, scratch_operands = 0 : i64, tpu.core_type = #tpu.core_type<tc>} {
    %get3A = arith.constant 0 : index
    %get3A_0 = arith.constant 0 : index
    %get3A_1 = vector.load %arg0[%get3A, %get3A_0] : memref<10000x128xf32, #tpu.memory_space<vmem>>, vector<10000x128xf32>
    %get3A_2 = arith.constant 0 : index
    %get3A_3 = arith.constant 0 : index
    %get3A_4 = arith.constant 0 : index
    %get3A_5 = vector.load %arg2[%get3A_2, %get3A_3, %get3A_4] : memref<2x10240x16xf32, #tpu.memory_space<vmem>>, vector<1x10000x1xf32>
    %get3A_6 = vector.shape_cast %get3A_5 : vector<1x10000x1xf32> to vector<10000x1xf32>
    %get3A_7 = arith.constant 1 : index
    %get3A_8 = arith.constant 0 : index
    %get3A_9 = arith.constant 0 : index
    %get3A_10 = vector.load %arg2[%get3A_7, %get3A_8, %get3A_9] : memref<2x10240x16xf32, #tpu.memory_space<vmem>>, vector<1x10000x1xf32>
    %get3A_11 = vector.shape_cast %get3A_10 : vector<1x10000x1xf32> to vector<10000x1xf32>
    %add3A = arith.addf %get3A_6, %get3A_11 : vector<10000x1xf32>
    %max3A = arith.constant 1.000000e+00 : f32
    %max3A_12 = vector.broadcast %max3A : f32 to vector<10000x1xf32>
    %max3A_13 = arith.maximumf %add3A, %max3A_12 : vector<10000x1xf32>
    %get3A_14 = arith.constant 0 : index
    %get3A_15 = arith.constant 0 : index
    %get3A_16 = arith.constant 0 : index
    %get3A_17 = vector.load %arg1[%get3A_14, %get3A_15, %get3A_16] : memref<2x10240x64xf32, #tpu.memory_space<vmem>>, vector<1x10000x64xf32>
    %get3A_18 = vector.shape_cast %get3A_17 : vector<1x10000x64xf32> to vector<10000x64xf32>
    %get3A_19 = arith.constant 1 : index
    %get3A_20 = arith.constant 0 : index
    %get3A_21 = arith.constant 0 : index
    %get3A_22 = vector.load %arg1[%get3A_19, %get3A_20, %get3A_21] : memref<2x10240x64xf32, #tpu.memory_space<vmem>>, vector<1x10000x64xf32>
    %get3A_23 = vector.shape_cast %get3A_22 : vector<1x10000x64xf32> to vector<10000x64xf32>
    %concatenate3A = tpu.concatenate %get3A_18, %get3A_23 in 1 : vector<10000x64xf32>, vector<10000x64xf32> -> vector<10000x128xf32>
    %div3A = vector.broadcast %max3A_13 : vector<10000x1xf32> to vector<10000x128xf32>
    %div3A_24 = arith.divf %concatenate3A, %div3A : vector<10000x128xf32>
    %get3A_25 = arith.constant 0 : index
    %get3A_26 = arith.constant 0 : index
    %get3A_27 = vector.load %arg3[%get3A_25, %get3A_26] : memref<128x128xf32, #tpu.memory_space<vmem>>, vector<128x128xf32>
    %dot_general3A = arith.constant dense<0.000000e+00> : vector<10000x128xf32>
    %dot_general3A_28 = tpu.matmul %div3A_24, %get3A_27, %dot_general3A {dimension_numbers = #tpu.dot_dimension_numbers<[1], [1], [0], [0], [0, 0, 1, 0], [], []>, transpose_lhs_hint = false} : vector<10000x128xf32>, vector<128x128xf32>, vector<10000x128xf32> -> vector<10000x128xf32>
    %get3A_29 = arith.constant 0 : index
    %get3A_30 = arith.constant 0 : index
    %get3A_31 = vector.load %arg4[%get3A_29, %get3A_30] : memref<1x128xf32, #tpu.memory_space<vmem>>, vector<1x128xf32>
    %add3A_32 = vector.broadcast %get3A_31 : vector<1x128xf32> to vector<10000x128xf32>
    %add3A_33 = arith.addf %dot_general3A_28, %add3A_32 : vector<10000x128xf32>
    %get3A_34 = arith.constant 0 : index
    %get3A_35 = arith.constant 0 : index
    %get3A_36 = vector.load %arg5[%get3A_34, %get3A_35] : memref<128x128xf32, #tpu.memory_space<vmem>>, vector<128x128xf32>
    %dot_general3A_37 = arith.constant dense<0.000000e+00> : vector<10000x128xf32>
    %dot_general3A_38 = tpu.matmul %get3A_1, %get3A_36, %dot_general3A_37 {dimension_numbers = #tpu.dot_dimension_numbers<[1], [1], [0], [0], [0, 0, 1, 0], [], []>, transpose_lhs_hint = false} : vector<10000x128xf32>, vector<128x128xf32>, vector<10000x128xf32> -> vector<10000x128xf32>
    %add3A_39 = arith.addf %add3A_33, %dot_general3A_38 : vector<10000x128xf32>
    %reduce_sum3A = arith.constant dense<0.000000e+00> : vector<10000xf32>
    %reduce_sum3A_40 = vector.multi_reduction <add>, %add3A_39, %reduce_sum3A [1] : vector<10000x128xf32> to vector<10000xf32>
    %broadcast_in_dim3A = vector.shape_cast %reduce_sum3A_40 : vector<10000xf32> to vector<10000x1xf32>
    %div3A_41 = arith.constant 1.280000e+02 : f32
    %div3A_42 = vector.broadcast %div3A_41 : f32 to vector<10000x1xf32>
    %div3A_43 = arith.divf %broadcast_in_dim3A, %div3A_42 : vector<10000x1xf32>
    %sub3A = vector.broadcast %div3A_43 : vector<10000x1xf32> to vector<10000x128xf32>
    %sub3A_44 = arith.subf %add3A_39, %sub3A : vector<10000x128xf32>
    %integer_pow3A = arith.mulf %sub3A_44, %sub3A_44 : vector<10000x128xf32>
    %reduce_sum3A_45 = arith.constant dense<0.000000e+00> : vector<10000xf32>
    %reduce_sum3A_46 = vector.multi_reduction <add>, %integer_pow3A, %reduce_sum3A_45 [1] : vector<10000x128xf32> to vector<10000xf32>
    %broadcast_in_dim3A_47 = vector.shape_cast %reduce_sum3A_46 : vector<10000xf32> to vector<10000x1xf32>
    %div3A_48 = arith.constant 1.280000e+02 : f32
    %div3A_49 = vector.broadcast %div3A_48 : f32 to vector<10000x1xf32>
    %div3A_50 = arith.divf %broadcast_in_dim3A_47, %div3A_49 : vector<10000x1xf32>
    %sub3A_51 = vector.broadcast %div3A_43 : vector<10000x1xf32> to vector<10000x128xf32>
    %sub3A_52 = arith.subf %add3A_39, %sub3A_51 : vector<10000x128xf32>
    %add3A_53 = arith.constant 9.99999974E-6 : f32
    %add3A_54 = vector.broadcast %add3A_53 : f32 to vector<10000x1xf32>
    %add3A_55 = arith.addf %div3A_50, %add3A_54 : vector<10000x1xf32>
    %sqrt3A = math.sqrt %add3A_55 : vector<10000x1xf32>
    %div3A_56 = vector.broadcast %sqrt3A : vector<10000x1xf32> to vector<10000x128xf32>
    %div3A_57 = arith.divf %sub3A_52, %div3A_56 : vector<10000x128xf32>
    %get3A_58 = arith.constant 0 : index
    %get3A_59 = arith.constant 0 : index
    %get3A_60 = vector.load %arg6[%get3A_58, %get3A_59] : memref<1x128xf32, #tpu.memory_space<vmem>>, vector<1x128xf32>
    %mul3A = vector.broadcast %get3A_60 : vector<1x128xf32> to vector<10000x128xf32>
    %mul3A_61 = arith.mulf %div3A_57, %mul3A : vector<10000x128xf32>
    %get3A_62 = arith.constant 0 : index
    %get3A_63 = arith.constant 0 : index
    %get3A_64 = vector.load %arg7[%get3A_62, %get3A_63] : memref<1x128xf32, #tpu.memory_space<vmem>>, vector<1x128xf32>
    %add3A_65 = vector.broadcast %get3A_64 : vector<1x128xf32> to vector<10000x128xf32>
    %add3A_66 = arith.addf %mul3A_61, %add3A_65 : vector<10000x128xf32>
    %max3A_67 = arith.constant 0.000000e+00 : f32
    %max3A_68 = vector.broadcast %max3A_67 : f32 to vector<10000x128xf32>
    %max3A_69 = arith.maximumf %add3A_66, %max3A_68 : vector<10000x128xf32>
    %add3A_70 = arith.addf %get3A_1, %max3A_69 : vector<10000x128xf32>
    %swap3A = arith.constant 0 : index
    %swap3A_71 = arith.constant 0 : index
    %swap3A_72 = vector.load %arg8[%swap3A, %swap3A_71] : memref<10000x128xf32, #tpu.memory_space<vmem>>, vector<10000x128xf32>
    tpu.vector_store %arg8[%swap3A, %swap3A_71], %add3A_70 {strides = array<i32>} : memref<10000x128xf32, #tpu.memory_space<vmem>>, vector<10000x128xf32>,
    return
  }
}

module attributes {stable_mosaic.version = 14 : i64} {
  func.func @_heads_body(%arg0: memref<10000x128xf32, #tpu.memory_space<vmem>>, %arg1: memref<10000x1xi32, #tpu.memory_space<vmem>>, %arg2: memref<128x256xf32, #tpu.memory_space<vmem>>, %arg3: memref<1x128xf32, #tpu.memory_space<vmem>>, %arg4: memref<64x128xf32, #tpu.memory_space<vmem>>, %arg5: memref<1x64xf32, #tpu.memory_space<vmem>>, %arg6: memref<10x64xf32, #tpu.memory_space<vmem>>, %arg7: memref<1x10xf32, #tpu.memory_space<vmem>>, %arg8: memref<64x128xf32, #tpu.memory_space<vmem>>, %arg9: memref<1x64xf32, #tpu.memory_space<vmem>>, %arg10: memref<8x64xf32, #tpu.memory_space<vmem>>, %arg11: memref<1x8xf32, #tpu.memory_space<vmem>>, %arg12: memref<16x256xf32, #tpu.memory_space<vmem>>, %arg13: memref<16x10xf32, #tpu.memory_space<vmem>>, %arg14: memref<10000x8xf32, #tpu.memory_space<vmem>>) attributes {dimension_semantics = [], scalar_prefetch = 0 : i64, scratch_operands = 0 : i64, tpu.core_type = #tpu.core_type<tc>} {
    %get3A = arith.constant 0 : index
    %get3A_0 = arith.constant 0 : index
    %get3A_1 = vector.load %arg0[%get3A, %get3A_0] : memref<10000x128xf32, #tpu.memory_space<vmem>>, vector<10000x128xf32>
    %get3A_2 = arith.constant 0 : index
    %get3A_3 = arith.constant 0 : index
    %get3A_4 = vector.load %arg1[%get3A_2, %get3A_3] : memref<10000x1xi32, #tpu.memory_space<vmem>>, vector<10000x1xi32>
    %iota3A = tpu.iota {dimensions = array<i32: 1>} : vector<10000x16xi32>
    %eq3A = vector.broadcast %get3A_4 : vector<10000x1xi32> to vector<10000x16xi32>
    %eq3A_5 = arith.cmpi eq, %eq3A, %iota3A : vector<10000x16xi32>
    %convert_element_type3A = arith.extui %eq3A_5 : vector<10000x16xi1> to vector<10000x16xi32>
    %convert_element_type3A_6 = arith.sitofp %convert_element_type3A : vector<10000x16xi32> to vector<10000x16xf32>
    %dot_general3A = arith.constant dense<0.000000e+00> : vector<16x128xf32>
    %dot_general3A_7 = tpu.matmul %convert_element_type3A_6, %get3A_1, %dot_general3A {dimension_numbers = #tpu.dot_dimension_numbers<[0], [0], [1], [1], [0, 1, 1, 1], [], []>, transpose_lhs_hint = false} : vector<10000x16xf32>, vector<10000x128xf32>, vector<16x128xf32> -> vector<16x128xf32>
    %broadcast_in_dim3A = arith.constant 1.000000e+00 : f32
    %broadcast_in_dim3A_8 = vector.broadcast %broadcast_in_dim3A : f32 to vector<10000x128xf32>
    %dot_general3A_9 = arith.constant dense<0.000000e+00> : vector<16x128xf32>
    %dot_general3A_10 = tpu.matmul %convert_element_type3A_6, %broadcast_in_dim3A_8, %dot_general3A_9 {dimension_numbers = #tpu.dot_dimension_numbers<[0], [0], [1], [1], [0, 1, 1, 1], [], []>, transpose_lhs_hint = false} : vector<10000x16xf32>, vector<10000x128xf32>, vector<16x128xf32> -> vector<16x128xf32>
    %slice3A = vector.extract_strided_slice %dot_general3A_10 {offsets = [0, 0], sizes = [16, 1], strides = [1, 1]} : vector<16x128xf32> to vector<16x1xf32>
    %max3A = arith.constant 1.000000e+00 : f32
    %max3A_11 = vector.broadcast %max3A : f32 to vector<16x1xf32>
    %max3A_12 = arith.maximumf %slice3A, %max3A_11 : vector<16x1xf32>
    %div3A = vector.broadcast %max3A_12 : vector<16x1xf32> to vector<16x128xf32>
    %div3A_13 = arith.divf %dot_general3A_7, %div3A : vector<16x128xf32>
    %concatenate3A = tpu.concatenate %div3A_13, %div3A_13 in 1 : vector<16x128xf32>, vector<16x128xf32> -> vector<16x256xf32>
    %get3A_14 = arith.constant 0 : index
    %get3A_15 = arith.constant 0 : index
    %get3A_16 = vector.load %arg2[%get3A_14, %get3A_15] : memref<128x256xf32, #tpu.memory_space<vmem>>, vector<128x256xf32>
    %dot_general3A_17 = arith.constant dense<0.000000e+00> : vector<16x128xf32>
    %dot_general3A_18 = tpu.matmul %concatenate3A, %get3A_16, %dot_general3A_17 {dimension_numbers = #tpu.dot_dimension_numbers<[1], [1], [0], [0], [0, 0, 1, 0], [], []>, transpose_lhs_hint = false} : vector<16x256xf32>, vector<128x256xf32>, vector<16x128xf32> -> vector<16x128xf32>
    %get3A_19 = arith.constant 0 : index
    %get3A_20 = arith.constant 0 : index
    %get3A_21 = vector.load %arg3[%get3A_19, %get3A_20] : memref<1x128xf32, #tpu.memory_space<vmem>>, vector<1x128xf32>
    %add3A = vector.broadcast %get3A_21 : vector<1x128xf32> to vector<16x128xf32>
    %add3A_22 = arith.addf %dot_general3A_18, %add3A : vector<16x128xf32>
    %max3A_23 = arith.constant 0.000000e+00 : f32
    %max3A_24 = vector.broadcast %max3A_23 : f32 to vector<16x128xf32>
    %max3A_25 = arith.maximumf %add3A_22, %max3A_24 : vector<16x128xf32>
    %get3A_26 = arith.constant 0 : index
    %get3A_27 = arith.constant 0 : index
    %get3A_28 = vector.load %arg4[%get3A_26, %get3A_27] : memref<64x128xf32, #tpu.memory_space<vmem>>, vector<64x128xf32>
    %dot_general3A_29 = arith.constant dense<0.000000e+00> : vector<16x64xf32>
    %dot_general3A_30 = tpu.matmul %max3A_25, %get3A_28, %dot_general3A_29 {dimension_numbers = #tpu.dot_dimension_numbers<[1], [1], [0], [0], [0, 0, 1, 0], [], []>, transpose_lhs_hint = false} : vector<16x128xf32>, vector<64x128xf32>, vector<16x64xf32> -> vector<16x64xf32>
    %get3A_31 = arith.constant 0 : index
    %get3A_32 = arith.constant 0 : index
    %get3A_33 = vector.load %arg5[%get3A_31, %get3A_32] : memref<1x64xf32, #tpu.memory_space<vmem>>, vector<1x64xf32>
    %add3A_34 = vector.broadcast %get3A_33 : vector<1x64xf32> to vector<16x64xf32>
    %add3A_35 = arith.addf %dot_general3A_30, %add3A_34 : vector<16x64xf32>
    %max3A_36 = arith.constant 0.000000e+00 : f32
    %max3A_37 = vector.broadcast %max3A_36 : f32 to vector<16x64xf32>
    %max3A_38 = arith.maximumf %add3A_35, %max3A_37 : vector<16x64xf32>
    %get3A_39 = arith.constant 0 : index
    %get3A_40 = arith.constant 0 : index
    %get3A_41 = vector.load %arg6[%get3A_39, %get3A_40] : memref<10x64xf32, #tpu.memory_space<vmem>>, vector<10x64xf32>
    %dot_general3A_42 = arith.constant dense<0.000000e+00> : vector<16x10xf32>
    %dot_general3A_43 = tpu.matmul %max3A_38, %get3A_41, %dot_general3A_42 {dimension_numbers = #tpu.dot_dimension_numbers<[1], [1], [0], [0], [0, 0, 1, 0], [], []>, transpose_lhs_hint = false} : vector<16x64xf32>, vector<10x64xf32>, vector<16x10xf32> -> vector<16x10xf32>
    %get3A_44 = arith.constant 0 : index
    %get3A_45 = arith.constant 0 : index
    %get3A_46 = vector.load %arg7[%get3A_44, %get3A_45] : memref<1x10xf32, #tpu.memory_space<vmem>>, vector<1x10xf32>
    %add3A_47 = vector.broadcast %get3A_46 : vector<1x10xf32> to vector<16x10xf32>
    %add3A_48 = arith.addf %dot_general3A_43, %add3A_47 : vector<16x10xf32>
    %swap3A = arith.constant 0 : index
    %swap3A_49 = arith.constant 0 : index
    %swap3A_50 = vector.load %arg13[%swap3A, %swap3A_49] : memref<16x10xf32, #tpu.memory_space<vmem>>, vector<16x10xf32>
    tpu.vector_store %arg13[%swap3A, %swap3A_49], %add3A_48 {strides = array<i32>} : memref<16x10xf32, #tpu.memory_space<vmem>>, vector<16x10xf32>,
    %swap3A_51 = arith.constant 0 : index
    %swap3A_52 = arith.constant 0 : index
    %swap3A_53 = vector.load %arg12[%swap3A_51, %swap3A_52] : memref<16x256xf32, #tpu.memory_space<vmem>>, vector<16x256xf32>
    tpu.vector_store %arg12[%swap3A_51, %swap3A_52], %concatenate3A {strides = array<i32>} : memref<16x256xf32, #tpu.memory_space<vmem>>, vector<16x256xf32>,
    %get3A_54 = arith.constant 0 : index
    %get3A_55 = arith.constant 0 : index
    %get3A_56 = vector.load %arg8[%get3A_54, %get3A_55] : memref<64x128xf32, #tpu.memory_space<vmem>>, vector<64x128xf32>
    %dot_general3A_57 = arith.constant dense<0.000000e+00> : vector<10000x64xf32>
    %dot_general3A_58 = tpu.matmul %get3A_1, %get3A_56, %dot_general3A_57 {dimension_numbers = #tpu.dot_dimension_numbers<[1], [1], [0], [0], [0, 0, 1, 0], [], []>, transpose_lhs_hint = false} : vector<10000x128xf32>, vector<64x128xf32>, vector<10000x64xf32> -> vector<10000x64xf32>
    %get3A_59 = arith.constant 0 : index
    %get3A_60 = arith.constant 0 : index
    %get3A_61 = vector.load %arg9[%get3A_59, %get3A_60] : memref<1x64xf32, #tpu.memory_space<vmem>>, vector<1x64xf32>
    %add3A_62 = vector.broadcast %get3A_61 : vector<1x64xf32> to vector<10000x64xf32>
    %add3A_63 = arith.addf %dot_general3A_58, %add3A_62 : vector<10000x64xf32>
    %max3A_64 = arith.constant 0.000000e+00 : f32
    %max3A_65 = vector.broadcast %max3A_64 : f32 to vector<10000x64xf32>
    %max3A_66 = arith.maximumf %add3A_63, %max3A_65 : vector<10000x64xf32>
    %get3A_67 = arith.constant 0 : index
    %get3A_68 = arith.constant 0 : index
    %get3A_69 = vector.load %arg10[%get3A_67, %get3A_68] : memref<8x64xf32, #tpu.memory_space<vmem>>, vector<8x64xf32>
    %dot_general3A_70 = arith.constant dense<0.000000e+00> : vector<10000x8xf32>
    %dot_general3A_71 = tpu.matmul %max3A_66, %get3A_69, %dot_general3A_70 {dimension_numbers = #tpu.dot_dimension_numbers<[1], [1], [0], [0], [0, 0, 1, 0], [], []>, transpose_lhs_hint = false} : vector<10000x64xf32>, vector<8x64xf32>, vector<10000x8xf32> -> vector<10000x8xf32>
    %get3A_72 = arith.constant 0 : index
    %get3A_73 = arith.constant 0 : index
    %get3A_74 = vector.load %arg11[%get3A_72, %get3A_73] : memref<1x8xf32, #tpu.memory_space<vmem>>, vector<1x8xf32>
    %add3A_75 = vector.broadcast %get3A_74 : vector<1x8xf32> to vector<10000x8xf32>
    %add3A_76 = arith.addf %dot_general3A_71, %add3A_75 : vector<10000x8xf32>
    %swap3A_77 = arith.constant 0 : index
    %swap3A_78 = arith.constant 0 : index
    %swap3A_79 = vector.load %arg14[%swap3A_77, %swap3A_78] : memref<10000x8xf32, #tpu.memory_space<vmem>>, vector<10000x8xf32>
    tpu.vector_store %arg14[%swap3A_77, %swap3A_78], %add3A_76 {strides = array<i32>} : memref<10000x8xf32, #tpu.memory_space<vmem>>, vector<10000x8xf32>,
    return
  }
}

</mosaic_0001>

<sc_bundles>
// kernel: kernel.11.cloned.1.call-start
scs
__scs_entry_jumppad:
0x0: {  	(pc) =	sbr.rel $0x88, $3  }
0x1: {  	(tag) =	ssettag $0x0;
	lr =	simm.s32 $0x1  }
0x2: {  	[smem:$0x3F80] =	sst lr;
	_ =	strace $0xD0000000  }
0x3: {  	_ = 	snop  }
0x4: {  	_ = 	snop  }
0x5: {  	_ = 	snop  }
0x6: {  	_ = 	snop  }
0x7: {  	_ = 	snop  }
__scs_overlays_trampoline_lowered:
0x8: {  	[smem:$0x3F8F] =	sst s0  }
0x9: {  	[smem:$0x3F90] =	sst s1  }
0xa: {  	[smem:$0x3F91] =	sst s2  }
0xb: {  	[smem:$0x3F92] =	sst s3  }
0xc: {  	[smem:$0x3F93] =	sst s4  }
0xd: {  	[smem:$0x3F94] =	sst s5  }
0xe: {  	[smem:$0x3F95] =	sst s6  }
0xf: {  	[smem:$0x3F96] =	sst s7  }
0x10: {  	[smem:$0x3F97] =	sst s8  }
0x11: {  	[smem:$0x3F98] =	sst s9;
	s0 =	simm.s32 @!p0 $0x0  }
0x12: {  	s1 =	sld [smem:$0x3F7E];
	s0 =	simm.s32 @p0 $0x1  }
0x13: {  	[smem:$0x3F99] =	sst s0;
	s0 =	simm.s32 @!p1 $0x0  }
0x14: {  	s2 =	sld [smem:$0x3F7D];
	s0 =	simm.s32 @p1 $0x1  }
0x15: {  	[smem:$0x3F9A] =	sst s0;
	s0 =	simm.s32 @!p2 $0x0  }
0x16: {  	s3 =	sld [smem:$0x3FDB];
	s0 =	simm.s32 @p2 $0x1  }
0x17: {  	s4 =	simm.s32 $0x1BF5;
	[smem:$0x3F9C] =	sst s0  }
0x18: {  	s0 =	sld [smem:$0x3F7F];
	_ =	swait.ge [sflag:s4], $0x0  }
0x19: {  	s7 =	sld [smem:$0x3F80]  }
0x1a: {  	s8 =	sadd.s32 $0xFFFFE003, lr  }
0x1b: {  	s9 =	sadd.s32 $0xFFFFFEF7, lr;
	s5 =	simm.s32 $0xFFFFFFFF;
	p2 =	slt.u32 s8, $0xFFFFF086  }
0x1c: {  	p1 =	slt.u32 s9, $0xF7A;
	s5 =	simm.s32 @!p2 $0x0  }
0x1d: {  	s5 =	simm.s32 @p1 $0x1;
	p0 =	seq.s32 s7, s2  }
0x1e: {  	s7 =	smul.u32 @!p0 $0xF7A, s2;
	p2 =	seq.s32 @!p0 s5, $0x0  }
0x1f: {  	s9 =	smul.u32 $0xF7A, s1;
	s8 =	simm.s32 @!p0 $0x1BF5;
	p2 =	por !p2, p0  }
0x20: {  	[sflag:s8] =	ssyncset.s32 @!p0 $0xFFFFF086;
	s6 =	sadd.s32 @!p0 s3, s7;
	s7 =	simm.s32 @!p0 $0x108  }
0x21: {  	s3 =	sadd.s32 s3, s9;
	s6 =	sadd.s32 @!p0 $0x88, s6;
	s7 =	simm.s32 @p2 $0x1082  }
0x22: {  	[simem:s7], [sflag:s8] =	dma.local @!p0 [hbm:s6], $0xF7A  }
0x23: {  	s9 =	sor.u32 $0xD0000000, s2;
	s6 =	simm.s32 $0x108;
	_ =	swait.ge @!p0 [sflag:s8], $0x0  }
0x24: {  	s3 =	sadd.s32 $0x88, s3;
	s6 =	simm.s32 @!p1 $0x1082;
	[sflag:s4] =	ssyncset.s32 $0xFFFFF086  }
0x25: {  	[simem:s6], [sflag:s4] =	dma.local [hbm:s3], $0xF7A  }
0x26: {  	[smem:$0x3F80] =	sst s1;
	(tag) =	ssettag s2;
	_ =	strace s9  }
0x27: {  	s1 =	sld [smem:$0x3F90]  }
0x28: {  	s2 =	sld [smem:$0x3F91]  }
0x29: {  	s4 =	sld [smem:$0x3F93]  }
0x2a: {  	p0 =	seq.s32 s5, $0x0;
	s5 =	sld [smem:$0x3F94]  }
0x2b: {  	s6 =	sld [smem:$0x3F95]  }
0x2c: {  	s7 =	sld [smem:$0x3F96]  }
0x2d: {  	s3 =	simm.s32 $0x108;
	s8 =	sld [smem:$0x3F97]  }
0x2e: {  	s3 =	simm.s32 @!p0 $0x1082;
	s9 =	sld [smem:$0x3F98]  }
0x2f: {  	lr =	sadd.s32 s0, s3;
	s0 =	sld [smem:$0x3F8F]  }
0x30: {  	s3 =	sld [smem:$0x3F92]  }
0x31: {  	[smem:$0x3F9B] =	sst s10  }
0x32: {  	s10 =	sld [smem:$0x3F99];
	_ =	sdelay $0x3  }
0x33: {  	p0 =	seq.s32 s10, $0x1;
	s10 =	sld [smem:$0x3F9B];
	_ =	sdelay $0x3  }
0x34: {  	[smem:$0x3F9B] =	sst s10  }
0x35: {  	s10 =	sld [smem:$0x3F9A];
	_ =	sdelay $0x3  }
0x36: {  	p1 =	seq.s32 s10, $0x1;
	s10 =	sld [smem:$0x3F9B];
	_ =	sdelay $0x3  }
0x37: {  	[smem:$0x3F9B] =	sst s10  }
0x38: {  	s10 =	sld [smem:$0x3F9C]  }
0x39: {  	_ = 	snop;
	(pc) =	sbr.ind lr, $3  }
0x3a: {  	_ = 	snop  }
0x3b: {  	_ = 	snop  }
0x3c: {  	p2 =	seq.s32 s10, $0x1;
	s10 =	sld [smem:$0x3F9B]  }
0x3d: {  	_ =	shalt  }
0x3e: {  	_ =	shalt  }
0x3f: {  	_ =	shalt  }
0x40: {  	_ =	shalt  }
0x41: {  	_ =	shalt  }
0x42: {  	_ =	shalt  }
0x43: {  	_ =	shalt  }
0x44: {  	_ =	shalt  }
0x45: {  	_ =	shalt  }
0x46: {  	_ =	shalt  }
0x47: {  	_ =	shalt  }
0x48: {  	_ =	shalt  }
0x49: {  	_ =	shalt  }
0x4a: {  	_ =	shalt  }
0x4b: {  	_ =	shalt  }
0x4c: {  	_ =	shalt  }
0x4d: {  	_ =	shalt  }
0x4e: {  	_ =	shalt  }
0x4f: {  	_ =	shalt  }
0x50: {  	_ =	shalt  }
0x51: {  	_ =	shalt  }
0x52: {  	_ =	shalt  }
0x53: {  	_ =	shalt  }
0x54: {  	_ =	shalt  }
0x55: {  	_ =	shalt  }
0x56: {  	_ =	shalt  }
0x57: {  	_ =	shalt  }
0x58: {  	_ =	shalt  }
0x59: {  	_ =	shalt  }
0x5a: {  	_ =	shalt  }
0x5b: {  	_ =	shalt  }
0x5c: {  	_ =	shalt  }
0x5d: {  	_ =	shalt  }
0x5e: {  	_ =	shalt  }
0x5f: {  	_ =	shalt  }
0x60: {  	_ =	shalt  }
0x61: {  	_ =	shalt  }
0x62: {  	_ =	shalt  }
0x63: {  	_ =	shalt  }
0x64: {  	_ =	shalt  }
0x65: {  	_ =	shalt  }
0x66: {  	_ =	shalt  }
0x67: {  	_ =	shalt  }
0x68: {  	_ =	shalt  }
0x69: {  	_ =	shalt  }
0x6a: {  	_ =	shalt  }
0x6b: {  	_ =	shalt  }
0x6c: {  	_ =	shalt  }
0x6d: {  	_ =	shalt  }
0x6e: {  	_ =	shalt  }
0x6f: {  	_ =	shalt  }
0x70: {  	_ =	shalt  }
0x71: {  	_ =	shalt  }
0x72: {  	_ =	shalt  }
0x73: {  	_ =	shalt  }
0x74: {  	_ =	shalt  }
0x75: {  	_ =	shalt  }
0x76: {  	_ =	shalt  }
0x77: {  	_ =	shalt  }
0x78: {  	_ =	shalt  }
0x79: {  	_ =	shalt  }
0x7a: {  	_ =	shalt  }
0x7b: {  	_ =	shalt  }
0x7c: {  	_ =	shalt  }
0x7d: {  	_ =	shalt  }
0x7e: {  	_ =	shalt  }
0x7f: {  	_ =	shalt  }
0x80: {  	_ =	shalt  }
0x81: {  	_ =	shalt  }
0x82: {  	_ =	shalt  }
0x83: {  	_ =	shalt  }
0x84: {  	_ =	shalt  }
0x85: {  	_ =	shalt  }
0x86: {  	_ =	shalt  }
0x87: {  	_ =	shalt  }
.Lfunc_end0:
.L_simem_size_0:
called_computation_lowered:
.L_overlay_start_0:
0x88: {  	s2 =	sld [smem:$0x3FD9]  }
0x89: {  	s3 =	sld [smem:$0x3FFE];
	_ =	sdelay $0x1  }
0x8a: {  	s1 =	srdreg.scid  }
0x8b: {  	s0 =	sand.u32 $0x1, s1  }
0x8c: {  	s14 =	sshll.u32 s0, $0xA;
	s2 =	sadd.s32 s3, s2  }
0x8d: {  	s2 =	sadd.s32 s2, s14  }
0x8e: {  	[smem:$0x3FA7] =	sst s2  }
0x8f: {  	_ = 	snop  }
0x90: {  	s2 =	sld [smem:$0x3FD0];
	_ =	sdelay $0x2  }
0x91: {  	s4 =	simm.s32 $0xA;
	s5 =	simm.s32 $0x10;
	s15 =	sld [smem:$0x3FB4]  }
0x92: {  	[smem:s5], [sflag:s4] =	dma.local [hbm:s2], $0x1  }
0x93: {  	_ =	swait.eq [sflag:s4], $0x1  }
0x94: {  	[sflag:s4] =	ssyncset.done $0x0  }
0x95: {  	[sflag:s4] =	ssyncadd.s32 $0xFFFFFFFF  }
0x96: {  	s16 =	sld [smem:$0x11];
	(tm) =	ssettm $0x1  }
0x97: {  	s17 =	sld [smem:$0x3FFB];
	_ =	sdelay $0x3  }
0x98: {  	_ =	strace s17  }
0x99: {  	s4 =	sld [smem:$0x3FFC];
	_ =	sdelay $0x3  }
0x9a: {  	_ =	strace s4  }
0x9b: {  	s4 =	sld [smem:$0x3FFD];
	_ =	sdelay $0x3  }
0x9c: {  	_ =	strace s4  }
0x9d: {  	_ =	strace $0x8FFFFFFF  }
0x9e: {  	s18 =	sld [smem:$0x3FDB];
	_ =	sdelay $0x1  }
0x9f: {  	s19 =	simm.s32 $_scs_section_size  }
0xa0: {  	s6 =	simm.s32 $_size__tile_overlayer_lowered;
	s7 =	simm.s32 $_tile_overlayer_lowered  }
0xa1: {  	s22 =	simm.s32 $0x1BFF;
	s21 =	sshll.u32 s7, $0x1;
	s4 =	sadd.s32 s19, s18  }
0xa2: {  	s8 =	simm.s32 $0x0;
	s20 =	sshll.u32 s6, $0x1;
	s6 =	sadd.s32 s21, s4  }
0xa3: {  	[timem:s8], [sflag:s22] =	dma.local [hbm:s6], s20  }
0xa4: {  	_ =	swait.ge [sflag:s22], s20  }
0xa5: {  	s5 =	ssub.s32 $0x0, s20;
	[sflag:s22] =	ssyncset.done $0x0  }
0xa6: {  	[sflag:s22] =	ssyncadd.s32 s5;
	_ =	sdelay $0x1  }
0xa7: {  	s23 =	simm.s32 $0x1B8B  }
0xa8: {  	_ =	swait.ge [sflag:s23], $0x1  }
0xa9: {  	[sflag:s23] =	ssyncset.done $0x0  }
0xaa: {  	s25 =	simm.s32 $0x1B8E;
	s24 =	sld [smem:$0x3FFE];
	[sflag:s23] =	ssyncadd.s32 $0xFFFFFFFF  }
0xab: {  	s26 =	simm.s32 $execute0_lowered;
	[smem:$0x3FD2] =	sst s25  }
0xac: {  	s6 =	sshll.u32 s26, $0x1;
	_ =	strace $0x80000046;
	[dreg:$0x1] =	wrdreg $0xFFFFFFFF  }
0xad: {  	s28 =	simm.s32 $_size_execute0_lowered;
	s4 =	sadd.s32 s4, s6;
	[dreg:$0x0] =	wrdreg $0x0  }
0xae: {  	s6 =	sshll.u32 s28, $0x1;
	[dreg:$0x2] =	wrdreg s4  }
0xaf: {  	[dreg:$0x3] =	wrdreg s6  }
0xb0: {  	[dreg:$0x4] =	wrdreg $0xC0  }
0xb1: {  	_ =	task [dreg:s8], $0x5FFFF  }
0xb2: {  	[dreg:$0x1] =	wrdreg $0xFFFFFFFF  }
0xb3: {  	[dreg:$0x0] =	wrdreg $0x60  }
0xb4: {  	[dreg:$0x2] =	wrdreg s15  }
0xb5: {  	[dreg:$0x3] =	wrdreg s16  }
0xb6: {  	[dreg:$0x4] =	wrdreg s24  }
0xb7: {  	[dreg:$0x5] =	wrdreg $0x89400  }
0xb8: {  	[dreg:$0x6] =	wrdreg $0x9  }
0xb9: {  	_ =	task.clear_ibuf [dreg:s8], $0x7FFFF;
	_ =	strace $0x90000046  }
0xba: {  	s29 =	simm.s32 $0x9;
	_ =	strace $0x80000048  }
0xbb: {  	_ =	swait.ge [sflag:s29], $0x1  }
0xbc: {  	[sflag:s29] =	ssyncadd.s32 $0xFFFFFFFF  }
0xbd: {  	_ =	strace $0x90000048  }
0xbe: {  	_ =	sfence  }
0xbf: {  	s30 =	sld [smem:$0x0];
	_ =	sdelay $0x2  }
0xc0: {  	s31 =	sshll.u32 s1, $0xD;
	s1 =	sshrl.u32 s1, $0x2  }
0xc1: {  	s3 =	sand.u32 $0x4000, s31;
	s1 =	sadd.s32 s1, s30  }
0xc2: {  	s0 =	sor.u32 s3, s0;
	s1 =	sshll.u32 s1, $0x11  }
0xc3: {  	s0 =	sor.u32 s1, s0  }
0xc4: {  	s0 =	sadd.s32 $0x8F2B, s0  }
0xc5: {  	[sflag:s0] =	ssyncadd.remote.s32 $0x1  }
0xc6: {  	_ =	sfence.sel $0xFFFF  }
0xc7: {  	[dreg:$0x0] =	wrdreg $0xFFFFFFFF;
	(pc) =	sbr.abs _section_cstart, $3  }
0xc8: {  	[dreg:$0x1] =	wrdreg $0xFFFFFFFF  }
0xc9: {  	_ =	task.clear_ibuf [dreg:s8], $0x2FFFF;
	_ =	strace $0x9FFFFFFF  }
0xca: {  	(tm) =	ssettm $0x7FFFFFFF  }
0xcb: {  	_ =	shalt  }
tec
execute0_lowered:
.L_overlay_start_1:
0x0: {  	(tag) =	ssettag $0x1  }
0x1: {  	s1 =	rddreg [dreg:$0x0]  }
0x2: {  	s0 =	rddreg [dreg:$0x1]  }
0x3: {  	s5 =	rddreg [dreg:$0x2]  }
0x4: {  	s3 =	rddreg [dreg:$0x3]  }
0x5: {  	s2 =	stileid.u32;
	s7 =	srdreg.scid;
	s4 =	simm.s32 $0x0  }
0x6: {  	s19 =	simm.s32 $0x2;
	s28 =	simm.s32 $0x80;
	s6 =	smul.u32 $0xA00, s2  }
0x7: {  	s29 =	simm.s32 $0x7940;
	s30 =	simm.s32 $0x0;
	s10 =	smul.u32 $0x2800, s2  }
0x8: {  	s13 =	sand.u32 $0x1, s7;
	[smem:$0x7FF] =	sst s4;
	s24 =	smul.u32 $0xA000, s2  }
0x9: {  	s21 =	sadd.s32 $0xF400, s5;
	s7 =	smul.u32 $0x28000, s13;
	s8 =	sshll.u32 s13, $0x4  }
0xa: {  	_ =	strace $0x80000047;
	s18 =	smul.u32 $0xA000, s13;
	s20 =	sor.u32 s2, s8  }
0xb: {  	s11 =	ssub.s32 $0x2, s13;
	s15 =	sadd.s32 s6, s5;
	s9 =	smul.u32 $0x28, s20  }
0xc: {  	s22 =	sshrl.u32 s11, $0x1;
	s7 =	sadd.s32 s10, s7;
	s12 =	smul.u32 $0xA000, s20  }
0xd: {  	s6 =	smul.u32 $0x1400, s20;
	s17 =	ssub.s32 s11, s22;
	s11 =	sshrl.u32 s24, $0x2  }
0xe: {  	s10 =	sadd.s32 s10, s3;
	s15 =	sadd.s32 $0x5400, s15;
	s31 =	sshrl.u32 s18, $0x2  }
0xf: {  	s20 =	simm.s32 $0x50;
	s22 =	simm.s32 $0x1;
	s24 =	simm.s32 $0xF0  }
0x10: {  	s7 =	sshrl.u32 s7, $0x3;
	s26 =	sadd.s32 s11, s3;
	s17 =	smax.u32 s17, $0x1  }
0x11: {  	s18 =	sadd.s32 $0x2940, s31;
	s16 =	sadd.s32 s7, s5;
	s23 =	sshrl.u32 s12, $0x3  }
0x12: {  	s5 =	sadd.s32 s0, s9;
	s6 =	sadd.s32 s21, s6;
	s11 =	sadd.s32 $0x800, s26  }
0x13: {  	s12 =	sadd.s32 $0x1000, s26;
	s13 =	sadd.s32 $0x1800, s26;
	s14 =	sadd.s32 $0x2000, s26  }
0x14: {  	s26 =	simm.s32 $0x2940;
	s25 =	sadd.s32 s21, s23;
	s16 =	sadd.s32 $0x37400, s16  }
0x15: {  	s21 =	simm.s32 $0x140;
	s23 =	simm.s32 $0xA0;
	s7 =	sadd.s32 $0x500, s25  }
0x16: {  	v0 =	vimm.f32 $0.0e+00;
	v1 =	vimm.f32 $1.000000000e+00;
	s8 =	sadd.s32 $0xA00, s25;
	s9 =	sadd.s32 $0xF00, s25;
	s25 =	simm.s32 $0x8140  }
.LBB2_1:
0x17: {  	[tilespmem:s4], [sflag:$0x2] =	stream.linear.gather [hbm4b:s5+s4], $0x140, $0x38;
	[tilespmem:$0xB140] =	vst v63  }
0x18: {  	_ =	swait.ge [sflag:s19], $0x140  }
0x19: {  	[sflag:s19] =	ssyncset.done $0x0  }
0x1a: {  	[sflag:s19] =	ssyncadd.s32 $0xFFFFFEC0  }
0x1b: {  	[tilespmem:s21], [sflag:$0x1] =	stream.indirect.gather [hbm4b:s1+s20], $0x80, s4, s20, $0xb8;
	[tilespmem:$0xB140] =	vst v63  }
0x1c: {  	_ =	swait.ge [sflag:s22], $0x2800  }
0x1d: {  	[sflag:s22] =	ssyncset.done $0x0  }
0x1e: {  	[sflag:s22] =	ssyncadd.s32 $0xFFFFD800  }
0x1f: {  	[hbm4b:s6+s4] =	stream.linear.scatter [tilespmem:s21], [sflag:$0x2], $0x2800, $0x38;
	[tilespmem:$0xB140] =	vst v63  }
0x20: {  	_ =	swait.ge [sflag:s19], $0x2800  }
0x21: {  	[sflag:s19] =	ssyncset.done $0x0  }
0x22: {  	[sflag:s19] =	ssyncadd.s32 $0xFFFFD800  }
0x23: {  	[tilespmem:s21], [sflag:$0x1] =	stream.indirect.gather [hbm4b:s1+s20], $0x80, s20, s20, $0xb8;
	[tilespmem:$0xB140] =	vst v63  }
0x24: {  	_ =	swait.ge [sflag:s22], $0x2800  }
0x25: {  	[sflag:s22] =	ssyncset.done $0x0  }
0x26: {  	[sflag:s22] =	ssyncadd.s32 $0xFFFFD800  }
0x27: {  	[hbm4b:s7+s4] =	stream.linear.scatter [tilespmem:s21], [sflag:$0x2], $0x2800, $0x38;
	[tilespmem:$0xB140] =	vst v63  }
0x28: {  	_ =	swait.ge [sflag:s19], $0x2800  }
0x29: {  	[sflag:s19] =	ssyncset.done $0x0  }
0x2a: {  	[sflag:s19] =	ssyncadd.s32 $0xFFFFD800  }
0x2b: {  	[tilespmem:s21], [sflag:$0x1] =	stream.indirect.gather [hbm4b:s1+s20], $0x80, s23, s20, $0xb8;
	[tilespmem:$0xB140] =	vst v63  }
0x2c: {  	_ =	swait.ge [sflag:s22], $0x2800  }
0x2d: {  	[sflag:s22] =	ssyncset.done $0x0  }
0x2e: {  	[sflag:s22] =	ssyncadd.s32 $0xFFFFD800  }
0x2f: {  	[hbm4b:s8+s4] =	stream.linear.scatter [tilespmem:s21], [sflag:$0x2], $0x2800, $0x38;
	[tilespmem:$0xB140] =	vst v63  }
0x30: {  	_ =	swait.ge [sflag:s19], $0x2800  }
0x31: {  	[sflag:s19] =	ssyncset.done $0x0  }
0x32: {  	[sflag:s19] =	ssyncadd.s32 $0xFFFFD800  }
0x33: {  	[tilespmem:s21], [sflag:$0x1] =	stream.indirect.gather [hbm4b:s1+s20], $0x80, s24, s20, $0xb8;
	[tilespmem:$0xB140] =	vst v63  }
0x34: {  	_ =	swait.ge [sflag:s22], $0x2800  }
0x35: {  	[sflag:s22] =	ssyncset.done $0x0  }
0x36: {  	[sflag:s22] =	ssyncadd.s32 $0xFFFFD800  }
0x37: {  	[hbm4b:s9+s4] =	stream.linear.scatter [tilespmem:s21], [sflag:$0x2], $0x2800, $0x38;
	[tilespmem:$0xB140] =	vst v63  }
0x38: {  	_ =	swait.ge [sflag:s19], $0x2800  }
0x39: {  	[sflag:s19] =	ssyncset.done $0x0  }
0x3a: {  	s31 =	simm.s32 $0x40;
	s0 =	simm.s32 $0x0;
	[sflag:s19] =	ssyncadd.s32 $0xFFFFD800  }
.LBB2_2:
0x3b: {  	p0 =	sne.s32 s31, $0x1FC0;
	[tilespmem:s0+$0x8140] =	vst v0;
	s0 =	smov.u32 s31;
	s31 =	sadd.s32 $0x40, s31  }
.Ltmp0:
0x3c: {  	(pc) =	sbr.rel @p0 .LBB2_2-.Ltmp0, $2  }
0x3d: {  	_ =	sdelay $0x2  }
0x3e: {  	s0 =	sshra.s32 s0, $0x2  }
0x3f: {  	[tilespmem:s0+$0x8140] =	vst v0  }
0x40: {  	[spmem:s10] =	stream.linear.scatter [tilespmem:s25], [sflag:$0x2], $0x800, $0x38;
	[tilespmem:$0xB140] =	vst v63  }
0x41: {  	_ =	swait.ge [sflag:s19], $0x800  }
0x42: {  	[sflag:s19] =	ssyncset.done $0x0  }
0x43: {  	[sflag:s19] =	ssyncadd.s32 $0xFFFFF800  }
0x44: {  	[spmem:s11] =	stream.linear.scatter [tilespmem:s25], [sflag:$0x2], $0x800, $0x38;
	[tilespmem:$0xB140] =	vst v63  }
0x45: {  	_ =	swait.ge [sflag:s19], $0x800  }
0x46: {  	[sflag:s19] =	ssyncset.done $0x0  }
0x47: {  	[sflag:s19] =	ssyncadd.s32 $0xFFFFF800  }
0x48: {  	[spmem:s12] =	stream.linear.scatter [tilespmem:s25], [sflag:$0x2], $0x800, $0x38;
	[tilespmem:$0xB140] =	vst v63  }
0x49: {  	_ =	swait.ge [sflag:s19], $0x800  }
0x4a: {  	[sflag:s19] =	ssyncset.done $0x0  }
0x4b: {  	[sflag:s19] =	ssyncadd.s32 $0xFFFFF800  }
0x4c: {  	[spmem:s13] =	stream.linear.scatter [tilespmem:s25], [sflag:$0x2], $0x800, $0x38;
	[tilespmem:$0xB140] =	vst v63  }
0x4d: {  	_ =	swait.ge [sflag:s19], $0x800  }
0x4e: {  	[sflag:s19] =	ssyncset.done $0x0  }
0x4f: {  	[sflag:s19] =	ssyncadd.s32 $0xFFFFF800  }
0x50: {  	[spmem:s14] =	stream.linear.scatter [tilespmem:s25], [sflag:$0x2], $0x800, $0x38;
	[tilespmem:$0xB140] =	vst v63  }
0x51: {  	_ =	swait.ge [sflag:s19], $0x800  }
0x52: {  	[sflag:s19] =	ssyncset.done $0x0  }
0x53: {  	s31 =	simm.s32 $0x40;
	s0 =	simm.s32 $0x0;
	[sflag:s19] =	ssyncadd.s32 $0xFFFFF800  }
.LBB2_4:
0x54: {  	p0 =	sne.s32 s31, $0x1FC0;
	[tilespmem:s0+$0x7940] =	vst v1;
	s0 =	smov.u32 s31;
	s31 =	sadd.s32 $0x40, s31  }
.Ltmp1:
0x55: {  	(pc) =	sbr.rel @p0 .LBB2_4-.Ltmp1, $2  }
0x56: {  	_ =	sdelay $0x2  }
0x57: {  	s0 =	sshra.s32 s0, $0x2  }
0x58: {  	[tilespmem:s0+$0x7940] =	vst v1;
	s0 =	simm.s32 $0x0  }
0x59: {  	[tilespmem:s26], [sflag:$0x2] =	stream.linear.gather [hbm4b:s15+s0], $0x5000, $0x38;
	[tilespmem:$0xB140] =	vst v63  }
0x5a: {  	_ =	swait.ge [sflag:s19], $0x5000  }
0x5b: {  	[sflag:s19] =	ssyncset.done $0x0  }
0x5c: {  	[sflag:s19] =	ssyncadd.s32 $0xFFFFB000  }
0x5d: {  	s0 =	sadd.s32 $0x0, s18;
	[bflag:$0x0] =	sbarrier.arrive $0xFFFF  }
0x5e: {  	[spmem:s3] =	stream.indirect.scatter.add.f32 [tilespmem:s29], [sflag:$0x2], $0x10, s0, s28, $0xb8;
	[tilespmem:$0xB140] =	vst v63  }
0x5f: {  	s31 =	simm.s32 $0x200;
	_ =	swait.ge [sflag:s19], $0x800  }
.LBB2_6:
0x60: {  	s0 =	sshra.s32 s31, $0x2;
	[sflag:s19] =	ssyncset.done $0x0;
	p0 =	sne.s32 s31, $0x9E00  }
.Ltmp2:
0x61: {  	s0 =	sadd.s32 s0, s18;
	[sflag:s19] =	ssyncadd.s32 $0xFFFFF800;
	(pc) =	sbr.rel @p0 .LBB2_6-.Ltmp2, $3  }
0x62: {  	[spmem:s3] =	stream.indirect.scatter.add.f32 [tilespmem:s29], [sflag:$0x2], $0x10, s0, s28, $0xb8;
	[tilespmem:$0xB140] =	vst v63  }
0x63: {  	s31 =	sadd.s32 $0x200, s31;
	_ =	sdelay $0x1  }
0x64: {  	_ =	swait.ge [sflag:s19], $0x800  }
0x65: {  	[sflag:s19] =	ssyncset.done $0x0;
	s0 =	sshll.u32 s2, $0x6;
	s30 =	sadd.s32 $0x1, s30  }
0x66: {  	s31 =	sshrl.u32 s10, $0x3;
	[sflag:s19] =	ssyncadd.s32 $0xFFFFF800;
	p0 =	sne.s32 s30, s17  }
.Ltmp3:
0x67: {  	s0 =	sor.u32 $0x1C02, s0;
	[bflag:$0x0] =	sbarrier.arrive $0xFFFF;
	(pc) =	sbr.rel @p0 .LBB2_1-.Ltmp3, $4  }
0x68: {  	[hbm:s16], [sflag:s0] =	dma.local [spmem:s31], $0x500  }
0x69: {  	_ =	swait.ge [sflag:s19], $0x500  }
0x6a: {  	[sflag:s19] =	ssyncset.done $0x0  }
0x6b: {  	[sflag:s19] =	ssyncadd.s32 $0xFFFFFB00  }
0x6c: {  	_ =	sfence.sel $0x180000  }
0x6d: {  	[bflag:$0x0] =	sbarrier.arrive $0xFFFF  }
0x6e: {  	_ =	strace $0x90000047  }
0x6f: {  	[bflag:$0x2] =	sbarrier.arrive $0xFFFF  }
0x70: {  	p0 =	sne.s32 s2, $0x0;
	s0 =	rddreg [dreg:$0x4]  }
0x71: {  	s0 =	sadd.s32 @!p0 $0x100000, s0  }
0x72: {  	[sflag:s0] =	ssyncadd.tile.s32 @!p0 $0x1;
	_ =	shalt  }
.Lfunc_end2:
_tile_overlayer_lowered:
.L_overlay_start_2:
0x73: {  	(tag) =	ssettag $0x2  }
0x74: {  	s0 =	rddreg [dreg:$0x0];
	s2 =	stileid.u32  }
0x75: {  	s1 =	rddreg [dreg:$0x1];
	p0 =	sne.s32 s2, $0x0  }
0x76: {  	s3 =	rddreg [dreg:$0x2];
	[bflag:$0x3] =	sbarrier.arrive $0xFFFF;
	s2 =	simm.s32 @!p0 $0x1C02  }
0x77: {  	[timem:s3], [sflag:s2] =	dma.local @!p0 [hbm:s0], s1  }
0x78: {  	s0 =	simm.s32 @!p0 $0x2  }
0x79: {  	_ =	swait.ge @!p0 [sflag:s0], s1  }
0x7a: {  	s1 =	ssub.s32 @!p0 $0x0, s1;
	[sflag:s0] =	ssyncset.done @!p0 $0x0  }
0x7b: {  	[sflag:s0] =	ssyncadd.s32 @!p0 s1  }
0x7c: {  	[bflag:$0x3] =	sbarrier.arrive $0xFFFF  }
0x7d: {  	_ =	shalt  }

// kernel: kernel.14.cloned.1.call-start
scs
__scs_entry_jumppad:
0x0: {  	(pc) =	sbr.rel $0x88, $3  }
0x1: {  	(tag) =	ssettag $0x0;
	lr =	simm.s32 $0x1  }
0x2: {  	[smem:$0x3F80] =	sst lr;
	_ =	strace $0xD0000000  }
0x3: {  	_ = 	snop  }
0x4: {  	_ = 	snop  }
0x5: {  	_ = 	snop  }
0x6: {  	_ = 	snop  }
0x7: {  	_ = 	snop  }
__scs_overlays_trampoline_lowered:
0x8: {  	[smem:$0x3F8F] =	sst s0  }
0x9: {  	[smem:$0x3F90] =	sst s1  }
0xa: {  	[smem:$0x3F91] =	sst s2  }
0xb: {  	[smem:$0x3F92] =	sst s3  }
0xc: {  	[smem:$0x3F93] =	sst s4  }
0xd: {  	[smem:$0x3F94] =	sst s5  }
0xe: {  	[smem:$0x3F95] =	sst s6  }
0xf: {  	[smem:$0x3F96] =	sst s7  }
0x10: {  	[smem:$0x3F97] =	sst s8  }
0x11: {  	[smem:$0x3F98] =	sst s9;
	s0 =	simm.s32 @!p0 $0x0  }
0x12: {  	s1 =	sld [smem:$0x3F7E];
	s0 =	simm.s32 @p0 $0x1  }
0x13: {  	[smem:$0x3F99] =	sst s0;
	s0 =	simm.s32 @!p1 $0x0  }
0x14: {  	s2 =	sld [smem:$0x3F7D];
	s0 =	simm.s32 @p1 $0x1  }
0x15: {  	[smem:$0x3F9A] =	sst s0;
	s0 =	simm.s32 @!p2 $0x0  }
0x16: {  	s3 =	sld [smem:$0x3FDB];
	s0 =	simm.s32 @p2 $0x1  }
0x17: {  	s4 =	simm.s32 $0x1BF5;
	[smem:$0x3F9C] =	sst s0  }
0x18: {  	s0 =	sld [smem:$0x3F7F];
	_ =	swait.ge [sflag:s4], $0x0  }
0x19: {  	s7 =	sld [smem:$0x3F80]  }
0x1a: {  	s8 =	sadd.s32 $0xFFFFE003, lr  }
0x1b: {  	s9 =	sadd.s32 $0xFFFFFEF7, lr;
	s5 =	simm.s32 $0xFFFFFFFF;
	p2 =	slt.u32 s8, $0xFFFFF086  }
0x1c: {  	p1 =	slt.u32 s9, $0xF7A;
	s5 =	simm.s32 @!p2 $0x0  }
0x1d: {  	s5 =	simm.s32 @p1 $0x1;
	p0 =	seq.s32 s7, s2  }
0x1e: {  	s7 =	smul.u32 @!p0 $0xF7A, s2;
	p2 =	seq.s32 @!p0 s5, $0x0  }
0x1f: {  	s9 =	smul.u32 $0xF7A, s1;
	s8 =	simm.s32 @!p0 $0x1BF5;
	p2 =	por !p2, p0  }
0x20: {  	[sflag:s8] =	ssyncset.s32 @!p0 $0xFFFFF086;
	s6 =	sadd.s32 @!p0 s3, s7;
	s7 =	simm.s32 @!p0 $0x108  }
0x21: {  	s3 =	sadd.s32 s3, s9;
	s6 =	sadd.s32 @!p0 $0x88, s6;
	s7 =	simm.s32 @p2 $0x1082  }
0x22: {  	[simem:s7], [sflag:s8] =	dma.local @!p0 [hbm:s6], $0xF7A  }
0x23: {  	s9 =	sor.u32 $0xD0000000, s2;
	s6 =	simm.s32 $0x108;
	_ =	swait.ge @!p0 [sflag:s8], $0x0  }
0x24: {  	s3 =	sadd.s32 $0x88, s3;
	s6 =	simm.s32 @!p1 $0x1082;
	[sflag:s4] =	ssyncset.s32 $0xFFFFF086  }
0x25: {  	[simem:s6], [sflag:s4] =	dma.local [hbm:s3], $0xF7A  }
0x26: {  	[smem:$0x3F80] =	sst s1;
	(tag) =	ssettag s2;
	_ =	strace s9  }
0x27: {  	s1 =	sld [smem:$0x3F90]  }
0x28: {  	s2 =	sld [smem:$0x3F91]  }
0x29: {  	s4 =	sld [smem:$0x3F93]  }
0x2a: {  	p0 =	seq.s32 s5, $0x0;
	s5 =	sld [smem:$0x3F94]  }
0x2b: {  	s6 =	sld [smem:$0x3F95]  }
0x2c: {  	s7 =	sld [smem:$0x3F96]  }
0x2d: {  	s3 =	simm.s32 $0x108;
	s8 =	sld [smem:$0x3F97]  }
0x2e: {  	s3 =	simm.s32 @!p0 $0x1082;
	s9 =	sld [smem:$0x3F98]  }
0x2f: {  	lr =	sadd.s32 s0, s3;
	s0 =	sld [smem:$0x3F8F]  }
0x30: {  	s3 =	sld [smem:$0x3F92]  }
0x31: {  	[smem:$0x3F9B] =	sst s10  }
0x32: {  	s10 =	sld [smem:$0x3F99];
	_ =	sdelay $0x3  }
0x33: {  	p0 =	seq.s32 s10, $0x1;
	s10 =	sld [smem:$0x3F9B];
	_ =	sdelay $0x3  }
0x34: {  	[smem:$0x3F9B] =	sst s10  }
0x35: {  	s10 =	sld [smem:$0x3F9A];
	_ =	sdelay $0x3  }
0x36: {  	p1 =	seq.s32 s10, $0x1;
	s10 =	sld [smem:$0x3F9B];
	_ =	sdelay $0x3  }
0x37: {  	[smem:$0x3F9B] =	sst s10  }
0x38: {  	s10 =	sld [smem:$0x3F9C]  }
0x39: {  	_ = 	snop;
	(pc) =	sbr.ind lr, $3  }
0x3a: {  	_ = 	snop  }
0x3b: {  	_ = 	snop  }
0x3c: {  	p2 =	seq.s32 s10, $0x1;
	s10 =	sld [smem:$0x3F9B]  }
0x3d: {  	_ =	shalt  }
0x3e: {  	_ =	shalt  }
0x3f: {  	_ =	shalt  }
0x40: {  	_ =	shalt  }
0x41: {  	_ =	shalt  }
0x42: {  	_ =	shalt  }
0x43: {  	_ =	shalt  }
0x44: {  	_ =	shalt  }
0x45: {  	_ =	shalt  }
0x46: {  	_ =	shalt  }
0x47: {  	_ =	shalt  }
0x48: {  	_ =	shalt  }
0x49: {  	_ =	shalt  }
0x4a: {  	_ =	shalt  }
0x4b: {  	_ =	shalt  }
0x4c: {  	_ =	shalt  }
0x4d: {  	_ =	shalt  }
0x4e: {  	_ =	shalt  }
0x4f: {  	_ =	shalt  }
0x50: {  	_ =	shalt  }
0x51: {  	_ =	shalt  }
0x52: {  	_ =	shalt  }
0x53: {  	_ =	shalt  }
0x54: {  	_ =	shalt  }
0x55: {  	_ =	shalt  }
0x56: {  	_ =	shalt  }
0x57: {  	_ =	shalt  }
0x58: {  	_ =	shalt  }
0x59: {  	_ =	shalt  }
0x5a: {  	_ =	shalt  }
0x5b: {  	_ =	shalt  }
0x5c: {  	_ =	shalt  }
0x5d: {  	_ =	shalt  }
0x5e: {  	_ =	shalt  }
0x5f: {  	_ =	shalt  }
0x60: {  	_ =	shalt  }
0x61: {  	_ =	shalt  }
0x62: {  	_ =	shalt  }
0x63: {  	_ =	shalt  }
0x64: {  	_ =	shalt  }
0x65: {  	_ =	shalt  }
0x66: {  	_ =	shalt  }
0x67: {  	_ =	shalt  }
0x68: {  	_ =	shalt  }
0x69: {  	_ =	shalt  }
0x6a: {  	_ =	shalt  }
0x6b: {  	_ =	shalt  }
0x6c: {  	_ =	shalt  }
0x6d: {  	_ =	shalt  }
0x6e: {  	_ =	shalt  }
0x6f: {  	_ =	shalt  }
0x70: {  	_ =	shalt  }
0x71: {  	_ =	shalt  }
0x72: {  	_ =	shalt  }
0x73: {  	_ =	shalt  }
0x74: {  	_ =	shalt  }
0x75: {  	_ =	shalt  }
0x76: {  	_ =	shalt  }
0x77: {  	_ =	shalt  }
0x78: {  	_ =	shalt  }
0x79: {  	_ =	shalt  }
0x7a: {  	_ =	shalt  }
0x7b: {  	_ =	shalt  }
0x7c: {  	_ =	shalt  }
0x7d: {  	_ =	shalt  }
0x7e: {  	_ =	shalt  }
0x7f: {  	_ =	shalt  }
0x80: {  	_ =	shalt  }
0x81: {  	_ =	shalt  }
0x82: {  	_ =	shalt  }
0x83: {  	_ =	shalt  }
0x84: {  	_ =	shalt  }
0x85: {  	_ =	shalt  }
0x86: {  	_ =	shalt  }
0x87: {  	_ =	shalt  }
.Lfunc_end0:
.L_simem_size_0:
called_computation.1_lowered:
.L_overlay_start_0:
0x88: {  	s2 =	sld [smem:$0x3FD9]  }
0x89: {  	s3 =	sld [smem:$0x3FFE];
	_ =	sdelay $0x1  }
0x8a: {  	s1 =	srdreg.scid  }
0x8b: {  	s0 =	sand.u32 $0x1, s1  }
0x8c: {  	s14 =	sshll.u32 s0, $0xA;
	s2 =	sadd.s32 s3, s2  }
0x8d: {  	s2 =	sadd.s32 s2, s14  }
0x8e: {  	[smem:$0x3FA7] =	sst s2  }
0x8f: {  	_ = 	snop  }
0x90: {  	s2 =	sld [smem:$0x3FD0];
	_ =	sdelay $0x2  }
0x91: {  	s15 =	simm.s32 $0xA;
	s4 =	simm.s32 $0x10  }
0x92: {  	[smem:s4], [sflag:s15] =	dma.local [hbm:s2], $0x1  }
0x93: {  	_ =	swait.eq [sflag:s15], $0x1  }
0x94: {  	[sflag:s15] =	ssyncset.done $0x0  }
0x95: {  	[sflag:s15] =	ssyncadd.s32 $0xFFFFFFFF  }
0x96: {  	s16 =	sld [smem:$0x12];
	(tm) =	ssettm $0x1  }
0x97: {  	s17 =	sld [smem:$0x3FFB];
	_ =	sdelay $0x3  }
0x98: {  	_ =	strace s17  }
0x99: {  	s3 =	sld [smem:$0x3FFC];
	_ =	sdelay $0x3  }
0x9a: {  	_ =	strace s3  }
0x9b: {  	s3 =	sld [smem:$0x3FFD];
	_ =	sdelay $0x3  }
0x9c: {  	_ =	strace s3  }
0x9d: {  	_ =	strace $0x8FFFFFFF  }
0x9e: {  	s18 =	sld [smem:$0x3FDB];
	_ =	sdelay $0x1  }
0x9f: {  	s19 =	simm.s32 $_scs_section_size  }
0xa0: {  	s5 =	simm.s32 $_size__tile_overlayer_lowered;
	s6 =	simm.s32 $_tile_overlayer_lowered  }
0xa1: {  	s22 =	simm.s32 $0x1BFF;
	s21 =	sshll.u32 s6, $0x1;
	s3 =	sadd.s32 s19, s18  }
0xa2: {  	s7 =	simm.s32 $0x0;
	s20 =	sshll.u32 s5, $0x1;
	s5 =	sadd.s32 s21, s3  }
0xa3: {  	[timem:s7], [sflag:s22] =	dma.local [hbm:s5], s20  }
0xa4: {  	_ =	swait.ge [sflag:s22], s20  }
0xa5: {  	s4 =	ssub.s32 $0x0, s20;
	[sflag:s22] =	ssyncset.done $0x0  }
0xa6: {  	[sflag:s22] =	ssyncadd.s32 s4;
	_ =	sdelay $0x1  }
0xa7: {  	s23 =	simm.s32 $0x1B8B  }
0xa8: {  	_ =	swait.ge [sflag:s23], $0x1  }
0xa9: {  	[sflag:s23] =	ssyncset.done $0x0  }
0xaa: {  	s25 =	simm.s32 $0x1B8E;
	s24 =	sld [smem:$0x3FFE];
	[sflag:s23] =	ssyncadd.s32 $0xFFFFFFFF  }
0xab: {  	s26 =	simm.s32 $execute0_lowered;
	[smem:$0x3FD2] =	sst s25  }
0xac: {  	s5 =	sshll.u32 s26, $0x1;
	_ =	strace $0x80000049;
	[dreg:$0x1] =	wrdreg $0xFFFFFFFF  }
0xad: {  	s28 =	simm.s32 $_size_execute0_lowered;
	s3 =	sadd.s32 s3, s5;
	[dreg:$0x0] =	wrdreg $0x0  }
0xae: {  	s5 =	sshll.u32 s28, $0x1;
	[dreg:$0x2] =	wrdreg s3  }
0xaf: {  	[dreg:$0x3] =	wrdreg s5  }
0xb0: {  	[dreg:$0x4] =	wrdreg $0xC0  }
0xb1: {  	_ =	task [dreg:s7], $0x5FFFF  }
0xb2: {  	[dreg:$0x1] =	wrdreg $0xFFFFFFFF  }
0xb3: {  	[dreg:$0x0] =	wrdreg $0x60  }
0xb4: {  	[dreg:$0x2] =	wrdreg s24  }
0xb5: {  	[dreg:$0x3] =	wrdreg s16  }
0xb6: {  	[dreg:$0x4] =	wrdreg $0x100000  }
0xb7: {  	[dreg:$0x5] =	wrdreg $0x9  }
0xb8: {  	_ =	task.clear_ibuf [dreg:s7], $0x6FFFF;
	_ =	strace $0x90000049  }
0xb9: {  	s29 =	simm.s32 $0x9;
	_ =	strace $0x8000004B  }
0xba: {  	_ =	swait.ge [sflag:s29], $0x1  }
0xbb: {  	[sflag:s29] =	ssyncadd.s32 $0xFFFFFFFF  }
0xbc: {  	_ =	strace $0x9000004B  }
0xbd: {  	_ =	sfence  }
0xbe: {  	s30 =	sld [smem:$0x0];
	_ =	sdelay $0x2  }
0xbf: {  	s31 =	sshll.u32 s1, $0xD;
	s1 =	sshrl.u32 s1, $0x2  }
0xc0: {  	s3 =	sand.u32 $0x4000, s31;
	s1 =	sadd.s32 s1, s30  }
0xc1: {  	s0 =	sor.u32 s3, s0;
	s1 =	sshll.u32 s1, $0x11  }
0xc2: {  	s0 =	sor.u32 s1, s0  }
0xc3: {  	s0 =	sadd.s32 $0x8F2B, s0  }
0xc4: {  	[sflag:s0] =	ssyncadd.remote.s32 $0x1  }
0xc5: {  	_ =	sfence.sel $0xFFFF  }
0xc6: {  	[dreg:$0x0] =	wrdreg $0xFFFFFFFF;
	(pc) =	sbr.abs _section_cstart, $3  }
0xc7: {  	[dreg:$0x1] =	wrdreg $0xFFFFFFFF  }
0xc8: {  	_ =	task.clear_ibuf [dreg:s7], $0x2FFFF;
	_ =	strace $0x9FFFFFFF  }
0xc9: {  	(tm) =	ssettm $0x7FFFFFFF  }
tec
execute0_lowered:
.L_overlay_start_1:
0x0: {  	(tag) =	ssettag $0x1  }
0x1: {  	s0 =	rddreg [dreg:$0x0]  }
0x2: {  	s5 =	rddreg [dreg:$0x1]  }
0x3: {  	s2 =	rddreg [dreg:$0x2];
	s1 =	stileid.u32  }
0x4: {  	s4 =	srdreg.scid;
	s3 =	simm.s32 $0x0;
	s14 =	simm.s32 $0x5  }
0x5: {  	s15 =	simm.s32 $0x5000;
	s16 =	simm.s32 $0xC000;
	s17 =	simm.s32 $0x80  }
0x6: {  	s18 =	simm.s32 $0xA000;
	s19 =	simm.s32 $0xB000;
	s20 =	simm.s32 $0x1  }
0x7: {  	s22 =	simm.s32 $0x2;
	s28 =	simm.s32 $0x4;
	s6 =	smul.u32 $0x5000, s1  }
0x8: {  	s30 =	simm.s32 $0x9F80;
	s31 =	simm.s32 $0x0;
	s8 =	smul.u32 $0xA000, s1  }
0x9: {  	s7 =	sand.u32 $0x1, s4;
	[smem:$0x7FF] =	sst s3;
	s12 =	smul.u32 $0x28000, s1  }
0xa: {  	s4 =	sadd.s32 $0xF400, s0;
	s9 =	smul.u32 $0xA0000, s7;
	_ =	strace $0x8000004A  }
0xb: {  	s11 =	smul.u32 $0x50000, s7;
	s7 =	ssub.s32 $0x2, s7;
	s10 =	sshrl.u32 s6, $0x3  }
0xc: {  	s25 =	sshrl.u32 s7, $0x1;
	s26 =	sshrl.u32 s12, $0x2;
	s10 =	sadd.s32 s10, s0  }
0xd: {  	s9 =	sadd.s32 s8, s9;
	s6 =	sadd.s32 s6, s11;
	s13 =	ssub.s32 s7, s25  }
0xe: {  	s29 =	sadd.s32 s26, s2;
	s7 =	sadd.s32 s8, s2;
	s25 =	simm.s32 $0xE000  }
0xf: {  	s26 =	simm.s32 $0x3;
	s9 =	sshrl.u32 s9, $0x3;
	s6 =	sshrl.u32 s6, $0x3  }
0x10: {  	s8 =	sadd.s32 $0x2000, s29;
	s11 =	sadd.s32 $0x8000, s29;
	s13 =	smax.u32 s13, $0x1  }
0x11: {  	s0 =	sadd.s32 s9, s0;
	s5 =	sadd.s32 s5, s6;
	s6 =	sadd.s32 $0x5400, s10  }
0x12: {  	v0 =	vimm.f32 $0.0e+00;
	s9 =	sadd.s32 $0x4000, s29;
	s10 =	sadd.s32 $0x6000, s29;
	s12 =	sadd.s32 $0x41400, s0  }
.LBB2_1:
0x13: {  	[tilespmem:s3], [sflag:$0x5] =	stream.linear.gather [hbm4b:s5+s3], $0x5000, $0x38;
	[tilespmem:$0x1A000] =	vst v63  }
0x14: {  	_ =	swait.ge [sflag:s14], $0x5000  }
0x15: {  	[sflag:s14] =	ssyncset.done $0x0  }
0x16: {  	[sflag:s14] =	ssyncadd.s32 $0xFFFFB000  }
0x17: {  	[tilespmem:s15], [sflag:$0x5] =	stream.linear.gather [hbm4b:s6+s3], $0x5000, $0x38;
	[tilespmem:$0x1A000] =	vst v63  }
0x18: {  	s0 =	sand.u32 $0x7F00, s3;
	s21 =	sand.u32 $0x30, s3;
	_ =	swait.ge [sflag:s14], $0x5000  }
0x19: {  	s23 =	sshrl.u32 s0, $0x2;
	s0 =	simm.s32 $0x40;
	[sflag:s14] =	ssyncset.done $0x0  }
0x1a: {  	s23 =	sor.u32 s21, s23;
	s21 =	simm.s32 $0x0;
	[sflag:s14] =	ssyncadd.s32 $0xFFFFB000  }
.LBB2_2:
0x1b: {  	p0 =	sne.s32 s0, $0x7FC0  }
0x1c: {  	[tilespmem:s23+$0xC000] =	vst v0;
	s21 =	sadd.s32 $0x10, s21;
	s23 =	smov.u32 s0;
	s0 =	sadd.s32 $0x40, s0  }
.Ltmp0:
0x1d: {  	(pc) =	sbr.rel @p0 .LBB2_2-.Ltmp0, $4  }
0x1e: {  	_ = 	snop  }
0x1f: {  	s23 =	sand.u32 $0x7F00, s23  }
0x20: {  	s24 =	sand.u32 $0x30, s21;
	s23 =	sshrl.u32 s23, $0x2  }
0x21: {  	s23 =	sor.u32 s24, s23  }
0x22: {  	[tilespmem:s23+$0xC000] =	vst v0  }
0x23: {  	[spmem:s7] =	stream.linear.scatter [tilespmem:s16], [sflag:$0x5], $0x2000, $0x38;
	[tilespmem:$0x1A000] =	vst v63  }
0x24: {  	_ =	swait.ge [sflag:s14], $0x2000  }
0x25: {  	[sflag:s14] =	ssyncset.done $0x0  }
0x26: {  	[sflag:s14] =	ssyncadd.s32 $0xFFFFE000  }
0x27: {  	[spmem:s8] =	stream.linear.scatter [tilespmem:s16], [sflag:$0x5], $0x2000, $0x38;
	[tilespmem:$0x1A000] =	vst v63  }
0x28: {  	_ =	swait.ge [sflag:s14], $0x2000  }
0x29: {  	[sflag:s14] =	ssyncset.done $0x0  }
0x2a: {  	[sflag:s14] =	ssyncadd.s32 $0xFFFFE000  }
0x2b: {  	[spmem:s9] =	stream.linear.scatter [tilespmem:s16], [sflag:$0x5], $0x2000, $0x38;
	[tilespmem:$0x1A000] =	vst v63  }
0x2c: {  	_ =	swait.ge [sflag:s14], $0x2000  }
0x2d: {  	[sflag:s14] =	ssyncset.done $0x0  }
0x2e: {  	[sflag:s14] =	ssyncadd.s32 $0xFFFFE000  }
0x2f: {  	[spmem:s10] =	stream.linear.scatter [tilespmem:s16], [sflag:$0x5], $0x2000, $0x38;
	[tilespmem:$0x1A000] =	vst v63  }
0x30: {  	_ =	swait.ge [sflag:s14], $0x2000  }
0x31: {  	[sflag:s14] =	ssyncset.done $0x0  }
0x32: {  	[sflag:s14] =	ssyncadd.s32 $0xFFFFE000  }
0x33: {  	[spmem:s11] =	stream.linear.scatter [tilespmem:s16], [sflag:$0x5], $0x2000, $0x38;
	[tilespmem:$0x1A000] =	vst v63  }
0x34: {  	_ =	swait.ge [sflag:s14], $0x2000  }
0x35: {  	[sflag:s14] =	ssyncset.done $0x0  }
0x36: {  	[sflag:s14] =	ssyncadd.s32 $0xFFFFE000  }
0x37: {  	s0 =	simm.s32 $0x0;
	[bflag:$0x0] =	sbarrier.arrive $0xFFFF  }
0x38: {  	[tilespmem:s18], [sflag:$0x1] =	stream.indirect.gather [hbm4b:s4+s17], $0x20, s0, s17, $0xb8;
	[tilespmem:$0x1A000] =	vst v63  }
0x39: {  	_ = 	snop  }
0x3a: {  	[tilespmem:s19], [sflag:$0x2] =	stream.indirect.gather [hbm4b:s4+s17], $0x20, s17, s17, $0xb8;
	[tilespmem:$0x1A000] =	vst v63  }
0x3b: {  	_ =	swait.ge [sflag:s20], $0x1000  }
0x3c: {  	[sflag:s20] =	ssyncset.done $0x0  }
0x3d: {  	s21 =	simm.s32 $0x0;
	[sflag:s20] =	ssyncadd.s32 $0xFFFFF000  }
0x3e: {  	v1 =	vld [tilespmem:s21+$0xA000];
	_ =	sdelay $0x4  }
0x3f: {  	s0 =	simm.s32 $0xC020;
	v2 =	vunpack.i.l.bf16.f32 v1  }
0x40: {  	v1 =	vunpack.i.u.bf16.f32 v1;
	[tilespmem:s0+$0xFFFFFFE0] =	vst v2  }
0x41: {  	[tilespmem:s0+$0xFFFFFFF0] =	vst v1  }
0x42: {  	s23 =	simm.s32 $0x80;
	v1 =	vld [tilespmem:s21+$0xA010];
	s21 =	simm.s32 $0xC020  }
.LBB2_4:
0x43: {  	_ =	sdelay $0x2  }
0x44: {  	p0 =	sne.s32 s23, $0x3F80  }
0x45: {  	s0 =	sadd.s32 $0x40, s0;
	s24 =	smov.u32 s23;
	s23 =	sadd.s32 $0x80, s23;
	v2 =	vunpack.i.u.bf16.f32 v1;
	v1 =	vunpack.i.l.bf16.f32 v1  }
0x46: {  	[tilespmem:s21+$0x0] =	vst v1  }
0x47: {  	s24 =	sshra.s32 s24, $0x2;
	[tilespmem:s21+$0x10] =	vst v2;
	s21 =	smov.u32 s0  }
0x48: {  	v1 =	vld [tilespmem:s24+$0xA000];
	_ =	sdelay $0x3  }
.Ltmp1:
0x49: {  	(pc) =	sbr.rel @p0 .LBB2_4-.Ltmp1, $4  }
0x4a: {  	v2 =	vunpack.i.u.bf16.f32 v1;
	v1 =	vunpack.i.l.bf16.f32 v1  }
0x4b: {  	[tilespmem:s0+$0xFFFFFFE0] =	vst v1  }
0x4c: {  	[tilespmem:s0+$0xFFFFFFF0] =	vst v2  }
0x4d: {  	v1 =	vld [tilespmem:s24+$0xA010]  }
0x4e: {  	_ =	sdelay $0x3  }
0x4f: {  	v2 =	vunpack.i.l.bf16.f32 v1  }
0x50: {  	v1 =	vunpack.i.u.bf16.f32 v1;
	[tilespmem:s21+$0x0] =	vst v2  }
0x51: {  	s0 =	simm.s32 $0x100;
	[tilespmem:s21+$0x10] =	vst v1  }
0x52: {  	[tilespmem:s18], [sflag:$0x1] =	stream.indirect.gather [hbm4b:s4+s17], $0x20, s0, s17, $0xb8;
	[tilespmem:$0x1A000] =	vst v63  }
0x53: {  	_ = 	snop  }
0x54: {  	[spmem:s2] =	stream.indirect.scatter.add.f32 [tilespmem:s16], [sflag:$0x3], $0x40, s15, s17, $0xb8;
	[tilespmem:$0x1A000] =	vst v63  }
0x55: {  	_ =	swait.ge [sflag:s22], $0x1000  }
0x56: {  	[sflag:s22] =	ssyncset.done $0x0  }
0x57: {  	s29 =	simm.s32 $0x0;
	[sflag:s22] =	ssyncadd.s32 $0xFFFFF000  }
0x58: {  	v1 =	vld [tilespmem:s29+$0xB000];
	_ =	sdelay $0x4  }
0x59: {  	s0 =	simm.s32 $0xE020;
	v2 =	vunpack.i.l.bf16.f32 v1  }
0x5a: {  	v1 =	vunpack.i.u.bf16.f32 v1;
	[tilespmem:s0+$0xFFFFFFE0] =	vst v2  }
0x5b: {  	[tilespmem:s0+$0xFFFFFFF0] =	vst v1  }
0x5c: {  	s23 =	simm.s32 $0x80;
	s21 =	simm.s32 $0xE020;
	v1 =	vld [tilespmem:s29+$0xB010]  }
.LBB2_6:
0x5d: {  	_ =	sdelay $0x2  }
0x5e: {  	p0 =	sne.s32 s23, $0x3F80  }
0x5f: {  	s0 =	sadd.s32 $0x40, s0;
	s24 =	smov.u32 s23;
	s23 =	sadd.s32 $0x80, s23;
	v2 =	vunpack.i.u.bf16.f32 v1;
	v1 =	vunpack.i.l.bf16.f32 v1  }
0x60: {  	[tilespmem:s21+$0x0] =	vst v1  }
0x61: {  	s24 =	sshra.s32 s24, $0x2;
	[tilespmem:s21+$0x10] =	vst v2;
	s21 =	smov.u32 s0  }
0x62: {  	v1 =	vld [tilespmem:s24+$0xB000];
	_ =	sdelay $0x3  }
.Ltmp2:
0x63: {  	(pc) =	sbr.rel @p0 .LBB2_6-.Ltmp2, $4  }
0x64: {  	v2 =	vunpack.i.u.bf16.f32 v1;
	v1 =	vunpack.i.l.bf16.f32 v1  }
0x65: {  	[tilespmem:s0+$0xFFFFFFE0] =	vst v1  }
0x66: {  	[tilespmem:s0+$0xFFFFFFF0] =	vst v2  }
0x67: {  	v1 =	vld [tilespmem:s24+$0xB010]  }
0x68: {  	_ =	sdelay $0x3  }
0x69: {  	v2 =	vunpack.i.l.bf16.f32 v1  }
0x6a: {  	v1 =	vunpack.i.u.bf16.f32 v1;
	[tilespmem:s21+$0x0] =	vst v2  }
0x6b: {  	s0 =	simm.s32 $0x180;
	[tilespmem:s21+$0x10] =	vst v1  }
0x6c: {  	[tilespmem:s19], [sflag:$0x2] =	stream.indirect.gather [hbm4b:s4+s17], $0x20, s0, s17, $0xb8;
	[tilespmem:$0x1A000] =	vst v63  }
0x6d: {  	s29 =	simm.s32 $0x5080;
	s0 =	simm.s32 $0x1  }
0x6e: {  	[spmem:s2] =	stream.indirect.scatter.add.f32 [tilespmem:s25], [sflag:$0x4], $0x40, s29, s17, $0xb8;
	[tilespmem:$0x1A000] =	vst v63  }
.LBB2_8:
0x6f: {  	_ =	swait.ge [sflag:s20], $0x1000  }
0x70: {  	[sflag:s20] =	ssyncset.done $0x0  }
0x71: {  	[sflag:s20] =	ssyncadd.s32 $0xFFFFF000  }
0x72: {  	_ =	swait.ge [sflag:s26], $0x2000  }
0x73: {  	[sflag:s26] =	ssyncset.done $0x0  }
0x74: {  	s23 =	simm.s32 $0x0;
	[sflag:s26] =	ssyncadd.s32 $0xFFFFE000  }
0x75: {  	v1 =	vld [tilespmem:s23+$0xA000];
	_ =	sdelay $0x4  }
0x76: {  	s21 =	simm.s32 $0xC020;
	v2 =	vunpack.i.l.bf16.f32 v1  }
0x77: {  	v1 =	vunpack.i.u.bf16.f32 v1;
	[tilespmem:s21+$0xFFFFFFE0] =	vst v2  }
0x78: {  	[tilespmem:s21+$0xFFFFFFF0] =	vst v1  }
0x79: {  	s24 =	simm.s32 $0x80;
	v1 =	vld [tilespmem:s23+$0xA010];
	s23 =	simm.s32 $0xC020  }
.LBB2_9:
0x7a: {  	_ =	sdelay $0x2  }
0x7b: {  	p0 =	sne.s32 s24, $0x3F80  }
0x7c: {  	s21 =	sadd.s32 $0x40, s21;
	s29 =	smov.u32 s24;
	s24 =	sadd.s32 $0x80, s24;
	v2 =	vunpack.i.u.bf16.f32 v1;
	v1 =	vunpack.i.l.bf16.f32 v1  }
0x7d: {  	[tilespmem:s23+$0x0] =	vst v1  }
0x7e: {  	s29 =	sshra.s32 s29, $0x2;
	[tilespmem:s23+$0x10] =	vst v2;
	s23 =	smov.u32 s21  }
0x7f: {  	v1 =	vld [tilespmem:s29+$0xA000];
	_ =	sdelay $0x3  }
.Ltmp3:
0x80: {  	(pc) =	sbr.rel @p0 .LBB2_9-.Ltmp3, $4  }
0x81: {  	v2 =	vunpack.i.u.bf16.f32 v1;
	v1 =	vunpack.i.l.bf16.f32 v1  }
0x82: {  	[tilespmem:s21+$0xFFFFFFE0] =	vst v1  }
0x83: {  	[tilespmem:s21+$0xFFFFFFF0] =	vst v2  }
0x84: {  	v1 =	vld [tilespmem:s29+$0xA010]  }
0x85: {  	_ =	sdelay $0x3  }
0x86: {  	s21 =	sshll.u32 s0, $0x8;
	v2 =	vunpack.i.l.bf16.f32 v1  }
0x87: {  	s21 =	sand.u32 $0x3FFFFF00, s21;
	v1 =	vunpack.i.u.bf16.f32 v1;
	[tilespmem:s23+$0x0] =	vst v2  }
0x88: {  	s1 =	sadd.s32 $0x100, s21;
	[tilespmem:s23+$0x10] =	vst v1  }
0x89: {  	[tilespmem:s18], [sflag:$0x1] =	stream.indirect.gather [hbm4b:s4+s17], $0x20, s1, s17, $0xb8;
	[tilespmem:$0x1A000] =	vst v63  }
0x8a: {  	s24 =	sadd.s32 $0x5000, s21  }
0x8b: {  	[spmem:s2] =	stream.indirect.scatter.add.f32 [tilespmem:s16], [sflag:$0x3], $0x40, s24, s17, $0xb8;
	[tilespmem:$0x1A000] =	vst v63  }
0x8c: {  	_ =	swait.ge [sflag:s22], $0x1000  }
0x8d: {  	[sflag:s22] =	ssyncset.done $0x0  }
0x8e: {  	[sflag:s22] =	ssyncadd.s32 $0xFFFFF000  }
0x8f: {  	_ =	swait.ge [sflag:s28], $0x2000  }
0x90: {  	[sflag:s28] =	ssyncset.done $0x0  }
0x91: {  	s24 =	simm.s32 $0x0;
	[sflag:s28] =	ssyncadd.s32 $0xFFFFE000  }
0x92: {  	v1 =	vld [tilespmem:s24+$0xB000];
	_ =	sdelay $0x4  }
0x93: {  	s23 =	simm.s32 $0xE020;
	v2 =	vunpack.i.l.bf16.f32 v1  }
0x94: {  	v1 =	vunpack.i.u.bf16.f32 v1;
	[tilespmem:s23+$0xFFFFFFE0] =	vst v2  }
0x95: {  	[tilespmem:s23+$0xFFFFFFF0] =	vst v1  }
0x96: {  	s29 =	simm.s32 $0x80;
	v1 =	vld [tilespmem:s24+$0xB010];
	s24 =	simm.s32 $0xE020  }
.LBB2_11:
0x97: {  	_ =	sdelay $0x2  }
0x98: {  	p0 =	sne.s32 s29, $0x3F80  }
0x99: {  	s23 =	sadd.s32 $0x40, s23;
	s1 =	smov.u32 s29;
	s29 =	sadd.s32 $0x80, s29;
	v2 =	vunpack.i.u.bf16.f32 v1;
	v1 =	vunpack.i.l.bf16.f32 v1  }
0x9a: {  	[tilespmem:s24+$0x0] =	vst v1  }
0x9b: {  	s1 =	sshra.s32 s1, $0x2;
	[tilespmem:s24+$0x10] =	vst v2;
	s24 =	smov.u32 s23  }
0x9c: {  	v1 =	vld [tilespmem:s1+$0xB000];
	_ =	sdelay $0x3  }
.Ltmp4:
0x9d: {  	(pc) =	sbr.rel @p0 .LBB2_11-.Ltmp4, $4  }
0x9e: {  	v2 =	vunpack.i.u.bf16.f32 v1;
	v1 =	vunpack.i.l.bf16.f32 v1  }
0x9f: {  	[tilespmem:s23+$0xFFFFFFE0] =	vst v1  }
0xa0: {  	[tilespmem:s23+$0xFFFFFFF0] =	vst v2  }
0xa1: {  	v1 =	vld [tilespmem:s1+$0xB010]  }
0xa2: {  	_ =	sdelay $0x2  }
0xa3: {  	s0 =	sadd.s32 $0x1, s0  }
0xa4: {  	p0 =	sne.s32 s0, $0x4F;
	v2 =	vunpack.i.l.bf16.f32 v1  }
.Ltmp5:
0xa5: {  	v1 =	vunpack.i.u.bf16.f32 v1;
	[tilespmem:s24+$0x0] =	vst v2;
	(pc) =	sbr.rel @p0 .LBB2_8-.Ltmp5, $4  }
0xa6: {  	s1 =	sadd.s32 $0x180, s21;
	[tilespmem:s24+$0x10] =	vst v1  }
0xa7: {  	[tilespmem:s19], [sflag:$0x2] =	stream.indirect.gather [hbm4b:s4+s17], $0x20, s1, s17, $0xb8;
	[tilespmem:$0x1A000] =	vst v63  }
0xa8: {  	s29 =	sadd.s32 $0x5080, s21  }
0xa9: {  	[spmem:s2] =	stream.indirect.scatter.add.f32 [tilespmem:s25], [sflag:$0x4], $0x40, s29, s17, $0xb8;
	[tilespmem:$0x1A000] =	vst v63  }
0xaa: {  	_ =	swait.ge [sflag:s20], $0x1000  }
0xab: {  	[sflag:s20] =	ssyncset.done $0x0  }
0xac: {  	[sflag:s20] =	ssyncadd.s32 $0xFFFFF000  }
0xad: {  	_ =	swait.ge [sflag:s26], $0x2000  }
0xae: {  	[sflag:s26] =	ssyncset.done $0x0  }
0xaf: {  	s1 =	simm.s32 $0x0;
	[sflag:s26] =	ssyncadd.s32 $0xFFFFE000  }
0xb0: {  	v1 =	vld [tilespmem:s1+$0xA000];
	_ =	sdelay $0x4  }
0xb1: {  	s0 =	simm.s32 $0xC020;
	v2 =	vunpack.i.l.bf16.f32 v1  }
0xb2: {  	v1 =	vunpack.i.u.bf16.f32 v1;
	[tilespmem:s0+$0xFFFFFFE0] =	vst v2  }
0xb3: {  	[tilespmem:s0+$0xFFFFFFF0] =	vst v1  }
0xb4: {  	s23 =	simm.s32 $0x80;
	s21 =	simm.s32 $0xC020;
	v1 =	vld [tilespmem:s1+$0xA010]  }
.LBB2_14:
0xb5: {  	_ =	sdelay $0x2  }
0xb6: {  	p0 =	sne.s32 s23, $0x3F80  }
0xb7: {  	s0 =	sadd.s32 $0x40, s0;
	s1 =	smov.u32 s23;
	s23 =	sadd.s32 $0x80, s23;
	v2 =	vunpack.i.u.bf16.f32 v1;
	v1 =	vunpack.i.l.bf16.f32 v1  }
0xb8: {  	[tilespmem:s21+$0x0] =	vst v1  }
0xb9: {  	s1 =	sshra.s32 s1, $0x2;
	[tilespmem:s21+$0x10] =	vst v2;
	s21 =	smov.u32 s0  }
0xba: {  	v1 =	vld [tilespmem:s1+$0xA000];
	_ =	sdelay $0x3  }
.Ltmp6:
0xbb: {  	(pc) =	sbr.rel @p0 .LBB2_14-.Ltmp6, $4  }
0xbc: {  	v2 =	vunpack.i.u.bf16.f32 v1;
	v1 =	vunpack.i.l.bf16.f32 v1  }
0xbd: {  	[tilespmem:s0+$0xFFFFFFE0] =	vst v1  }
0xbe: {  	[tilespmem:s0+$0xFFFFFFF0] =	vst v2  }
0xbf: {  	v1 =	vld [tilespmem:s1+$0xA010]  }
0xc0: {  	_ =	sdelay $0x3  }
0xc1: {  	v2 =	vunpack.i.l.bf16.f32 v1  }
0xc2: {  	v1 =	vunpack.i.u.bf16.f32 v1;
	[tilespmem:s21+$0x0] =	vst v2  }
0xc3: {  	s0 =	simm.s32 $0x9F00;
	[tilespmem:s21+$0x10] =	vst v1  }
0xc4: {  	[spmem:s2] =	stream.indirect.scatter.add.f32 [tilespmem:s16], [sflag:$0x3], $0x40, s0, s17, $0xb8;
	[tilespmem:$0x1A000] =	vst v63  }
0xc5: {  	_ =	swait.ge [sflag:s22], $0x1000  }
0xc6: {  	[sflag:s22] =	ssyncset.done $0x0  }
0xc7: {  	[sflag:s22] =	ssyncadd.s32 $0xFFFFF000  }
0xc8: {  	_ =	swait.ge [sflag:s28], $0x2000  }
0xc9: {  	[sflag:s28] =	ssyncset.done $0x0  }
0xca: {  	s1 =	simm.s32 $0x0;
	[sflag:s28] =	ssyncadd.s32 $0xFFFFE000  }
0xcb: {  	v1 =	vld [tilespmem:s1+$0xB000];
	_ =	sdelay $0x4  }
0xcc: {  	s0 =	simm.s32 $0xE020;
	v2 =	vunpack.i.l.bf16.f32 v1  }
0xcd: {  	v1 =	vunpack.i.u.bf16.f32 v1;
	[tilespmem:s0+$0xFFFFFFE0] =	vst v2  }
0xce: {  	[tilespmem:s0+$0xFFFFFFF0] =	vst v1  }
0xcf: {  	s23 =	simm.s32 $0x80;
	s21 =	simm.s32 $0xE020;
	v1 =	vld [tilespmem:s1+$0xB010]  }
.LBB2_16:
0xd0: {  	_ =	sdelay $0x2  }
0xd1: {  	p0 =	sne.s32 s23, $0x3F80  }
0xd2: {  	s0 =	sadd.s32 $0x40, s0;
	s1 =	smov.u32 s23;
	s23 =	sadd.s32 $0x80, s23;
	v2 =	vunpack.i.u.bf16.f32 v1;
	v1 =	vunpack.i.l.bf16.f32 v1  }
0xd3: {  	[tilespmem:s21+$0x0] =	vst v1  }
0xd4: {  	s1 =	sshra.s32 s1, $0x2;
	[tilespmem:s21+$0x10] =	vst v2;
	s21 =	smov.u32 s0  }
0xd5: {  	v1 =	vld [tilespmem:s1+$0xB000];
	_ =	sdelay $0x3  }
.Ltmp7:
0xd6: {  	(pc) =	sbr.rel @p0 .LBB2_16-.Ltmp7, $4  }
0xd7: {  	v2 =	vunpack.i.u.bf16.f32 v1;
	v1 =	vunpack.i.l.bf16.f32 v1  }
0xd8: {  	[tilespmem:s0+$0xFFFFFFE0] =	vst v1  }
0xd9: {  	[tilespmem:s0+$0xFFFFFFF0] =	vst v2  }
0xda: {  	v1 =	vld [tilespmem:s1+$0xB010]  }
0xdb: {  	_ =	sdelay $0x3  }
0xdc: {  	v2 =	vunpack.i.l.bf16.f32 v1  }
0xdd: {  	v1 =	vunpack.i.u.bf16.f32 v1;
	[tilespmem:s21+$0x0] =	vst v2  }
0xde: {  	[tilespmem:s21+$0x10] =	vst v1  }
0xdf: {  	[spmem:s2] =	stream.indirect.scatter.add.f32 [tilespmem:s25], [sflag:$0x4], $0x40, s30, s17, $0xb8;
	[tilespmem:$0x1A000] =	vst v63  }
0xe0: {  	_ =	swait.ge [sflag:s26], $0x2000  }
0xe1: {  	[sflag:s26] =	ssyncset.done $0x0  }
0xe2: {  	[sflag:s26] =	ssyncadd.s32 $0xFFFFE000  }
0xe3: {  	s0 =	stileid.u32;
	_ =	swait.ge [sflag:s28], $0x2000  }
0xe4: {  	s1 =	sshrl.u32 s7, $0x3;
	s31 =	sadd.s32 $0x1, s31;
	[sflag:s28] =	ssyncset.done $0x0  }
0xe5: {  	s0 =	sshll.u32 s0, $0x6;
	p0 =	sne.s32 s31, s13;
	[sflag:s28] =	ssyncadd.s32 $0xFFFFE000  }
.Ltmp8:
0xe6: {  	s0 =	sor.u32 $0x1C05, s0;
	[bflag:$0x0] =	sbarrier.arrive $0xFFFF;
	(pc) =	sbr.rel @p0 .LBB2_1-.Ltmp8, $4  }
0xe7: {  	[hbm:s12], [sflag:s0] =	dma.local [spmem:s1], $0x1400  }
0xe8: {  	_ =	swait.ge [sflag:s14], $0x1400  }
0xe9: {  	[sflag:s14] =	ssyncset.done $0x0  }
0xea: {  	[sflag:s14] =	ssyncadd.s32 $0xFFFFEC00  }
0xeb: {  	_ =	sfence.sel $0x180000  }
0xec: {  	[bflag:$0x0] =	sbarrier.arrive $0xFFFF  }
0xed: {  	_ =	strace $0x9000004A  }
0xee: {  	s0 =	stileid.u32;
	[bflag:$0x2] =	sbarrier.arrive $0xFFFF  }
0xef: {  	p0 =	sne.s32 s0, $0x0;
	s0 =	rddreg [dreg:$0x3]  }
0xf0: {  	s0 =	sadd.s32 @!p0 $0x100000, s0  }
0xf1: {  	[sflag:s0] =	ssyncadd.tile.s32 @!p0 $0x1;
	_ =	shalt  }
.Lfunc_end2:
_tile_overlayer_lowered:
.L_overlay_start_2:
0xf2: {  	(tag) =	ssettag $0x2  }
0xf3: {  	s0 =	rddreg [dreg:$0x0];
	s2 =	stileid.u32  }
0xf4: {  	s1 =	rddreg [dreg:$0x1];
	p0 =	sne.s32 s2, $0x0  }
0xf5: {  	s3 =	rddreg [dreg:$0x2];
	[bflag:$0x3] =	sbarrier.arrive $0xFFFF;
	s2 =	simm.s32 @!p0 $0x1C05  }
0xf6: {  	[timem:s3], [sflag:s2] =	dma.local @!p0 [hbm:s0], s1  }
0xf7: {  	s0 =	simm.s32 @!p0 $0x5  }
0xf8: {  	_ =	swait.ge @!p0 [sflag:s0], s1  }
0xf9: {  	s1 =	ssub.s32 @!p0 $0x0, s1;
	[sflag:s0] =	ssyncset.done @!p0 $0x0  }
0xfa: {  	[sflag:s0] =	ssyncadd.s32 @!p0 s1  }
0xfb: {  	[bflag:$0x3] =	sbarrier.arrive $0xFFFF  }
0xfc: {  	_ =	shalt  }

// kernel: kernel.17.cloned.1.call-start
scs
__scs_entry_jumppad:
0x0: {  	(pc) =	sbr.rel $0x88, $3  }
0x1: {  	(tag) =	ssettag $0x0;
	lr =	simm.s32 $0x1  }
0x2: {  	[smem:$0x3F80] =	sst lr;
	_ =	strace $0xD0000000  }
0x3: {  	_ = 	snop  }
0x4: {  	_ = 	snop  }
0x5: {  	_ = 	snop  }
0x6: {  	_ = 	snop  }
0x7: {  	_ = 	snop  }
__scs_overlays_trampoline_lowered:
0x8: {  	[smem:$0x3F8F] =	sst s0  }
0x9: {  	[smem:$0x3F90] =	sst s1  }
0xa: {  	[smem:$0x3F91] =	sst s2  }
0xb: {  	[smem:$0x3F92] =	sst s3  }
0xc: {  	[smem:$0x3F93] =	sst s4  }
0xd: {  	[smem:$0x3F94] =	sst s5  }
0xe: {  	[smem:$0x3F95] =	sst s6  }
0xf: {  	[smem:$0x3F96] =	sst s7  }
0x10: {  	[smem:$0x3F97] =	sst s8  }
0x11: {  	[smem:$0x3F98] =	sst s9;
	s0 =	simm.s32 @!p0 $0x0  }
0x12: {  	s1 =	sld [smem:$0x3F7E];
	s0 =	simm.s32 @p0 $0x1  }
0x13: {  	[smem:$0x3F99] =	sst s0;
	s0 =	simm.s32 @!p1 $0x0  }
0x14: {  	s2 =	sld [smem:$0x3F7D];
	s0 =	simm.s32 @p1 $0x1  }
0x15: {  	[smem:$0x3F9A] =	sst s0;
	s0 =	simm.s32 @!p2 $0x0  }
0x16: {  	s3 =	sld [smem:$0x3FDB];
	s0 =	simm.s32 @p2 $0x1  }
0x17: {  	s4 =	simm.s32 $0x1BF5;
	[smem:$0x3F9C] =	sst s0  }
0x18: {  	s0 =	sld [smem:$0x3F7F];
	_ =	swait.ge [sflag:s4], $0x0  }
0x19: {  	s7 =	sld [smem:$0x3F80]  }
0x1a: {  	s8 =	sadd.s32 $0xFFFFE003, lr  }
0x1b: {  	s9 =	sadd.s32 $0xFFFFFEF7, lr;
	s5 =	simm.s32 $0xFFFFFFFF;
	p2 =	slt.u32 s8, $0xFFFFF086  }
0x1c: {  	p1 =	slt.u32 s9, $0xF7A;
	s5 =	simm.s32 @!p2 $0x0  }
0x1d: {  	s5 =	simm.s32 @p1 $0x1;
	p0 =	seq.s32 s7, s2  }
0x1e: {  	s7 =	smul.u32 @!p0 $0xF7A, s2;
	p2 =	seq.s32 @!p0 s5, $0x0  }
0x1f: {  	s9 =	smul.u32 $0xF7A, s1;
	s8 =	simm.s32 @!p0 $0x1BF5;
	p2 =	por !p2, p0  }
0x20: {  	[sflag:s8] =	ssyncset.s32 @!p0 $0xFFFFF086;
	s6 =	sadd.s32 @!p0 s3, s7;
	s7 =	simm.s32 @!p0 $0x108  }
0x21: {  	s3 =	sadd.s32 s3, s9;
	s6 =	sadd.s32 @!p0 $0x88, s6;
	s7 =	simm.s32 @p2 $0x1082  }
0x22: {  	[simem:s7], [sflag:s8] =	dma.local @!p0 [hbm:s6], $0xF7A  }
0x23: {  	s9 =	sor.u32 $0xD0000000, s2;
	s6 =	simm.s32 $0x108;
	_ =	swait.ge @!p0 [sflag:s8], $0x0  }
0x24: {  	s3 =	sadd.s32 $0x88, s3;
	s6 =	simm.s32 @!p1 $0x1082;
	[sflag:s4] =	ssyncset.s32 $0xFFFFF086  }
0x25: {  	[simem:s6], [sflag:s4] =	dma.local [hbm:s3], $0xF7A  }
0x26: {  	[smem:$0x3F80] =	sst s1;
	(tag) =	ssettag s2;
	_ =	strace s9  }
0x27: {  	s1 =	sld [smem:$0x3F90]  }
0x28: {  	s2 =	sld [smem:$0x3F91]  }
0x29: {  	s4 =	sld [smem:$0x3F93]  }
0x2a: {  	p0 =	seq.s32 s5, $0x0;
	s5 =	sld [smem:$0x3F94]  }
0x2b: {  	s6 =	sld [smem:$0x3F95]  }
0x2c: {  	s7 =	sld [smem:$0x3F96]  }
0x2d: {  	s3 =	simm.s32 $0x108;
	s8 =	sld [smem:$0x3F97]  }
0x2e: {  	s3 =	simm.s32 @!p0 $0x1082;
	s9 =	sld [smem:$0x3F98]  }
0x2f: {  	lr =	sadd.s32 s0, s3;
	s0 =	sld [smem:$0x3F8F]  }
0x30: {  	s3 =	sld [smem:$0x3F92]  }
0x31: {  	[smem:$0x3F9B] =	sst s10  }
0x32: {  	s10 =	sld [smem:$0x3F99];
	_ =	sdelay $0x3  }
0x33: {  	p0 =	seq.s32 s10, $0x1;
	s10 =	sld [smem:$0x3F9B];
	_ =	sdelay $0x3  }
0x34: {  	[smem:$0x3F9B] =	sst s10  }
0x35: {  	s10 =	sld [smem:$0x3F9A];
	_ =	sdelay $0x3  }
0x36: {  	p1 =	seq.s32 s10, $0x1;
	s10 =	sld [smem:$0x3F9B];
	_ =	sdelay $0x3  }
0x37: {  	[smem:$0x3F9B] =	sst s10  }
0x38: {  	s10 =	sld [smem:$0x3F9C]  }
0x39: {  	_ = 	snop;
	(pc) =	sbr.ind lr, $3  }
0x3a: {  	_ = 	snop  }
0x3b: {  	_ = 	snop  }
0x3c: {  	p2 =	seq.s32 s10, $0x1;
	s10 =	sld [smem:$0x3F9B]  }
0x3d: {  	_ =	shalt  }
0x3e: {  	_ =	shalt  }
0x3f: {  	_ =	shalt  }
0x40: {  	_ =	shalt  }
0x41: {  	_ =	shalt  }
0x42: {  	_ =	shalt  }
0x43: {  	_ =	shalt  }
0x44: {  	_ =	shalt  }
0x45: {  	_ =	shalt  }
0x46: {  	_ =	shalt  }
0x47: {  	_ =	shalt  }
0x48: {  	_ =	shalt  }
0x49: {  	_ =	shalt  }
0x4a: {  	_ =	shalt  }
0x4b: {  	_ =	shalt  }
0x4c: {  	_ =	shalt  }
0x4d: {  	_ =	shalt  }
0x4e: {  	_ =	shalt  }
0x4f: {  	_ =	shalt  }
0x50: {  	_ =	shalt  }
0x51: {  	_ =	shalt  }
0x52: {  	_ =	shalt  }
0x53: {  	_ =	shalt  }
0x54: {  	_ =	shalt  }
0x55: {  	_ =	shalt  }
0x56: {  	_ =	shalt  }
0x57: {  	_ =	shalt  }
0x58: {  	_ =	shalt  }
0x59: {  	_ =	shalt  }
0x5a: {  	_ =	shalt  }
0x5b: {  	_ =	shalt  }
0x5c: {  	_ =	shalt  }
0x5d: {  	_ =	shalt  }
0x5e: {  	_ =	shalt  }
0x5f: {  	_ =	shalt  }
0x60: {  	_ =	shalt  }
0x61: {  	_ =	shalt  }
0x62: {  	_ =	shalt  }
0x63: {  	_ =	shalt  }
0x64: {  	_ =	shalt  }
0x65: {  	_ =	shalt  }
0x66: {  	_ =	shalt  }
0x67: {  	_ =	shalt  }
0x68: {  	_ =	shalt  }
0x69: {  	_ =	shalt  }
0x6a: {  	_ =	shalt  }
0x6b: {  	_ =	shalt  }
0x6c: {  	_ =	shalt  }
0x6d: {  	_ =	shalt  }
0x6e: {  	_ =	shalt  }
0x6f: {  	_ =	shalt  }
0x70: {  	_ =	shalt  }
0x71: {  	_ =	shalt  }
0x72: {  	_ =	shalt  }
0x73: {  	_ =	shalt  }
0x74: {  	_ =	shalt  }
0x75: {  	_ =	shalt  }
0x76: {  	_ =	shalt  }
0x77: {  	_ =	shalt  }
0x78: {  	_ =	shalt  }
0x79: {  	_ =	shalt  }
0x7a: {  	_ =	shalt  }
0x7b: {  	_ =	shalt  }
0x7c: {  	_ =	shalt  }
0x7d: {  	_ =	shalt  }
0x7e: {  	_ =	shalt  }
0x7f: {  	_ =	shalt  }
0x80: {  	_ =	shalt  }
0x81: {  	_ =	shalt  }
0x82: {  	_ =	shalt  }
0x83: {  	_ =	shalt  }
0x84: {  	_ =	shalt  }
0x85: {  	_ =	shalt  }
0x86: {  	_ =	shalt  }
0x87: {  	_ =	shalt  }
.Lfunc_end0:
.L_simem_size_0:
called_computation.2_lowered:
.L_overlay_start_0:
0x88: {  	s2 =	sld [smem:$0x3FD9]  }
0x89: {  	s3 =	sld [smem:$0x3FFE];
	_ =	sdelay $0x1  }
0x8a: {  	s1 =	srdreg.scid  }
0x8b: {  	s0 =	sand.u32 $0x1, s1  }
0x8c: {  	s14 =	sshll.u32 s0, $0xA;
	s2 =	sadd.s32 s3, s2  }
0x8d: {  	s2 =	sadd.s32 s2, s14  }
0x8e: {  	[smem:$0x3FA7] =	sst s2  }
0x8f: {  	_ = 	snop  }
0x90: {  	s2 =	sld [smem:$0x3FD0];
	_ =	sdelay $0x2  }
0x91: {  	s15 =	simm.s32 $0xA;
	s4 =	simm.s32 $0x10  }
0x92: {  	[smem:s4], [sflag:s15] =	dma.local [hbm:s2], $0x1  }
0x93: {  	_ =	swait.eq [sflag:s15], $0x1  }
0x94: {  	[sflag:s15] =	ssyncset.done $0x0  }
0x95: {  	[sflag:s15] =	ssyncadd.s32 $0xFFFFFFFF  }
0x96: {  	s16 =	sld [smem:$0x12];
	(tm) =	ssettm $0x1  }
0x97: {  	s17 =	sld [smem:$0x3FFB];
	_ =	sdelay $0x3  }
0x98: {  	_ =	strace s17  }
0x99: {  	s3 =	sld [smem:$0x3FFC];
	_ =	sdelay $0x3  }
0x9a: {  	_ =	strace s3  }
0x9b: {  	s3 =	sld [smem:$0x3FFD];
	_ =	sdelay $0x3  }
0x9c: {  	_ =	strace s3  }
0x9d: {  	_ =	strace $0x8FFFFFFF  }
0x9e: {  	s18 =	sld [smem:$0x3FDB];
	_ =	sdelay $0x1  }
0x9f: {  	s19 =	simm.s32 $_scs_section_size  }
0xa0: {  	s5 =	simm.s32 $_size__tile_overlayer_lowered;
	s6 =	simm.s32 $_tile_overlayer_lowered  }
0xa1: {  	s22 =	simm.s32 $0x1BFF;
	s21 =	sshll.u32 s6, $0x1;
	s3 =	sadd.s32 s19, s18  }
0xa2: {  	s7 =	simm.s32 $0x0;
	s20 =	sshll.u32 s5, $0x1;
	s5 =	sadd.s32 s21, s3  }
0xa3: {  	[timem:s7], [sflag:s22] =	dma.local [hbm:s5], s20  }
0xa4: {  	_ =	swait.ge [sflag:s22], s20  }
0xa5: {  	s4 =	ssub.s32 $0x0, s20;
	[sflag:s22] =	ssyncset.done $0x0  }
0xa6: {  	[sflag:s22] =	ssyncadd.s32 s4;
	_ =	sdelay $0x1  }
0xa7: {  	s23 =	simm.s32 $0x1B8B  }
0xa8: {  	_ =	swait.ge [sflag:s23], $0x1  }
0xa9: {  	[sflag:s23] =	ssyncset.done $0x0  }
0xaa: {  	s25 =	simm.s32 $0x1B8E;
	s24 =	sld [smem:$0x3FFE];
	[sflag:s23] =	ssyncadd.s32 $0xFFFFFFFF  }
0xab: {  	s26 =	simm.s32 $execute0_lowered;
	[smem:$0x3FD2] =	sst s25  }
0xac: {  	s5 =	sshll.u32 s26, $0x1;
	_ =	strace $0x8000004C;
	[dreg:$0x1] =	wrdreg $0xFFFFFFFF  }
0xad: {  	s28 =	simm.s32 $_size_execute0_lowered;
	s3 =	sadd.s32 s3, s5;
	[dreg:$0x0] =	wrdreg $0x0  }
0xae: {  	s5 =	sshll.u32 s28, $0x1;
	[dreg:$0x2] =	wrdreg s3  }
0xaf: {  	[dreg:$0x3] =	wrdreg s5  }
0xb0: {  	[dreg:$0x4] =	wrdreg $0xC0  }
0xb1: {  	_ =	task [dreg:s7], $0x5FFFF  }
0xb2: {  	[dreg:$0x1] =	wrdreg $0xFFFFFFFF  }
0xb3: {  	[dreg:$0x0] =	wrdreg $0x60  }
0xb4: {  	[dreg:$0x2] =	wrdreg s24  }
0xb5: {  	[dreg:$0x3] =	wrdreg s16  }
0xb6: {  	[dreg:$0x4] =	wrdreg $0x100000  }
0xb7: {  	[dreg:$0x5] =	wrdreg $0x9  }
0xb8: {  	_ =	task.clear_ibuf [dreg:s7], $0x6FFFF;
	_ =	strace $0x9000004C  }
0xb9: {  	s29 =	simm.s32 $0x9;
	_ =	strace $0x8000004E  }
0xba: {  	_ =	swait.ge [sflag:s29], $0x1  }
0xbb: {  	[sflag:s29] =	ssyncadd.s32 $0xFFFFFFFF  }
0xbc: {  	_ =	strace $0x9000004E  }
0xbd: {  	_ =	sfence  }
0xbe: {  	s30 =	sld [smem:$0x0];
	_ =	sdelay $0x2  }
0xbf: {  	s31 =	sshll.u32 s1, $0xD;
	s1 =	sshrl.u32 s1, $0x2  }
0xc0: {  	s3 =	sand.u32 $0x4000, s31;
	s1 =	sadd.s32 s1, s30  }
0xc1: {  	s0 =	sor.u32 s3, s0;
	s1 =	sshll.u32 s1, $0x11  }
0xc2: {  	s0 =	sor.u32 s1, s0  }
0xc3: {  	s0 =	sadd.s32 $0x8F2B, s0  }
0xc4: {  	[sflag:s0] =	ssyncadd.remote.s32 $0x1  }
0xc5: {  	_ =	sfence.sel $0xFFFF  }
0xc6: {  	[dreg:$0x0] =	wrdreg $0xFFFFFFFF;
	(pc) =	sbr.abs _section_cstart, $3  }
0xc7: {  	[dreg:$0x1] =	wrdreg $0xFFFFFFFF  }
0xc8: {  	_ =	task.clear_ibuf [dreg:s7], $0x2FFFF;
	_ =	strace $0x9FFFFFFF  }
0xc9: {  	(tm) =	ssettm $0x7FFFFFFF  }
tec
execute0_lowered:
.L_overlay_start_1:
0x0: {  	(tag) =	ssettag $0x1  }
0x1: {  	s0 =	rddreg [dreg:$0x0]  }
0x2: {  	s5 =	rddreg [dreg:$0x1]  }
0x3: {  	s2 =	rddreg [dreg:$0x2];
	s1 =	stileid.u32  }
0x4: {  	s4 =	srdreg.scid;
	s3 =	simm.s32 $0x0;
	s14 =	simm.s32 $0x5  }
0x5: {  	s15 =	simm.s32 $0x5000;
	s16 =	simm.s32 $0xC000;
	s17 =	simm.s32 $0x80  }
0x6: {  	s18 =	simm.s32 $0xA000;
	s19 =	simm.s32 $0xB000;
	s20 =	simm.s32 $0x1  }
0x7: {  	s22 =	simm.s32 $0x2;
	s28 =	simm.s32 $0x4;
	s6 =	smul.u32 $0x5000, s1  }
0x8: {  	s30 =	simm.s32 $0x9F80;
	s31 =	simm.s32 $0x0;
	s8 =	smul.u32 $0xA000, s1  }
0x9: {  	s7 =	sand.u32 $0x1, s4;
	[smem:$0x7FF] =	sst s3;
	s12 =	smul.u32 $0x28000, s1  }
0xa: {  	s4 =	sadd.s32 $0xF400, s0;
	s9 =	smul.u32 $0xA0000, s7;
	_ =	strace $0x8000004D  }
0xb: {  	s11 =	smul.u32 $0x50000, s7;
	s7 =	ssub.s32 $0x2, s7;
	s10 =	sshrl.u32 s6, $0x3  }
0xc: {  	s25 =	sshrl.u32 s7, $0x1;
	s26 =	sshrl.u32 s12, $0x2;
	s10 =	sadd.s32 s10, s0  }
0xd: {  	s9 =	sadd.s32 s8, s9;
	s6 =	sadd.s32 s6, s11;
	s13 =	ssub.s32 s7, s25  }
0xe: {  	s29 =	sadd.s32 s26, s2;
	s7 =	sadd.s32 s8, s2;
	s25 =	simm.s32 $0xE000  }
0xf: {  	s26 =	simm.s32 $0x3;
	s9 =	sshrl.u32 s9, $0x3;
	s6 =	sshrl.u32 s6, $0x3  }
0x10: {  	s8 =	sadd.s32 $0x2000, s29;
	s11 =	sadd.s32 $0x8000, s29;
	s13 =	smax.u32 s13, $0x1  }
0x11: {  	s0 =	sadd.s32 s9, s0;
	s5 =	sadd.s32 s5, s6;
	s6 =	sadd.s32 $0x5400, s10  }
0x12: {  	v0 =	vimm.f32 $0.0e+00;
	s9 =	sadd.s32 $0x4000, s29;
	s10 =	sadd.s32 $0x6000, s29;
	s12 =	sadd.s32 $0x22E00, s0  }
.LBB2_1:
0x13: {  	[tilespmem:s3], [sflag:$0x5] =	stream.linear.gather [hbm4b:s5+s3], $0x5000, $0x38;
	[tilespmem:$0x1A000] =	vst v63  }
0x14: {  	_ =	swait.ge [sflag:s14], $0x5000  }
0x15: {  	[sflag:s14] =	ssyncset.done $0x0  }
0x16: {  	[sflag:s14] =	ssyncadd.s32 $0xFFFFB000  }
0x17: {  	[tilespmem:s15], [sflag:$0x5] =	stream.linear.gather [hbm4b:s6+s3], $0x5000, $0x38;
	[tilespmem:$0x1A000] =	vst v63  }
0x18: {  	s0 =	sand.u32 $0x7F00, s3;
	s21 =	sand.u32 $0x30, s3;
	_ =	swait.ge [sflag:s14], $0x5000  }
0x19: {  	s23 =	sshrl.u32 s0, $0x2;
	s0 =	simm.s32 $0x40;
	[sflag:s14] =	ssyncset.done $0x0  }
0x1a: {  	s23 =	sor.u32 s21, s23;
	s21 =	simm.s32 $0x0;
	[sflag:s14] =	ssyncadd.s32 $0xFFFFB000  }
.LBB2_2:
0x1b: {  	p0 =	sne.s32 s0, $0x7FC0  }
0x1c: {  	[tilespmem:s23+$0xC000] =	vst v0;
	s21 =	sadd.s32 $0x10, s21;
	s23 =	smov.u32 s0;
	s0 =	sadd.s32 $0x40, s0  }
.Ltmp0:
0x1d: {  	(pc) =	sbr.rel @p0 .LBB2_2-.Ltmp0, $4  }
0x1e: {  	_ = 	snop  }
0x1f: {  	s23 =	sand.u32 $0x7F00, s23  }
0x20: {  	s24 =	sand.u32 $0x30, s21;
	s23 =	sshrl.u32 s23, $0x2  }
0x21: {  	s23 =	sor.u32 s24, s23  }
0x22: {  	[tilespmem:s23+$0xC000] =	vst v0  }
0x23: {  	[spmem:s7] =	stream.linear.scatter [tilespmem:s16], [sflag:$0x5], $0x2000, $0x38;
	[tilespmem:$0x1A000] =	vst v63  }
0x24: {  	_ =	swait.ge [sflag:s14], $0x2000  }
0x25: {  	[sflag:s14] =	ssyncset.done $0x0  }
0x26: {  	[sflag:s14] =	ssyncadd.s32 $0xFFFFE000  }
0x27: {  	[spmem:s8] =	stream.linear.scatter [tilespmem:s16], [sflag:$0x5], $0x2000, $0x38;
	[tilespmem:$0x1A000] =	vst v63  }
0x28: {  	_ =	swait.ge [sflag:s14], $0x2000  }
0x29: {  	[sflag:s14] =	ssyncset.done $0x0  }
0x2a: {  	[sflag:s14] =	ssyncadd.s32 $0xFFFFE000  }
0x2b: {  	[spmem:s9] =	stream.linear.scatter [tilespmem:s16], [sflag:$0x5], $0x2000, $0x38;
	[tilespmem:$0x1A000] =	vst v63  }
0x2c: {  	_ =	swait.ge [sflag:s14], $0x2000  }
0x2d: {  	[sflag:s14] =	ssyncset.done $0x0  }
0x2e: {  	[sflag:s14] =	ssyncadd.s32 $0xFFFFE000  }
0x2f: {  	[spmem:s10] =	stream.linear.scatter [tilespmem:s16], [sflag:$0x5], $0x2000, $0x38;
	[tilespmem:$0x1A000] =	vst v63  }
0x30: {  	_ =	swait.ge [sflag:s14], $0x2000  }
0x31: {  	[sflag:s14] =	ssyncset.done $0x0  }
0x32: {  	[sflag:s14] =	ssyncadd.s32 $0xFFFFE000  }
0x33: {  	[spmem:s11] =	stream.linear.scatter [tilespmem:s16], [sflag:$0x5], $0x2000, $0x38;
	[tilespmem:$0x1A000] =	vst v63  }
0x34: {  	_ =	swait.ge [sflag:s14], $0x2000  }
0x35: {  	[sflag:s14] =	ssyncset.done $0x0  }
0x36: {  	[sflag:s14] =	ssyncadd.s32 $0xFFFFE000  }
0x37: {  	s0 =	simm.s32 $0x0;
	[bflag:$0x0] =	sbarrier.arrive $0xFFFF  }
0x38: {  	[tilespmem:s18], [sflag:$0x1] =	stream.indirect.gather [hbm4b:s4+s17], $0x20, s0, s17, $0xb8;
	[tilespmem:$0x1A000] =	vst v63  }
0x39: {  	_ = 	snop  }
0x3a: {  	[tilespmem:s19], [sflag:$0x2] =	stream.indirect.gather [hbm4b:s4+s17], $0x20, s17, s17, $0xb8;
	[tilespmem:$0x1A000] =	vst v63  }
0x3b: {  	_ =	swait.ge [sflag:s20], $0x1000  }
0x3c: {  	[sflag:s20] =	ssyncset.done $0x0  }
0x3d: {  	s21 =	simm.s32 $0x0;
	[sflag:s20] =	ssyncadd.s32 $0xFFFFF000  }
0x3e: {  	v1 =	vld [tilespmem:s21+$0xA000];
	_ =	sdelay $0x4  }
0x3f: {  	s0 =	simm.s32 $0xC020;
	v2 =	vunpack.i.l.bf16.f32 v1  }
0x40: {  	v1 =	vunpack.i.u.bf16.f32 v1;
	[tilespmem:s0+$0xFFFFFFE0] =	vst v2  }
0x41: {  	[tilespmem:s0+$0xFFFFFFF0] =	vst v1  }
0x42: {  	s23 =	simm.s32 $0x80;
	v1 =	vld [tilespmem:s21+$0xA010];
	s21 =	simm.s32 $0xC020  }
.LBB2_4:
0x43: {  	_ =	sdelay $0x2  }
0x44: {  	p0 =	sne.s32 s23, $0x3F80  }
0x45: {  	s0 =	sadd.s32 $0x40, s0;
	s24 =	smov.u32 s23;
	s23 =	sadd.s32 $0x80, s23;
	v2 =	vunpack.i.u.bf16.f32 v1;
	v1 =	vunpack.i.l.bf16.f32 v1  }
0x46: {  	[tilespmem:s21+$0x0] =	vst v1  }
0x47: {  	s24 =	sshra.s32 s24, $0x2;
	[tilespmem:s21+$0x10] =	vst v2;
	s21 =	smov.u32 s0  }
0x48: {  	v1 =	vld [tilespmem:s24+$0xA000];
	_ =	sdelay $0x3  }
.Ltmp1:
0x49: {  	(pc) =	sbr.rel @p0 .LBB2_4-.Ltmp1, $4  }
0x4a: {  	v2 =	vunpack.i.u.bf16.f32 v1;
	v1 =	vunpack.i.l.bf16.f32 v1  }
0x4b: {  	[tilespmem:s0+$0xFFFFFFE0] =	vst v1  }
0x4c: {  	[tilespmem:s0+$0xFFFFFFF0] =	vst v2  }
0x4d: {  	v1 =	vld [tilespmem:s24+$0xA010]  }
0x4e: {  	_ =	sdelay $0x3  }
0x4f: {  	v2 =	vunpack.i.l.bf16.f32 v1  }
0x50: {  	v1 =	vunpack.i.u.bf16.f32 v1;
	[tilespmem:s21+$0x0] =	vst v2  }
0x51: {  	s0 =	simm.s32 $0x100;
	[tilespmem:s21+$0x10] =	vst v1  }
0x52: {  	[tilespmem:s18], [sflag:$0x1] =	stream.indirect.gather [hbm4b:s4+s17], $0x20, s0, s17, $0xb8;
	[tilespmem:$0x1A000] =	vst v63  }
0x53: {  	_ = 	snop  }
0x54: {  	[spmem:s2] =	stream.indirect.scatter.add.f32 [tilespmem:s16], [sflag:$0x3], $0x40, s15, s17, $0xb8;
	[tilespmem:$0x1A000] =	vst v63  }
0x55: {  	_ =	swait.ge [sflag:s22], $0x1000  }
0x56: {  	[sflag:s22] =	ssyncset.done $0x0  }
0x57: {  	s29 =	simm.s32 $0x0;
	[sflag:s22] =	ssyncadd.s32 $0xFFFFF000  }
0x58: {  	v1 =	vld [tilespmem:s29+$0xB000];
	_ =	sdelay $0x4  }
0x59: {  	s0 =	simm.s32 $0xE020;
	v2 =	vunpack.i.l.bf16.f32 v1  }
0x5a: {  	v1 =	vunpack.i.u.bf16.f32 v1;
	[tilespmem:s0+$0xFFFFFFE0] =	vst v2  }
0x5b: {  	[tilespmem:s0+$0xFFFFFFF0] =	vst v1  }
0x5c: {  	s23 =	simm.s32 $0x80;
	s21 =	simm.s32 $0xE020;
	v1 =	vld [tilespmem:s29+$0xB010]  }
.LBB2_6:
0x5d: {  	_ =	sdelay $0x2  }
0x5e: {  	p0 =	sne.s32 s23, $0x3F80  }
0x5f: {  	s0 =	sadd.s32 $0x40, s0;
	s24 =	smov.u32 s23;
	s23 =	sadd.s32 $0x80, s23;
	v2 =	vunpack.i.u.bf16.f32 v1;
	v1 =	vunpack.i.l.bf16.f32 v1  }
0x60: {  	[tilespmem:s21+$0x0] =	vst v1  }
0x61: {  	s24 =	sshra.s32 s24, $0x2;
	[tilespmem:s21+$0x10] =	vst v2;
	s21 =	smov.u32 s0  }
0x62: {  	v1 =	vld [tilespmem:s24+$0xB000];
	_ =	sdelay $0x3  }
.Ltmp2:
0x63: {  	(pc) =	sbr.rel @p0 .LBB2_6-.Ltmp2, $4  }
0x64: {  	v2 =	vunpack.i.u.bf16.f32 v1;
	v1 =	vunpack.i.l.bf16.f32 v1  }
0x65: {  	[tilespmem:s0+$0xFFFFFFE0] =	vst v1  }
0x66: {  	[tilespmem:s0+$0xFFFFFFF0] =	vst v2  }
0x67: {  	v1 =	vld [tilespmem:s24+$0xB010]  }
0x68: {  	_ =	sdelay $0x3  }
0x69: {  	v2 =	vunpack.i.l.bf16.f32 v1  }
0x6a: {  	v1 =	vunpack.i.u.bf16.f32 v1;
	[tilespmem:s21+$0x0] =	vst v2  }
0x6b: {  	s0 =	simm.s32 $0x180;
	[tilespmem:s21+$0x10] =	vst v1  }
0x6c: {  	[tilespmem:s19], [sflag:$0x2] =	stream.indirect.gather [hbm4b:s4+s17], $0x20, s0, s17, $0xb8;
	[tilespmem:$0x1A000] =	vst v63  }
0x6d: {  	s29 =	simm.s32 $0x5080;
	s0 =	simm.s32 $0x1  }
0x6e: {  	[spmem:s2] =	stream.indirect.scatter.add.f32 [tilespmem:s25], [sflag:$0x4], $0x40, s29, s17, $0xb8;
	[tilespmem:$0x1A000] =	vst v63  }
.LBB2_8:
0x6f: {  	_ =	swait.ge [sflag:s20], $0x1000  }
0x70: {  	[sflag:s20] =	ssyncset.done $0x0  }
0x71: {  	[sflag:s20] =	ssyncadd.s32 $0xFFFFF000  }
0x72: {  	_ =	swait.ge [sflag:s26], $0x2000  }
0x73: {  	[sflag:s26] =	ssyncset.done $0x0  }
0x74: {  	s23 =	simm.s32 $0x0;
	[sflag:s26] =	ssyncadd.s32 $0xFFFFE000  }
0x75: {  	v1 =	vld [tilespmem:s23+$0xA000];
	_ =	sdelay $0x4  }
0x76: {  	s21 =	simm.s32 $0xC020;
	v2 =	vunpack.i.l.bf16.f32 v1  }
0x77: {  	v1 =	vunpack.i.u.bf16.f32 v1;
	[tilespmem:s21+$0xFFFFFFE0] =	vst v2  }
0x78: {  	[tilespmem:s21+$0xFFFFFFF0] =	vst v1  }
0x79: {  	s24 =	simm.s32 $0x80;
	v1 =	vld [tilespmem:s23+$0xA010];
	s23 =	simm.s32 $0xC020  }
.LBB2_9:
0x7a: {  	_ =	sdelay $0x2  }
0x7b: {  	p0 =	sne.s32 s24, $0x3F80  }
0x7c: {  	s21 =	sadd.s32 $0x40, s21;
	s29 =	smov.u32 s24;
	s24 =	sadd.s32 $0x80, s24;
	v2 =	vunpack.i.u.bf16.f32 v1;
	v1 =	vunpack.i.l.bf16.f32 v1  }
0x7d: {  	[tilespmem:s23+$0x0] =	vst v1  }
0x7e: {  	s29 =	sshra.s32 s29, $0x2;
	[tilespmem:s23+$0x10] =	vst v2;
	s23 =	smov.u32 s21  }
0x7f: {  	v1 =	vld [tilespmem:s29+$0xA000];
	_ =	sdelay $0x3  }
.Ltmp3:
0x80: {  	(pc) =	sbr.rel @p0 .LBB2_9-.Ltmp3, $4  }
0x81: {  	v2 =	vunpack.i.u.bf16.f32 v1;
	v1 =	vunpack.i.l.bf16.f32 v1  }
0x82: {  	[tilespmem:s21+$0xFFFFFFE0] =	vst v1  }
0x83: {  	[tilespmem:s21+$0xFFFFFFF0] =	vst v2  }
0x84: {  	v1 =	vld [tilespmem:s29+$0xA010]  }
0x85: {  	_ =	sdelay $0x3  }
0x86: {  	s21 =	sshll.u32 s0, $0x8;
	v2 =	vunpack.i.l.bf16.f32 v1  }
0x87: {  	s21 =	sand.u32 $0x3FFFFF00, s21;
	v1 =	vunpack.i.u.bf16.f32 v1;
	[tilespmem:s23+$0x0] =	vst v2  }
0x88: {  	s1 =	sadd.s32 $0x100, s21;
	[tilespmem:s23+$0x10] =	vst v1  }
0x89: {  	[tilespmem:s18], [sflag:$0x1] =	stream.indirect.gather [hbm4b:s4+s17], $0x20, s1, s17, $0xb8;
	[tilespmem:$0x1A000] =	vst v63  }
0x8a: {  	s24 =	sadd.s32 $0x5000, s21  }
0x8b: {  	[spmem:s2] =	stream.indirect.scatter.add.f32 [tilespmem:s16], [sflag:$0x3], $0x40, s24, s17, $0xb8;
	[tilespmem:$0x1A000] =	vst v63  }
0x8c: {  	_ =	swait.ge [sflag:s22], $0x1000  }
0x8d: {  	[sflag:s22] =	ssyncset.done $0x0  }
0x8e: {  	[sflag:s22] =	ssyncadd.s32 $0xFFFFF000  }
0x8f: {  	_ =	swait.ge [sflag:s28], $0x2000  }
0x90: {  	[sflag:s28] =	ssyncset.done $0x0  }
0x91: {  	s24 =	simm.s32 $0x0;
	[sflag:s28] =	ssyncadd.s32 $0xFFFFE000  }
0x92: {  	v1 =	vld [tilespmem:s24+$0xB000];
	_ =	sdelay $0x4  }
0x93: {  	s23 =	simm.s32 $0xE020;
	v2 =	vunpack.i.l.bf16.f32 v1  }
0x94: {  	v1 =	vunpack.i.u.bf16.f32 v1;
	[tilespmem:s23+$0xFFFFFFE0] =	vst v2  }
0x95: {  	[tilespmem:s23+$0xFFFFFFF0] =	vst v1  }
0x96: {  	s29 =	simm.s32 $0x80;
	v1 =	vld [tilespmem:s24+$0xB010];
	s24 =	simm.s32 $0xE020  }
.LBB2_11:
0x97: {  	_ =	sdelay $0x2  }
0x98: {  	p0 =	sne.s32 s29, $0x3F80  }
0x99: {  	s23 =	sadd.s32 $0x40, s23;
	s1 =	smov.u32 s29;
	s29 =	sadd.s32 $0x80, s29;
	v2 =	vunpack.i.u.bf16.f32 v1;
	v1 =	vunpack.i.l.bf16.f32 v1  }
0x9a: {  	[tilespmem:s24+$0x0] =	vst v1  }
0x9b: {  	s1 =	sshra.s32 s1, $0x2;
	[tilespmem:s24+$0x10] =	vst v2;
	s24 =	smov.u32 s23  }
0x9c: {  	v1 =	vld [tilespmem:s1+$0xB000];
	_ =	sdelay $0x3  }
.Ltmp4:
0x9d: {  	(pc) =	sbr.rel @p0 .LBB2_11-.Ltmp4, $4  }
0x9e: {  	v2 =	vunpack.i.u.bf16.f32 v1;
	v1 =	vunpack.i.l.bf16.f32 v1  }
0x9f: {  	[tilespmem:s23+$0xFFFFFFE0] =	vst v1  }
0xa0: {  	[tilespmem:s23+$0xFFFFFFF0] =	vst v2  }
0xa1: {  	v1 =	vld [tilespmem:s1+$0xB010]  }
0xa2: {  	_ =	sdelay $0x2  }
0xa3: {  	s0 =	sadd.s32 $0x1, s0  }
0xa4: {  	p0 =	sne.s32 s0, $0x4F;
	v2 =	vunpack.i.l.bf16.f32 v1  }
.Ltmp5:
0xa5: {  	v1 =	vunpack.i.u.bf16.f32 v1;
	[tilespmem:s24+$0x0] =	vst v2;
	(pc) =	sbr.rel @p0 .LBB2_8-.Ltmp5, $4  }
0xa6: {  	s1 =	sadd.s32 $0x180, s21;
	[tilespmem:s24+$0x10] =	vst v1  }
0xa7: {  	[tilespmem:s19], [sflag:$0x2] =	stream.indirect.gather [hbm4b:s4+s17], $0x20, s1, s17, $0xb8;
	[tilespmem:$0x1A000] =	vst v63  }
0xa8: {  	s29 =	sadd.s32 $0x5080, s21  }
0xa9: {  	[spmem:s2] =	stream.indirect.scatter.add.f32 [tilespmem:s25], [sflag:$0x4], $0x40, s29, s17, $0xb8;
	[tilespmem:$0x1A000] =	vst v63  }
0xaa: {  	_ =	swait.ge [sflag:s20], $0x1000  }
0xab: {  	[sflag:s20] =	ssyncset.done $0x0  }
0xac: {  	[sflag:s20] =	ssyncadd.s32 $0xFFFFF000  }
0xad: {  	_ =	swait.ge [sflag:s26], $0x2000  }
0xae: {  	[sflag:s26] =	ssyncset.done $0x0  }
0xaf: {  	s1 =	simm.s32 $0x0;
	[sflag:s26] =	ssyncadd.s32 $0xFFFFE000  }
0xb0: {  	v1 =	vld [tilespmem:s1+$0xA000];
	_ =	sdelay $0x4  }
0xb1: {  	s0 =	simm.s32 $0xC020;
	v2 =	vunpack.i.l.bf16.f32 v1  }
0xb2: {  	v1 =	vunpack.i.u.bf16.f32 v1;
	[tilespmem:s0+$0xFFFFFFE0] =	vst v2  }
0xb3: {  	[tilespmem:s0+$0xFFFFFFF0] =	vst v1  }
0xb4: {  	s23 =	simm.s32 $0x80;
	s21 =	simm.s32 $0xC020;
	v1 =	vld [tilespmem:s1+$0xA010]  }
.LBB2_14:
0xb5: {  	_ =	sdelay $0x2  }
0xb6: {  	p0 =	sne.s32 s23, $0x3F80  }
0xb7: {  	s0 =	sadd.s32 $0x40, s0;
	s1 =	smov.u32 s23;
	s23 =	sadd.s32 $0x80, s23;
	v2 =	vunpack.i.u.bf16.f32 v1;
	v1 =	vunpack.i.l.bf16.f32 v1  }
0xb8: {  	[tilespmem:s21+$0x0] =	vst v1  }
0xb9: {  	s1 =	sshra.s32 s1, $0x2;
	[tilespmem:s21+$0x10] =	vst v2;
	s21 =	smov.u32 s0  }
0xba: {  	v1 =	vld [tilespmem:s1+$0xA000];
	_ =	sdelay $0x3  }
.Ltmp6:
0xbb: {  	(pc) =	sbr.rel @p0 .LBB2_14-.Ltmp6, $4  }
0xbc: {  	v2 =	vunpack.i.u.bf16.f32 v1;
	v1 =	vunpack.i.l.bf16.f32 v1  }
0xbd: {  	[tilespmem:s0+$0xFFFFFFE0] =	vst v1  }
0xbe: {  	[tilespmem:s0+$0xFFFFFFF0] =	vst v2  }
0xbf: {  	v1 =	vld [tilespmem:s1+$0xA010]  }
0xc0: {  	_ =	sdelay $0x3  }
0xc1: {  	v2 =	vunpack.i.l.bf16.f32 v1  }
0xc2: {  	v1 =	vunpack.i.u.bf16.f32 v1;
	[tilespmem:s21+$0x0] =	vst v2  }
0xc3: {  	s0 =	simm.s32 $0x9F00;
	[tilespmem:s21+$0x10] =	vst v1  }
0xc4: {  	[spmem:s2] =	stream.indirect.scatter.add.f32 [tilespmem:s16], [sflag:$0x3], $0x40, s0, s17, $0xb8;
	[tilespmem:$0x1A000] =	vst v63  }
0xc5: {  	_ =	swait.ge [sflag:s22], $0x1000  }
0xc6: {  	[sflag:s22] =	ssyncset.done $0x0  }
0xc7: {  	[sflag:s22] =	ssyncadd.s32 $0xFFFFF000  }
0xc8: {  	_ =	swait.ge [sflag:s28], $0x2000  }
0xc9: {  	[sflag:s28] =	ssyncset.done $0x0  }
0xca: {  	s1 =	simm.s32 $0x0;
	[sflag:s28] =	ssyncadd.s32 $0xFFFFE000  }
0xcb: {  	v1 =	vld [tilespmem:s1+$0xB000];
	_ =	sdelay $0x4  }
0xcc: {  	s0 =	simm.s32 $0xE020;
	v2 =	vunpack.i.l.bf16.f32 v1  }
0xcd: {  	v1 =	vunpack.i.u.bf16.f32 v1;
	[tilespmem:s0+$0xFFFFFFE0] =	vst v2  }
0xce: {  	[tilespmem:s0+$0xFFFFFFF0] =	vst v1  }
0xcf: {  	s23 =	simm.s32 $0x80;
	s21 =	simm.s32 $0xE020;
	v1 =	vld [tilespmem:s1+$0xB010]  }
.LBB2_16:
0xd0: {  	_ =	sdelay $0x2  }
0xd1: {  	p0 =	sne.s32 s23, $0x3F80  }
0xd2: {  	s0 =	sadd.s32 $0x40, s0;
	s1 =	smov.u32 s23;
	s23 =	sadd.s32 $0x80, s23;
	v2 =	vunpack.i.u.bf16.f32 v1;
	v1 =	vunpack.i.l.bf16.f32 v1  }
0xd3: {  	[tilespmem:s21+$0x0] =	vst v1  }
0xd4: {  	s1 =	sshra.s32 s1, $0x2;
	[tilespmem:s21+$0x10] =	vst v2;
	s21 =	smov.u32 s0  }
0xd5: {  	v1 =	vld [tilespmem:s1+$0xB000];
	_ =	sdelay $0x3  }
.Ltmp7:
0xd6: {  	(pc) =	sbr.rel @p0 .LBB2_16-.Ltmp7, $4  }
0xd7: {  	v2 =	vunpack.i.u.bf16.f32 v1;
	v1 =	vunpack.i.l.bf16.f32 v1  }
0xd8: {  	[tilespmem:s0+$0xFFFFFFE0] =	vst v1  }
0xd9: {  	[tilespmem:s0+$0xFFFFFFF0] =	vst v2  }
0xda: {  	v1 =	vld [tilespmem:s1+$0xB010]  }
0xdb: {  	_ =	sdelay $0x3  }
0xdc: {  	v2 =	vunpack.i.l.bf16.f32 v1  }
0xdd: {  	v1 =	vunpack.i.u.bf16.f32 v1;
	[tilespmem:s21+$0x0] =	vst v2  }
0xde: {  	[tilespmem:s21+$0x10] =	vst v1  }
0xdf: {  	[spmem:s2] =	stream.indirect.scatter.add.f32 [tilespmem:s25], [sflag:$0x4], $0x40, s30, s17, $0xb8;
	[tilespmem:$0x1A000] =	vst v63  }
0xe0: {  	_ =	swait.ge [sflag:s26], $0x2000  }
0xe1: {  	[sflag:s26] =	ssyncset.done $0x0  }
0xe2: {  	[sflag:s26] =	ssyncadd.s32 $0xFFFFE000  }
0xe3: {  	s0 =	stileid.u32;
	_ =	swait.ge [sflag:s28], $0x2000  }
0xe4: {  	s1 =	sshrl.u32 s7, $0x3;
	s31 =	sadd.s32 $0x1, s31;
	[sflag:s28] =	ssyncset.done $0x0  }
0xe5: {  	s0 =	sshll.u32 s0, $0x6;
	p0 =	sne.s32 s31, s13;
	[sflag:s28] =	ssyncadd.s32 $0xFFFFE000  }
.Ltmp8:
0xe6: {  	s0 =	sor.u32 $0x1C05, s0;
	[bflag:$0x0] =	sbarrier.arrive $0xFFFF;
	(pc) =	sbr.rel @p0 .LBB2_1-.Ltmp8, $4  }
0xe7: {  	[hbm:s12], [sflag:s0] =	dma.local [spmem:s1], $0x1400  }
0xe8: {  	_ =	swait.ge [sflag:s14], $0x1400  }
0xe9: {  	[sflag:s14] =	ssyncset.done $0x0  }
0xea: {  	[sflag:s14] =	ssyncadd.s32 $0xFFFFEC00  }
0xeb: {  	_ =	sfence.sel $0x180000  }
0xec: {  	[bflag:$0x0] =	sbarrier.arrive $0xFFFF  }
0xed: {  	_ =	strace $0x9000004D  }
0xee: {  	s0 =	stileid.u32;
	[bflag:$0x2] =	sbarrier.arrive $0xFFFF  }
0xef: {  	p0 =	sne.s32 s0, $0x0;
	s0 =	rddreg [dreg:$0x3]  }
0xf0: {  	s0 =	sadd.s32 @!p0 $0x100000, s0  }
0xf1: {  	[sflag:s0] =	ssyncadd.tile.s32 @!p0 $0x1;
	_ =	shalt  }
.Lfunc_end2:
_tile_overlayer_lowered:
.L_overlay_start_2:
0xf2: {  	(tag) =	ssettag $0x2  }
0xf3: {  	s0 =	rddreg [dreg:$0x0];
	s2 =	stileid.u32  }
0xf4: {  	s1 =	rddreg [dreg:$0x1];
	p0 =	sne.s32 s2, $0x0  }
0xf5: {  	s3 =	rddreg [dreg:$0x2];
	[bflag:$0x3] =	sbarrier.arrive $0xFFFF;
	s2 =	simm.s32 @!p0 $0x1C05  }
0xf6: {  	[timem:s3], [sflag:s2] =	dma.local @!p0 [hbm:s0], s1  }
0xf7: {  	s0 =	simm.s32 @!p0 $0x5  }
0xf8: {  	_ =	swait.ge @!p0 [sflag:s0], s1  }
0xf9: {  	s1 =	ssub.s32 @!p0 $0x0, s1;
	[sflag:s0] =	ssyncset.done @!p0 $0x0  }
0xfa: {  	[sflag:s0] =	ssyncadd.s32 @!p0 s1  }
0xfb: {  	[bflag:$0x3] =	sbarrier.arrive $0xFFFF  }
0xfc: {  	_ =	shalt  }

// kernel: kernel.20.cloned.1.call-start
scs
__scs_entry_jumppad:
0x0: {  	(pc) =	sbr.rel $0x88, $3  }
0x1: {  	(tag) =	ssettag $0x0;
	lr =	simm.s32 $0x1  }
0x2: {  	[smem:$0x3F80] =	sst lr;
	_ =	strace $0xD0000000  }
0x3: {  	_ = 	snop  }
0x4: {  	_ = 	snop  }
0x5: {  	_ = 	snop  }
0x6: {  	_ = 	snop  }
0x7: {  	_ = 	snop  }
__scs_overlays_trampoline_lowered:
0x8: {  	[smem:$0x3F8F] =	sst s0  }
0x9: {  	[smem:$0x3F90] =	sst s1  }
0xa: {  	[smem:$0x3F91] =	sst s2  }
0xb: {  	[smem:$0x3F92] =	sst s3  }
0xc: {  	[smem:$0x3F93] =	sst s4  }
0xd: {  	[smem:$0x3F94] =	sst s5  }
0xe: {  	[smem:$0x3F95] =	sst s6  }
0xf: {  	[smem:$0x3F96] =	sst s7  }
0x10: {  	[smem:$0x3F97] =	sst s8  }
0x11: {  	[smem:$0x3F98] =	sst s9;
	s0 =	simm.s32 @!p0 $0x0  }
0x12: {  	s1 =	sld [smem:$0x3F7E];
	s0 =	simm.s32 @p0 $0x1  }
0x13: {  	[smem:$0x3F99] =	sst s0;
	s0 =	simm.s32 @!p1 $0x0  }
0x14: {  	s2 =	sld [smem:$0x3F7D];
	s0 =	simm.s32 @p1 $0x1  }
0x15: {  	[smem:$0x3F9A] =	sst s0;
	s0 =	simm.s32 @!p2 $0x0  }
0x16: {  	s3 =	sld [smem:$0x3FDB];
	s0 =	simm.s32 @p2 $0x1  }
0x17: {  	s4 =	simm.s32 $0x1BF5;
	[smem:$0x3F9C] =	sst s0  }
0x18: {  	s0 =	sld [smem:$0x3F7F];
	_ =	swait.ge [sflag:s4], $0x0  }
0x19: {  	s7 =	sld [smem:$0x3F80]  }
0x1a: {  	s8 =	sadd.s32 $0xFFFFE003, lr  }
0x1b: {  	s9 =	sadd.s32 $0xFFFFFEF7, lr;
	s5 =	simm.s32 $0xFFFFFFFF;
	p2 =	slt.u32 s8, $0xFFFFF086  }
0x1c: {  	p1 =	slt.u32 s9, $0xF7A;
	s5 =	simm.s32 @!p2 $0x0  }
0x1d: {  	s5 =	simm.s32 @p1 $0x1;
	p0 =	seq.s32 s7, s2  }
0x1e: {  	s7 =	smul.u32 @!p0 $0xF7A, s2;
	p2 =	seq.s32 @!p0 s5, $0x0  }
0x1f: {  	s9 =	smul.u32 $0xF7A, s1;
	s8 =	simm.s32 @!p0 $0x1BF5;
	p2 =	por !p2, p0  }
0x20: {  	[sflag:s8] =	ssyncset.s32 @!p0 $0xFFFFF086;
	s6 =	sadd.s32 @!p0 s3, s7;
	s7 =	simm.s32 @!p0 $0x108  }
0x21: {  	s3 =	sadd.s32 s3, s9;
	s6 =	sadd.s32 @!p0 $0x88, s6;
	s7 =	simm.s32 @p2 $0x1082  }
0x22: {  	[simem:s7], [sflag:s8] =	dma.local @!p0 [hbm:s6], $0xF7A  }
0x23: {  	s9 =	sor.u32 $0xD0000000, s2;
	s6 =	simm.s32 $0x108;
	_ =	swait.ge @!p0 [sflag:s8], $0x0  }
0x24: {  	s3 =	sadd.s32 $0x88, s3;
	s6 =	simm.s32 @!p1 $0x1082;
	[sflag:s4] =	ssyncset.s32 $0xFFFFF086  }
0x25: {  	[simem:s6], [sflag:s4] =	dma.local [hbm:s3], $0xF7A  }
0x26: {  	[smem:$0x3F80] =	sst s1;
	(tag) =	ssettag s2;
	_ =	strace s9  }
0x27: {  	s1 =	sld [smem:$0x3F90]  }
0x28: {  	s2 =	sld [smem:$0x3F91]  }
0x29: {  	s4 =	sld [smem:$0x3F93]  }
0x2a: {  	p0 =	seq.s32 s5, $0x0;
	s5 =	sld [smem:$0x3F94]  }
0x2b: {  	s6 =	sld [smem:$0x3F95]  }
0x2c: {  	s7 =	sld [smem:$0x3F96]  }
0x2d: {  	s3 =	simm.s32 $0x108;
	s8 =	sld [smem:$0x3F97]  }
0x2e: {  	s3 =	simm.s32 @!p0 $0x1082;
	s9 =	sld [smem:$0x3F98]  }
0x2f: {  	lr =	sadd.s32 s0, s3;
	s0 =	sld [smem:$0x3F8F]  }
0x30: {  	s3 =	sld [smem:$0x3F92]  }
0x31: {  	[smem:$0x3F9B] =	sst s10  }
0x32: {  	s10 =	sld [smem:$0x3F99];
	_ =	sdelay $0x3  }
0x33: {  	p0 =	seq.s32 s10, $0x1;
	s10 =	sld [smem:$0x3F9B];
	_ =	sdelay $0x3  }
0x34: {  	[smem:$0x3F9B] =	sst s10  }
0x35: {  	s10 =	sld [smem:$0x3F9A];
	_ =	sdelay $0x3  }
0x36: {  	p1 =	seq.s32 s10, $0x1;
	s10 =	sld [smem:$0x3F9B];
	_ =	sdelay $0x3  }
0x37: {  	[smem:$0x3F9B] =	sst s10  }
0x38: {  	s10 =	sld [smem:$0x3F9C]  }
0x39: {  	_ = 	snop;
	(pc) =	sbr.ind lr, $3  }
0x3a: {  	_ = 	snop  }
0x3b: {  	_ = 	snop  }
0x3c: {  	p2 =	seq.s32 s10, $0x1;
	s10 =	sld [smem:$0x3F9B]  }
0x3d: {  	_ =	shalt  }
0x3e: {  	_ =	shalt  }
0x3f: {  	_ =	shalt  }
0x40: {  	_ =	shalt  }
0x41: {  	_ =	shalt  }
0x42: {  	_ =	shalt  }
0x43: {  	_ =	shalt  }
0x44: {  	_ =	shalt  }
0x45: {  	_ =	shalt  }
0x46: {  	_ =	shalt  }
0x47: {  	_ =	shalt  }
0x48: {  	_ =	shalt  }
0x49: {  	_ =	shalt  }
0x4a: {  	_ =	shalt  }
0x4b: {  	_ =	shalt  }
0x4c: {  	_ =	shalt  }
0x4d: {  	_ =	shalt  }
0x4e: {  	_ =	shalt  }
0x4f: {  	_ =	shalt  }
0x50: {  	_ =	shalt  }
0x51: {  	_ =	shalt  }
0x52: {  	_ =	shalt  }
0x53: {  	_ =	shalt  }
0x54: {  	_ =	shalt  }
0x55: {  	_ =	shalt  }
0x56: {  	_ =	shalt  }
0x57: {  	_ =	shalt  }
0x58: {  	_ =	shalt  }
0x59: {  	_ =	shalt  }
0x5a: {  	_ =	shalt  }
0x5b: {  	_ =	shalt  }
0x5c: {  	_ =	shalt  }
0x5d: {  	_ =	shalt  }
0x5e: {  	_ =	shalt  }
0x5f: {  	_ =	shalt  }
0x60: {  	_ =	shalt  }
0x61: {  	_ =	shalt  }
0x62: {  	_ =	shalt  }
0x63: {  	_ =	shalt  }
0x64: {  	_ =	shalt  }
0x65: {  	_ =	shalt  }
0x66: {  	_ =	shalt  }
0x67: {  	_ =	shalt  }
0x68: {  	_ =	shalt  }
0x69: {  	_ =	shalt  }
0x6a: {  	_ =	shalt  }
0x6b: {  	_ =	shalt  }
0x6c: {  	_ =	shalt  }
0x6d: {  	_ =	shalt  }
0x6e: {  	_ =	shalt  }
0x6f: {  	_ =	shalt  }
0x70: {  	_ =	shalt  }
0x71: {  	_ =	shalt  }
0x72: {  	_ =	shalt  }
0x73: {  	_ =	shalt  }
0x74: {  	_ =	shalt  }
0x75: {  	_ =	shalt  }
0x76: {  	_ =	shalt  }
0x77: {  	_ =	shalt  }
0x78: {  	_ =	shalt  }
0x79: {  	_ =	shalt  }
0x7a: {  	_ =	shalt  }
0x7b: {  	_ =	shalt  }
0x7c: {  	_ =	shalt  }
0x7d: {  	_ =	shalt  }
0x7e: {  	_ =	shalt  }
0x7f: {  	_ =	shalt  }
0x80: {  	_ =	shalt  }
0x81: {  	_ =	shalt  }
0x82: {  	_ =	shalt  }
0x83: {  	_ =	shalt  }
0x84: {  	_ =	shalt  }
0x85: {  	_ =	shalt  }
0x86: {  	_ =	shalt  }
0x87: {  	_ =	shalt  }
.Lfunc_end0:
.L_simem_size_0:
called_computation.3_lowered:
.L_overlay_start_0:
0x88: {  	s2 =	sld [smem:$0x3FD9]  }
0x89: {  	s3 =	sld [smem:$0x3FFE];
	_ =	sdelay $0x1  }
0x8a: {  	s1 =	srdreg.scid  }
0x8b: {  	s0 =	sand.u32 $0x1, s1  }
0x8c: {  	s14 =	sshll.u32 s0, $0xA;
	s2 =	sadd.s32 s3, s2  }
0x8d: {  	s2 =	sadd.s32 s2, s14  }
0x8e: {  	[smem:$0x3FA7] =	sst s2  }
0x8f: {  	_ = 	snop  }
0x90: {  	s2 =	sld [smem:$0x3FD0];
	_ =	sdelay $0x2  }
0x91: {  	s15 =	simm.s32 $0xA;
	s4 =	simm.s32 $0x10  }
0x92: {  	[smem:s4], [sflag:s15] =	dma.local [hbm:s2], $0x1  }
0x93: {  	_ =	swait.eq [sflag:s15], $0x1  }
0x94: {  	[sflag:s15] =	ssyncset.done $0x0  }
0x95: {  	[sflag:s15] =	ssyncadd.s32 $0xFFFFFFFF  }
0x96: {  	s16 =	sld [smem:$0x12];
	(tm) =	ssettm $0x1  }
0x97: {  	s17 =	sld [smem:$0x3FFB];
	_ =	sdelay $0x3  }
0x98: {  	_ =	strace s17  }
0x99: {  	s3 =	sld [smem:$0x3FFC];
	_ =	sdelay $0x3  }
0x9a: {  	_ =	strace s3  }
0x9b: {  	s3 =	sld [smem:$0x3FFD];
	_ =	sdelay $0x3  }
0x9c: {  	_ =	strace s3  }
0x9d: {  	_ =	strace $0x8FFFFFFF  }
0x9e: {  	s18 =	sld [smem:$0x3FDB];
	_ =	sdelay $0x1  }
0x9f: {  	s19 =	simm.s32 $_scs_section_size  }
0xa0: {  	s5 =	simm.s32 $_size__tile_overlayer_lowered;
	s6 =	simm.s32 $_tile_overlayer_lowered  }
0xa1: {  	s22 =	simm.s32 $0x1BFF;
	s21 =	sshll.u32 s6, $0x1;
	s3 =	sadd.s32 s19, s18  }
0xa2: {  	s7 =	simm.s32 $0x0;
	s20 =	sshll.u32 s5, $0x1;
	s5 =	sadd.s32 s21, s3  }
0xa3: {  	[timem:s7], [sflag:s22] =	dma.local [hbm:s5], s20  }
0xa4: {  	_ =	swait.ge [sflag:s22], s20  }
0xa5: {  	s4 =	ssub.s32 $0x0, s20;
	[sflag:s22] =	ssyncset.done $0x0  }
0xa6: {  	[sflag:s22] =	ssyncadd.s32 s4;
	_ =	sdelay $0x1  }
0xa7: {  	s23 =	simm.s32 $0x1B8B  }
0xa8: {  	_ =	swait.ge [sflag:s23], $0x1  }
0xa9: {  	[sflag:s23] =	ssyncset.done $0x0  }
0xaa: {  	s25 =	simm.s32 $0x1B8E;
	s24 =	sld [smem:$0x3FFE];
	[sflag:s23] =	ssyncadd.s32 $0xFFFFFFFF  }
0xab: {  	s26 =	simm.s32 $execute0_lowered;
	[smem:$0x3FD2] =	sst s25  }
0xac: {  	s5 =	sshll.u32 s26, $0x1;
	_ =	strace $0x8000004F;
	[dreg:$0x1] =	wrdreg $0xFFFFFFFF  }
0xad: {  	s28 =	simm.s32 $_size_execute0_lowered;
	s3 =	sadd.s32 s3, s5;
	[dreg:$0x0] =	wrdreg $0x0  }
0xae: {  	s5 =	sshll.u32 s28, $0x1;
	[dreg:$0x2] =	wrdreg s3  }
0xaf: {  	[dreg:$0x3] =	wrdreg s5  }
0xb0: {  	[dreg:$0x4] =	wrdreg $0xC0  }
0xb1: {  	_ =	task [dreg:s7], $0x5FFFF  }
0xb2: {  	[dreg:$0x1] =	wrdreg $0xFFFFFFFF  }
0xb3: {  	[dreg:$0x0] =	wrdreg $0x60  }
0xb4: {  	[dreg:$0x2] =	wrdreg s24  }
0xb5: {  	[dreg:$0x3] =	wrdreg s16  }
0xb6: {  	[dreg:$0x4] =	wrdreg $0x100000  }
0xb7: {  	[dreg:$0x5] =	wrdreg $0x9  }
0xb8: {  	_ =	task.clear_ibuf [dreg:s7], $0x6FFFF;
	_ =	strace $0x9000004F  }
0xb9: {  	s29 =	simm.s32 $0x9;
	_ =	strace $0x80000051  }
0xba: {  	_ =	swait.ge [sflag:s29], $0x1  }
0xbb: {  	[sflag:s29] =	ssyncadd.s32 $0xFFFFFFFF  }
0xbc: {  	_ =	strace $0x90000051  }
0xbd: {  	_ =	sfence  }
0xbe: {  	s30 =	sld [smem:$0x0];
	_ =	sdelay $0x2  }
0xbf: {  	s31 =	sshll.u32 s1, $0xD;
	s1 =	sshrl.u32 s1, $0x2  }
0xc0: {  	s3 =	sand.u32 $0x4000, s31;
	s1 =	sadd.s32 s1, s30  }
0xc1: {  	s0 =	sor.u32 s3, s0;
	s1 =	sshll.u32 s1, $0x11  }
0xc2: {  	s0 =	sor.u32 s1, s0  }
0xc3: {  	s0 =	sadd.s32 $0x8F2B, s0  }
0xc4: {  	[sflag:s0] =	ssyncadd.remote.s32 $0x1  }
0xc5: {  	_ =	sfence.sel $0xFFFF  }
0xc6: {  	[dreg:$0x0] =	wrdreg $0xFFFFFFFF;
	(pc) =	sbr.abs _section_cstart, $3  }
0xc7: {  	[dreg:$0x1] =	wrdreg $0xFFFFFFFF  }
0xc8: {  	_ =	task.clear_ibuf [dreg:s7], $0x2FFFF;
	_ =	strace $0x9FFFFFFF  }
0xc9: {  	(tm) =	ssettm $0x7FFFFFFF  }
tec
execute0_lowered:
.L_overlay_start_1:
0x0: {  	(tag) =	ssettag $0x1  }
0x1: {  	s0 =	rddreg [dreg:$0x0]  }
0x2: {  	s5 =	rddreg [dreg:$0x1]  }
0x3: {  	s2 =	rddreg [dreg:$0x2];
	s1 =	stileid.u32  }
0x4: {  	s4 =	srdreg.scid;
	s3 =	simm.s32 $0x0;
	s14 =	simm.s32 $0x5  }
0x5: {  	s15 =	simm.s32 $0x5000;
	s16 =	simm.s32 $0xC000;
	s17 =	simm.s32 $0x80  }
0x6: {  	s18 =	simm.s32 $0xA000;
	s19 =	simm.s32 $0xB000;
	s20 =	simm.s32 $0x1  }
0x7: {  	s22 =	simm.s32 $0x2;
	s28 =	simm.s32 $0x4;
	s6 =	smul.u32 $0x5000, s1  }
0x8: {  	s30 =	simm.s32 $0x9F80;
	s31 =	simm.s32 $0x0;
	s8 =	smul.u32 $0xA000, s1  }
0x9: {  	s7 =	sand.u32 $0x1, s4;
	[smem:$0x7FF] =	sst s3;
	s12 =	smul.u32 $0x28000, s1  }
0xa: {  	s4 =	sadd.s32 $0xF400, s0;
	s9 =	smul.u32 $0xA0000, s7;
	_ =	strace $0x80000050  }
0xb: {  	s11 =	smul.u32 $0x50000, s7;
	s7 =	ssub.s32 $0x2, s7;
	s10 =	sshrl.u32 s6, $0x3  }
0xc: {  	s25 =	sshrl.u32 s7, $0x1;
	s26 =	sshrl.u32 s12, $0x2;
	s10 =	sadd.s32 s10, s0  }
0xd: {  	s9 =	sadd.s32 s8, s9;
	s6 =	sadd.s32 s6, s11;
	s13 =	ssub.s32 s7, s25  }
0xe: {  	s29 =	sadd.s32 s26, s2;
	s7 =	sadd.s32 s8, s2;
	s25 =	simm.s32 $0xE000  }
0xf: {  	s26 =	simm.s32 $0x3;
	s9 =	sshrl.u32 s9, $0x3;
	s6 =	sshrl.u32 s6, $0x3  }
0x10: {  	s8 =	sadd.s32 $0x2000, s29;
	s11 =	sadd.s32 $0x8000, s29;
	s13 =	smax.u32 s13, $0x1  }
0x11: {  	s0 =	sadd.s32 s9, s0;
	s5 =	sadd.s32 s5, s6;
	s6 =	sadd.s32 $0x5400, s10  }
0x12: {  	v0 =	vimm.f32 $0.0e+00;
	s9 =	sadd.s32 $0x4000, s29;
	s10 =	sadd.s32 $0x6000, s29;
	s12 =	sadd.s32 $0x22E00, s0  }
.LBB2_1:
0x13: {  	[tilespmem:s3], [sflag:$0x5] =	stream.linear.gather [hbm4b:s5+s3], $0x5000, $0x38;
	[tilespmem:$0x1A000] =	vst v63  }
0x14: {  	_ =	swait.ge [sflag:s14], $0x5000  }
0x15: {  	[sflag:s14] =	ssyncset.done $0x0  }
0x16: {  	[sflag:s14] =	ssyncadd.s32 $0xFFFFB000  }
0x17: {  	[tilespmem:s15], [sflag:$0x5] =	stream.linear.gather [hbm4b:s6+s3], $0x5000, $0x38;
	[tilespmem:$0x1A000] =	vst v63  }
0x18: {  	s0 =	sand.u32 $0x7F00, s3;
	s21 =	sand.u32 $0x30, s3;
	_ =	swait.ge [sflag:s14], $0x5000  }
0x19: {  	s23 =	sshrl.u32 s0, $0x2;
	s0 =	simm.s32 $0x40;
	[sflag:s14] =	ssyncset.done $0x0  }
0x1a: {  	s23 =	sor.u32 s21, s23;
	s21 =	simm.s32 $0x0;
	[sflag:s14] =	ssyncadd.s32 $0xFFFFB000  }
.LBB2_2:
0x1b: {  	p0 =	sne.s32 s0, $0x7FC0  }
0x1c: {  	[tilespmem:s23+$0xC000] =	vst v0;
	s21 =	sadd.s32 $0x10, s21;
	s23 =	smov.u32 s0;
	s0 =	sadd.s32 $0x40, s0  }
.Ltmp0:
0x1d: {  	(pc) =	sbr.rel @p0 .LBB2_2-.Ltmp0, $4  }
0x1e: {  	_ = 	snop  }
0x1f: {  	s23 =	sand.u32 $0x7F00, s23  }
0x20: {  	s24 =	sand.u32 $0x30, s21;
	s23 =	sshrl.u32 s23, $0x2  }
0x21: {  	s23 =	sor.u32 s24, s23  }
0x22: {  	[tilespmem:s23+$0xC000] =	vst v0  }
0x23: {  	[spmem:s7] =	stream.linear.scatter [tilespmem:s16], [sflag:$0x5], $0x2000, $0x38;
	[tilespmem:$0x1A000] =	vst v63  }
0x24: {  	_ =	swait.ge [sflag:s14], $0x2000  }
0x25: {  	[sflag:s14] =	ssyncset.done $0x0  }
0x26: {  	[sflag:s14] =	ssyncadd.s32 $0xFFFFE000  }
0x27: {  	[spmem:s8] =	stream.linear.scatter [tilespmem:s16], [sflag:$0x5], $0x2000, $0x38;
	[tilespmem:$0x1A000] =	vst v63  }
0x28: {  	_ =	swait.ge [sflag:s14], $0x2000  }
0x29: {  	[sflag:s14] =	ssyncset.done $0x0  }
0x2a: {  	[sflag:s14] =	ssyncadd.s32 $0xFFFFE000  }
0x2b: {  	[spmem:s9] =	stream.linear.scatter [tilespmem:s16], [sflag:$0x5], $0x2000, $0x38;
	[tilespmem:$0x1A000] =	vst v63  }
0x2c: {  	_ =	swait.ge [sflag:s14], $0x2000  }
0x2d: {  	[sflag:s14] =	ssyncset.done $0x0  }
0x2e: {  	[sflag:s14] =	ssyncadd.s32 $0xFFFFE000  }
0x2f: {  	[spmem:s10] =	stream.linear.scatter [tilespmem:s16], [sflag:$0x5], $0x2000, $0x38;
	[tilespmem:$0x1A000] =	vst v63  }
0x30: {  	_ =	swait.ge [sflag:s14], $0x2000  }
0x31: {  	[sflag:s14] =	ssyncset.done $0x0  }
0x32: {  	[sflag:s14] =	ssyncadd.s32 $0xFFFFE000  }
0x33: {  	[spmem:s11] =	stream.linear.scatter [tilespmem:s16], [sflag:$0x5], $0x2000, $0x38;
	[tilespmem:$0x1A000] =	vst v63  }
0x34: {  	_ =	swait.ge [sflag:s14], $0x2000  }
0x35: {  	[sflag:s14] =	ssyncset.done $0x0  }
0x36: {  	[sflag:s14] =	ssyncadd.s32 $0xFFFFE000  }
0x37: {  	s0 =	simm.s32 $0x0;
	[bflag:$0x0] =	sbarrier.arrive $0xFFFF  }
0x38: {  	[tilespmem:s18], [sflag:$0x1] =	stream.indirect.gather [hbm4b:s4+s17], $0x20, s0, s17, $0xb8;
	[tilespmem:$0x1A000] =	vst v63  }
0x39: {  	_ = 	snop  }
0x3a: {  	[tilespmem:s19], [sflag:$0x2] =	stream.indirect.gather [hbm4b:s4+s17], $0x20, s17, s17, $0xb8;
	[tilespmem:$0x1A000] =	vst v63  }
0x3b: {  	_ =	swait.ge [sflag:s20], $0x1000  }
0x3c: {  	[sflag:s20] =	ssyncset.done $0x0  }
0x3d: {  	s21 =	simm.s32 $0x0;
	[sflag:s20] =	ssyncadd.s32 $0xFFFFF000  }
0x3e: {  	v1 =	vld [tilespmem:s21+$0xA000];
	_ =	sdelay $0x4  }
0x3f: {  	s0 =	simm.s32 $0xC020;
	v2 =	vunpack.i.l.bf16.f32 v1  }
0x40: {  	v1 =	vunpack.i.u.bf16.f32 v1;
	[tilespmem:s0+$0xFFFFFFE0] =	vst v2  }
0x41: {  	[tilespmem:s0+$0xFFFFFFF0] =	vst v1  }
0x42: {  	s23 =	simm.s32 $0x80;
	v1 =	vld [tilespmem:s21+$0xA010];
	s21 =	simm.s32 $0xC020  }
.LBB2_4:
0x43: {  	_ =	sdelay $0x2  }
0x44: {  	p0 =	sne.s32 s23, $0x3F80  }
0x45: {  	s0 =	sadd.s32 $0x40, s0;
	s24 =	smov.u32 s23;
	s23 =	sadd.s32 $0x80, s23;
	v2 =	vunpack.i.u.bf16.f32 v1;
	v1 =	vunpack.i.l.bf16.f32 v1  }
0x46: {  	[tilespmem:s21+$0x0] =	vst v1  }
0x47: {  	s24 =	sshra.s32 s24, $0x2;
	[tilespmem:s21+$0x10] =	vst v2;
	s21 =	smov.u32 s0  }
0x48: {  	v1 =	vld [tilespmem:s24+$0xA000];
	_ =	sdelay $0x3  }
.Ltmp1:
0x49: {  	(pc) =	sbr.rel @p0 .LBB2_4-.Ltmp1, $4  }
0x4a: {  	v2 =	vunpack.i.u.bf16.f32 v1;
	v1 =	vunpack.i.l.bf16.f32 v1  }
0x4b: {  	[tilespmem:s0+$0xFFFFFFE0] =	vst v1  }
0x4c: {  	[tilespmem:s0+$0xFFFFFFF0] =	vst v2  }
0x4d: {  	v1 =	vld [tilespmem:s24+$0xA010]  }
0x4e: {  	_ =	sdelay $0x3  }
0x4f: {  	v2 =	vunpack.i.l.bf16.f32 v1  }
0x50: {  	v1 =	vunpack.i.u.bf16.f32 v1;
	[tilespmem:s21+$0x0] =	vst v2  }
0x51: {  	s0 =	simm.s32 $0x100;
	[tilespmem:s21+$0x10] =	vst v1  }
0x52: {  	[tilespmem:s18], [sflag:$0x1] =	stream.indirect.gather [hbm4b:s4+s17], $0x20, s0, s17, $0xb8;
	[tilespmem:$0x1A000] =	vst v63  }
0x53: {  	_ = 	snop  }
0x54: {  	[spmem:s2] =	stream.indirect.scatter.add.f32 [tilespmem:s16], [sflag:$0x3], $0x40, s15, s17, $0xb8;
	[tilespmem:$0x1A000] =	vst v63  }
0x55: {  	_ =	swait.ge [sflag:s22], $0x1000  }
0x56: {  	[sflag:s22] =	ssyncset.done $0x0  }
0x57: {  	s29 =	simm.s32 $0x0;
	[sflag:s22] =	ssyncadd.s32 $0xFFFFF000  }
0x58: {  	v1 =	vld [tilespmem:s29+$0xB000];
	_ =	sdelay $0x4  }
0x59: {  	s0 =	simm.s32 $0xE020;
	v2 =	vunpack.i.l.bf16.f32 v1  }
0x5a: {  	v1 =	vunpack.i.u.bf16.f32 v1;
	[tilespmem:s0+$0xFFFFFFE0] =	vst v2  }
0x5b: {  	[tilespmem:s0+$0xFFFFFFF0] =	vst v1  }
0x5c: {  	s23 =	simm.s32 $0x80;
	s21 =	simm.s32 $0xE020;
	v1 =	vld [tilespmem:s29+$0xB010]  }
.LBB2_6:
0x5d: {  	_ =	sdelay $0x2  }
0x5e: {  	p0 =	sne.s32 s23, $0x3F80  }
0x5f: {  	s0 =	sadd.s32 $0x40, s0;
	s24 =	smov.u32 s23;
	s23 =	sadd.s32 $0x80, s23;
	v2 =	vunpack.i.u.bf16.f32 v1;
	v1 =	vunpack.i.l.bf16.f32 v1  }
0x60: {  	[tilespmem:s21+$0x0] =	vst v1  }
0x61: {  	s24 =	sshra.s32 s24, $0x2;
	[tilespmem:s21+$0x10] =	vst v2;
	s21 =	smov.u32 s0  }
0x62: {  	v1 =	vld [tilespmem:s24+$0xB000];
	_ =	sdelay $0x3  }
.Ltmp2:
0x63: {  	(pc) =	sbr.rel @p0 .LBB2_6-.Ltmp2, $4  }
0x64: {  	v2 =	vunpack.i.u.bf16.f32 v1;
	v1 =	vunpack.i.l.bf16.f32 v1  }
0x65: {  	[tilespmem:s0+$0xFFFFFFE0] =	vst v1  }
0x66: {  	[tilespmem:s0+$0xFFFFFFF0] =	vst v2  }
0x67: {  	v1 =	vld [tilespmem:s24+$0xB010]  }
0x68: {  	_ =	sdelay $0x3  }
0x69: {  	v2 =	vunpack.i.l.bf16.f32 v1  }
0x6a: {  	v1 =	vunpack.i.u.bf16.f32 v1;
	[tilespmem:s21+$0x0] =	vst v2  }
0x6b: {  	s0 =	simm.s32 $0x180;
	[tilespmem:s21+$0x10] =	vst v1  }
0x6c: {  	[tilespmem:s19], [sflag:$0x2] =	stream.indirect.gather [hbm4b:s4+s17], $0x20, s0, s17, $0xb8;
	[tilespmem:$0x1A000] =	vst v63  }
0x6d: {  	s29 =	simm.s32 $0x5080;
	s0 =	simm.s32 $0x1  }
0x6e: {  	[spmem:s2] =	stream.indirect.scatter.add.f32 [tilespmem:s25], [sflag:$0x4], $0x40, s29, s17, $0xb8;
	[tilespmem:$0x1A000] =	vst v63  }
.LBB2_8:
0x6f: {  	_ =	swait.ge [sflag:s20], $0x1000  }
0x70: {  	[sflag:s20] =	ssyncset.done $0x0  }
0x71: {  	[sflag:s20] =	ssyncadd.s32 $0xFFFFF000  }
0x72: {  	_ =	swait.ge [sflag:s26], $0x2000  }
0x73: {  	[sflag:s26] =	ssyncset.done $0x0  }
0x74: {  	s23 =	simm.s32 $0x0;
	[sflag:s26] =	ssyncadd.s32 $0xFFFFE000  }
0x75: {  	v1 =	vld [tilespmem:s23+$0xA000];
	_ =	sdelay $0x4  }
0x76: {  	s21 =	simm.s32 $0xC020;
	v2 =	vunpack.i.l.bf16.f32 v1  }
0x77: {  	v1 =	vunpack.i.u.bf16.f32 v1;
	[tilespmem:s21+$0xFFFFFFE0] =	vst v2  }
0x78: {  	[tilespmem:s21+$0xFFFFFFF0] =	vst v1  }
0x79: {  	s24 =	simm.s32 $0x80;
	v1 =	vld [tilespmem:s23+$0xA010];
	s23 =	simm.s32 $0xC020  }
.LBB2_9:
0x7a: {  	_ =	sdelay $0x2  }
0x7b: {  	p0 =	sne.s32 s24, $0x3F80  }
0x7c: {  	s21 =	sadd.s32 $0x40, s21;
	s29 =	smov.u32 s24;
	s24 =	sadd.s32 $0x80, s24;
	v2 =	vunpack.i.u.bf16.f32 v1;
	v1 =	vunpack.i.l.bf16.f32 v1  }
0x7d: {  	[tilespmem:s23+$0x0] =	vst v1  }
0x7e: {  	s29 =	sshra.s32 s29, $0x2;
	[tilespmem:s23+$0x10] =	vst v2;
	s23 =	smov.u32 s21  }
0x7f: {  	v1 =	vld [tilespmem:s29+$0xA000];
	_ =	sdelay $0x3  }
.Ltmp3:
0x80: {  	(pc) =	sbr.rel @p0 .LBB2_9-.Ltmp3, $4  }
0x81: {  	v2 =	vunpack.i.u.bf16.f32 v1;
	v1 =	vunpack.i.l.bf16.f32 v1  }
0x82: {  	[tilespmem:s21+$0xFFFFFFE0] =	vst v1  }
0x83: {  	[tilespmem:s21+$0xFFFFFFF0] =	vst v2  }
0x84: {  	v1 =	vld [tilespmem:s29+$0xA010]  }
0x85: {  	_ =	sdelay $0x3  }
0x86: {  	s21 =	sshll.u32 s0, $0x8;
	v2 =	vunpack.i.l.bf16.f32 v1  }
0x87: {  	s21 =	sand.u32 $0x3FFFFF00, s21;
	v1 =	vunpack.i.u.bf16.f32 v1;
	[tilespmem:s23+$0x0] =	vst v2  }
0x88: {  	s1 =	sadd.s32 $0x100, s21;
	[tilespmem:s23+$0x10] =	vst v1  }
0x89: {  	[tilespmem:s18], [sflag:$0x1] =	stream.indirect.gather [hbm4b:s4+s17], $0x20, s1, s17, $0xb8;
	[tilespmem:$0x1A000] =	vst v63  }
0x8a: {  	s24 =	sadd.s32 $0x5000, s21  }
0x8b: {  	[spmem:s2] =	stream.indirect.scatter.add.f32 [tilespmem:s16], [sflag:$0x3], $0x40, s24, s17, $0xb8;
	[tilespmem:$0x1A000] =	vst v63  }
0x8c: {  	_ =	swait.ge [sflag:s22], $0x1000  }
0x8d: {  	[sflag:s22] =	ssyncset.done $0x0  }
0x8e: {  	[sflag:s22] =	ssyncadd.s32 $0xFFFFF000  }
0x8f: {  	_ =	swait.ge [sflag:s28], $0x2000  }
0x90: {  	[sflag:s28] =	ssyncset.done $0x0  }
0x91: {  	s24 =	simm.s32 $0x0;
	[sflag:s28] =	ssyncadd.s32 $0xFFFFE000  }
0x92: {  	v1 =	vld [tilespmem:s24+$0xB000];
	_ =	sdelay $0x4  }
0x93: {  	s23 =	simm.s32 $0xE020;
	v2 =	vunpack.i.l.bf16.f32 v1  }
0x94: {  	v1 =	vunpack.i.u.bf16.f32 v1;
	[tilespmem:s23+$0xFFFFFFE0] =	vst v2  }
0x95: {  	[tilespmem:s23+$0xFFFFFFF0] =	vst v1  }
0x96: {  	s29 =	simm.s32 $0x80;
	v1 =	vld [tilespmem:s24+$0xB010];
	s24 =	simm.s32 $0xE020  }
.LBB2_11:
0x97: {  	_ =	sdelay $0x2  }
0x98: {  	p0 =	sne.s32 s29, $0x3F80  }
0x99: {  	s23 =	sadd.s32 $0x40, s23;
	s1 =	smov.u32 s29;
	s29 =	sadd.s32 $0x80, s29;
	v2 =	vunpack.i.u.bf16.f32 v1;
	v1 =	vunpack.i.l.bf16.f32 v1  }
0x9a: {  	[tilespmem:s24+$0x0] =	vst v1  }
0x9b: {  	s1 =	sshra.s32 s1, $0x2;
	[tilespmem:s24+$0x10] =	vst v2;
	s24 =	smov.u32 s23  }
0x9c: {  	v1 =	vld [tilespmem:s1+$0xB000];
	_ =	sdelay $0x3  }
.Ltmp4:
0x9d: {  	(pc) =	sbr.rel @p0 .LBB2_11-.Ltmp4, $4  }
0x9e: {  	v2 =	vunpack.i.u.bf16.f32 v1;
	v1 =	vunpack.i.l.bf16.f32 v1  }
0x9f: {  	[tilespmem:s23+$0xFFFFFFE0] =	vst v1  }
0xa0: {  	[tilespmem:s23+$0xFFFFFFF0] =	vst v2  }
0xa1: {  	v1 =	vld [tilespmem:s1+$0xB010]  }
0xa2: {  	_ =	sdelay $0x2  }
0xa3: {  	s0 =	sadd.s32 $0x1, s0  }
0xa4: {  	p0 =	sne.s32 s0, $0x4F;
	v2 =	vunpack.i.l.bf16.f32 v1  }
.Ltmp5:
0xa5: {  	v1 =	vunpack.i.u.bf16.f32 v1;
	[tilespmem:s24+$0x0] =	vst v2;
	(pc) =	sbr.rel @p0 .LBB2_8-.Ltmp5, $4  }
0xa6: {  	s1 =	sadd.s32 $0x180, s21;
	[tilespmem:s24+$0x10] =	vst v1  }
0xa7: {  	[tilespmem:s19], [sflag:$0x2] =	stream.indirect.gather [hbm4b:s4+s17], $0x20, s1, s17, $0xb8;
	[tilespmem:$0x1A000] =	vst v63  }
0xa8: {  	s29 =	sadd.s32 $0x5080, s21  }
0xa9: {  	[spmem:s2] =	stream.indirect.scatter.add.f32 [tilespmem:s25], [sflag:$0x4], $0x40, s29, s17, $0xb8;
	[tilespmem:$0x1A000] =	vst v63  }
0xaa: {  	_ =	swait.ge [sflag:s20], $0x1000  }
0xab: {  	[sflag:s20] =	ssyncset.done $0x0  }
0xac: {  	[sflag:s20] =	ssyncadd.s32 $0xFFFFF000  }
0xad: {  	_ =	swait.ge [sflag:s26], $0x2000  }
0xae: {  	[sflag:s26] =	ssyncset.done $0x0  }
0xaf: {  	s1 =	simm.s32 $0x0;
	[sflag:s26] =	ssyncadd.s32 $0xFFFFE000  }
0xb0: {  	v1 =	vld [tilespmem:s1+$0xA000];
	_ =	sdelay $0x4  }
0xb1: {  	s0 =	simm.s32 $0xC020;
	v2 =	vunpack.i.l.bf16.f32 v1  }
0xb2: {  	v1 =	vunpack.i.u.bf16.f32 v1;
	[tilespmem:s0+$0xFFFFFFE0] =	vst v2  }
0xb3: {  	[tilespmem:s0+$0xFFFFFFF0] =	vst v1  }
0xb4: {  	s23 =	simm.s32 $0x80;
	s21 =	simm.s32 $0xC020;
	v1 =	vld [tilespmem:s1+$0xA010]  }
.LBB2_14:
0xb5: {  	_ =	sdelay $0x2  }
0xb6: {  	p0 =	sne.s32 s23, $0x3F80  }
0xb7: {  	s0 =	sadd.s32 $0x40, s0;
	s1 =	smov.u32 s23;
	s23 =	sadd.s32 $0x80, s23;
	v2 =	vunpack.i.u.bf16.f32 v1;
	v1 =	vunpack.i.l.bf16.f32 v1  }
0xb8: {  	[tilespmem:s21+$0x0] =	vst v1  }
0xb9: {  	s1 =	sshra.s32 s1, $0x2;
	[tilespmem:s21+$0x10] =	vst v2;
	s21 =	smov.u32 s0  }
0xba: {  	v1 =	vld [tilespmem:s1+$0xA000];
	_ =	sdelay $0x3  }
.Ltmp6:
0xbb: {  	(pc) =	sbr.rel @p0 .LBB2_14-.Ltmp6, $4  }
0xbc: {  	v2 =	vunpack.i.u.bf16.f32 v1;
	v1 =	vunpack.i.l.bf16.f32 v1  }
0xbd: {  	[tilespmem:s0+$0xFFFFFFE0] =	vst v1  }
0xbe: {  	[tilespmem:s0+$0xFFFFFFF0] =	vst v2  }
0xbf: {  	v1 =	vld [tilespmem:s1+$0xA010]  }
0xc0: {  	_ =	sdelay $0x3  }
0xc1: {  	v2 =	vunpack.i.l.bf16.f32 v1  }
0xc2: {  	v1 =	vunpack.i.u.bf16.f32 v1;
	[tilespmem:s21+$0x0] =	vst v2  }
0xc3: {  	s0 =	simm.s32 $0x9F00;
	[tilespmem:s21+$0x10] =	vst v1  }
0xc4: {  	[spmem:s2] =	stream.indirect.scatter.add.f32 [tilespmem:s16], [sflag:$0x3], $0x40, s0, s17, $0xb8;
	[tilespmem:$0x1A000] =	vst v63  }
0xc5: {  	_ =	swait.ge [sflag:s22], $0x1000  }
0xc6: {  	[sflag:s22] =	ssyncset.done $0x0  }
0xc7: {  	[sflag:s22] =	ssyncadd.s32 $0xFFFFF000  }
0xc8: {  	_ =	swait.ge [sflag:s28], $0x2000  }
0xc9: {  	[sflag:s28] =	ssyncset.done $0x0  }
0xca: {  	s1 =	simm.s32 $0x0;
	[sflag:s28] =	ssyncadd.s32 $0xFFFFE000  }
0xcb: {  	v1 =	vld [tilespmem:s1+$0xB000];
	_ =	sdelay $0x4  }
0xcc: {  	s0 =	simm.s32 $0xE020;
	v2 =	vunpack.i.l.bf16.f32 v1  }
0xcd: {  	v1 =	vunpack.i.u.bf16.f32 v1;
	[tilespmem:s0+$0xFFFFFFE0] =	vst v2  }
0xce: {  	[tilespmem:s0+$0xFFFFFFF0] =	vst v1  }
0xcf: {  	s23 =	simm.s32 $0x80;
	s21 =	simm.s32 $0xE020;
	v1 =	vld [tilespmem:s1+$0xB010]  }
.LBB2_16:
0xd0: {  	_ =	sdelay $0x2  }
0xd1: {  	p0 =	sne.s32 s23, $0x3F80  }
0xd2: {  	s0 =	sadd.s32 $0x40, s0;
	s1 =	smov.u32 s23;
	s23 =	sadd.s32 $0x80, s23;
	v2 =	vunpack.i.u.bf16.f32 v1;
	v1 =	vunpack.i.l.bf16.f32 v1  }
0xd3: {  	[tilespmem:s21+$0x0] =	vst v1  }
0xd4: {  	s1 =	sshra.s32 s1, $0x2;
	[tilespmem:s21+$0x10] =	vst v2;
	s21 =	smov.u32 s0  }
0xd5: {  	v1 =	vld [tilespmem:s1+$0xB000];
	_ =	sdelay $0x3  }
.Ltmp7:
0xd6: {  	(pc) =	sbr.rel @p0 .LBB2_16-.Ltmp7, $4  }
0xd7: {  	v2 =	vunpack.i.u.bf16.f32 v1;
	v1 =	vunpack.i.l.bf16.f32 v1  }
0xd8: {  	[tilespmem:s0+$0xFFFFFFE0] =	vst v1  }
0xd9: {  	[tilespmem:s0+$0xFFFFFFF0] =	vst v2  }
0xda: {  	v1 =	vld [tilespmem:s1+$0xB010]  }
0xdb: {  	_ =	sdelay $0x3  }
0xdc: {  	v2 =	vunpack.i.l.bf16.f32 v1  }
0xdd: {  	v1 =	vunpack.i.u.bf16.f32 v1;
	[tilespmem:s21+$0x0] =	vst v2  }
0xde: {  	[tilespmem:s21+$0x10] =	vst v1  }
0xdf: {  	[spmem:s2] =	stream.indirect.scatter.add.f32 [tilespmem:s25], [sflag:$0x4], $0x40, s30, s17, $0xb8;
	[tilespmem:$0x1A000] =	vst v63  }
0xe0: {  	_ =	swait.ge [sflag:s26], $0x2000  }
0xe1: {  	[sflag:s26] =	ssyncset.done $0x0  }
0xe2: {  	[sflag:s26] =	ssyncadd.s32 $0xFFFFE000  }
0xe3: {  	s0 =	stileid.u32;
	_ =	swait.ge [sflag:s28], $0x2000  }
0xe4: {  	s1 =	sshrl.u32 s7, $0x3;
	s31 =	sadd.s32 $0x1, s31;
	[sflag:s28] =	ssyncset.done $0x0  }
0xe5: {  	s0 =	sshll.u32 s0, $0x6;
	p0 =	sne.s32 s31, s13;
	[sflag:s28] =	ssyncadd.s32 $0xFFFFE000  }
.Ltmp8:
0xe6: {  	s0 =	sor.u32 $0x1C05, s0;
	[bflag:$0x0] =	sbarrier.arrive $0xFFFF;
	(pc) =	sbr.rel @p0 .LBB2_1-.Ltmp8, $4  }
0xe7: {  	[hbm:s12], [sflag:s0] =	dma.local [spmem:s1], $0x1400  }
0xe8: {  	_ =	swait.ge [sflag:s14], $0x1400  }
0xe9: {  	[sflag:s14] =	ssyncset.done $0x0  }
0xea: {  	[sflag:s14] =	ssyncadd.s32 $0xFFFFEC00  }
0xeb: {  	_ =	sfence.sel $0x180000  }
0xec: {  	[bflag:$0x0] =	sbarrier.arrive $0xFFFF  }
0xed: {  	_ =	strace $0x90000050  }
0xee: {  	s0 =	stileid.u32;
	[bflag:$0x2] =	sbarrier.arrive $0xFFFF  }
0xef: {  	p0 =	sne.s32 s0, $0x0;
	s0 =	rddreg [dreg:$0x3]  }
0xf0: {  	s0 =	sadd.s32 @!p0 $0x100000, s0  }
0xf1: {  	[sflag:s0] =	ssyncadd.tile.s32 @!p0 $0x1;
	_ =	shalt  }
.Lfunc_end2:
_tile_overlayer_lowered:
.L_overlay_start_2:
0xf2: {  	(tag) =	ssettag $0x2  }
0xf3: {  	s0 =	rddreg [dreg:$0x0];
	s2 =	stileid.u32  }
0xf4: {  	s1 =	rddreg [dreg:$0x1];
	p0 =	sne.s32 s2, $0x0  }
0xf5: {  	s3 =	rddreg [dreg:$0x2];
	[bflag:$0x3] =	sbarrier.arrive $0xFFFF;
	s2 =	simm.s32 @!p0 $0x1C05  }
0xf6: {  	[timem:s3], [sflag:s2] =	dma.local @!p0 [hbm:s0], s1  }
0xf7: {  	s0 =	simm.s32 @!p0 $0x5  }
0xf8: {  	_ =	swait.ge @!p0 [sflag:s0], s1  }
0xf9: {  	s1 =	ssub.s32 @!p0 $0x0, s1;
	[sflag:s0] =	ssyncset.done @!p0 $0x0  }
0xfa: {  	[sflag:s0] =	ssyncadd.s32 @!p0 s1  }
0xfb: {  	[bflag:$0x3] =	sbarrier.arrive $0xFFFF  }
0xfc: {  	_ =	shalt  }

</sc_bundles>
